<compile_context>
chip_gen: v7x
topology: tpu7x:2x2x1
jax: 0.10.2.dev20260603
libtpu: 0.0.44.dev20260713+nightly
codegen_flags: <defaults>
</compile_context>

<pallas_src>
import functools

import jax
import jax.numpy as jnp
from jax import lax
from jax.experimental import pallas as pl
from jax.experimental.pallas import tpu as pltpu
from jax.experimental.pallas import tpu_sc as plsc

_NC, _NS = 2, 16
_CHUNK = 80

_NPG = 100
_INV = (1.0 + 1e-5) ** -0.5


def _fold(layer):
    s = layer["gamma"] * _INV
    return layer["W"] * s[None, :], layer["b"] * s + layer["beta"]


def _dot(a, w):
    return jax.lax.dot_general(
        a, w, (((1,), (0,)), ((), ())),
        preferred_element_type=jnp.float32,
        precision=jax.lax.Precision.DEFAULT,
    )



_STRIPE = 624


def _stripe_copy(s, src_ref, dst_ref, n):
    pltpu.sync_copy(src_ref.at[pl.ds(s * _STRIPE, _STRIPE)],
                    dst_ref.at[pl.ds(s * _STRIPE, _STRIPE)])
    tail = n - _STRIPE * _NS

    @pl.when(s == 0)
    def _():
        pltpu.sync_copy(src_ref.at[pl.ds(_STRIPE * _NS, tail)],
                        dst_ref.at[pl.ds(_STRIPE * _NS, tail)])


def _seg_sum_sc(table, src, dst, n, e):
    d = table.shape[1]
    nw = _NC * _NS
    epw = e // nw
    nch = epw // _CHUNK
    mesh = plsc.VectorSubcoreMesh(core_axis_name="c", subcore_axis_name="s")

    @functools.partial(
        pl.kernel, mesh=mesh,
        out_type=jax.ShapeDtypeStruct((_NC, n, d), jnp.float32),
        scratch_types=[
            pltpu.VMEM((_CHUNK,), jnp.int32),
            pltpu.VMEM((_CHUNK,), jnp.int32),
            pltpu.VMEM((_CHUNK,), jnp.int32),
            pltpu.VMEM((_CHUNK,), jnp.int32),
            pltpu.VMEM((_CHUNK, d), jnp.float32),
            pltpu.VMEM((_CHUNK, d), jnp.float32),
            pltpu.SemaphoreType.DMA,
            pltpu.SemaphoreType.DMA,
            pltpu.VMEM_SHARED((n, d), jnp.float32),
        ])
    def k(table_hbm, src_hbm, dst_hbm, zeros_hbm, out_hbm,
          s0_v, d0_v, s1_v, d1_v, r0_v, r1_v, sem0, sem1, acc_sh):
        c = lax.axis_index("c")
        s = lax.axis_index("s")
        w = c * _NS + s
        _stripe_copy(s, zeros_hbm, acc_sh, n)
        plsc.subcore_barrier()

        def body(i, carry):
            base0 = w * epw + 2 * i * _CHUNK
            base1 = base0 + _CHUNK
            pltpu.sync_copy(src_hbm.at[pl.ds(base0, _CHUNK)], s0_v)
            pltpu.sync_copy(dst_hbm.at[pl.ds(base0, _CHUNK)], d0_v)
            cp0 = pltpu.async_copy(table_hbm.at[s0_v], r0_v, sem0)
            pltpu.sync_copy(src_hbm.at[pl.ds(base1, _CHUNK)], s1_v)
            pltpu.sync_copy(dst_hbm.at[pl.ds(base1, _CHUNK)], d1_v)
            cp1 = pltpu.async_copy(table_hbm.at[s1_v], r1_v, sem1)
            cp0.wait()
            pltpu.sync_copy(r0_v, acc_sh.at[d0_v], add=True)
            cp1.wait()
            pltpu.sync_copy(r1_v, acc_sh.at[d1_v], add=True)
            return carry

        lax.fori_loop(0, nch // 2, body, 0)
        if nch % 2:
            base = w * epw + (nch - 1) * _CHUNK
            pltpu.sync_copy(src_hbm.at[pl.ds(base, _CHUNK)], s0_v)
            pltpu.sync_copy(dst_hbm.at[pl.ds(base, _CHUNK)], d0_v)
            pltpu.async_copy(table_hbm.at[s0_v], r0_v, sem0).wait()
            pltpu.sync_copy(r0_v, acc_sh.at[d0_v], add=True)
        plsc.subcore_barrier()
        _stripe_copy(s, acc_sh, out_hbm.at[c], n)

    return k(table, src, dst, jnp.zeros((n, d), jnp.float32))


def _edge_gather_sc(ab_tab, src, dst, e):
    d = ab_tab.shape[1]
    nw = _NC * _NS
    epw = e // nw
    nch = epw // _CHUNK
    mesh = plsc.VectorSubcoreMesh(core_axis_name="c", subcore_axis_name="s")

    @functools.partial(
        pl.kernel, mesh=mesh,
        out_type=(jax.ShapeDtypeStruct((e, d), jnp.float32),
                  jax.ShapeDtypeStruct((e, d), jnp.float32)),
        scratch_types=[
            pltpu.VMEM((_CHUNK,), jnp.int32),
            pltpu.VMEM((_CHUNK,), jnp.int32),
            pltpu.VMEM((_CHUNK, d), jnp.float32),
            pltpu.VMEM((_CHUNK, d), jnp.float32),
            pltpu.SemaphoreType.DMA,
        ])
    def k(ab_hbm, src_hbm, dst_hbm, oa_hbm, ob_hbm,
          di_v, si_v, ra_v, rb_v, sem):
        c = lax.axis_index("c")
        s = lax.axis_index("s")
        w = c * _NS + s

        def body(i, carry):
            base = w * epw + i * _CHUNK
            pltpu.sync_copy(dst_hbm.at[pl.ds(base, _CHUNK)], di_v)
            pltpu.sync_copy(src_hbm.at[pl.ds(base, _CHUNK)], si_v)
            cpa = pltpu.async_copy(ab_hbm.at[di_v], ra_v, sem)
            cpb = pltpu.async_copy(ab_hbm.at[si_v], rb_v, sem)
            cpa.wait()
            cpb.wait()
            pltpu.sync_copy(ra_v, oa_hbm.at[pl.ds(base, _CHUNK)])
            pltpu.sync_copy(rb_v, ob_hbm.at[pl.ds(base, _CHUNK)])
            return carry

        lax.fori_loop(0, nch, body, 0)

    return k(ab_tab, src, dst)



def _prep_body(x_ref, wab_ref, out_ref):
    out_ref[...] = _dot(x_ref[...], wab_ref[...])


def _edge_body(la_ref, lb_ref, b1_ref, w2_ref, b2_ref, w3_ref, b3_ref,
               out_ref):
    h = jnp.maximum(la_ref[:, :64] + lb_ref[:, 64:] + b1_ref[...], 0.0)
    h = jnp.maximum(_dot(h, w2_ref[...]) + b2_ref[...], 0.0)
    out_ref[...] = jnp.maximum(_dot(h, w3_ref[...]) + b3_ref[...], 0.0)


def _gin_body(h_ref, a0_ref, a1_ref, w_ref, b_ref, g_ref, t_ref, out_ref):
    din = h_ref.shape[1]
    u = h_ref[...] + a0_ref[:, :din] + a1_ref[:, :din]
    y = jnp.maximum(_dot(u, w_ref[...]) + b_ref[...], 0.0)
    out_ref[...] = g_ref[...] * y + t_ref[...]


def _lin_body(x0_ref, x1_ref, x2_ref, x3_ref, w0_ref, w1_ref, w2_ref,
              w3_ref, b_ref, out_ref):
    acc = _dot(x0_ref[...], w0_ref[...])
    acc += _dot(x1_ref[...], w1_ref[...])
    acc += _dot(x2_ref[...], w2_ref[...])
    acc += _dot(x3_ref[...], w3_ref[...])
    out_ref[...] = jnp.maximum(acc + b_ref[...], 0.0)


def _head_body(p_ref, w1_ref, b1_ref, w2_ref, b2_ref, wo_ref, bo_ref,
               out_ref):
    h = jnp.maximum(_dot(p_ref[...], w1_ref[...]) + b1_ref[...], 0.0)
    h = jnp.maximum(_dot(h, w2_ref[...]) + b2_ref[...], 0.0)
    z = _dot(h, wo_ref[...]) + bo_ref[...]
    zmax = jnp.max(z, axis=-1, keepdims=True)
    ez = jnp.exp(z - zmax)
    out_ref[...] = (z - zmax) - jnp.log(jnp.sum(ez, axis=-1, keepdims=True))


def _rows_call(body, n_rows, block_rows, feat_ins, bcast_ins, out_dim):
    grid = (n_rows // block_rows,)
    in_specs = (
        [pl.BlockSpec((block_rows, a.shape[-1]), lambda i: (i, 0))
         for a in feat_ins]
        + [pl.BlockSpec(a.shape, lambda i: tuple(0 for _ in a.shape))
           for a in bcast_ins]
    )
    return pl.pallas_call(
        body,
        grid=grid,
        in_specs=in_specs,
        out_specs=pl.BlockSpec((block_rows, out_dim), lambda i: (i, 0)),
        out_shape=jax.ShapeDtypeStruct((n_rows, out_dim), jnp.float32),
    )(*feat_ins, *bcast_ins)


def kernel(x, params, edge_index, batch):
    n = x.shape[0]
    e = edge_index.shape[1]
    b = n // _NPG
    src = edge_index[0]
    dst = edge_index[1]

    ec = [_fold(l) for l in params["edgeconv"]]
    w1, b1 = ec[0]
    wa = w1[:4] - w1[4:]
    wb = w1[4:]
    gin_w = [_fold(params[k][0]) for k in ("gin1", "gin2", "gin3")]
    bn_aff = [(params[k]["gamma"] * _INV, params[k]["beta"])
              for k in ("bn1", "bn2", "bn3")]
    wl, bl = _fold(params["lin"][0])
    wh1, bh1 = _fold(params["head1"][0])
    wh2, bh2 = _fold(params["head2"][0])
    wo, bo = params["out"]["W"], params["out"]["b"]

    x_pad = jnp.pad(x, ((0, 0), (0, 4)))
    wab = jnp.concatenate([wa, wb], axis=1)
    wab = jnp.pad(wab, ((0, 4), (0, 0)))
    ab = _rows_call(_prep_body, n, 2000, [x_pad], [wab], 128)

    la, lb = _edge_gather_sc(ab, src, dst, e)
    be = 3200
    bcast = [b1[None, :], ec[1][0], ec[1][1][None, :],
             ec[2][0], ec[2][1][None, :]]
    msg = pl.pallas_call(
        _edge_body,
        grid=(e // be,),
        in_specs=[pl.BlockSpec((be, 128), lambda i: (i, 0)),
                  pl.BlockSpec((be, 128), lambda i: (i, 0))]
                 + [pl.BlockSpec(a.shape, lambda i: (0, 0)) for a in bcast],
        out_specs=pl.BlockSpec((be, 64), lambda i: (i, 0)),
        out_shape=jax.ShapeDtypeStruct((e, 64), jnp.float32),
    )(la, lb, *bcast)

    x0 = jax.ops.segment_max(msg, dst, num_segments=n)
    x0 = jnp.where(jnp.isfinite(x0), x0, 0.0)

    def gin(h, wbt, aff):
        tab = h if h.shape[1] == 128 else jnp.pad(h, ((0, 0), (0, 64)))
        parts = _seg_sum_sc(tab, src, dst, n, e)
        (w, bb), (g, t) = wbt, aff
        return _rows_call(_gin_body, n, 2000, [h, parts[0], parts[1]],
                          [w, bb[None, :], g[None, :], t[None, :]],
                          w.shape[1])

    x1 = gin(x0, gin_w[0], bn_aff[0])
    x2 = gin(x1, gin_w[1], bn_aff[1])
    x3 = gin(x2, gin_w[2], bn_aff[2])

    out = _rows_call(_lin_body, n, 1000, [x0, x1, x2, x3],
                     [wl[:64], wl[64:128], wl[128:256], wl[256:],
                      bl[None, :]], 1024)

    mx = jax.ops.segment_max(out, batch, num_segments=b)
    mx = jnp.where(jnp.isfinite(mx), mx, 0.0)
    cnt = jax.ops.segment_sum(jnp.ones((n,), jnp.float32), batch,
                              num_segments=b)
    mean = (jax.ops.segment_sum(out, batch, num_segments=b)
            / jnp.clip(cnt, 1.0)[:, None])
    pooled = jnp.concatenate([mx, mean], axis=1)
    pooled = jnp.pad(pooled, ((0, -b % 8), (0, 0)))

    logits = _rows_call(_head_body, pooled.shape[0], pooled.shape[0],
                        [pooled],
                        [wh1, bh1[None, :], wh2, bh2[None, :],
                         wo, bo[None, :]], 40)
    return logits[:b]

# --- scband reference (transcript-rebuilt; emitter-appended) ---
"""Pipeline reference for scband-net-gin-27178553049848 (READ-ONLY COPY).

The authoritative reference and input builder live on the scoring server;
editing this copy changes nothing except your own understanding.
"""

import jax, jax.numpy as jnp
import numpy as np

N = 10000
E = 320000
NPG = 100

def _mlp_params(key, channels):
    layers = []
    for i in range(1, len(channels)):
        k = jax.random.fold_in(key, i)
        W = jax.random.normal(k, (channels[i - 1], channels[i]), jnp.float32) * (1.0 / np.sqrt(channels[i - 1]))
        layers.append({"W": W, "b": jnp.zeros((channels[i],), jnp.float32), "gamma": jnp.ones((channels[i],), jnp.float32), "beta": jnp.zeros((channels[i],), jnp.float32)})
    return layers

def setup_inputs(seed: int = 0):
    key = jax.random.key(seed)
    x = jax.random.normal(jax.random.fold_in(key, 0), (N, 4), jnp.float32)
    edge_index = jax.random.randint(jax.random.fold_in(key, 1), (2, E), 0, N, jnp.int32)
    batch = jnp.sort(jax.random.randint(jax.random.fold_in(key, 2), (N,), 0, N // NPG, jnp.int32))
    params = {
        "edgeconv": _mlp_params(jax.random.fold_in(key, 3), [8, 64, 64, 64]),
        "gin1": _mlp_params(jax.random.fold_in(key, 4), [64, 64]),
        "bn1": {"gamma": jnp.ones((64,), jnp.float32), "beta": jnp.zeros((64,), jnp.float32)},
        "gin2": _mlp_params(jax.random.fold_in(key, 5), [64, 128]),
        "bn2": {"gamma": jnp.ones((128,), jnp.float32), "beta": jnp.zeros((128,), jnp.float32)},
        "gin3": _mlp_params(jax.random.fold_in(key, 6), [128, 256]),
        "bn3": {"gamma": jnp.ones((256,), jnp.float32), "beta": jnp.zeros((256,), jnp.float32)},
        "lin": _mlp_params(jax.random.fold_in(key, 7), [512, 1024]),
        "head1": _mlp_params(jax.random.fold_in(key, 8), [2048, 512]),
        "head2": _mlp_params(jax.random.fold_in(key, 9), [512, 256]),
        "out": {"W": jax.random.normal(jax.random.fold_in(key, 10), (256, 40), jnp.float32) * (1.0 / np.sqrt(256.0)), "b": jnp.zeros((40,), jnp.float32)},
    }
    return {"x": x, "params": params, "edge_index": edge_index, "batch": batch}

def _bn(h, p):
    # BatchNorm1d in eval mode with running_mean=0, running_var=1, eps=1e-5
    return p["gamma"] * (h / jnp.sqrt(1.0 + 1e-5)) + p["beta"]

def _apply_mlp(layers, h):
    for l in layers:
        h = jax.nn.relu(_bn(h @ l["W"] + l["b"], l))
    return h

def _forward(x, params, edge_index, batch):
    n = x.shape[0]
    b = n // NPG
    src = edge_index[0]
    dst = edge_index[1]
    x_i = x[dst]
    x_j = x[src]
    # EdgeConv: nn(cat[x_i, x_j - x_i]) with max aggregation at dst
    msg = _apply_mlp(params["edgeconv"], jnp.concatenate([x_i, x_j - x_i], axis=1))
    x0 = jax.ops.segment_max(msg, dst, num_segments=n)
    x0 = jnp.where(jnp.isfinite(x0), x0, 0.0)

    def gin(h, layers):
        # GINConv with eps=0: nn(x + sum_j x_j)
        agg = jax.ops.segment_sum(h[src], dst, num_segments=n)
        return _apply_mlp(layers, h + agg)

    x1 = _bn(jax.nn.relu(gin(x0, params["gin1"])), params["bn1"])
    x2 = _bn(jax.nn.relu(gin(x1, params["gin2"])), params["bn2"])
    x3 = _bn(jax.nn.relu(gin(x2, params["gin3"])), params["bn3"])
    xc = jnp.concatenate([x0, x1, x2, x3], axis=1)
    out = _apply_mlp(params["lin"], xc)
    # global max pool + global mean pool over graphs
    mx = jax.ops.segment_max(out, batch, num_segments=b)
    mx = jnp.where(jnp.isfinite(mx), mx, 0.0)
    cnt = jax.ops.segment_sum(jnp.ones((n,), jnp.float32), batch, num_segments=b)
    mean = jax.ops.segment_sum(out, batch, num_segments=b) / jnp.clip(cnt, 1.0)[:, None]
    h = jnp.concatenate([mx, mean], axis=1)
    h = _apply_mlp(params["head1"], h)
    # Dropout is identity in eval mode
    h = _apply_mlp(params["head2"], h)
    logits = h @ params["out"]["W"] + params["out"]["b"]
    return jax.nn.log_softmax(logits, axis=-1)

def reference(x, params, edge_index, batch):
    return _forward(x, params, edge_index, batch)

if __name__ == "__main__":
    import jax
    _d = setup_inputs()
    print(jax.jit(kernel)(*tuple(_d.values())))

</pallas_src>

<mosaic_0001>
#map = affine_map<(d0, d1) -> (0, 0)>
#map1 = affine_map<(d0, d1) -> (0)>
module attributes {stable_mosaic.version = 14 : i64} {
  func.func @k(%arg0: i32, %arg1: i32, %arg2: memref<10000x128xf32, #tpu.memory_space<hbm>>, %arg3: memref<320000xi32, #tpu.memory_space<hbm>>, %arg4: memref<320000xi32, #tpu.memory_space<hbm>>, %arg5: memref<320000x128xf32, #tpu.memory_space<hbm>>, %arg6: memref<320000x128xf32, #tpu.memory_space<hbm>>, %arg7: memref<80xi32, #tpu.memory_space<vmem>>, %arg8: memref<80xi32, #tpu.memory_space<vmem>>, %arg9: memref<80x128xf32, #tpu.memory_space<vmem>>, %arg10: memref<80x128xf32, #tpu.memory_space<vmem>>, %arg11: memref<!tpu.dma_semaphore, #tpu.memory_space<semaphore_mem>>) attributes {dimension_semantics = [#tpu.dimension_semantics<core_parallel>, #tpu.dimension_semantics<subcore_parallel>], iteration_bounds = array<i64: 2, 16>, scalar_prefetch = 0 : i64, scratch_operands = 5 : i64, tpu.core_type = #tpu.core_type<sc_vector_subcore>, window_params = [{transform_indices = #map}, {transform_indices = #map1}, {transform_indices = #map1}, {transform_indices = #map}, {transform_indices = #map}]} {
    %mul3A = arith.constant 16 : i32
    %mul3A_0 = arith.muli %arg0, %mul3A : i32
    %add3A = arith.addi %mul3A_0, %arg1 : i32
    %scan3A = arith.constant 0 : i32
    %scan3A_1 = arith.constant 0 : i32
    %scan3A_2 = arith.constant 125 : i32
    %scan3A_3 = arith.addi %scan3A_1, %scan3A_2 : i32
    %scan3A_4 = arith.constant 1 : i32
    scf.for %scan3A_6 = %scan3A_1 to %scan3A_3 step %scan3A_4  : i32 {
      %mul3A_7 = arith.constant 10000 : i32
      %mul3A_8 = arith.muli %add3A, %mul3A_7 : i32
      %mul3A_9 = arith.constant 80 : i32
      %mul3A_10 = arith.muli %scan3A_6, %mul3A_9 : i32
      %add3A_11 = arith.addi %mul3A_8, %mul3A_10 : i32
      "tpu.region"() ({
        %run_scoped3A = tpu.sem_alloc : memref<!tpu.dma_semaphore, #tpu.memory_space<semaphore_mem>>
        %dma_start3A_22 = tpu.memref_slice %arg4[%add3A_11] : memref<320000xi32, #tpu.memory_space<hbm>> -> memref<80xi32, #tpu.memory_space<hbm>>
        %dma_start3A_23 = tpu.memref_slice %arg4[%add3A_11] : memref<320000xi32, #tpu.memory_space<hbm>> -> memref<80xi32, #tpu.memory_space<hbm>>
        tpu.enqueue_dma source(%dma_start3A_23 : memref<80xi32, #tpu.memory_space<hbm>>) target(%arg7 : memref<80xi32, #tpu.memory_space<vmem>>) target_semaphore(%run_scoped3A : memref<!tpu.dma_semaphore, #tpu.memory_space<semaphore_mem>>)
        %dma_wait3A_24 = tpu.memref_slice %arg4[%add3A_11] : memref<320000xi32, #tpu.memory_space<hbm>> -> memref<80xi32, #tpu.memory_space<hbm>>
        %dma_wait3A_25 = tpu.memref_slice %arg4[%add3A_11] : memref<320000xi32, #tpu.memory_space<hbm>> -> memref<80xi32, #tpu.memory_space<hbm>>
        tpu.wait_dma2 semaphore(%run_scoped3A : memref<!tpu.dma_semaphore, #tpu.memory_space<semaphore_mem>>) src(%dma_wait3A_25 : memref<80xi32, #tpu.memory_space<hbm>>) dst(%arg7 : memref<80xi32, #tpu.memory_space<vmem>>)
        tpu.yield
      }) : () -> ()
      "tpu.region"() ({
        %run_scoped3A = tpu.sem_alloc : memref<!tpu.dma_semaphore, #tpu.memory_space<semaphore_mem>>
        %dma_start3A_22 = tpu.memref_slice %arg3[%add3A_11] : memref<320000xi32, #tpu.memory_space<hbm>> -> memref<80xi32, #tpu.memory_space<hbm>>
        %dma_start3A_23 = tpu.memref_slice %arg3[%add3A_11] : memref<320000xi32, #tpu.memory_space<hbm>> -> memref<80xi32, #tpu.memory_space<hbm>>
        tpu.enqueue_dma source(%dma_start3A_23 : memref<80xi32, #tpu.memory_space<hbm>>) target(%arg8 : memref<80xi32, #tpu.memory_space<vmem>>) target_semaphore(%run_scoped3A : memref<!tpu.dma_semaphore, #tpu.memory_space<semaphore_mem>>)
        %dma_wait3A_24 = tpu.memref_slice %arg3[%add3A_11] : memref<320000xi32, #tpu.memory_space<hbm>> -> memref<80xi32, #tpu.memory_space<hbm>>
        %dma_wait3A_25 = tpu.memref_slice %arg3[%add3A_11] : memref<320000xi32, #tpu.memory_space<hbm>> -> memref<80xi32, #tpu.memory_space<hbm>>
        tpu.wait_dma2 semaphore(%run_scoped3A : memref<!tpu.dma_semaphore, #tpu.memory_space<semaphore_mem>>) src(%dma_wait3A_25 : memref<80xi32, #tpu.memory_space<hbm>>) dst(%arg8 : memref<80xi32, #tpu.memory_space<vmem>>)
        tpu.yield
      }) : () -> ()
      %dma_start3A = arith.constant 0 : i32
      %dma_start3A_12 = arith.constant 0 : i32
      %dma_start3A_13 = tpu.memref_slice %arg2[%dma_start3A, %dma_start3A_12] : memref<10000x128xf32, #tpu.memory_space<hbm>> -> memref<10000x128xf32, #tpu.memory_space<hbm>>
      tpu.enqueue_indirect_dma source(%dma_start3A_13 : memref<10000x128xf32, #tpu.memory_space<hbm>>) target(%arg9 : memref<80x128xf32, #tpu.memory_space<vmem>>) offsets(%arg7 : memref<80xi32, #tpu.memory_space<vmem>>) semaphore(%arg11 : memref<!tpu.dma_semaphore, #tpu.memory_space<semaphore_mem>>)
      %dma_start3A_14 = arith.constant 0 : i32
      %dma_start3A_15 = arith.constant 0 : i32
      %dma_start3A_16 = tpu.memref_slice %arg2[%dma_start3A_14, %dma_start3A_15] : memref<10000x128xf32, #tpu.memory_space<hbm>> -> memref<10000x128xf32, #tpu.memory_space<hbm>>
      tpu.enqueue_indirect_dma source(%dma_start3A_16 : memref<10000x128xf32, #tpu.memory_space<hbm>>) target(%arg10 : memref<80x128xf32, #tpu.memory_space<vmem>>) offsets(%arg8 : memref<80xi32, #tpu.memory_space<vmem>>) semaphore(%arg11 : memref<!tpu.dma_semaphore, #tpu.memory_space<semaphore_mem>>)
      %dma_wait3A = arith.constant 0 : i32
      %dma_wait3A_17 = arith.constant 0 : i32
      %dma_wait3A_18 = tpu.memref_slice %arg2[%dma_wait3A, %dma_wait3A_17] : memref<10000x128xf32, #tpu.memory_space<hbm>> -> memref<10000x128xf32, #tpu.memory_space<hbm>>
      tpu.wait_indirect_dma semaphore(%arg11 : memref<!tpu.dma_semaphore, #tpu.memory_space<semaphore_mem>>) src(%dma_wait3A_18 : memref<10000x128xf32, #tpu.memory_space<hbm>>) dst(%arg9 : memref<80x128xf32, #tpu.memory_space<vmem>>)
      %dma_wait3A_19 = arith.constant 0 : i32
      %dma_wait3A_20 = arith.constant 0 : i32
      %dma_wait3A_21 = tpu.memref_slice %arg2[%dma_wait3A_19, %dma_wait3A_20] : memref<10000x128xf32, #tpu.memory_space<hbm>> -> memref<10000x128xf32, #tpu.memory_space<hbm>>
      tpu.wait_indirect_dma semaphore(%arg11 : memref<!tpu.dma_semaphore, #tpu.memory_space<semaphore_mem>>) src(%dma_wait3A_21 : memref<10000x128xf32, #tpu.memory_space<hbm>>) dst(%arg10 : memref<80x128xf32, #tpu.memory_space<vmem>>)
      "tpu.region"() ({
        %run_scoped3A = tpu.sem_alloc : memref<!tpu.dma_semaphore, #tpu.memory_space<semaphore_mem>>
        %dma_start3A_22 = arith.constant 0 : i32
        %dma_start3A_23 = tpu.memref_slice %arg5[%add3A_11, %dma_start3A_22] : memref<320000x128xf32, #tpu.memory_space<hbm>> -> memref<80x128xf32, #tpu.memory_space<hbm>>
        %dma_start3A_24 = arith.constant 0 : i32
        %dma_start3A_25 = tpu.memref_slice %arg5[%add3A_11, %dma_start3A_24] : memref<320000x128xf32, #tpu.memory_space<hbm>> -> memref<80x128xf32, #tpu.memory_space<hbm>>
        tpu.enqueue_dma source(%arg9 : memref<80x128xf32, #tpu.memory_space<vmem>>) target(%dma_start3A_25 : memref<80x128xf32, #tpu.memory_space<hbm>>) target_semaphore(%run_scoped3A : memref<!tpu.dma_semaphore, #tpu.memory_space<semaphore_mem>>)
        %dma_wait3A_26 = arith.constant 0 : i32
        %dma_wait3A_27 = tpu.memref_slice %arg5[%add3A_11, %dma_wait3A_26] : memref<320000x128xf32, #tpu.memory_space<hbm>> -> memref<80x128xf32, #tpu.memory_space<hbm>>
        %dma_wait3A_28 = arith.constant 0 : i32
        %dma_wait3A_29 = tpu.memref_slice %arg5[%add3A_11, %dma_wait3A_28] : memref<320000x128xf32, #tpu.memory_space<hbm>> -> memref<80x128xf32, #tpu.memory_space<hbm>>
        tpu.wait_dma2 semaphore(%run_scoped3A : memref<!tpu.dma_semaphore, #tpu.memory_space<semaphore_mem>>) src(%arg9 : memref<80x128xf32, #tpu.memory_space<vmem>>) dst(%dma_wait3A_29 : memref<80x128xf32, #tpu.memory_space<hbm>>)
        tpu.yield
      }) : () -> ()
      "tpu.region"() ({
        %run_scoped3A = tpu.sem_alloc : memref<!tpu.dma_semaphore, #tpu.memory_space<semaphore_mem>>
        %dma_start3A_22 = arith.constant 0 : i32
        %dma_start3A_23 = tpu.memref_slice %arg6[%add3A_11, %dma_start3A_22] : memref<320000x128xf32, #tpu.memory_space<hbm>> -> memref<80x128xf32, #tpu.memory_space<hbm>>
        %dma_start3A_24 = arith.constant 0 : i32
        %dma_start3A_25 = tpu.memref_slice %arg6[%add3A_11, %dma_start3A_24] : memref<320000x128xf32, #tpu.memory_space<hbm>> -> memref<80x128xf32, #tpu.memory_space<hbm>>
        tpu.enqueue_dma source(%arg10 : memref<80x128xf32, #tpu.memory_space<vmem>>) target(%dma_start3A_25 : memref<80x128xf32, #tpu.memory_space<hbm>>) target_semaphore(%run_scoped3A : memref<!tpu.dma_semaphore, #tpu.memory_space<semaphore_mem>>)
        %dma_wait3A_26 = arith.constant 0 : i32
        %dma_wait3A_27 = tpu.memref_slice %arg6[%add3A_11, %dma_wait3A_26] : memref<320000x128xf32, #tpu.memory_space<hbm>> -> memref<80x128xf32, #tpu.memory_space<hbm>>
        %dma_wait3A_28 = arith.constant 0 : i32
        %dma_wait3A_29 = tpu.memref_slice %arg6[%add3A_11, %dma_wait3A_28] : memref<320000x128xf32, #tpu.memory_space<hbm>> -> memref<80x128xf32, #tpu.memory_space<hbm>>
        tpu.wait_dma2 semaphore(%run_scoped3A : memref<!tpu.dma_semaphore, #tpu.memory_space<semaphore_mem>>) src(%arg10 : memref<80x128xf32, #tpu.memory_space<vmem>>) dst(%dma_wait3A_29 : memref<80x128xf32, #tpu.memory_space<hbm>>)
        tpu.yield
      }) : () -> ()
    }
    %scan3A_5 = arith.constant 125 : i32
    return
  }
}

#map = affine_map<(d0, d1) -> (0, 0)>
#map1 = affine_map<(d0, d1) -> (0)>
#map2 = affine_map<(d0, d1) -> (0, 0, 0)>
module attributes {stable_mosaic.version = 14 : i64} {
  func.func @k(%arg0: i32, %arg1: i32, %arg2: memref<10000x128xf32, #tpu.memory_space<hbm>>, %arg3: memref<320000xi32, #tpu.memory_space<hbm>>, %arg4: memref<320000xi32, #tpu.memory_space<hbm>>, %arg5: memref<10000x128xf32, #tpu.memory_space<hbm>>, %arg6: memref<2x10000x128xf32, #tpu.memory_space<hbm>>, %arg7: memref<80xi32, #tpu.memory_space<vmem>>, %arg8: memref<80xi32, #tpu.memory_space<vmem>>, %arg9: memref<80xi32, #tpu.memory_space<vmem>>, %arg10: memref<80xi32, #tpu.memory_space<vmem>>, %arg11: memref<80x128xf32, #tpu.memory_space<vmem>>, %arg12: memref<80x128xf32, #tpu.memory_space<vmem>>, %arg13: memref<!tpu.dma_semaphore, #tpu.memory_space<semaphore_mem>>, %arg14: memref<!tpu.dma_semaphore, #tpu.memory_space<semaphore_mem>>, %arg15: memref<10000x128xf32, #tpu.memory_space<vmem_shared>>) attributes {dimension_semantics = [#tpu.dimension_semantics<core_parallel>, #tpu.dimension_semantics<subcore_parallel>], iteration_bounds = array<i64: 2, 16>, scalar_prefetch = 0 : i64, scratch_operands = 9 : i64, tpu.core_type = #tpu.core_type<sc_vector_subcore>, window_params = [{transform_indices = #map}, {transform_indices = #map1}, {transform_indices = #map1}, {transform_indices = #map}, {transform_indices = #map2}]} {
    %mul3A = arith.constant 16 : i32
    %mul3A_0 = arith.muli %arg0, %mul3A : i32
    %add3A = arith.addi %mul3A_0, %arg1 : i32
    %mul3A_1 = arith.constant 624 : i32
    %mul3A_2 = arith.muli %arg1, %mul3A_1 : i32
    %mul3A_3 = arith.constant 624 : i32
    %mul3A_4 = arith.muli %arg1, %mul3A_3 : i32
    "tpu.region"() ({
      %run_scoped3A = tpu.sem_alloc : memref<!tpu.dma_semaphore, #tpu.memory_space<semaphore_mem>>
      %dma_start3A_30 = arith.constant 0 : i32
      %dma_start3A_31 = tpu.memref_slice %arg15[%mul3A_4, %dma_start3A_30] : memref<10000x128xf32, #tpu.memory_space<vmem_shared>> -> memref<624x128xf32, #tpu.memory_space<vmem_shared>>
      %dma_start3A_32 = arith.constant 0 : i32
      %dma_start3A_33 = tpu.memref_slice %arg5[%mul3A_2, %dma_start3A_32] : memref<10000x128xf32, #tpu.memory_space<hbm>> -> memref<624x128xf32, #tpu.memory_space<hbm>>
      tpu.enqueue_dma source(%dma_start3A_33 : memref<624x128xf32, #tpu.memory_space<hbm>>) target(%dma_start3A_31 : memref<624x128xf32, #tpu.memory_space<vmem_shared>>) target_semaphore(%run_scoped3A : memref<!tpu.dma_semaphore, #tpu.memory_space<semaphore_mem>>)
      %dma_wait3A_34 = arith.constant 0 : i32
      %dma_wait3A_35 = tpu.memref_slice %arg15[%mul3A_4, %dma_wait3A_34] : memref<10000x128xf32, #tpu.memory_space<vmem_shared>> -> memref<624x128xf32, #tpu.memory_space<vmem_shared>>
      %dma_wait3A_36 = arith.constant 0 : i32
      %dma_wait3A_37 = tpu.memref_slice %arg5[%mul3A_2, %dma_wait3A_36] : memref<10000x128xf32, #tpu.memory_space<hbm>> -> memref<624x128xf32, #tpu.memory_space<hbm>>
      tpu.wait_dma2 semaphore(%run_scoped3A : memref<!tpu.dma_semaphore, #tpu.memory_space<semaphore_mem>>) src(%dma_wait3A_37 : memref<624x128xf32, #tpu.memory_space<hbm>>) dst(%dma_wait3A_35 : memref<624x128xf32, #tpu.memory_space<vmem_shared>>)
      tpu.yield
    }) : () -> ()
    %eq3A = arith.constant 0 : i32
    %eq3A_5 = arith.cmpi eq, %arg1, %eq3A : i32
    %convert_element_type3A = arith.extui %eq3A_5 : i1 to i32
    %cond3A = arith.constant 0 : i32
    %cond3A_6 = arith.cmpi ne, %convert_element_type3A, %cond3A : i32
    scf.if %cond3A_6 {
      "tpu.region"() ({
        %run_scoped3A = tpu.sem_alloc : memref<!tpu.dma_semaphore, #tpu.memory_space<semaphore_mem>>
        %dma_start3A_30 = arith.constant 9984 : i32
        %dma_start3A_31 = arith.constant 0 : i32
        %dma_start3A_32 = tpu.memref_slice %arg15[%dma_start3A_30, %dma_start3A_31] : memref<10000x128xf32, #tpu.memory_space<vmem_shared>> -> memref<16x128xf32, #tpu.memory_space<vmem_shared>>
        %dma_start3A_33 = arith.constant 9984 : i32
        %dma_start3A_34 = arith.constant 0 : i32
        %dma_start3A_35 = tpu.memref_slice %arg5[%dma_start3A_33, %dma_start3A_34] : memref<10000x128xf32, #tpu.memory_space<hbm>> -> memref<16x128xf32, #tpu.memory_space<hbm>>
        tpu.enqueue_dma source(%dma_start3A_35 : memref<16x128xf32, #tpu.memory_space<hbm>>) target(%dma_start3A_32 : memref<16x128xf32, #tpu.memory_space<vmem_shared>>) target_semaphore(%run_scoped3A : memref<!tpu.dma_semaphore, #tpu.memory_space<semaphore_mem>>)
        %dma_wait3A_36 = arith.constant 9984 : i32
        %dma_wait3A_37 = arith.constant 0 : i32
        %dma_wait3A_38 = tpu.memref_slice %arg15[%dma_wait3A_36, %dma_wait3A_37] : memref<10000x128xf32, #tpu.memory_space<vmem_shared>> -> memref<16x128xf32, #tpu.memory_space<vmem_shared>>
        %dma_wait3A_39 = arith.constant 9984 : i32
        %dma_wait3A_40 = arith.constant 0 : i32
        %dma_wait3A_41 = tpu.memref_slice %arg5[%dma_wait3A_39, %dma_wait3A_40] : memref<10000x128xf32, #tpu.memory_space<hbm>> -> memref<16x128xf32, #tpu.memory_space<hbm>>
        tpu.wait_dma2 semaphore(%run_scoped3A : memref<!tpu.dma_semaphore, #tpu.memory_space<semaphore_mem>>) src(%dma_wait3A_41 : memref<16x128xf32, #tpu.memory_space<hbm>>) dst(%dma_wait3A_38 : memref<16x128xf32, #tpu.memory_space<vmem_shared>>)
        tpu.yield
      }) : () -> ()
    } else {
    }
    %barrier3A = arith.constant 0 : index
    tpu.barrier barrier_id(%barrier3A)
    %scan3A = arith.constant 0 : i32
    %scan3A_7 = arith.constant 0 : i32
    %scan3A_8 = arith.constant 62 : i32
    %scan3A_9 = arith.addi %scan3A_7, %scan3A_8 : i32
    %scan3A_10 = arith.constant 1 : i32
    scf.for %scan3A_30 = %scan3A_7 to %scan3A_9 step %scan3A_10  : i32 {
      %mul3A_31 = arith.constant 10000 : i32
      %mul3A_32 = arith.muli %add3A, %mul3A_31 : i32
      %mul3A_33 = arith.constant 2 : i32
      %mul3A_34 = arith.muli %mul3A_33, %scan3A_30 : i32
      %mul3A_35 = arith.constant 80 : i32
      %mul3A_36 = arith.muli %mul3A_34, %mul3A_35 : i32
      %add3A_37 = arith.addi %mul3A_32, %mul3A_36 : i32
      %add3A_38 = arith.constant 80 : i32
      %add3A_39 = arith.addi %add3A_37, %add3A_38 : i32
      "tpu.region"() ({
        %run_scoped3A = tpu.sem_alloc : memref<!tpu.dma_semaphore, #tpu.memory_space<semaphore_mem>>
        %dma_start3A_52 = tpu.memref_slice %arg3[%add3A_37] : memref<320000xi32, #tpu.memory_space<hbm>> -> memref<80xi32, #tpu.memory_space<hbm>>
        %dma_start3A_53 = tpu.memref_slice %arg3[%add3A_37] : memref<320000xi32, #tpu.memory_space<hbm>> -> memref<80xi32, #tpu.memory_space<hbm>>
        tpu.enqueue_dma source(%dma_start3A_53 : memref<80xi32, #tpu.memory_space<hbm>>) target(%arg7 : memref<80xi32, #tpu.memory_space<vmem>>) target_semaphore(%run_scoped3A : memref<!tpu.dma_semaphore, #tpu.memory_space<semaphore_mem>>)
        %dma_wait3A_54 = tpu.memref_slice %arg3[%add3A_37] : memref<320000xi32, #tpu.memory_space<hbm>> -> memref<80xi32, #tpu.memory_space<hbm>>
        %dma_wait3A_55 = tpu.memref_slice %arg3[%add3A_37] : memref<320000xi32, #tpu.memory_space<hbm>> -> memref<80xi32, #tpu.memory_space<hbm>>
        tpu.wait_dma2 semaphore(%run_scoped3A : memref<!tpu.dma_semaphore, #tpu.memory_space<semaphore_mem>>) src(%dma_wait3A_55 : memref<80xi32, #tpu.memory_space<hbm>>) dst(%arg7 : memref<80xi32, #tpu.memory_space<vmem>>)
        tpu.yield
      }) : () -> ()
      "tpu.region"() ({
        %run_scoped3A = tpu.sem_alloc : memref<!tpu.dma_semaphore, #tpu.memory_space<semaphore_mem>>
        %dma_start3A_52 = tpu.memref_slice %arg4[%add3A_37] : memref<320000xi32, #tpu.memory_space<hbm>> -> memref<80xi32, #tpu.memory_space<hbm>>
        %dma_start3A_53 = tpu.memref_slice %arg4[%add3A_37] : memref<320000xi32, #tpu.memory_space<hbm>> -> memref<80xi32, #tpu.memory_space<hbm>>
        tpu.enqueue_dma source(%dma_start3A_53 : memref<80xi32, #tpu.memory_space<hbm>>) target(%arg8 : memref<80xi32, #tpu.memory_space<vmem>>) target_semaphore(%run_scoped3A : memref<!tpu.dma_semaphore, #tpu.memory_space<semaphore_mem>>)
        %dma_wait3A_54 = tpu.memref_slice %arg4[%add3A_37] : memref<320000xi32, #tpu.memory_space<hbm>> -> memref<80xi32, #tpu.memory_space<hbm>>
        %dma_wait3A_55 = tpu.memref_slice %arg4[%add3A_37] : memref<320000xi32, #tpu.memory_space<hbm>> -> memref<80xi32, #tpu.memory_space<hbm>>
        tpu.wait_dma2 semaphore(%run_scoped3A : memref<!tpu.dma_semaphore, #tpu.memory_space<semaphore_mem>>) src(%dma_wait3A_55 : memref<80xi32, #tpu.memory_space<hbm>>) dst(%arg8 : memref<80xi32, #tpu.memory_space<vmem>>)
        tpu.yield
      }) : () -> ()
      %dma_start3A_40 = arith.constant 0 : i32
      %dma_start3A_41 = arith.constant 0 : i32
      %dma_start3A_42 = tpu.memref_slice %arg2[%dma_start3A_40, %dma_start3A_41] : memref<10000x128xf32, #tpu.memory_space<hbm>> -> memref<10000x128xf32, #tpu.memory_space<hbm>>
      tpu.enqueue_indirect_dma source(%dma_start3A_42 : memref<10000x128xf32, #tpu.memory_space<hbm>>) target(%arg11 : memref<80x128xf32, #tpu.memory_space<vmem>>) offsets(%arg7 : memref<80xi32, #tpu.memory_space<vmem>>) semaphore(%arg13 : memref<!tpu.dma_semaphore, #tpu.memory_space<semaphore_mem>>)
      "tpu.region"() ({
        %run_scoped3A = tpu.sem_alloc : memref<!tpu.dma_semaphore, #tpu.memory_space<semaphore_mem>>
        %dma_start3A_52 = tpu.memref_slice %arg3[%add3A_39] : memref<320000xi32, #tpu.memory_space<hbm>> -> memref<80xi32, #tpu.memory_space<hbm>>
        %dma_start3A_53 = tpu.memref_slice %arg3[%add3A_39] : memref<320000xi32, #tpu.memory_space<hbm>> -> memref<80xi32, #tpu.memory_space<hbm>>
        tpu.enqueue_dma source(%dma_start3A_53 : memref<80xi32, #tpu.memory_space<hbm>>) target(%arg9 : memref<80xi32, #tpu.memory_space<vmem>>) target_semaphore(%run_scoped3A : memref<!tpu.dma_semaphore, #tpu.memory_space<semaphore_mem>>)
        %dma_wait3A_54 = tpu.memref_slice %arg3[%add3A_39] : memref<320000xi32, #tpu.memory_space<hbm>> -> memref<80xi32, #tpu.memory_space<hbm>>
        %dma_wait3A_55 = tpu.memref_slice %arg3[%add3A_39] : memref<320000xi32, #tpu.memory_space<hbm>> -> memref<80xi32, #tpu.memory_space<hbm>>
        tpu.wait_dma2 semaphore(%run_scoped3A : memref<!tpu.dma_semaphore, #tpu.memory_space<semaphore_mem>>) src(%dma_wait3A_55 : memref<80xi32, #tpu.memory_space<hbm>>) dst(%arg9 : memref<80xi32, #tpu.memory_space<vmem>>)
        tpu.yield
      }) : () -> ()
      "tpu.region"() ({
        %run_scoped3A = tpu.sem_alloc : memref<!tpu.dma_semaphore, #tpu.memory_space<semaphore_mem>>
        %dma_start3A_52 = tpu.memref_slice %arg4[%add3A_39] : memref<320000xi32, #tpu.memory_space<hbm>> -> memref<80xi32, #tpu.memory_space<hbm>>
        %dma_start3A_53 = tpu.memref_slice %arg4[%add3A_39] : memref<320000xi32, #tpu.memory_space<hbm>> -> memref<80xi32, #tpu.memory_space<hbm>>
        tpu.enqueue_dma source(%dma_start3A_53 : memref<80xi32, #tpu.memory_space<hbm>>) target(%arg10 : memref<80xi32, #tpu.memory_space<vmem>>) target_semaphore(%run_scoped3A : memref<!tpu.dma_semaphore, #tpu.memory_space<semaphore_mem>>)
        %dma_wait3A_54 = tpu.memref_slice %arg4[%add3A_39] : memref<320000xi32, #tpu.memory_space<hbm>> -> memref<80xi32, #tpu.memory_space<hbm>>
        %dma_wait3A_55 = tpu.memref_slice %arg4[%add3A_39] : memref<320000xi32, #tpu.memory_space<hbm>> -> memref<80xi32, #tpu.memory_space<hbm>>
        tpu.wait_dma2 semaphore(%run_scoped3A : memref<!tpu.dma_semaphore, #tpu.memory_space<semaphore_mem>>) src(%dma_wait3A_55 : memref<80xi32, #tpu.memory_space<hbm>>) dst(%arg10 : memref<80xi32, #tpu.memory_space<vmem>>)
        tpu.yield
      }) : () -> ()
      %dma_start3A_43 = arith.constant 0 : i32
      %dma_start3A_44 = arith.constant 0 : i32
      %dma_start3A_45 = tpu.memref_slice %arg2[%dma_start3A_43, %dma_start3A_44] : memref<10000x128xf32, #tpu.memory_space<hbm>> -> memref<10000x128xf32, #tpu.memory_space<hbm>>
      tpu.enqueue_indirect_dma source(%dma_start3A_45 : memref<10000x128xf32, #tpu.memory_space<hbm>>) target(%arg12 : memref<80x128xf32, #tpu.memory_space<vmem>>) offsets(%arg9 : memref<80xi32, #tpu.memory_space<vmem>>) semaphore(%arg14 : memref<!tpu.dma_semaphore, #tpu.memory_space<semaphore_mem>>)
      %dma_wait3A_46 = arith.constant 0 : i32
      %dma_wait3A_47 = arith.constant 0 : i32
      %dma_wait3A_48 = tpu.memref_slice %arg2[%dma_wait3A_46, %dma_wait3A_47] : memref<10000x128xf32, #tpu.memory_space<hbm>> -> memref<10000x128xf32, #tpu.memory_space<hbm>>
      tpu.wait_indirect_dma semaphore(%arg13 : memref<!tpu.dma_semaphore, #tpu.memory_space<semaphore_mem>>) src(%dma_wait3A_48 : memref<10000x128xf32, #tpu.memory_space<hbm>>) dst(%arg11 : memref<80x128xf32, #tpu.memory_space<vmem>>)
      "tpu.region"() ({
        %run_scoped3A = tpu.sem_alloc : memref<!tpu.dma_semaphore, #tpu.memory_space<semaphore_mem>>
        %dma_start3A_52 = arith.constant 0 : i32
        %dma_start3A_53 = arith.constant 0 : i32
        %dma_start3A_54 = tpu.memref_slice %arg15[%dma_start3A_52, %dma_start3A_53] : memref<10000x128xf32, #tpu.memory_space<vmem_shared>> -> memref<10000x128xf32, #tpu.memory_space<vmem_shared>>
        tpu.enqueue_indirect_dma source(%arg11 : memref<80x128xf32, #tpu.memory_space<vmem>>) target(%dma_start3A_54 : memref<10000x128xf32, #tpu.memory_space<vmem_shared>>) offsets(%arg8 : memref<80xi32, #tpu.memory_space<vmem>>) semaphore(%run_scoped3A : memref<!tpu.dma_semaphore, #tpu.memory_space<semaphore_mem>>) {add = true}
        %dma_wait3A_55 = arith.constant 0 : i32
        %dma_wait3A_56 = arith.constant 0 : i32
        %dma_wait3A_57 = tpu.memref_slice %arg15[%dma_wait3A_55, %dma_wait3A_56] : memref<10000x128xf32, #tpu.memory_space<vmem_shared>> -> memref<10000x128xf32, #tpu.memory_space<vmem_shared>>
        tpu.wait_indirect_dma semaphore(%run_scoped3A : memref<!tpu.dma_semaphore, #tpu.memory_space<semaphore_mem>>) src(%arg11 : memref<80x128xf32, #tpu.memory_space<vmem>>) dst(%dma_wait3A_57 : memref<10000x128xf32, #tpu.memory_space<vmem_shared>>)
        tpu.yield
      }) : () -> ()
      %dma_wait3A_49 = arith.constant 0 : i32
      %dma_wait3A_50 = arith.constant 0 : i32
      %dma_wait3A_51 = tpu.memref_slice %arg2[%dma_wait3A_49, %dma_wait3A_50] : memref<10000x128xf32, #tpu.memory_space<hbm>> -> memref<10000x128xf32, #tpu.memory_space<hbm>>
      tpu.wait_indirect_dma semaphore(%arg14 : memref<!tpu.dma_semaphore, #tpu.memory_space<semaphore_mem>>) src(%dma_wait3A_51 : memref<10000x128xf32, #tpu.memory_space<hbm>>) dst(%arg12 : memref<80x128xf32, #tpu.memory_space<vmem>>)
      "tpu.region"() ({
        %run_scoped3A = tpu.sem_alloc : memref<!tpu.dma_semaphore, #tpu.memory_space<semaphore_mem>>
        %dma_start3A_52 = arith.constant 0 : i32
        %dma_start3A_53 = arith.constant 0 : i32
        %dma_start3A_54 = tpu.memref_slice %arg15[%dma_start3A_52, %dma_start3A_53] : memref<10000x128xf32, #tpu.memory_space<vmem_shared>> -> memref<10000x128xf32, #tpu.memory_space<vmem_shared>>
        tpu.enqueue_indirect_dma source(%arg12 : memref<80x128xf32, #tpu.memory_space<vmem>>) target(%dma_start3A_54 : memref<10000x128xf32, #tpu.memory_space<vmem_shared>>) offsets(%arg10 : memref<80xi32, #tpu.memory_space<vmem>>) semaphore(%run_scoped3A : memref<!tpu.dma_semaphore, #tpu.memory_space<semaphore_mem>>) {add = true}
        %dma_wait3A_55 = arith.constant 0 : i32
        %dma_wait3A_56 = arith.constant 0 : i32
        %dma_wait3A_57 = tpu.memref_slice %arg15[%dma_wait3A_55, %dma_wait3A_56] : memref<10000x128xf32, #tpu.memory_space<vmem_shared>> -> memref<10000x128xf32, #tpu.memory_space<vmem_shared>>
        tpu.wait_indirect_dma semaphore(%run_scoped3A : memref<!tpu.dma_semaphore, #tpu.memory_space<semaphore_mem>>) src(%arg12 : memref<80x128xf32, #tpu.memory_space<vmem>>) dst(%dma_wait3A_57 : memref<10000x128xf32, #tpu.memory_space<vmem_shared>>)
        tpu.yield
      }) : () -> ()
    }
    %scan3A_11 = arith.constant 62 : i32
    %mul3A_12 = arith.constant 10000 : i32
    %mul3A_13 = arith.muli %add3A, %mul3A_12 : i32
    %add3A_14 = arith.constant 9920 : i32
    %add3A_15 = arith.addi %mul3A_13, %add3A_14 : i32
    "tpu.region"() ({
      %run_scoped3A = tpu.sem_alloc : memref<!tpu.dma_semaphore, #tpu.memory_space<semaphore_mem>>
      %dma_start3A_30 = tpu.memref_slice %arg3[%add3A_15] : memref<320000xi32, #tpu.memory_space<hbm>> -> memref<80xi32, #tpu.memory_space<hbm>>
      %dma_start3A_31 = tpu.memref_slice %arg3[%add3A_15] : memref<320000xi32, #tpu.memory_space<hbm>> -> memref<80xi32, #tpu.memory_space<hbm>>
      tpu.enqueue_dma source(%dma_start3A_31 : memref<80xi32, #tpu.memory_space<hbm>>) target(%arg7 : memref<80xi32, #tpu.memory_space<vmem>>) target_semaphore(%run_scoped3A : memref<!tpu.dma_semaphore, #tpu.memory_space<semaphore_mem>>)
      %dma_wait3A_32 = tpu.memref_slice %arg3[%add3A_15] : memref<320000xi32, #tpu.memory_space<hbm>> -> memref<80xi32, #tpu.memory_space<hbm>>
      %dma_wait3A_33 = tpu.memref_slice %arg3[%add3A_15] : memref<320000xi32, #tpu.memory_space<hbm>> -> memref<80xi32, #tpu.memory_space<hbm>>
      tpu.wait_dma2 semaphore(%run_scoped3A : memref<!tpu.dma_semaphore, #tpu.memory_space<semaphore_mem>>) src(%dma_wait3A_33 : memref<80xi32, #tpu.memory_space<hbm>>) dst(%arg7 : memref<80xi32, #tpu.memory_space<vmem>>)
      tpu.yield
    }) : () -> ()
    "tpu.region"() ({
      %run_scoped3A = tpu.sem_alloc : memref<!tpu.dma_semaphore, #tpu.memory_space<semaphore_mem>>
      %dma_start3A_30 = tpu.memref_slice %arg4[%add3A_15] : memref<320000xi32, #tpu.memory_space<hbm>> -> memref<80xi32, #tpu.memory_space<hbm>>
      %dma_start3A_31 = tpu.memref_slice %arg4[%add3A_15] : memref<320000xi32, #tpu.memory_space<hbm>> -> memref<80xi32, #tpu.memory_space<hbm>>
      tpu.enqueue_dma source(%dma_start3A_31 : memref<80xi32, #tpu.memory_space<hbm>>) target(%arg8 : memref<80xi32, #tpu.memory_space<vmem>>) target_semaphore(%run_scoped3A : memref<!tpu.dma_semaphore, #tpu.memory_space<semaphore_mem>>)
      %dma_wait3A_32 = tpu.memref_slice %arg4[%add3A_15] : memref<320000xi32, #tpu.memory_space<hbm>> -> memref<80xi32, #tpu.memory_space<hbm>>
      %dma_wait3A_33 = tpu.memref_slice %arg4[%add3A_15] : memref<320000xi32, #tpu.memory_space<hbm>> -> memref<80xi32, #tpu.memory_space<hbm>>
      tpu.wait_dma2 semaphore(%run_scoped3A : memref<!tpu.dma_semaphore, #tpu.memory_space<semaphore_mem>>) src(%dma_wait3A_33 : memref<80xi32, #tpu.memory_space<hbm>>) dst(%arg8 : memref<80xi32, #tpu.memory_space<vmem>>)
      tpu.yield
    }) : () -> ()
    %dma_start3A = arith.constant 0 : i32
    %dma_start3A_16 = arith.constant 0 : i32
    %dma_start3A_17 = tpu.memref_slice %arg2[%dma_start3A, %dma_start3A_16] : memref<10000x128xf32, #tpu.memory_space<hbm>> -> memref<10000x128xf32, #tpu.memory_space<hbm>>
    tpu.enqueue_indirect_dma source(%dma_start3A_17 : memref<10000x128xf32, #tpu.memory_space<hbm>>) target(%arg11 : memref<80x128xf32, #tpu.memory_space<vmem>>) offsets(%arg7 : memref<80xi32, #tpu.memory_space<vmem>>) semaphore(%arg13 : memref<!tpu.dma_semaphore, #tpu.memory_space<semaphore_mem>>)
    %dma_wait3A = arith.constant 0 : i32
    %dma_wait3A_18 = arith.constant 0 : i32
    %dma_wait3A_19 = tpu.memref_slice %arg2[%dma_wait3A, %dma_wait3A_18] : memref<10000x128xf32, #tpu.memory_space<hbm>> -> memref<10000x128xf32, #tpu.memory_space<hbm>>
    tpu.wait_indirect_dma semaphore(%arg13 : memref<!tpu.dma_semaphore, #tpu.memory_space<semaphore_mem>>) src(%dma_wait3A_19 : memref<10000x128xf32, #tpu.memory_space<hbm>>) dst(%arg11 : memref<80x128xf32, #tpu.memory_space<vmem>>)
    "tpu.region"() ({
      %run_scoped3A = tpu.sem_alloc : memref<!tpu.dma_semaphore, #tpu.memory_space<semaphore_mem>>
      %dma_start3A_30 = arith.constant 0 : i32
      %dma_start3A_31 = arith.constant 0 : i32
      %dma_start3A_32 = tpu.memref_slice %arg15[%dma_start3A_30, %dma_start3A_31] : memref<10000x128xf32, #tpu.memory_space<vmem_shared>> -> memref<10000x128xf32, #tpu.memory_space<vmem_shared>>
      tpu.enqueue_indirect_dma source(%arg11 : memref<80x128xf32, #tpu.memory_space<vmem>>) target(%dma_start3A_32 : memref<10000x128xf32, #tpu.memory_space<vmem_shared>>) offsets(%arg8 : memref<80xi32, #tpu.memory_space<vmem>>) semaphore(%run_scoped3A : memref<!tpu.dma_semaphore, #tpu.memory_space<semaphore_mem>>) {add = true}
      %dma_wait3A_33 = arith.constant 0 : i32
      %dma_wait3A_34 = arith.constant 0 : i32
      %dma_wait3A_35 = tpu.memref_slice %arg15[%dma_wait3A_33, %dma_wait3A_34] : memref<10000x128xf32, #tpu.memory_space<vmem_shared>> -> memref<10000x128xf32, #tpu.memory_space<vmem_shared>>
      tpu.wait_indirect_dma semaphore(%run_scoped3A : memref<!tpu.dma_semaphore, #tpu.memory_space<semaphore_mem>>) src(%arg11 : memref<80x128xf32, #tpu.memory_space<vmem>>) dst(%dma_wait3A_35 : memref<10000x128xf32, #tpu.memory_space<vmem_shared>>)
      tpu.yield
    }) : () -> ()
    %barrier3A_20 = arith.constant 0 : index
    tpu.barrier barrier_id(%barrier3A_20)
    %mul3A_21 = arith.constant 624 : i32
    %mul3A_22 = arith.muli %arg1, %mul3A_21 : i32
    %mul3A_23 = arith.constant 624 : i32
    %mul3A_24 = arith.muli %arg1, %mul3A_23 : i32
    "tpu.region"() ({
      %run_scoped3A = tpu.sem_alloc : memref<!tpu.dma_semaphore, #tpu.memory_space<semaphore_mem>>
      %dma_start3A_30 = arith.constant 0 : i32
      %dma_start3A_31 = arith.constant 0 : i32
      %dma_start3A_32 = tpu.memref_slice %arg6[%arg0, %dma_start3A_30, %dma_start3A_31] : memref<2x10000x128xf32, #tpu.memory_space<hbm>> -> memref<1x10000x128xf32, #tpu.memory_space<hbm>>
      %dma_start3A_33 = tpu.memref_squeeze %dma_start3A_32 : memref<1x10000x128xf32, #tpu.memory_space<hbm>> -> memref<10000x128xf32, #tpu.memory_space<hbm>>
      %dma_start3A_34 = arith.constant 0 : i32
      %dma_start3A_35 = tpu.memref_slice %dma_start3A_33[%mul3A_24, %dma_start3A_34] : memref<10000x128xf32, #tpu.memory_space<hbm>> -> memref<624x128xf32, #tpu.memory_space<hbm>>
      %dma_start3A_36 = arith.constant 0 : i32
      %dma_start3A_37 = tpu.memref_slice %arg15[%mul3A_22, %dma_start3A_36] : memref<10000x128xf32, #tpu.memory_space<vmem_shared>> -> memref<624x128xf32, #tpu.memory_space<vmem_shared>>
      tpu.enqueue_dma source(%dma_start3A_37 : memref<624x128xf32, #tpu.memory_space<vmem_shared>>) target(%dma_start3A_35 : memref<624x128xf32, #tpu.memory_space<hbm>>) target_semaphore(%run_scoped3A : memref<!tpu.dma_semaphore, #tpu.memory_space<semaphore_mem>>)
      %dma_wait3A_38 = arith.constant 0 : i32
      %dma_wait3A_39 = arith.constant 0 : i32
      %dma_wait3A_40 = tpu.memref_slice %arg6[%arg0, %dma_wait3A_38, %dma_wait3A_39] : memref<2x10000x128xf32, #tpu.memory_space<hbm>> -> memref<1x10000x128xf32, #tpu.memory_space<hbm>>
      %dma_wait3A_41 = tpu.memref_squeeze %dma_wait3A_40 : memref<1x10000x128xf32, #tpu.memory_space<hbm>> -> memref<10000x128xf32, #tpu.memory_space<hbm>>
      %dma_wait3A_42 = arith.constant 0 : i32
      %dma_wait3A_43 = tpu.memref_slice %dma_wait3A_41[%mul3A_24, %dma_wait3A_42] : memref<10000x128xf32, #tpu.memory_space<hbm>> -> memref<624x128xf32, #tpu.memory_space<hbm>>
      %dma_wait3A_44 = arith.constant 0 : i32
      %dma_wait3A_45 = tpu.memref_slice %arg15[%mul3A_22, %dma_wait3A_44] : memref<10000x128xf32, #tpu.memory_space<vmem_shared>> -> memref<624x128xf32, #tpu.memory_space<vmem_shared>>
      tpu.wait_dma2 semaphore(%run_scoped3A : memref<!tpu.dma_semaphore, #tpu.memory_space<semaphore_mem>>) src(%dma_wait3A_45 : memref<624x128xf32, #tpu.memory_space<vmem_shared>>) dst(%dma_wait3A_43 : memref<624x128xf32, #tpu.memory_space<hbm>>)
      tpu.yield
    }) : () -> ()
    %eq3A_25 = arith.constant 0 : i32
    %eq3A_26 = arith.cmpi eq, %arg1, %eq3A_25 : i32
    %convert_element_type3A_27 = arith.extui %eq3A_26 : i1 to i32
    %cond3A_28 = arith.constant 0 : i32
    %cond3A_29 = arith.cmpi ne, %convert_element_type3A_27, %cond3A_28 : i32
    scf.if %cond3A_29 {
      "tpu.region"() ({
        %run_scoped3A = tpu.sem_alloc : memref<!tpu.dma_semaphore, #tpu.memory_space<semaphore_mem>>
        %dma_start3A_30 = arith.constant 0 : i32
        %dma_start3A_31 = arith.constant 0 : i32
        %dma_start3A_32 = tpu.memref_slice %arg6[%arg0, %dma_start3A_30, %dma_start3A_31] : memref<2x10000x128xf32, #tpu.memory_space<hbm>> -> memref<1x10000x128xf32, #tpu.memory_space<hbm>>
        %dma_start3A_33 = tpu.memref_squeeze %dma_start3A_32 : memref<1x10000x128xf32, #tpu.memory_space<hbm>> -> memref<10000x128xf32, #tpu.memory_space<hbm>>
        %dma_start3A_34 = arith.constant 9984 : i32
        %dma_start3A_35 = arith.constant 0 : i32
        %dma_start3A_36 = tpu.memref_slice %dma_start3A_33[%dma_start3A_34, %dma_start3A_35] : memref<10000x128xf32, #tpu.memory_space<hbm>> -> memref<16x128xf32, #tpu.memory_space<hbm>>
        %dma_start3A_37 = arith.constant 9984 : i32
        %dma_start3A_38 = arith.constant 0 : i32
        %dma_start3A_39 = tpu.memref_slice %arg15[%dma_start3A_37, %dma_start3A_38] : memref<10000x128xf32, #tpu.memory_space<vmem_shared>> -> memref<16x128xf32, #tpu.memory_space<vmem_shared>>
        tpu.enqueue_dma source(%dma_start3A_39 : memref<16x128xf32, #tpu.memory_space<vmem_shared>>) target(%dma_start3A_36 : memref<16x128xf32, #tpu.memory_space<hbm>>) target_semaphore(%run_scoped3A : memref<!tpu.dma_semaphore, #tpu.memory_space<semaphore_mem>>)
        %dma_wait3A_40 = arith.constant 0 : i32
        %dma_wait3A_41 = arith.constant 0 : i32
        %dma_wait3A_42 = tpu.memref_slice %arg6[%arg0, %dma_wait3A_40, %dma_wait3A_41] : memref<2x10000x128xf32, #tpu.memory_space<hbm>> -> memref<1x10000x128xf32, #tpu.memory_space<hbm>>
        %dma_wait3A_43 = tpu.memref_squeeze %dma_wait3A_42 : memref<1x10000x128xf32, #tpu.memory_space<hbm>> -> memref<10000x128xf32, #tpu.memory_space<hbm>>
        %dma_wait3A_44 = arith.constant 9984 : i32
        %dma_wait3A_45 = arith.constant 0 : i32
        %dma_wait3A_46 = tpu.memref_slice %dma_wait3A_43[%dma_wait3A_44, %dma_wait3A_45] : memref<10000x128xf32, #tpu.memory_space<hbm>> -> memref<16x128xf32, #tpu.memory_space<hbm>>
        %dma_wait3A_47 = arith.constant 9984 : i32
        %dma_wait3A_48 = arith.constant 0 : i32
        %dma_wait3A_49 = tpu.memref_slice %arg15[%dma_wait3A_47, %dma_wait3A_48] : memref<10000x128xf32, #tpu.memory_space<vmem_shared>> -> memref<16x128xf32, #tpu.memory_space<vmem_shared>>
        tpu.wait_dma2 semaphore(%run_scoped3A : memref<!tpu.dma_semaphore, #tpu.memory_space<semaphore_mem>>) src(%dma_wait3A_49 : memref<16x128xf32, #tpu.memory_space<vmem_shared>>) dst(%dma_wait3A_46 : memref<16x128xf32, #tpu.memory_space<hbm>>)
        tpu.yield
      }) : () -> ()
    } else {
    }
    return
  }
}

#map = affine_map<(d0, d1) -> (0, 0)>
#map1 = affine_map<(d0, d1) -> (0)>
#map2 = affine_map<(d0, d1) -> (0, 0, 0)>
module attributes {stable_mosaic.version = 14 : i64} {
  func.func @k(%arg0: i32, %arg1: i32, %arg2: memref<10000x128xf32, #tpu.memory_space<hbm>>, %arg3: memref<320000xi32, #tpu.memory_space<hbm>>, %arg4: memref<320000xi32, #tpu.memory_space<hbm>>, %arg5: memref<10000x128xf32, #tpu.memory_space<hbm>>, %arg6: memref<2x10000x128xf32, #tpu.memory_space<hbm>>, %arg7: memref<80xi32, #tpu.memory_space<vmem>>, %arg8: memref<80xi32, #tpu.memory_space<vmem>>, %arg9: memref<80xi32, #tpu.memory_space<vmem>>, %arg10: memref<80xi32, #tpu.memory_space<vmem>>, %arg11: memref<80x128xf32, #tpu.memory_space<vmem>>, %arg12: memref<80x128xf32, #tpu.memory_space<vmem>>, %arg13: memref<!tpu.dma_semaphore, #tpu.memory_space<semaphore_mem>>, %arg14: memref<!tpu.dma_semaphore, #tpu.memory_space<semaphore_mem>>, %arg15: memref<10000x128xf32, #tpu.memory_space<vmem_shared>>) attributes {dimension_semantics = [#tpu.dimension_semantics<core_parallel>, #tpu.dimension_semantics<subcore_parallel>], iteration_bounds = array<i64: 2, 16>, scalar_prefetch = 0 : i64, scratch_operands = 9 : i64, tpu.core_type = #tpu.core_type<sc_vector_subcore>, window_params = [{transform_indices = #map}, {transform_indices = #map1}, {transform_indices = #map1}, {transform_indices = #map}, {transform_indices = #map2}]} {
    %mul3A = arith.constant 16 : i32
    %mul3A_0 = arith.muli %arg0, %mul3A : i32
    %add3A = arith.addi %mul3A_0, %arg1 : i32
    %mul3A_1 = arith.constant 624 : i32
    %mul3A_2 = arith.muli %arg1, %mul3A_1 : i32
    %mul3A_3 = arith.constant 624 : i32
    %mul3A_4 = arith.muli %arg1, %mul3A_3 : i32
    "tpu.region"() ({
      %run_scoped3A = tpu.sem_alloc : memref<!tpu.dma_semaphore, #tpu.memory_space<semaphore_mem>>
      %dma_start3A_30 = arith.constant 0 : i32
      %dma_start3A_31 = tpu.memref_slice %arg15[%mul3A_4, %dma_start3A_30] : memref<10000x128xf32, #tpu.memory_space<vmem_shared>> -> memref<624x128xf32, #tpu.memory_space<vmem_shared>>
      %dma_start3A_32 = arith.constant 0 : i32
      %dma_start3A_33 = tpu.memref_slice %arg5[%mul3A_2, %dma_start3A_32] : memref<10000x128xf32, #tpu.memory_space<hbm>> -> memref<624x128xf32, #tpu.memory_space<hbm>>
      tpu.enqueue_dma source(%dma_start3A_33 : memref<624x128xf32, #tpu.memory_space<hbm>>) target(%dma_start3A_31 : memref<624x128xf32, #tpu.memory_space<vmem_shared>>) target_semaphore(%run_scoped3A : memref<!tpu.dma_semaphore, #tpu.memory_space<semaphore_mem>>)
      %dma_wait3A_34 = arith.constant 0 : i32
      %dma_wait3A_35 = tpu.memref_slice %arg15[%mul3A_4, %dma_wait3A_34] : memref<10000x128xf32, #tpu.memory_space<vmem_shared>> -> memref<624x128xf32, #tpu.memory_space<vmem_shared>>
      %dma_wait3A_36 = arith.constant 0 : i32
      %dma_wait3A_37 = tpu.memref_slice %arg5[%mul3A_2, %dma_wait3A_36] : memref<10000x128xf32, #tpu.memory_space<hbm>> -> memref<624x128xf32, #tpu.memory_space<hbm>>
      tpu.wait_dma2 semaphore(%run_scoped3A : memref<!tpu.dma_semaphore, #tpu.memory_space<semaphore_mem>>) src(%dma_wait3A_37 : memref<624x128xf32, #tpu.memory_space<hbm>>) dst(%dma_wait3A_35 : memref<624x128xf32, #tpu.memory_space<vmem_shared>>)
      tpu.yield
    }) : () -> ()
    %eq3A = arith.constant 0 : i32
    %eq3A_5 = arith.cmpi eq, %arg1, %eq3A : i32
    %convert_element_type3A = arith.extui %eq3A_5 : i1 to i32
    %cond3A = arith.constant 0 : i32
    %cond3A_6 = arith.cmpi ne, %convert_element_type3A, %cond3A : i32
    scf.if %cond3A_6 {
      "tpu.region"() ({
        %run_scoped3A = tpu.sem_alloc : memref<!tpu.dma_semaphore, #tpu.memory_space<semaphore_mem>>
        %dma_start3A_30 = arith.constant 9984 : i32
        %dma_start3A_31 = arith.constant 0 : i32
        %dma_start3A_32 = tpu.memref_slice %arg15[%dma_start3A_30, %dma_start3A_31] : memref<10000x128xf32, #tpu.memory_space<vmem_shared>> -> memref<16x128xf32, #tpu.memory_space<vmem_shared>>
        %dma_start3A_33 = arith.constant 9984 : i32
        %dma_start3A_34 = arith.constant 0 : i32
        %dma_start3A_35 = tpu.memref_slice %arg5[%dma_start3A_33, %dma_start3A_34] : memref<10000x128xf32, #tpu.memory_space<hbm>> -> memref<16x128xf32, #tpu.memory_space<hbm>>
        tpu.enqueue_dma source(%dma_start3A_35 : memref<16x128xf32, #tpu.memory_space<hbm>>) target(%dma_start3A_32 : memref<16x128xf32, #tpu.memory_space<vmem_shared>>) target_semaphore(%run_scoped3A : memref<!tpu.dma_semaphore, #tpu.memory_space<semaphore_mem>>)
        %dma_wait3A_36 = arith.constant 9984 : i32
        %dma_wait3A_37 = arith.constant 0 : i32
        %dma_wait3A_38 = tpu.memref_slice %arg15[%dma_wait3A_36, %dma_wait3A_37] : memref<10000x128xf32, #tpu.memory_space<vmem_shared>> -> memref<16x128xf32, #tpu.memory_space<vmem_shared>>
        %dma_wait3A_39 = arith.constant 9984 : i32
        %dma_wait3A_40 = arith.constant 0 : i32
        %dma_wait3A_41 = tpu.memref_slice %arg5[%dma_wait3A_39, %dma_wait3A_40] : memref<10000x128xf32, #tpu.memory_space<hbm>> -> memref<16x128xf32, #tpu.memory_space<hbm>>
        tpu.wait_dma2 semaphore(%run_scoped3A : memref<!tpu.dma_semaphore, #tpu.memory_space<semaphore_mem>>) src(%dma_wait3A_41 : memref<16x128xf32, #tpu.memory_space<hbm>>) dst(%dma_wait3A_38 : memref<16x128xf32, #tpu.memory_space<vmem_shared>>)
        tpu.yield
      }) : () -> ()
    } else {
    }
    %barrier3A = arith.constant 0 : index
    tpu.barrier barrier_id(%barrier3A)
    %scan3A = arith.constant 0 : i32
    %scan3A_7 = arith.constant 0 : i32
    %scan3A_8 = arith.constant 62 : i32
    %scan3A_9 = arith.addi %scan3A_7, %scan3A_8 : i32
    %scan3A_10 = arith.constant 1 : i32
    scf.for %scan3A_30 = %scan3A_7 to %scan3A_9 step %scan3A_10  : i32 {
      %mul3A_31 = arith.constant 10000 : i32
      %mul3A_32 = arith.muli %add3A, %mul3A_31 : i32
      %mul3A_33 = arith.constant 2 : i32
      %mul3A_34 = arith.muli %mul3A_33, %scan3A_30 : i32
      %mul3A_35 = arith.constant 80 : i32
      %mul3A_36 = arith.muli %mul3A_34, %mul3A_35 : i32
      %add3A_37 = arith.addi %mul3A_32, %mul3A_36 : i32
      %add3A_38 = arith.constant 80 : i32
      %add3A_39 = arith.addi %add3A_37, %add3A_38 : i32
      "tpu.region"() ({
        %run_scoped3A = tpu.sem_alloc : memref<!tpu.dma_semaphore, #tpu.memory_space<semaphore_mem>>
        %dma_start3A_52 = tpu.memref_slice %arg3[%add3A_37] : memref<320000xi32, #tpu.memory_space<hbm>> -> memref<80xi32, #tpu.memory_space<hbm>>
        %dma_start3A_53 = tpu.memref_slice %arg3[%add3A_37] : memref<320000xi32, #tpu.memory_space<hbm>> -> memref<80xi32, #tpu.memory_space<hbm>>
        tpu.enqueue_dma source(%dma_start3A_53 : memref<80xi32, #tpu.memory_space<hbm>>) target(%arg7 : memref<80xi32, #tpu.memory_space<vmem>>) target_semaphore(%run_scoped3A : memref<!tpu.dma_semaphore, #tpu.memory_space<semaphore_mem>>)
        %dma_wait3A_54 = tpu.memref_slice %arg3[%add3A_37] : memref<320000xi32, #tpu.memory_space<hbm>> -> memref<80xi32, #tpu.memory_space<hbm>>
        %dma_wait3A_55 = tpu.memref_slice %arg3[%add3A_37] : memref<320000xi32, #tpu.memory_space<hbm>> -> memref<80xi32, #tpu.memory_space<hbm>>
        tpu.wait_dma2 semaphore(%run_scoped3A : memref<!tpu.dma_semaphore, #tpu.memory_space<semaphore_mem>>) src(%dma_wait3A_55 : memref<80xi32, #tpu.memory_space<hbm>>) dst(%arg7 : memref<80xi32, #tpu.memory_space<vmem>>)
        tpu.yield
      }) : () -> ()
      "tpu.region"() ({
        %run_scoped3A = tpu.sem_alloc : memref<!tpu.dma_semaphore, #tpu.memory_space<semaphore_mem>>
        %dma_start3A_52 = tpu.memref_slice %arg4[%add3A_37] : memref<320000xi32, #tpu.memory_space<hbm>> -> memref<80xi32, #tpu.memory_space<hbm>>
        %dma_start3A_53 = tpu.memref_slice %arg4[%add3A_37] : memref<320000xi32, #tpu.memory_space<hbm>> -> memref<80xi32, #tpu.memory_space<hbm>>
        tpu.enqueue_dma source(%dma_start3A_53 : memref<80xi32, #tpu.memory_space<hbm>>) target(%arg8 : memref<80xi32, #tpu.memory_space<vmem>>) target_semaphore(%run_scoped3A : memref<!tpu.dma_semaphore, #tpu.memory_space<semaphore_mem>>)
        %dma_wait3A_54 = tpu.memref_slice %arg4[%add3A_37] : memref<320000xi32, #tpu.memory_space<hbm>> -> memref<80xi32, #tpu.memory_space<hbm>>
        %dma_wait3A_55 = tpu.memref_slice %arg4[%add3A_37] : memref<320000xi32, #tpu.memory_space<hbm>> -> memref<80xi32, #tpu.memory_space<hbm>>
        tpu.wait_dma2 semaphore(%run_scoped3A : memref<!tpu.dma_semaphore, #tpu.memory_space<semaphore_mem>>) src(%dma_wait3A_55 : memref<80xi32, #tpu.memory_space<hbm>>) dst(%arg8 : memref<80xi32, #tpu.memory_space<vmem>>)
        tpu.yield
      }) : () -> ()
      %dma_start3A_40 = arith.constant 0 : i32
      %dma_start3A_41 = arith.constant 0 : i32
      %dma_start3A_42 = tpu.memref_slice %arg2[%dma_start3A_40, %dma_start3A_41] : memref<10000x128xf32, #tpu.memory_space<hbm>> -> memref<10000x128xf32, #tpu.memory_space<hbm>>
      tpu.enqueue_indirect_dma source(%dma_start3A_42 : memref<10000x128xf32, #tpu.memory_space<hbm>>) target(%arg11 : memref<80x128xf32, #tpu.memory_space<vmem>>) offsets(%arg7 : memref<80xi32, #tpu.memory_space<vmem>>) semaphore(%arg13 : memref<!tpu.dma_semaphore, #tpu.memory_space<semaphore_mem>>)
      "tpu.region"() ({
        %run_scoped3A = tpu.sem_alloc : memref<!tpu.dma_semaphore, #tpu.memory_space<semaphore_mem>>
        %dma_start3A_52 = tpu.memref_slice %arg3[%add3A_39] : memref<320000xi32, #tpu.memory_space<hbm>> -> memref<80xi32, #tpu.memory_space<hbm>>
        %dma_start3A_53 = tpu.memref_slice %arg3[%add3A_39] : memref<320000xi32, #tpu.memory_space<hbm>> -> memref<80xi32, #tpu.memory_space<hbm>>
        tpu.enqueue_dma source(%dma_start3A_53 : memref<80xi32, #tpu.memory_space<hbm>>) target(%arg9 : memref<80xi32, #tpu.memory_space<vmem>>) target_semaphore(%run_scoped3A : memref<!tpu.dma_semaphore, #tpu.memory_space<semaphore_mem>>)
        %dma_wait3A_54 = tpu.memref_slice %arg3[%add3A_39] : memref<320000xi32, #tpu.memory_space<hbm>> -> memref<80xi32, #tpu.memory_space<hbm>>
        %dma_wait3A_55 = tpu.memref_slice %arg3[%add3A_39] : memref<320000xi32, #tpu.memory_space<hbm>> -> memref<80xi32, #tpu.memory_space<hbm>>
        tpu.wait_dma2 semaphore(%run_scoped3A : memref<!tpu.dma_semaphore, #tpu.memory_space<semaphore_mem>>) src(%dma_wait3A_55 : memref<80xi32, #tpu.memory_space<hbm>>) dst(%arg9 : memref<80xi32, #tpu.memory_space<vmem>>)
        tpu.yield
      }) : () -> ()
      "tpu.region"() ({
        %run_scoped3A = tpu.sem_alloc : memref<!tpu.dma_semaphore, #tpu.memory_space<semaphore_mem>>
        %dma_start3A_52 = tpu.memref_slice %arg4[%add3A_39] : memref<320000xi32, #tpu.memory_space<hbm>> -> memref<80xi32, #tpu.memory_space<hbm>>
        %dma_start3A_53 = tpu.memref_slice %arg4[%add3A_39] : memref<320000xi32, #tpu.memory_space<hbm>> -> memref<80xi32, #tpu.memory_space<hbm>>
        tpu.enqueue_dma source(%dma_start3A_53 : memref<80xi32, #tpu.memory_space<hbm>>) target(%arg10 : memref<80xi32, #tpu.memory_space<vmem>>) target_semaphore(%run_scoped3A : memref<!tpu.dma_semaphore, #tpu.memory_space<semaphore_mem>>)
        %dma_wait3A_54 = tpu.memref_slice %arg4[%add3A_39] : memref<320000xi32, #tpu.memory_space<hbm>> -> memref<80xi32, #tpu.memory_space<hbm>>
        %dma_wait3A_55 = tpu.memref_slice %arg4[%add3A_39] : memref<320000xi32, #tpu.memory_space<hbm>> -> memref<80xi32, #tpu.memory_space<hbm>>
        tpu.wait_dma2 semaphore(%run_scoped3A : memref<!tpu.dma_semaphore, #tpu.memory_space<semaphore_mem>>) src(%dma_wait3A_55 : memref<80xi32, #tpu.memory_space<hbm>>) dst(%arg10 : memref<80xi32, #tpu.memory_space<vmem>>)
        tpu.yield
      }) : () -> ()
      %dma_start3A_43 = arith.constant 0 : i32
      %dma_start3A_44 = arith.constant 0 : i32
      %dma_start3A_45 = tpu.memref_slice %arg2[%dma_start3A_43, %dma_start3A_44] : memref<10000x128xf32, #tpu.memory_space<hbm>> -> memref<10000x128xf32, #tpu.memory_space<hbm>>
      tpu.enqueue_indirect_dma source(%dma_start3A_45 : memref<10000x128xf32, #tpu.memory_space<hbm>>) target(%arg12 : memref<80x128xf32, #tpu.memory_space<vmem>>) offsets(%arg9 : memref<80xi32, #tpu.memory_space<vmem>>) semaphore(%arg14 : memref<!tpu.dma_semaphore, #tpu.memory_space<semaphore_mem>>)
      %dma_wait3A_46 = arith.constant 0 : i32
      %dma_wait3A_47 = arith.constant 0 : i32
      %dma_wait3A_48 = tpu.memref_slice %arg2[%dma_wait3A_46, %dma_wait3A_47] : memref<10000x128xf32, #tpu.memory_space<hbm>> -> memref<10000x128xf32, #tpu.memory_space<hbm>>
      tpu.wait_indirect_dma semaphore(%arg13 : memref<!tpu.dma_semaphore, #tpu.memory_space<semaphore_mem>>) src(%dma_wait3A_48 : memref<10000x128xf32, #tpu.memory_space<hbm>>) dst(%arg11 : memref<80x128xf32, #tpu.memory_space<vmem>>)
      "tpu.region"() ({
        %run_scoped3A = tpu.sem_alloc : memref<!tpu.dma_semaphore, #tpu.memory_space<semaphore_mem>>
        %dma_start3A_52 = arith.constant 0 : i32
        %dma_start3A_53 = arith.constant 0 : i32
        %dma_start3A_54 = tpu.memref_slice %arg15[%dma_start3A_52, %dma_start3A_53] : memref<10000x128xf32, #tpu.memory_space<vmem_shared>> -> memref<10000x128xf32, #tpu.memory_space<vmem_shared>>
        tpu.enqueue_indirect_dma source(%arg11 : memref<80x128xf32, #tpu.memory_space<vmem>>) target(%dma_start3A_54 : memref<10000x128xf32, #tpu.memory_space<vmem_shared>>) offsets(%arg8 : memref<80xi32, #tpu.memory_space<vmem>>) semaphore(%run_scoped3A : memref<!tpu.dma_semaphore, #tpu.memory_space<semaphore_mem>>) {add = true}
        %dma_wait3A_55 = arith.constant 0 : i32
        %dma_wait3A_56 = arith.constant 0 : i32
        %dma_wait3A_57 = tpu.memref_slice %arg15[%dma_wait3A_55, %dma_wait3A_56] : memref<10000x128xf32, #tpu.memory_space<vmem_shared>> -> memref<10000x128xf32, #tpu.memory_space<vmem_shared>>
        tpu.wait_indirect_dma semaphore(%run_scoped3A : memref<!tpu.dma_semaphore, #tpu.memory_space<semaphore_mem>>) src(%arg11 : memref<80x128xf32, #tpu.memory_space<vmem>>) dst(%dma_wait3A_57 : memref<10000x128xf32, #tpu.memory_space<vmem_shared>>)
        tpu.yield
      }) : () -> ()
      %dma_wait3A_49 = arith.constant 0 : i32
      %dma_wait3A_50 = arith.constant 0 : i32
      %dma_wait3A_51 = tpu.memref_slice %arg2[%dma_wait3A_49, %dma_wait3A_50] : memref<10000x128xf32, #tpu.memory_space<hbm>> -> memref<10000x128xf32, #tpu.memory_space<hbm>>
      tpu.wait_indirect_dma semaphore(%arg14 : memref<!tpu.dma_semaphore, #tpu.memory_space<semaphore_mem>>) src(%dma_wait3A_51 : memref<10000x128xf32, #tpu.memory_space<hbm>>) dst(%arg12 : memref<80x128xf32, #tpu.memory_space<vmem>>)
      "tpu.region"() ({
        %run_scoped3A = tpu.sem_alloc : memref<!tpu.dma_semaphore, #tpu.memory_space<semaphore_mem>>
        %dma_start3A_52 = arith.constant 0 : i32
        %dma_start3A_53 = arith.constant 0 : i32
        %dma_start3A_54 = tpu.memref_slice %arg15[%dma_start3A_52, %dma_start3A_53] : memref<10000x128xf32, #tpu.memory_space<vmem_shared>> -> memref<10000x128xf32, #tpu.memory_space<vmem_shared>>
        tpu.enqueue_indirect_dma source(%arg12 : memref<80x128xf32, #tpu.memory_space<vmem>>) target(%dma_start3A_54 : memref<10000x128xf32, #tpu.memory_space<vmem_shared>>) offsets(%arg10 : memref<80xi32, #tpu.memory_space<vmem>>) semaphore(%run_scoped3A : memref<!tpu.dma_semaphore, #tpu.memory_space<semaphore_mem>>) {add = true}
        %dma_wait3A_55 = arith.constant 0 : i32
        %dma_wait3A_56 = arith.constant 0 : i32
        %dma_wait3A_57 = tpu.memref_slice %arg15[%dma_wait3A_55, %dma_wait3A_56] : memref<10000x128xf32, #tpu.memory_space<vmem_shared>> -> memref<10000x128xf32, #tpu.memory_space<vmem_shared>>
        tpu.wait_indirect_dma semaphore(%run_scoped3A : memref<!tpu.dma_semaphore, #tpu.memory_space<semaphore_mem>>) src(%arg12 : memref<80x128xf32, #tpu.memory_space<vmem>>) dst(%dma_wait3A_57 : memref<10000x128xf32, #tpu.memory_space<vmem_shared>>)
        tpu.yield
      }) : () -> ()
    }
    %scan3A_11 = arith.constant 62 : i32
    %mul3A_12 = arith.constant 10000 : i32
    %mul3A_13 = arith.muli %add3A, %mul3A_12 : i32
    %add3A_14 = arith.constant 9920 : i32
    %add3A_15 = arith.addi %mul3A_13, %add3A_14 : i32
    "tpu.region"() ({
      %run_scoped3A = tpu.sem_alloc : memref<!tpu.dma_semaphore, #tpu.memory_space<semaphore_mem>>
      %dma_start3A_30 = tpu.memref_slice %arg3[%add3A_15] : memref<320000xi32, #tpu.memory_space<hbm>> -> memref<80xi32, #tpu.memory_space<hbm>>
      %dma_start3A_31 = tpu.memref_slice %arg3[%add3A_15] : memref<320000xi32, #tpu.memory_space<hbm>> -> memref<80xi32, #tpu.memory_space<hbm>>
      tpu.enqueue_dma source(%dma_start3A_31 : memref<80xi32, #tpu.memory_space<hbm>>) target(%arg7 : memref<80xi32, #tpu.memory_space<vmem>>) target_semaphore(%run_scoped3A : memref<!tpu.dma_semaphore, #tpu.memory_space<semaphore_mem>>)
      %dma_wait3A_32 = tpu.memref_slice %arg3[%add3A_15] : memref<320000xi32, #tpu.memory_space<hbm>> -> memref<80xi32, #tpu.memory_space<hbm>>
      %dma_wait3A_33 = tpu.memref_slice %arg3[%add3A_15] : memref<320000xi32, #tpu.memory_space<hbm>> -> memref<80xi32, #tpu.memory_space<hbm>>
      tpu.wait_dma2 semaphore(%run_scoped3A : memref<!tpu.dma_semaphore, #tpu.memory_space<semaphore_mem>>) src(%dma_wait3A_33 : memref<80xi32, #tpu.memory_space<hbm>>) dst(%arg7 : memref<80xi32, #tpu.memory_space<vmem>>)
      tpu.yield
    }) : () -> ()
    "tpu.region"() ({
      %run_scoped3A = tpu.sem_alloc : memref<!tpu.dma_semaphore, #tpu.memory_space<semaphore_mem>>
      %dma_start3A_30 = tpu.memref_slice %arg4[%add3A_15] : memref<320000xi32, #tpu.memory_space<hbm>> -> memref<80xi32, #tpu.memory_space<hbm>>
      %dma_start3A_31 = tpu.memref_slice %arg4[%add3A_15] : memref<320000xi32, #tpu.memory_space<hbm>> -> memref<80xi32, #tpu.memory_space<hbm>>
      tpu.enqueue_dma source(%dma_start3A_31 : memref<80xi32, #tpu.memory_space<hbm>>) target(%arg8 : memref<80xi32, #tpu.memory_space<vmem>>) target_semaphore(%run_scoped3A : memref<!tpu.dma_semaphore, #tpu.memory_space<semaphore_mem>>)
      %dma_wait3A_32 = tpu.memref_slice %arg4[%add3A_15] : memref<320000xi32, #tpu.memory_space<hbm>> -> memref<80xi32, #tpu.memory_space<hbm>>
      %dma_wait3A_33 = tpu.memref_slice %arg4[%add3A_15] : memref<320000xi32, #tpu.memory_space<hbm>> -> memref<80xi32, #tpu.memory_space<hbm>>
      tpu.wait_dma2 semaphore(%run_scoped3A : memref<!tpu.dma_semaphore, #tpu.memory_space<semaphore_mem>>) src(%dma_wait3A_33 : memref<80xi32, #tpu.memory_space<hbm>>) dst(%arg8 : memref<80xi32, #tpu.memory_space<vmem>>)
      tpu.yield
    }) : () -> ()
    %dma_start3A = arith.constant 0 : i32
    %dma_start3A_16 = arith.constant 0 : i32
    %dma_start3A_17 = tpu.memref_slice %arg2[%dma_start3A, %dma_start3A_16] : memref<10000x128xf32, #tpu.memory_space<hbm>> -> memref<10000x128xf32, #tpu.memory_space<hbm>>
    tpu.enqueue_indirect_dma source(%dma_start3A_17 : memref<10000x128xf32, #tpu.memory_space<hbm>>) target(%arg11 : memref<80x128xf32, #tpu.memory_space<vmem>>) offsets(%arg7 : memref<80xi32, #tpu.memory_space<vmem>>) semaphore(%arg13 : memref<!tpu.dma_semaphore, #tpu.memory_space<semaphore_mem>>)
    %dma_wait3A = arith.constant 0 : i32
    %dma_wait3A_18 = arith.constant 0 : i32
    %dma_wait3A_19 = tpu.memref_slice %arg2[%dma_wait3A, %dma_wait3A_18] : memref<10000x128xf32, #tpu.memory_space<hbm>> -> memref<10000x128xf32, #tpu.memory_space<hbm>>
    tpu.wait_indirect_dma semaphore(%arg13 : memref<!tpu.dma_semaphore, #tpu.memory_space<semaphore_mem>>) src(%dma_wait3A_19 : memref<10000x128xf32, #tpu.memory_space<hbm>>) dst(%arg11 : memref<80x128xf32, #tpu.memory_space<vmem>>)
    "tpu.region"() ({
      %run_scoped3A = tpu.sem_alloc : memref<!tpu.dma_semaphore, #tpu.memory_space<semaphore_mem>>
      %dma_start3A_30 = arith.constant 0 : i32
      %dma_start3A_31 = arith.constant 0 : i32
      %dma_start3A_32 = tpu.memref_slice %arg15[%dma_start3A_30, %dma_start3A_31] : memref<10000x128xf32, #tpu.memory_space<vmem_shared>> -> memref<10000x128xf32, #tpu.memory_space<vmem_shared>>
      tpu.enqueue_indirect_dma source(%arg11 : memref<80x128xf32, #tpu.memory_space<vmem>>) target(%dma_start3A_32 : memref<10000x128xf32, #tpu.memory_space<vmem_shared>>) offsets(%arg8 : memref<80xi32, #tpu.memory_space<vmem>>) semaphore(%run_scoped3A : memref<!tpu.dma_semaphore, #tpu.memory_space<semaphore_mem>>) {add = true}
      %dma_wait3A_33 = arith.constant 0 : i32
      %dma_wait3A_34 = arith.constant 0 : i32
      %dma_wait3A_35 = tpu.memref_slice %arg15[%dma_wait3A_33, %dma_wait3A_34] : memref<10000x128xf32, #tpu.memory_space<vmem_shared>> -> memref<10000x128xf32, #tpu.memory_space<vmem_shared>>
      tpu.wait_indirect_dma semaphore(%run_scoped3A : memref<!tpu.dma_semaphore, #tpu.memory_space<semaphore_mem>>) src(%arg11 : memref<80x128xf32, #tpu.memory_space<vmem>>) dst(%dma_wait3A_35 : memref<10000x128xf32, #tpu.memory_space<vmem_shared>>)
      tpu.yield
    }) : () -> ()
    %barrier3A_20 = arith.constant 0 : index
    tpu.barrier barrier_id(%barrier3A_20)
    %mul3A_21 = arith.constant 624 : i32
    %mul3A_22 = arith.muli %arg1, %mul3A_21 : i32
    %mul3A_23 = arith.constant 624 : i32
    %mul3A_24 = arith.muli %arg1, %mul3A_23 : i32
    "tpu.region"() ({
      %run_scoped3A = tpu.sem_alloc : memref<!tpu.dma_semaphore, #tpu.memory_space<semaphore_mem>>
      %dma_start3A_30 = arith.constant 0 : i32
      %dma_start3A_31 = arith.constant 0 : i32
      %dma_start3A_32 = tpu.memref_slice %arg6[%arg0, %dma_start3A_30, %dma_start3A_31] : memref<2x10000x128xf32, #tpu.memory_space<hbm>> -> memref<1x10000x128xf32, #tpu.memory_space<hbm>>
      %dma_start3A_33 = tpu.memref_squeeze %dma_start3A_32 : memref<1x10000x128xf32, #tpu.memory_space<hbm>> -> memref<10000x128xf32, #tpu.memory_space<hbm>>
      %dma_start3A_34 = arith.constant 0 : i32
      %dma_start3A_35 = tpu.memref_slice %dma_start3A_33[%mul3A_24, %dma_start3A_34] : memref<10000x128xf32, #tpu.memory_space<hbm>> -> memref<624x128xf32, #tpu.memory_space<hbm>>
      %dma_start3A_36 = arith.constant 0 : i32
      %dma_start3A_37 = tpu.memref_slice %arg15[%mul3A_22, %dma_start3A_36] : memref<10000x128xf32, #tpu.memory_space<vmem_shared>> -> memref<624x128xf32, #tpu.memory_space<vmem_shared>>
      tpu.enqueue_dma source(%dma_start3A_37 : memref<624x128xf32, #tpu.memory_space<vmem_shared>>) target(%dma_start3A_35 : memref<624x128xf32, #tpu.memory_space<hbm>>) target_semaphore(%run_scoped3A : memref<!tpu.dma_semaphore, #tpu.memory_space<semaphore_mem>>)
      %dma_wait3A_38 = arith.constant 0 : i32
      %dma_wait3A_39 = arith.constant 0 : i32
      %dma_wait3A_40 = tpu.memref_slice %arg6[%arg0, %dma_wait3A_38, %dma_wait3A_39] : memref<2x10000x128xf32, #tpu.memory_space<hbm>> -> memref<1x10000x128xf32, #tpu.memory_space<hbm>>
      %dma_wait3A_41 = tpu.memref_squeeze %dma_wait3A_40 : memref<1x10000x128xf32, #tpu.memory_space<hbm>> -> memref<10000x128xf32, #tpu.memory_space<hbm>>
      %dma_wait3A_42 = arith.constant 0 : i32
      %dma_wait3A_43 = tpu.memref_slice %dma_wait3A_41[%mul3A_24, %dma_wait3A_42] : memref<10000x128xf32, #tpu.memory_space<hbm>> -> memref<624x128xf32, #tpu.memory_space<hbm>>
      %dma_wait3A_44 = arith.constant 0 : i32
      %dma_wait3A_45 = tpu.memref_slice %arg15[%mul3A_22, %dma_wait3A_44] : memref<10000x128xf32, #tpu.memory_space<vmem_shared>> -> memref<624x128xf32, #tpu.memory_space<vmem_shared>>
      tpu.wait_dma2 semaphore(%run_scoped3A : memref<!tpu.dma_semaphore, #tpu.memory_space<semaphore_mem>>) src(%dma_wait3A_45 : memref<624x128xf32, #tpu.memory_space<vmem_shared>>) dst(%dma_wait3A_43 : memref<624x128xf32, #tpu.memory_space<hbm>>)
      tpu.yield
    }) : () -> ()
    %eq3A_25 = arith.constant 0 : i32
    %eq3A_26 = arith.cmpi eq, %arg1, %eq3A_25 : i32
    %convert_element_type3A_27 = arith.extui %eq3A_26 : i1 to i32
    %cond3A_28 = arith.constant 0 : i32
    %cond3A_29 = arith.cmpi ne, %convert_element_type3A_27, %cond3A_28 : i32
    scf.if %cond3A_29 {
      "tpu.region"() ({
        %run_scoped3A = tpu.sem_alloc : memref<!tpu.dma_semaphore, #tpu.memory_space<semaphore_mem>>
        %dma_start3A_30 = arith.constant 0 : i32
        %dma_start3A_31 = arith.constant 0 : i32
        %dma_start3A_32 = tpu.memref_slice %arg6[%arg0, %dma_start3A_30, %dma_start3A_31] : memref<2x10000x128xf32, #tpu.memory_space<hbm>> -> memref<1x10000x128xf32, #tpu.memory_space<hbm>>
        %dma_start3A_33 = tpu.memref_squeeze %dma_start3A_32 : memref<1x10000x128xf32, #tpu.memory_space<hbm>> -> memref<10000x128xf32, #tpu.memory_space<hbm>>
        %dma_start3A_34 = arith.constant 9984 : i32
        %dma_start3A_35 = arith.constant 0 : i32
        %dma_start3A_36 = tpu.memref_slice %dma_start3A_33[%dma_start3A_34, %dma_start3A_35] : memref<10000x128xf32, #tpu.memory_space<hbm>> -> memref<16x128xf32, #tpu.memory_space<hbm>>
        %dma_start3A_37 = arith.constant 9984 : i32
        %dma_start3A_38 = arith.constant 0 : i32
        %dma_start3A_39 = tpu.memref_slice %arg15[%dma_start3A_37, %dma_start3A_38] : memref<10000x128xf32, #tpu.memory_space<vmem_shared>> -> memref<16x128xf32, #tpu.memory_space<vmem_shared>>
        tpu.enqueue_dma source(%dma_start3A_39 : memref<16x128xf32, #tpu.memory_space<vmem_shared>>) target(%dma_start3A_36 : memref<16x128xf32, #tpu.memory_space<hbm>>) target_semaphore(%run_scoped3A : memref<!tpu.dma_semaphore, #tpu.memory_space<semaphore_mem>>)
        %dma_wait3A_40 = arith.constant 0 : i32
        %dma_wait3A_41 = arith.constant 0 : i32
        %dma_wait3A_42 = tpu.memref_slice %arg6[%arg0, %dma_wait3A_40, %dma_wait3A_41] : memref<2x10000x128xf32, #tpu.memory_space<hbm>> -> memref<1x10000x128xf32, #tpu.memory_space<hbm>>
        %dma_wait3A_43 = tpu.memref_squeeze %dma_wait3A_42 : memref<1x10000x128xf32, #tpu.memory_space<hbm>> -> memref<10000x128xf32, #tpu.memory_space<hbm>>
        %dma_wait3A_44 = arith.constant 9984 : i32
        %dma_wait3A_45 = arith.constant 0 : i32
        %dma_wait3A_46 = tpu.memref_slice %dma_wait3A_43[%dma_wait3A_44, %dma_wait3A_45] : memref<10000x128xf32, #tpu.memory_space<hbm>> -> memref<16x128xf32, #tpu.memory_space<hbm>>
        %dma_wait3A_47 = arith.constant 9984 : i32
        %dma_wait3A_48 = arith.constant 0 : i32
        %dma_wait3A_49 = tpu.memref_slice %arg15[%dma_wait3A_47, %dma_wait3A_48] : memref<10000x128xf32, #tpu.memory_space<vmem_shared>> -> memref<16x128xf32, #tpu.memory_space<vmem_shared>>
        tpu.wait_dma2 semaphore(%run_scoped3A : memref<!tpu.dma_semaphore, #tpu.memory_space<semaphore_mem>>) src(%dma_wait3A_49 : memref<16x128xf32, #tpu.memory_space<vmem_shared>>) dst(%dma_wait3A_46 : memref<16x128xf32, #tpu.memory_space<hbm>>)
        tpu.yield
      }) : () -> ()
    } else {
    }
    return
  }
}

#map = affine_map<(d0, d1) -> (0, 0)>
#map1 = affine_map<(d0, d1) -> (0)>
#map2 = affine_map<(d0, d1) -> (0, 0, 0)>
module attributes {stable_mosaic.version = 14 : i64} {
  func.func @k(%arg0: i32, %arg1: i32, %arg2: memref<10000x128xf32, #tpu.memory_space<hbm>>, %arg3: memref<320000xi32, #tpu.memory_space<hbm>>, %arg4: memref<320000xi32, #tpu.memory_space<hbm>>, %arg5: memref<10000x128xf32, #tpu.memory_space<hbm>>, %arg6: memref<2x10000x128xf32, #tpu.memory_space<hbm>>, %arg7: memref<80xi32, #tpu.memory_space<vmem>>, %arg8: memref<80xi32, #tpu.memory_space<vmem>>, %arg9: memref<80xi32, #tpu.memory_space<vmem>>, %arg10: memref<80xi32, #tpu.memory_space<vmem>>, %arg11: memref<80x128xf32, #tpu.memory_space<vmem>>, %arg12: memref<80x128xf32, #tpu.memory_space<vmem>>, %arg13: memref<!tpu.dma_semaphore, #tpu.memory_space<semaphore_mem>>, %arg14: memref<!tpu.dma_semaphore, #tpu.memory_space<semaphore_mem>>, %arg15: memref<10000x128xf32, #tpu.memory_space<vmem_shared>>) attributes {dimension_semantics = [#tpu.dimension_semantics<core_parallel>, #tpu.dimension_semantics<subcore_parallel>], iteration_bounds = array<i64: 2, 16>, scalar_prefetch = 0 : i64, scratch_operands = 9 : i64, tpu.core_type = #tpu.core_type<sc_vector_subcore>, window_params = [{transform_indices = #map}, {transform_indices = #map1}, {transform_indices = #map1}, {transform_indices = #map}, {transform_indices = #map2}]} {
    %mul3A = arith.constant 16 : i32
    %mul3A_0 = arith.muli %arg0, %mul3A : i32
    %add3A = arith.addi %mul3A_0, %arg1 : i32
    %mul3A_1 = arith.constant 624 : i32
    %mul3A_2 = arith.muli %arg1, %mul3A_1 : i32
    %mul3A_3 = arith.constant 624 : i32
    %mul3A_4 = arith.muli %arg1, %mul3A_3 : i32
    "tpu.region"() ({
      %run_scoped3A = tpu.sem_alloc : memref<!tpu.dma_semaphore, #tpu.memory_space<semaphore_mem>>
      %dma_start3A_30 = arith.constant 0 : i32
      %dma_start3A_31 = tpu.memref_slice %arg15[%mul3A_4, %dma_start3A_30] : memref<10000x128xf32, #tpu.memory_space<vmem_shared>> -> memref<624x128xf32, #tpu.memory_space<vmem_shared>>
      %dma_start3A_32 = arith.constant 0 : i32
      %dma_start3A_33 = tpu.memref_slice %arg5[%mul3A_2, %dma_start3A_32] : memref<10000x128xf32, #tpu.memory_space<hbm>> -> memref<624x128xf32, #tpu.memory_space<hbm>>
      tpu.enqueue_dma source(%dma_start3A_33 : memref<624x128xf32, #tpu.memory_space<hbm>>) target(%dma_start3A_31 : memref<624x128xf32, #tpu.memory_space<vmem_shared>>) target_semaphore(%run_scoped3A : memref<!tpu.dma_semaphore, #tpu.memory_space<semaphore_mem>>)
      %dma_wait3A_34 = arith.constant 0 : i32
      %dma_wait3A_35 = tpu.memref_slice %arg15[%mul3A_4, %dma_wait3A_34] : memref<10000x128xf32, #tpu.memory_space<vmem_shared>> -> memref<624x128xf32, #tpu.memory_space<vmem_shared>>
      %dma_wait3A_36 = arith.constant 0 : i32
      %dma_wait3A_37 = tpu.memref_slice %arg5[%mul3A_2, %dma_wait3A_36] : memref<10000x128xf32, #tpu.memory_space<hbm>> -> memref<624x128xf32, #tpu.memory_space<hbm>>
      tpu.wait_dma2 semaphore(%run_scoped3A : memref<!tpu.dma_semaphore, #tpu.memory_space<semaphore_mem>>) src(%dma_wait3A_37 : memref<624x128xf32, #tpu.memory_space<hbm>>) dst(%dma_wait3A_35 : memref<624x128xf32, #tpu.memory_space<vmem_shared>>)
      tpu.yield
    }) : () -> ()
    %eq3A = arith.constant 0 : i32
    %eq3A_5 = arith.cmpi eq, %arg1, %eq3A : i32
    %convert_element_type3A = arith.extui %eq3A_5 : i1 to i32
    %cond3A = arith.constant 0 : i32
    %cond3A_6 = arith.cmpi ne, %convert_element_type3A, %cond3A : i32
    scf.if %cond3A_6 {
      "tpu.region"() ({
        %run_scoped3A = tpu.sem_alloc : memref<!tpu.dma_semaphore, #tpu.memory_space<semaphore_mem>>
        %dma_start3A_30 = arith.constant 9984 : i32
        %dma_start3A_31 = arith.constant 0 : i32
        %dma_start3A_32 = tpu.memref_slice %arg15[%dma_start3A_30, %dma_start3A_31] : memref<10000x128xf32, #tpu.memory_space<vmem_shared>> -> memref<16x128xf32, #tpu.memory_space<vmem_shared>>
        %dma_start3A_33 = arith.constant 9984 : i32
        %dma_start3A_34 = arith.constant 0 : i32
        %dma_start3A_35 = tpu.memref_slice %arg5[%dma_start3A_33, %dma_start3A_34] : memref<10000x128xf32, #tpu.memory_space<hbm>> -> memref<16x128xf32, #tpu.memory_space<hbm>>
        tpu.enqueue_dma source(%dma_start3A_35 : memref<16x128xf32, #tpu.memory_space<hbm>>) target(%dma_start3A_32 : memref<16x128xf32, #tpu.memory_space<vmem_shared>>) target_semaphore(%run_scoped3A : memref<!tpu.dma_semaphore, #tpu.memory_space<semaphore_mem>>)
        %dma_wait3A_36 = arith.constant 9984 : i32
        %dma_wait3A_37 = arith.constant 0 : i32
        %dma_wait3A_38 = tpu.memref_slice %arg15[%dma_wait3A_36, %dma_wait3A_37] : memref<10000x128xf32, #tpu.memory_space<vmem_shared>> -> memref<16x128xf32, #tpu.memory_space<vmem_shared>>
        %dma_wait3A_39 = arith.constant 9984 : i32
        %dma_wait3A_40 = arith.constant 0 : i32
        %dma_wait3A_41 = tpu.memref_slice %arg5[%dma_wait3A_39, %dma_wait3A_40] : memref<10000x128xf32, #tpu.memory_space<hbm>> -> memref<16x128xf32, #tpu.memory_space<hbm>>
        tpu.wait_dma2 semaphore(%run_scoped3A : memref<!tpu.dma_semaphore, #tpu.memory_space<semaphore_mem>>) src(%dma_wait3A_41 : memref<16x128xf32, #tpu.memory_space<hbm>>) dst(%dma_wait3A_38 : memref<16x128xf32, #tpu.memory_space<vmem_shared>>)
        tpu.yield
      }) : () -> ()
    } else {
    }
    %barrier3A = arith.constant 0 : index
    tpu.barrier barrier_id(%barrier3A)
    %scan3A = arith.constant 0 : i32
    %scan3A_7 = arith.constant 0 : i32
    %scan3A_8 = arith.constant 62 : i32
    %scan3A_9 = arith.addi %scan3A_7, %scan3A_8 : i32
    %scan3A_10 = arith.constant 1 : i32
    scf.for %scan3A_30 = %scan3A_7 to %scan3A_9 step %scan3A_10  : i32 {
      %mul3A_31 = arith.constant 10000 : i32
      %mul3A_32 = arith.muli %add3A, %mul3A_31 : i32
      %mul3A_33 = arith.constant 2 : i32
      %mul3A_34 = arith.muli %mul3A_33, %scan3A_30 : i32
      %mul3A_35 = arith.constant 80 : i32
      %mul3A_36 = arith.muli %mul3A_34, %mul3A_35 : i32
      %add3A_37 = arith.addi %mul3A_32, %mul3A_36 : i32
      %add3A_38 = arith.constant 80 : i32
      %add3A_39 = arith.addi %add3A_37, %add3A_38 : i32
      "tpu.region"() ({
        %run_scoped3A = tpu.sem_alloc : memref<!tpu.dma_semaphore, #tpu.memory_space<semaphore_mem>>
        %dma_start3A_52 = tpu.memref_slice %arg3[%add3A_37] : memref<320000xi32, #tpu.memory_space<hbm>> -> memref<80xi32, #tpu.memory_space<hbm>>
        %dma_start3A_53 = tpu.memref_slice %arg3[%add3A_37] : memref<320000xi32, #tpu.memory_space<hbm>> -> memref<80xi32, #tpu.memory_space<hbm>>
        tpu.enqueue_dma source(%dma_start3A_53 : memref<80xi32, #tpu.memory_space<hbm>>) target(%arg7 : memref<80xi32, #tpu.memory_space<vmem>>) target_semaphore(%run_scoped3A : memref<!tpu.dma_semaphore, #tpu.memory_space<semaphore_mem>>)
        %dma_wait3A_54 = tpu.memref_slice %arg3[%add3A_37] : memref<320000xi32, #tpu.memory_space<hbm>> -> memref<80xi32, #tpu.memory_space<hbm>>
        %dma_wait3A_55 = tpu.memref_slice %arg3[%add3A_37] : memref<320000xi32, #tpu.memory_space<hbm>> -> memref<80xi32, #tpu.memory_space<hbm>>
        tpu.wait_dma2 semaphore(%run_scoped3A : memref<!tpu.dma_semaphore, #tpu.memory_space<semaphore_mem>>) src(%dma_wait3A_55 : memref<80xi32, #tpu.memory_space<hbm>>) dst(%arg7 : memref<80xi32, #tpu.memory_space<vmem>>)
        tpu.yield
      }) : () -> ()
      "tpu.region"() ({
        %run_scoped3A = tpu.sem_alloc : memref<!tpu.dma_semaphore, #tpu.memory_space<semaphore_mem>>
        %dma_start3A_52 = tpu.memref_slice %arg4[%add3A_37] : memref<320000xi32, #tpu.memory_space<hbm>> -> memref<80xi32, #tpu.memory_space<hbm>>
        %dma_start3A_53 = tpu.memref_slice %arg4[%add3A_37] : memref<320000xi32, #tpu.memory_space<hbm>> -> memref<80xi32, #tpu.memory_space<hbm>>
        tpu.enqueue_dma source(%dma_start3A_53 : memref<80xi32, #tpu.memory_space<hbm>>) target(%arg8 : memref<80xi32, #tpu.memory_space<vmem>>) target_semaphore(%run_scoped3A : memref<!tpu.dma_semaphore, #tpu.memory_space<semaphore_mem>>)
        %dma_wait3A_54 = tpu.memref_slice %arg4[%add3A_37] : memref<320000xi32, #tpu.memory_space<hbm>> -> memref<80xi32, #tpu.memory_space<hbm>>
        %dma_wait3A_55 = tpu.memref_slice %arg4[%add3A_37] : memref<320000xi32, #tpu.memory_space<hbm>> -> memref<80xi32, #tpu.memory_space<hbm>>
        tpu.wait_dma2 semaphore(%run_scoped3A : memref<!tpu.dma_semaphore, #tpu.memory_space<semaphore_mem>>) src(%dma_wait3A_55 : memref<80xi32, #tpu.memory_space<hbm>>) dst(%arg8 : memref<80xi32, #tpu.memory_space<vmem>>)
        tpu.yield
      }) : () -> ()
      %dma_start3A_40 = arith.constant 0 : i32
      %dma_start3A_41 = arith.constant 0 : i32
      %dma_start3A_42 = tpu.memref_slice %arg2[%dma_start3A_40, %dma_start3A_41] : memref<10000x128xf32, #tpu.memory_space<hbm>> -> memref<10000x128xf32, #tpu.memory_space<hbm>>
      tpu.enqueue_indirect_dma source(%dma_start3A_42 : memref<10000x128xf32, #tpu.memory_space<hbm>>) target(%arg11 : memref<80x128xf32, #tpu.memory_space<vmem>>) offsets(%arg7 : memref<80xi32, #tpu.memory_space<vmem>>) semaphore(%arg13 : memref<!tpu.dma_semaphore, #tpu.memory_space<semaphore_mem>>)
      "tpu.region"() ({
        %run_scoped3A = tpu.sem_alloc : memref<!tpu.dma_semaphore, #tpu.memory_space<semaphore_mem>>
        %dma_start3A_52 = tpu.memref_slice %arg3[%add3A_39] : memref<320000xi32, #tpu.memory_space<hbm>> -> memref<80xi32, #tpu.memory_space<hbm>>
        %dma_start3A_53 = tpu.memref_slice %arg3[%add3A_39] : memref<320000xi32, #tpu.memory_space<hbm>> -> memref<80xi32, #tpu.memory_space<hbm>>
        tpu.enqueue_dma source(%dma_start3A_53 : memref<80xi32, #tpu.memory_space<hbm>>) target(%arg9 : memref<80xi32, #tpu.memory_space<vmem>>) target_semaphore(%run_scoped3A : memref<!tpu.dma_semaphore, #tpu.memory_space<semaphore_mem>>)
        %dma_wait3A_54 = tpu.memref_slice %arg3[%add3A_39] : memref<320000xi32, #tpu.memory_space<hbm>> -> memref<80xi32, #tpu.memory_space<hbm>>
        %dma_wait3A_55 = tpu.memref_slice %arg3[%add3A_39] : memref<320000xi32, #tpu.memory_space<hbm>> -> memref<80xi32, #tpu.memory_space<hbm>>
        tpu.wait_dma2 semaphore(%run_scoped3A : memref<!tpu.dma_semaphore, #tpu.memory_space<semaphore_mem>>) src(%dma_wait3A_55 : memref<80xi32, #tpu.memory_space<hbm>>) dst(%arg9 : memref<80xi32, #tpu.memory_space<vmem>>)
        tpu.yield
      }) : () -> ()
      "tpu.region"() ({
        %run_scoped3A = tpu.sem_alloc : memref<!tpu.dma_semaphore, #tpu.memory_space<semaphore_mem>>
        %dma_start3A_52 = tpu.memref_slice %arg4[%add3A_39] : memref<320000xi32, #tpu.memory_space<hbm>> -> memref<80xi32, #tpu.memory_space<hbm>>
        %dma_start3A_53 = tpu.memref_slice %arg4[%add3A_39] : memref<320000xi32, #tpu.memory_space<hbm>> -> memref<80xi32, #tpu.memory_space<hbm>>
        tpu.enqueue_dma source(%dma_start3A_53 : memref<80xi32, #tpu.memory_space<hbm>>) target(%arg10 : memref<80xi32, #tpu.memory_space<vmem>>) target_semaphore(%run_scoped3A : memref<!tpu.dma_semaphore, #tpu.memory_space<semaphore_mem>>)
        %dma_wait3A_54 = tpu.memref_slice %arg4[%add3A_39] : memref<320000xi32, #tpu.memory_space<hbm>> -> memref<80xi32, #tpu.memory_space<hbm>>
        %dma_wait3A_55 = tpu.memref_slice %arg4[%add3A_39] : memref<320000xi32, #tpu.memory_space<hbm>> -> memref<80xi32, #tpu.memory_space<hbm>>
        tpu.wait_dma2 semaphore(%run_scoped3A : memref<!tpu.dma_semaphore, #tpu.memory_space<semaphore_mem>>) src(%dma_wait3A_55 : memref<80xi32, #tpu.memory_space<hbm>>) dst(%arg10 : memref<80xi32, #tpu.memory_space<vmem>>)
        tpu.yield
      }) : () -> ()
      %dma_start3A_43 = arith.constant 0 : i32
      %dma_start3A_44 = arith.constant 0 : i32
      %dma_start3A_45 = tpu.memref_slice %arg2[%dma_start3A_43, %dma_start3A_44] : memref<10000x128xf32, #tpu.memory_space<hbm>> -> memref<10000x128xf32, #tpu.memory_space<hbm>>
      tpu.enqueue_indirect_dma source(%dma_start3A_45 : memref<10000x128xf32, #tpu.memory_space<hbm>>) target(%arg12 : memref<80x128xf32, #tpu.memory_space<vmem>>) offsets(%arg9 : memref<80xi32, #tpu.memory_space<vmem>>) semaphore(%arg14 : memref<!tpu.dma_semaphore, #tpu.memory_space<semaphore_mem>>)
      %dma_wait3A_46 = arith.constant 0 : i32
      %dma_wait3A_47 = arith.constant 0 : i32
      %dma_wait3A_48 = tpu.memref_slice %arg2[%dma_wait3A_46, %dma_wait3A_47] : memref<10000x128xf32, #tpu.memory_space<hbm>> -> memref<10000x128xf32, #tpu.memory_space<hbm>>
      tpu.wait_indirect_dma semaphore(%arg13 : memref<!tpu.dma_semaphore, #tpu.memory_space<semaphore_mem>>) src(%dma_wait3A_48 : memref<10000x128xf32, #tpu.memory_space<hbm>>) dst(%arg11 : memref<80x128xf32, #tpu.memory_space<vmem>>)
      "tpu.region"() ({
        %run_scoped3A = tpu.sem_alloc : memref<!tpu.dma_semaphore, #tpu.memory_space<semaphore_mem>>
        %dma_start3A_52 = arith.constant 0 : i32
        %dma_start3A_53 = arith.constant 0 : i32
        %dma_start3A_54 = tpu.memref_slice %arg15[%dma_start3A_52, %dma_start3A_53] : memref<10000x128xf32, #tpu.memory_space<vmem_shared>> -> memref<10000x128xf32, #tpu.memory_space<vmem_shared>>
        tpu.enqueue_indirect_dma source(%arg11 : memref<80x128xf32, #tpu.memory_space<vmem>>) target(%dma_start3A_54 : memref<10000x128xf32, #tpu.memory_space<vmem_shared>>) offsets(%arg8 : memref<80xi32, #tpu.memory_space<vmem>>) semaphore(%run_scoped3A : memref<!tpu.dma_semaphore, #tpu.memory_space<semaphore_mem>>) {add = true}
        %dma_wait3A_55 = arith.constant 0 : i32
        %dma_wait3A_56 = arith.constant 0 : i32
        %dma_wait3A_57 = tpu.memref_slice %arg15[%dma_wait3A_55, %dma_wait3A_56] : memref<10000x128xf32, #tpu.memory_space<vmem_shared>> -> memref<10000x128xf32, #tpu.memory_space<vmem_shared>>
        tpu.wait_indirect_dma semaphore(%run_scoped3A : memref<!tpu.dma_semaphore, #tpu.memory_space<semaphore_mem>>) src(%arg11 : memref<80x128xf32, #tpu.memory_space<vmem>>) dst(%dma_wait3A_57 : memref<10000x128xf32, #tpu.memory_space<vmem_shared>>)
        tpu.yield
      }) : () -> ()
      %dma_wait3A_49 = arith.constant 0 : i32
      %dma_wait3A_50 = arith.constant 0 : i32
      %dma_wait3A_51 = tpu.memref_slice %arg2[%dma_wait3A_49, %dma_wait3A_50] : memref<10000x128xf32, #tpu.memory_space<hbm>> -> memref<10000x128xf32, #tpu.memory_space<hbm>>
      tpu.wait_indirect_dma semaphore(%arg14 : memref<!tpu.dma_semaphore, #tpu.memory_space<semaphore_mem>>) src(%dma_wait3A_51 : memref<10000x128xf32, #tpu.memory_space<hbm>>) dst(%arg12 : memref<80x128xf32, #tpu.memory_space<vmem>>)
      "tpu.region"() ({
        %run_scoped3A = tpu.sem_alloc : memref<!tpu.dma_semaphore, #tpu.memory_space<semaphore_mem>>
        %dma_start3A_52 = arith.constant 0 : i32
        %dma_start3A_53 = arith.constant 0 : i32
        %dma_start3A_54 = tpu.memref_slice %arg15[%dma_start3A_52, %dma_start3A_53] : memref<10000x128xf32, #tpu.memory_space<vmem_shared>> -> memref<10000x128xf32, #tpu.memory_space<vmem_shared>>
        tpu.enqueue_indirect_dma source(%arg12 : memref<80x128xf32, #tpu.memory_space<vmem>>) target(%dma_start3A_54 : memref<10000x128xf32, #tpu.memory_space<vmem_shared>>) offsets(%arg10 : memref<80xi32, #tpu.memory_space<vmem>>) semaphore(%run_scoped3A : memref<!tpu.dma_semaphore, #tpu.memory_space<semaphore_mem>>) {add = true}
        %dma_wait3A_55 = arith.constant 0 : i32
        %dma_wait3A_56 = arith.constant 0 : i32
        %dma_wait3A_57 = tpu.memref_slice %arg15[%dma_wait3A_55, %dma_wait3A_56] : memref<10000x128xf32, #tpu.memory_space<vmem_shared>> -> memref<10000x128xf32, #tpu.memory_space<vmem_shared>>
        tpu.wait_indirect_dma semaphore(%run_scoped3A : memref<!tpu.dma_semaphore, #tpu.memory_space<semaphore_mem>>) src(%arg12 : memref<80x128xf32, #tpu.memory_space<vmem>>) dst(%dma_wait3A_57 : memref<10000x128xf32, #tpu.memory_space<vmem_shared>>)
        tpu.yield
      }) : () -> ()
    }
    %scan3A_11 = arith.constant 62 : i32
    %mul3A_12 = arith.constant 10000 : i32
    %mul3A_13 = arith.muli %add3A, %mul3A_12 : i32
    %add3A_14 = arith.constant 9920 : i32
    %add3A_15 = arith.addi %mul3A_13, %add3A_14 : i32
    "tpu.region"() ({
      %run_scoped3A = tpu.sem_alloc : memref<!tpu.dma_semaphore, #tpu.memory_space<semaphore_mem>>
      %dma_start3A_30 = tpu.memref_slice %arg3[%add3A_15] : memref<320000xi32, #tpu.memory_space<hbm>> -> memref<80xi32, #tpu.memory_space<hbm>>
      %dma_start3A_31 = tpu.memref_slice %arg3[%add3A_15] : memref<320000xi32, #tpu.memory_space<hbm>> -> memref<80xi32, #tpu.memory_space<hbm>>
      tpu.enqueue_dma source(%dma_start3A_31 : memref<80xi32, #tpu.memory_space<hbm>>) target(%arg7 : memref<80xi32, #tpu.memory_space<vmem>>) target_semaphore(%run_scoped3A : memref<!tpu.dma_semaphore, #tpu.memory_space<semaphore_mem>>)
      %dma_wait3A_32 = tpu.memref_slice %arg3[%add3A_15] : memref<320000xi32, #tpu.memory_space<hbm>> -> memref<80xi32, #tpu.memory_space<hbm>>
      %dma_wait3A_33 = tpu.memref_slice %arg3[%add3A_15] : memref<320000xi32, #tpu.memory_space<hbm>> -> memref<80xi32, #tpu.memory_space<hbm>>
      tpu.wait_dma2 semaphore(%run_scoped3A : memref<!tpu.dma_semaphore, #tpu.memory_space<semaphore_mem>>) src(%dma_wait3A_33 : memref<80xi32, #tpu.memory_space<hbm>>) dst(%arg7 : memref<80xi32, #tpu.memory_space<vmem>>)
      tpu.yield
    }) : () -> ()
    "tpu.region"() ({
      %run_scoped3A = tpu.sem_alloc : memref<!tpu.dma_semaphore, #tpu.memory_space<semaphore_mem>>
      %dma_start3A_30 = tpu.memref_slice %arg4[%add3A_15] : memref<320000xi32, #tpu.memory_space<hbm>> -> memref<80xi32, #tpu.memory_space<hbm>>
      %dma_start3A_31 = tpu.memref_slice %arg4[%add3A_15] : memref<320000xi32, #tpu.memory_space<hbm>> -> memref<80xi32, #tpu.memory_space<hbm>>
      tpu.enqueue_dma source(%dma_start3A_31 : memref<80xi32, #tpu.memory_space<hbm>>) target(%arg8 : memref<80xi32, #tpu.memory_space<vmem>>) target_semaphore(%run_scoped3A : memref<!tpu.dma_semaphore, #tpu.memory_space<semaphore_mem>>)
      %dma_wait3A_32 = tpu.memref_slice %arg4[%add3A_15] : memref<320000xi32, #tpu.memory_space<hbm>> -> memref<80xi32, #tpu.memory_space<hbm>>
      %dma_wait3A_33 = tpu.memref_slice %arg4[%add3A_15] : memref<320000xi32, #tpu.memory_space<hbm>> -> memref<80xi32, #tpu.memory_space<hbm>>
      tpu.wait_dma2 semaphore(%run_scoped3A : memref<!tpu.dma_semaphore, #tpu.memory_space<semaphore_mem>>) src(%dma_wait3A_33 : memref<80xi32, #tpu.memory_space<hbm>>) dst(%arg8 : memref<80xi32, #tpu.memory_space<vmem>>)
      tpu.yield
    }) : () -> ()
    %dma_start3A = arith.constant 0 : i32
    %dma_start3A_16 = arith.constant 0 : i32
    %dma_start3A_17 = tpu.memref_slice %arg2[%dma_start3A, %dma_start3A_16] : memref<10000x128xf32, #tpu.memory_space<hbm>> -> memref<10000x128xf32, #tpu.memory_space<hbm>>
    tpu.enqueue_indirect_dma source(%dma_start3A_17 : memref<10000x128xf32, #tpu.memory_space<hbm>>) target(%arg11 : memref<80x128xf32, #tpu.memory_space<vmem>>) offsets(%arg7 : memref<80xi32, #tpu.memory_space<vmem>>) semaphore(%arg13 : memref<!tpu.dma_semaphore, #tpu.memory_space<semaphore_mem>>)
    %dma_wait3A = arith.constant 0 : i32
    %dma_wait3A_18 = arith.constant 0 : i32
    %dma_wait3A_19 = tpu.memref_slice %arg2[%dma_wait3A, %dma_wait3A_18] : memref<10000x128xf32, #tpu.memory_space<hbm>> -> memref<10000x128xf32, #tpu.memory_space<hbm>>
    tpu.wait_indirect_dma semaphore(%arg13 : memref<!tpu.dma_semaphore, #tpu.memory_space<semaphore_mem>>) src(%dma_wait3A_19 : memref<10000x128xf32, #tpu.memory_space<hbm>>) dst(%arg11 : memref<80x128xf32, #tpu.memory_space<vmem>>)
    "tpu.region"() ({
      %run_scoped3A = tpu.sem_alloc : memref<!tpu.dma_semaphore, #tpu.memory_space<semaphore_mem>>
      %dma_start3A_30 = arith.constant 0 : i32
      %dma_start3A_31 = arith.constant 0 : i32
      %dma_start3A_32 = tpu.memref_slice %arg15[%dma_start3A_30, %dma_start3A_31] : memref<10000x128xf32, #tpu.memory_space<vmem_shared>> -> memref<10000x128xf32, #tpu.memory_space<vmem_shared>>
      tpu.enqueue_indirect_dma source(%arg11 : memref<80x128xf32, #tpu.memory_space<vmem>>) target(%dma_start3A_32 : memref<10000x128xf32, #tpu.memory_space<vmem_shared>>) offsets(%arg8 : memref<80xi32, #tpu.memory_space<vmem>>) semaphore(%run_scoped3A : memref<!tpu.dma_semaphore, #tpu.memory_space<semaphore_mem>>) {add = true}
      %dma_wait3A_33 = arith.constant 0 : i32
      %dma_wait3A_34 = arith.constant 0 : i32
      %dma_wait3A_35 = tpu.memref_slice %arg15[%dma_wait3A_33, %dma_wait3A_34] : memref<10000x128xf32, #tpu.memory_space<vmem_shared>> -> memref<10000x128xf32, #tpu.memory_space<vmem_shared>>
      tpu.wait_indirect_dma semaphore(%run_scoped3A : memref<!tpu.dma_semaphore, #tpu.memory_space<semaphore_mem>>) src(%arg11 : memref<80x128xf32, #tpu.memory_space<vmem>>) dst(%dma_wait3A_35 : memref<10000x128xf32, #tpu.memory_space<vmem_shared>>)
      tpu.yield
    }) : () -> ()
    %barrier3A_20 = arith.constant 0 : index
    tpu.barrier barrier_id(%barrier3A_20)
    %mul3A_21 = arith.constant 624 : i32
    %mul3A_22 = arith.muli %arg1, %mul3A_21 : i32
    %mul3A_23 = arith.constant 624 : i32
    %mul3A_24 = arith.muli %arg1, %mul3A_23 : i32
    "tpu.region"() ({
      %run_scoped3A = tpu.sem_alloc : memref<!tpu.dma_semaphore, #tpu.memory_space<semaphore_mem>>
      %dma_start3A_30 = arith.constant 0 : i32
      %dma_start3A_31 = arith.constant 0 : i32
      %dma_start3A_32 = tpu.memref_slice %arg6[%arg0, %dma_start3A_30, %dma_start3A_31] : memref<2x10000x128xf32, #tpu.memory_space<hbm>> -> memref<1x10000x128xf32, #tpu.memory_space<hbm>>
      %dma_start3A_33 = tpu.memref_squeeze %dma_start3A_32 : memref<1x10000x128xf32, #tpu.memory_space<hbm>> -> memref<10000x128xf32, #tpu.memory_space<hbm>>
      %dma_start3A_34 = arith.constant 0 : i32
      %dma_start3A_35 = tpu.memref_slice %dma_start3A_33[%mul3A_24, %dma_start3A_34] : memref<10000x128xf32, #tpu.memory_space<hbm>> -> memref<624x128xf32, #tpu.memory_space<hbm>>
      %dma_start3A_36 = arith.constant 0 : i32
      %dma_start3A_37 = tpu.memref_slice %arg15[%mul3A_22, %dma_start3A_36] : memref<10000x128xf32, #tpu.memory_space<vmem_shared>> -> memref<624x128xf32, #tpu.memory_space<vmem_shared>>
      tpu.enqueue_dma source(%dma_start3A_37 : memref<624x128xf32, #tpu.memory_space<vmem_shared>>) target(%dma_start3A_35 : memref<624x128xf32, #tpu.memory_space<hbm>>) target_semaphore(%run_scoped3A : memref<!tpu.dma_semaphore, #tpu.memory_space<semaphore_mem>>)
      %dma_wait3A_38 = arith.constant 0 : i32
      %dma_wait3A_39 = arith.constant 0 : i32
      %dma_wait3A_40 = tpu.memref_slice %arg6[%arg0, %dma_wait3A_38, %dma_wait3A_39] : memref<2x10000x128xf32, #tpu.memory_space<hbm>> -> memref<1x10000x128xf32, #tpu.memory_space<hbm>>
      %dma_wait3A_41 = tpu.memref_squeeze %dma_wait3A_40 : memref<1x10000x128xf32, #tpu.memory_space<hbm>> -> memref<10000x128xf32, #tpu.memory_space<hbm>>
      %dma_wait3A_42 = arith.constant 0 : i32
      %dma_wait3A_43 = tpu.memref_slice %dma_wait3A_41[%mul3A_24, %dma_wait3A_42] : memref<10000x128xf32, #tpu.memory_space<hbm>> -> memref<624x128xf32, #tpu.memory_space<hbm>>
      %dma_wait3A_44 = arith.constant 0 : i32
      %dma_wait3A_45 = tpu.memref_slice %arg15[%mul3A_22, %dma_wait3A_44] : memref<10000x128xf32, #tpu.memory_space<vmem_shared>> -> memref<624x128xf32, #tpu.memory_space<vmem_shared>>
      tpu.wait_dma2 semaphore(%run_scoped3A : memref<!tpu.dma_semaphore, #tpu.memory_space<semaphore_mem>>) src(%dma_wait3A_45 : memref<624x128xf32, #tpu.memory_space<vmem_shared>>) dst(%dma_wait3A_43 : memref<624x128xf32, #tpu.memory_space<hbm>>)
      tpu.yield
    }) : () -> ()
    %eq3A_25 = arith.constant 0 : i32
    %eq3A_26 = arith.cmpi eq, %arg1, %eq3A_25 : i32
    %convert_element_type3A_27 = arith.extui %eq3A_26 : i1 to i32
    %cond3A_28 = arith.constant 0 : i32
    %cond3A_29 = arith.cmpi ne, %convert_element_type3A_27, %cond3A_28 : i32
    scf.if %cond3A_29 {
      "tpu.region"() ({
        %run_scoped3A = tpu.sem_alloc : memref<!tpu.dma_semaphore, #tpu.memory_space<semaphore_mem>>
        %dma_start3A_30 = arith.constant 0 : i32
        %dma_start3A_31 = arith.constant 0 : i32
        %dma_start3A_32 = tpu.memref_slice %arg6[%arg0, %dma_start3A_30, %dma_start3A_31] : memref<2x10000x128xf32, #tpu.memory_space<hbm>> -> memref<1x10000x128xf32, #tpu.memory_space<hbm>>
        %dma_start3A_33 = tpu.memref_squeeze %dma_start3A_32 : memref<1x10000x128xf32, #tpu.memory_space<hbm>> -> memref<10000x128xf32, #tpu.memory_space<hbm>>
        %dma_start3A_34 = arith.constant 9984 : i32
        %dma_start3A_35 = arith.constant 0 : i32
        %dma_start3A_36 = tpu.memref_slice %dma_start3A_33[%dma_start3A_34, %dma_start3A_35] : memref<10000x128xf32, #tpu.memory_space<hbm>> -> memref<16x128xf32, #tpu.memory_space<hbm>>
        %dma_start3A_37 = arith.constant 9984 : i32
        %dma_start3A_38 = arith.constant 0 : i32
        %dma_start3A_39 = tpu.memref_slice %arg15[%dma_start3A_37, %dma_start3A_38] : memref<10000x128xf32, #tpu.memory_space<vmem_shared>> -> memref<16x128xf32, #tpu.memory_space<vmem_shared>>
        tpu.enqueue_dma source(%dma_start3A_39 : memref<16x128xf32, #tpu.memory_space<vmem_shared>>) target(%dma_start3A_36 : memref<16x128xf32, #tpu.memory_space<hbm>>) target_semaphore(%run_scoped3A : memref<!tpu.dma_semaphore, #tpu.memory_space<semaphore_mem>>)
        %dma_wait3A_40 = arith.constant 0 : i32
        %dma_wait3A_41 = arith.constant 0 : i32
        %dma_wait3A_42 = tpu.memref_slice %arg6[%arg0, %dma_wait3A_40, %dma_wait3A_41] : memref<2x10000x128xf32, #tpu.memory_space<hbm>> -> memref<1x10000x128xf32, #tpu.memory_space<hbm>>
        %dma_wait3A_43 = tpu.memref_squeeze %dma_wait3A_42 : memref<1x10000x128xf32, #tpu.memory_space<hbm>> -> memref<10000x128xf32, #tpu.memory_space<hbm>>
        %dma_wait3A_44 = arith.constant 9984 : i32
        %dma_wait3A_45 = arith.constant 0 : i32
        %dma_wait3A_46 = tpu.memref_slice %dma_wait3A_43[%dma_wait3A_44, %dma_wait3A_45] : memref<10000x128xf32, #tpu.memory_space<hbm>> -> memref<16x128xf32, #tpu.memory_space<hbm>>
        %dma_wait3A_47 = arith.constant 9984 : i32
        %dma_wait3A_48 = arith.constant 0 : i32
        %dma_wait3A_49 = tpu.memref_slice %arg15[%dma_wait3A_47, %dma_wait3A_48] : memref<10000x128xf32, #tpu.memory_space<vmem_shared>> -> memref<16x128xf32, #tpu.memory_space<vmem_shared>>
        tpu.wait_dma2 semaphore(%run_scoped3A : memref<!tpu.dma_semaphore, #tpu.memory_space<semaphore_mem>>) src(%dma_wait3A_49 : memref<16x128xf32, #tpu.memory_space<vmem_shared>>) dst(%dma_wait3A_46 : memref<16x128xf32, #tpu.memory_space<hbm>>)
        tpu.yield
      }) : () -> ()
    } else {
    }
    return
  }
}

module attributes {stable_mosaic.version = 14 : i64} {
  func.func @_prep_body(%arg0: i32, %arg1: memref<2000x8xf32, #tpu.memory_space<vmem>>, %arg2: memref<8x128xf32, #tpu.memory_space<vmem>>, %arg3: memref<2000x128xf32, #tpu.memory_space<vmem>>) attributes {dimension_semantics = [#tpu.dimension_semantics<arbitrary>], iteration_bounds = array<i64: 5>, scalar_prefetch = 0 : i64, scratch_operands = 0 : i64, tpu.core_type = #tpu.core_type<tc>, window_params = [{transform_indices = @transform_0, window_bounds = array<i64: 2000, 8>}, {pipeline_mode = #tpu.pipeline_mode<synchronous>, transform_indices = @transform_1, window_bounds = array<i64: 8, 128>}, {transform_indices = @transform_2, window_bounds = array<i64: 2000, 128>}]} {
    %get3A = arith.constant 0 : index
    %get3A_0 = arith.constant 0 : index
    %get3A_1 = vector.load %arg1[%get3A, %get3A_0] : memref<2000x8xf32, #tpu.memory_space<vmem>>, vector<2000x8xf32>
    %get3A_2 = arith.constant 0 : index
    %get3A_3 = arith.constant 0 : index
    %get3A_4 = vector.load %arg2[%get3A_2, %get3A_3] : memref<8x128xf32, #tpu.memory_space<vmem>>, vector<8x128xf32>
    %dot_general3A = arith.constant dense<0.000000e+00> : vector<2000x128xf32>
    %dot_general3A_5 = tpu.matmul %get3A_1, %get3A_4, %dot_general3A {dimension_numbers = #tpu.dot_dimension_numbers<[1], [0], [0], [1], [0, 0, 1, 1], [], []>, transpose_lhs_hint = false} : vector<2000x8xf32>, vector<8x128xf32>, vector<2000x128xf32> -> vector<2000x128xf32>
    %swap3A = arith.constant 0 : index
    %swap3A_6 = arith.constant 0 : index
    %swap3A_7 = vector.load %arg3[%swap3A, %swap3A_6] : memref<2000x128xf32, #tpu.memory_space<vmem>>, vector<2000x128xf32>
    tpu.vector_store %arg3[%swap3A, %swap3A_6], %dot_general3A_5 {strides = array<i32>} : memref<2000x128xf32, #tpu.memory_space<vmem>>, vector<2000x128xf32>,
    return
  }
  func.func @transform_0(%arg0: i32) -> (i32, i32) {
    %c0_i32 = arith.constant 0 : i32
    %c0_i32_0 = arith.constant 0 : i32
    return %arg0, %c0_i32 : i32, i32
  }
  func.func @transform_1(%arg0: i32) -> (i32, i32) {
    %c0_i32 = arith.constant 0 : i32
    %c0_i32_0 = arith.constant 0 : i32
    %c0_i32_1 = arith.constant 0 : i32
    return %c0_i32, %c0_i32_0 : i32, i32
  }
  func.func @transform_2(%arg0: i32) -> (i32, i32) {
    %c0_i32 = arith.constant 0 : i32
    %c0_i32_0 = arith.constant 0 : i32
    return %arg0, %c0_i32 : i32, i32
  }
}

module attributes {stable_mosaic.version = 14 : i64} {
  func.func @_edge_body(%arg0: i32, %arg1: memref<3200x128xf32, #tpu.memory_space<vmem>>, %arg2: memref<3200x128xf32, #tpu.memory_space<vmem>>, %arg3: memref<1x64xf32, #tpu.memory_space<vmem>>, %arg4: memref<64x64xf32, #tpu.memory_space<vmem>>, %arg5: memref<1x64xf32, #tpu.memory_space<vmem>>, %arg6: memref<64x64xf32, #tpu.memory_space<vmem>>, %arg7: memref<1x64xf32, #tpu.memory_space<vmem>>, %arg8: memref<3200x64xf32, #tpu.memory_space<vmem>>) attributes {dimension_semantics = [#tpu.dimension_semantics<arbitrary>], iteration_bounds = array<i64: 100>, scalar_prefetch = 0 : i64, scratch_operands = 0 : i64, tpu.core_type = #tpu.core_type<tc>, window_params = [{transform_indices = @transform_0, window_bounds = array<i64: 3200, 128>}, {transform_indices = @transform_1, window_bounds = array<i64: 3200, 128>}, {pipeline_mode = #tpu.pipeline_mode<synchronous>, transform_indices = @transform_2, window_bounds = array<i64: 1, 64>}, {pipeline_mode = #tpu.pipeline_mode<synchronous>, transform_indices = @transform_3, window_bounds = array<i64: 64, 64>}, {pipeline_mode = #tpu.pipeline_mode<synchronous>, transform_indices = @transform_4, window_bounds = array<i64: 1, 64>}, {pipeline_mode = #tpu.pipeline_mode<synchronous>, transform_indices = @transform_5, window_bounds = array<i64: 64, 64>}, {pipeline_mode = #tpu.pipeline_mode<synchronous>, transform_indices = @transform_6, window_bounds = array<i64: 1, 64>}, {transform_indices = @transform_7, window_bounds = array<i64: 3200, 64>}]} {
    %get3A = arith.constant 0 : index
    %get3A_0 = arith.constant 0 : index
    %get3A_1 = vector.load %arg1[%get3A, %get3A_0] : memref<3200x128xf32, #tpu.memory_space<vmem>>, vector<3200x64xf32>
    %get3A_2 = arith.constant 0 : index
    %get3A_3 = arith.constant 64 : index
    %get3A_4 = vector.load %arg2[%get3A_2, %get3A_3] : memref<3200x128xf32, #tpu.memory_space<vmem>>, vector<3200x64xf32>
    %add3A = arith.addf %get3A_1, %get3A_4 : vector<3200x64xf32>
    %get3A_5 = arith.constant 0 : index
    %get3A_6 = arith.constant 0 : index
    %get3A_7 = vector.load %arg3[%get3A_5, %get3A_6] : memref<1x64xf32, #tpu.memory_space<vmem>>, vector<1x64xf32>
    %add3A_8 = vector.broadcast %get3A_7 : vector<1x64xf32> to vector<3200x64xf32>
    %add3A_9 = arith.addf %add3A, %add3A_8 : vector<3200x64xf32>
    %max3A = arith.constant 0.000000e+00 : f32
    %max3A_10 = vector.broadcast %max3A : f32 to vector<3200x64xf32>
    %max3A_11 = arith.maximumf %add3A_9, %max3A_10 : vector<3200x64xf32>
    %get3A_12 = arith.constant 0 : index
    %get3A_13 = arith.constant 0 : index
    %get3A_14 = vector.load %arg4[%get3A_12, %get3A_13] : memref<64x64xf32, #tpu.memory_space<vmem>>, vector<64x64xf32>
    %dot_general3A = arith.constant dense<0.000000e+00> : vector<3200x64xf32>
    %dot_general3A_15 = tpu.matmul %max3A_11, %get3A_14, %dot_general3A {dimension_numbers = #tpu.dot_dimension_numbers<[1], [0], [0], [1], [0, 0, 1, 1], [], []>, transpose_lhs_hint = false} : vector<3200x64xf32>, vector<64x64xf32>, vector<3200x64xf32> -> vector<3200x64xf32>
    %get3A_16 = arith.constant 0 : index
    %get3A_17 = arith.constant 0 : index
    %get3A_18 = vector.load %arg5[%get3A_16, %get3A_17] : memref<1x64xf32, #tpu.memory_space<vmem>>, vector<1x64xf32>
    %add3A_19 = vector.broadcast %get3A_18 : vector<1x64xf32> to vector<3200x64xf32>
    %add3A_20 = arith.addf %dot_general3A_15, %add3A_19 : vector<3200x64xf32>
    %max3A_21 = arith.constant 0.000000e+00 : f32
    %max3A_22 = vector.broadcast %max3A_21 : f32 to vector<3200x64xf32>
    %max3A_23 = arith.maximumf %add3A_20, %max3A_22 : vector<3200x64xf32>
    %get3A_24 = arith.constant 0 : index
    %get3A_25 = arith.constant 0 : index
    %get3A_26 = vector.load %arg6[%get3A_24, %get3A_25] : memref<64x64xf32, #tpu.memory_space<vmem>>, vector<64x64xf32>
    %dot_general3A_27 = arith.constant dense<0.000000e+00> : vector<3200x64xf32>
    %dot_general3A_28 = tpu.matmul %max3A_23, %get3A_26, %dot_general3A_27 {dimension_numbers = #tpu.dot_dimension_numbers<[1], [0], [0], [1], [0, 0, 1, 1], [], []>, transpose_lhs_hint = false} : vector<3200x64xf32>, vector<64x64xf32>, vector<3200x64xf32> -> vector<3200x64xf32>
    %get3A_29 = arith.constant 0 : index
    %get3A_30 = arith.constant 0 : index
    %get3A_31 = vector.load %arg7[%get3A_29, %get3A_30] : memref<1x64xf32, #tpu.memory_space<vmem>>, vector<1x64xf32>
    %add3A_32 = vector.broadcast %get3A_31 : vector<1x64xf32> to vector<3200x64xf32>
    %add3A_33 = arith.addf %dot_general3A_28, %add3A_32 : vector<3200x64xf32>
    %max3A_34 = arith.constant 0.000000e+00 : f32
    %max3A_35 = vector.broadcast %max3A_34 : f32 to vector<3200x64xf32>
    %max3A_36 = arith.maximumf %add3A_33, %max3A_35 : vector<3200x64xf32>
    %swap3A = arith.constant 0 : index
    %swap3A_37 = arith.constant 0 : index
    %swap3A_38 = vector.load %arg8[%swap3A, %swap3A_37] : memref<3200x64xf32, #tpu.memory_space<vmem>>, vector<3200x64xf32>
    tpu.vector_store %arg8[%swap3A, %swap3A_37], %max3A_36 {strides = array<i32>} : memref<3200x64xf32, #tpu.memory_space<vmem>>, vector<3200x64xf32>,
    return
  }
  func.func @transform_0(%arg0: i32) -> (i32, i32) {
    %c0_i32 = arith.constant 0 : i32
    %c0_i32_0 = arith.constant 0 : i32
    return %arg0, %c0_i32 : i32, i32
  }
  func.func @transform_1(%arg0: i32) -> (i32, i32) {
    %c0_i32 = arith.constant 0 : i32
    %c0_i32_0 = arith.constant 0 : i32
    return %arg0, %c0_i32 : i32, i32
  }
  func.func @transform_2(%arg0: i32) -> (i32, i32) {
    %c0_i32 = arith.constant 0 : i32
    %c0_i32_0 = arith.constant 0 : i32
    %c0_i32_1 = arith.constant 0 : i32
    return %c0_i32, %c0_i32_0 : i32, i32
  }
  func.func @transform_3(%arg0: i32) -> (i32, i32) {
    %c0_i32 = arith.constant 0 : i32
    %c0_i32_0 = arith.constant 0 : i32
    %c0_i32_1 = arith.constant 0 : i32
    return %c0_i32, %c0_i32_0 : i32, i32
  }
  func.func @transform_4(%arg0: i32) -> (i32, i32) {
    %c0_i32 = arith.constant 0 : i32
    %c0_i32_0 = arith.constant 0 : i32
    %c0_i32_1 = arith.constant 0 : i32
    return %c0_i32, %c0_i32_0 : i32, i32
  }
  func.func @transform_5(%arg0: i32) -> (i32, i32) {
    %c0_i32 = arith.constant 0 : i32
    %c0_i32_0 = arith.constant 0 : i32
    %c0_i32_1 = arith.constant 0 : i32
    return %c0_i32, %c0_i32_0 : i32, i32
  }
  func.func @transform_6(%arg0: i32) -> (i32, i32) {
    %c0_i32 = arith.constant 0 : i32
    %c0_i32_0 = arith.constant 0 : i32
    %c0_i32_1 = arith.constant 0 : i32
    return %c0_i32, %c0_i32_0 : i32, i32
  }
  func.func @transform_7(%arg0: i32) -> (i32, i32) {
    %c0_i32 = arith.constant 0 : i32
    %c0_i32_0 = arith.constant 0 : i32
    return %arg0, %c0_i32 : i32, i32
  }
}

module attributes {stable_mosaic.version = 14 : i64} {
  func.func @_gin_body(%arg0: i32, %arg1: memref<2000x64xf32, #tpu.memory_space<vmem>>, %arg2: memref<2000x128xf32, #tpu.memory_space<vmem>>, %arg3: memref<2000x128xf32, #tpu.memory_space<vmem>>, %arg4: memref<64x64xf32, #tpu.memory_space<vmem>>, %arg5: memref<1x64xf32, #tpu.memory_space<vmem>>, %arg6: memref<1x64xf32, #tpu.memory_space<vmem>>, %arg7: memref<1x64xf32, #tpu.memory_space<vmem>>, %arg8: memref<2000x64xf32, #tpu.memory_space<vmem>>) attributes {dimension_semantics = [#tpu.dimension_semantics<arbitrary>], iteration_bounds = array<i64: 5>, scalar_prefetch = 0 : i64, scratch_operands = 0 : i64, tpu.core_type = #tpu.core_type<tc>, window_params = [{transform_indices = @transform_0, window_bounds = array<i64: 2000, 64>}, {transform_indices = @transform_1, window_bounds = array<i64: 2000, 128>}, {transform_indices = @transform_2, window_bounds = array<i64: 2000, 128>}, {pipeline_mode = #tpu.pipeline_mode<synchronous>, transform_indices = @transform_3, window_bounds = array<i64: 64, 64>}, {pipeline_mode = #tpu.pipeline_mode<synchronous>, transform_indices = @transform_4, window_bounds = array<i64: 1, 64>}, {pipeline_mode = #tpu.pipeline_mode<synchronous>, transform_indices = @transform_5, window_bounds = array<i64: 1, 64>}, {pipeline_mode = #tpu.pipeline_mode<synchronous>, transform_indices = @transform_6, window_bounds = array<i64: 1, 64>}, {transform_indices = @transform_7, window_bounds = array<i64: 2000, 64>}]} {
    %get3A = arith.constant 0 : index
    %get3A_0 = arith.constant 0 : index
    %get3A_1 = vector.load %arg1[%get3A, %get3A_0] : memref<2000x64xf32, #tpu.memory_space<vmem>>, vector<2000x64xf32>
    %get3A_2 = arith.constant 0 : index
    %get3A_3 = arith.constant 0 : index
    %get3A_4 = vector.load %arg2[%get3A_2, %get3A_3] : memref<2000x128xf32, #tpu.memory_space<vmem>>, vector<2000x64xf32>
    %add3A = arith.addf %get3A_1, %get3A_4 : vector<2000x64xf32>
    %get3A_5 = arith.constant 0 : index
    %get3A_6 = arith.constant 0 : index
    %get3A_7 = vector.load %arg3[%get3A_5, %get3A_6] : memref<2000x128xf32, #tpu.memory_space<vmem>>, vector<2000x64xf32>
    %add3A_8 = arith.addf %add3A, %get3A_7 : vector<2000x64xf32>
    %get3A_9 = arith.constant 0 : index
    %get3A_10 = arith.constant 0 : index
    %get3A_11 = vector.load %arg4[%get3A_9, %get3A_10] : memref<64x64xf32, #tpu.memory_space<vmem>>, vector<64x64xf32>
    %dot_general3A = arith.constant dense<0.000000e+00> : vector<2000x64xf32>
    %dot_general3A_12 = tpu.matmul %add3A_8, %get3A_11, %dot_general3A {dimension_numbers = #tpu.dot_dimension_numbers<[1], [0], [0], [1], [0, 0, 1, 1], [], []>, transpose_lhs_hint = false} : vector<2000x64xf32>, vector<64x64xf32>, vector<2000x64xf32> -> vector<2000x64xf32>
    %get3A_13 = arith.constant 0 : index
    %get3A_14 = arith.constant 0 : index
    %get3A_15 = vector.load %arg5[%get3A_13, %get3A_14] : memref<1x64xf32, #tpu.memory_space<vmem>>, vector<1x64xf32>
    %add3A_16 = vector.broadcast %get3A_15 : vector<1x64xf32> to vector<2000x64xf32>
    %add3A_17 = arith.addf %dot_general3A_12, %add3A_16 : vector<2000x64xf32>
    %max3A = arith.constant 0.000000e+00 : f32
    %max3A_18 = vector.broadcast %max3A : f32 to vector<2000x64xf32>
    %max3A_19 = arith.maximumf %add3A_17, %max3A_18 : vector<2000x64xf32>
    %get3A_20 = arith.constant 0 : index
    %get3A_21 = arith.constant 0 : index
    %get3A_22 = vector.load %arg6[%get3A_20, %get3A_21] : memref<1x64xf32, #tpu.memory_space<vmem>>, vector<1x64xf32>
    %mul3A = vector.broadcast %get3A_22 : vector<1x64xf32> to vector<2000x64xf32>
    %mul3A_23 = arith.mulf %mul3A, %max3A_19 : vector<2000x64xf32>
    %get3A_24 = arith.constant 0 : index
    %get3A_25 = arith.constant 0 : index
    %get3A_26 = vector.load %arg7[%get3A_24, %get3A_25] : memref<1x64xf32, #tpu.memory_space<vmem>>, vector<1x64xf32>
    %add3A_27 = vector.broadcast %get3A_26 : vector<1x64xf32> to vector<2000x64xf32>
    %add3A_28 = arith.addf %mul3A_23, %add3A_27 : vector<2000x64xf32>
    %swap3A = arith.constant 0 : index
    %swap3A_29 = arith.constant 0 : index
    %swap3A_30 = vector.load %arg8[%swap3A, %swap3A_29] : memref<2000x64xf32, #tpu.memory_space<vmem>>, vector<2000x64xf32>
    tpu.vector_store %arg8[%swap3A, %swap3A_29], %add3A_28 {strides = array<i32>} : memref<2000x64xf32, #tpu.memory_space<vmem>>, vector<2000x64xf32>,
    return
  }
  func.func @transform_0(%arg0: i32) -> (i32, i32) {
    %c0_i32 = arith.constant 0 : i32
    %c0_i32_0 = arith.constant 0 : i32
    return %arg0, %c0_i32 : i32, i32
  }
  func.func @transform_1(%arg0: i32) -> (i32, i32) {
    %c0_i32 = arith.constant 0 : i32
    %c0_i32_0 = arith.constant 0 : i32
    return %arg0, %c0_i32 : i32, i32
  }
  func.func @transform_2(%arg0: i32) -> (i32, i32) {
    %c0_i32 = arith.constant 0 : i32
    %c0_i32_0 = arith.constant 0 : i32
    return %arg0, %c0_i32 : i32, i32
  }
  func.func @transform_3(%arg0: i32) -> (i32, i32) {
    %c0_i32 = arith.constant 0 : i32
    %c0_i32_0 = arith.constant 0 : i32
    %c0_i32_1 = arith.constant 0 : i32
    return %c0_i32, %c0_i32_0 : i32, i32
  }
  func.func @transform_4(%arg0: i32) -> (i32, i32) {
    %c0_i32 = arith.constant 0 : i32
    %c0_i32_0 = arith.constant 0 : i32
    %c0_i32_1 = arith.constant 0 : i32
    return %c0_i32, %c0_i32_0 : i32, i32
  }
  func.func @transform_5(%arg0: i32) -> (i32, i32) {
    %c0_i32 = arith.constant 0 : i32
    %c0_i32_0 = arith.constant 0 : i32
    %c0_i32_1 = arith.constant 0 : i32
    return %c0_i32, %c0_i32_0 : i32, i32
  }
  func.func @transform_6(%arg0: i32) -> (i32, i32) {
    %c0_i32 = arith.constant 0 : i32
    %c0_i32_0 = arith.constant 0 : i32
    %c0_i32_1 = arith.constant 0 : i32
    return %c0_i32, %c0_i32_0 : i32, i32
  }
  func.func @transform_7(%arg0: i32) -> (i32, i32) {
    %c0_i32 = arith.constant 0 : i32
    %c0_i32_0 = arith.constant 0 : i32
    return %arg0, %c0_i32 : i32, i32
  }
}

module attributes {stable_mosaic.version = 14 : i64} {
  func.func @_gin_body(%arg0: i32, %arg1: memref<2000x64xf32, #tpu.memory_space<vmem>>, %arg2: memref<2000x128xf32, #tpu.memory_space<vmem>>, %arg3: memref<2000x128xf32, #tpu.memory_space<vmem>>, %arg4: memref<64x128xf32, #tpu.memory_space<vmem>>, %arg5: memref<1x128xf32, #tpu.memory_space<vmem>>, %arg6: memref<1x128xf32, #tpu.memory_space<vmem>>, %arg7: memref<1x128xf32, #tpu.memory_space<vmem>>, %arg8: memref<2000x128xf32, #tpu.memory_space<vmem>>) attributes {dimension_semantics = [#tpu.dimension_semantics<arbitrary>], iteration_bounds = array<i64: 5>, scalar_prefetch = 0 : i64, scratch_operands = 0 : i64, tpu.core_type = #tpu.core_type<tc>, window_params = [{transform_indices = @transform_0, window_bounds = array<i64: 2000, 64>}, {transform_indices = @transform_1, window_bounds = array<i64: 2000, 128>}, {transform_indices = @transform_2, window_bounds = array<i64: 2000, 128>}, {pipeline_mode = #tpu.pipeline_mode<synchronous>, transform_indices = @transform_3, window_bounds = array<i64: 64, 128>}, {pipeline_mode = #tpu.pipeline_mode<synchronous>, transform_indices = @transform_4, window_bounds = array<i64: 1, 128>}, {pipeline_mode = #tpu.pipeline_mode<synchronous>, transform_indices = @transform_5, window_bounds = array<i64: 1, 128>}, {pipeline_mode = #tpu.pipeline_mode<synchronous>, transform_indices = @transform_6, window_bounds = array<i64: 1, 128>}, {transform_indices = @transform_7, window_bounds = array<i64: 2000, 128>}]} {
    %get3A = arith.constant 0 : index
    %get3A_0 = arith.constant 0 : index
    %get3A_1 = vector.load %arg1[%get3A, %get3A_0] : memref<2000x64xf32, #tpu.memory_space<vmem>>, vector<2000x64xf32>
    %get3A_2 = arith.constant 0 : index
    %get3A_3 = arith.constant 0 : index
    %get3A_4 = vector.load %arg2[%get3A_2, %get3A_3] : memref<2000x128xf32, #tpu.memory_space<vmem>>, vector<2000x64xf32>
    %add3A = arith.addf %get3A_1, %get3A_4 : vector<2000x64xf32>
    %get3A_5 = arith.constant 0 : index
    %get3A_6 = arith.constant 0 : index
    %get3A_7 = vector.load %arg3[%get3A_5, %get3A_6] : memref<2000x128xf32, #tpu.memory_space<vmem>>, vector<2000x64xf32>
    %add3A_8 = arith.addf %add3A, %get3A_7 : vector<2000x64xf32>
    %get3A_9 = arith.constant 0 : index
    %get3A_10 = arith.constant 0 : index
    %get3A_11 = vector.load %arg4[%get3A_9, %get3A_10] : memref<64x128xf32, #tpu.memory_space<vmem>>, vector<64x128xf32>
    %dot_general3A = arith.constant dense<0.000000e+00> : vector<2000x128xf32>
    %dot_general3A_12 = tpu.matmul %add3A_8, %get3A_11, %dot_general3A {dimension_numbers = #tpu.dot_dimension_numbers<[1], [0], [0], [1], [0, 0, 1, 1], [], []>, transpose_lhs_hint = false} : vector<2000x64xf32>, vector<64x128xf32>, vector<2000x128xf32> -> vector<2000x128xf32>
    %get3A_13 = arith.constant 0 : index
    %get3A_14 = arith.constant 0 : index
    %get3A_15 = vector.load %arg5[%get3A_13, %get3A_14] : memref<1x128xf32, #tpu.memory_space<vmem>>, vector<1x128xf32>
    %add3A_16 = vector.broadcast %get3A_15 : vector<1x128xf32> to vector<2000x128xf32>
    %add3A_17 = arith.addf %dot_general3A_12, %add3A_16 : vector<2000x128xf32>
    %max3A = arith.constant 0.000000e+00 : f32
    %max3A_18 = vector.broadcast %max3A : f32 to vector<2000x128xf32>
    %max3A_19 = arith.maximumf %add3A_17, %max3A_18 : vector<2000x128xf32>
    %get3A_20 = arith.constant 0 : index
    %get3A_21 = arith.constant 0 : index
    %get3A_22 = vector.load %arg6[%get3A_20, %get3A_21] : memref<1x128xf32, #tpu.memory_space<vmem>>, vector<1x128xf32>
    %mul3A = vector.broadcast %get3A_22 : vector<1x128xf32> to vector<2000x128xf32>
    %mul3A_23 = arith.mulf %mul3A, %max3A_19 : vector<2000x128xf32>
    %get3A_24 = arith.constant 0 : index
    %get3A_25 = arith.constant 0 : index
    %get3A_26 = vector.load %arg7[%get3A_24, %get3A_25] : memref<1x128xf32, #tpu.memory_space<vmem>>, vector<1x128xf32>
    %add3A_27 = vector.broadcast %get3A_26 : vector<1x128xf32> to vector<2000x128xf32>
    %add3A_28 = arith.addf %mul3A_23, %add3A_27 : vector<2000x128xf32>
    %swap3A = arith.constant 0 : index
    %swap3A_29 = arith.constant 0 : index
    %swap3A_30 = vector.load %arg8[%swap3A, %swap3A_29] : memref<2000x128xf32, #tpu.memory_space<vmem>>, vector<2000x128xf32>
    tpu.vector_store %arg8[%swap3A, %swap3A_29], %add3A_28 {strides = array<i32>} : memref<2000x128xf32, #tpu.memory_space<vmem>>, vector<2000x128xf32>,
    return
  }
  func.func @transform_0(%arg0: i32) -> (i32, i32) {
    %c0_i32 = arith.constant 0 : i32
    %c0_i32_0 = arith.constant 0 : i32
    return %arg0, %c0_i32 : i32, i32
  }
  func.func @transform_1(%arg0: i32) -> (i32, i32) {
    %c0_i32 = arith.constant 0 : i32
    %c0_i32_0 = arith.constant 0 : i32
    return %arg0, %c0_i32 : i32, i32
  }
  func.func @transform_2(%arg0: i32) -> (i32, i32) {
    %c0_i32 = arith.constant 0 : i32
    %c0_i32_0 = arith.constant 0 : i32
    return %arg0, %c0_i32 : i32, i32
  }
  func.func @transform_3(%arg0: i32) -> (i32, i32) {
    %c0_i32 = arith.constant 0 : i32
    %c0_i32_0 = arith.constant 0 : i32
    %c0_i32_1 = arith.constant 0 : i32
    return %c0_i32, %c0_i32_0 : i32, i32
  }
  func.func @transform_4(%arg0: i32) -> (i32, i32) {
    %c0_i32 = arith.constant 0 : i32
    %c0_i32_0 = arith.constant 0 : i32
    %c0_i32_1 = arith.constant 0 : i32
    return %c0_i32, %c0_i32_0 : i32, i32
  }
  func.func @transform_5(%arg0: i32) -> (i32, i32) {
    %c0_i32 = arith.constant 0 : i32
    %c0_i32_0 = arith.constant 0 : i32
    %c0_i32_1 = arith.constant 0 : i32
    return %c0_i32, %c0_i32_0 : i32, i32
  }
  func.func @transform_6(%arg0: i32) -> (i32, i32) {
    %c0_i32 = arith.constant 0 : i32
    %c0_i32_0 = arith.constant 0 : i32
    %c0_i32_1 = arith.constant 0 : i32
    return %c0_i32, %c0_i32_0 : i32, i32
  }
  func.func @transform_7(%arg0: i32) -> (i32, i32) {
    %c0_i32 = arith.constant 0 : i32
    %c0_i32_0 = arith.constant 0 : i32
    return %arg0, %c0_i32 : i32, i32
  }
}

module attributes {stable_mosaic.version = 14 : i64} {
  func.func @_gin_body(%arg0: i32, %arg1: memref<2000x128xf32, #tpu.memory_space<vmem>>, %arg2: memref<2000x128xf32, #tpu.memory_space<vmem>>, %arg3: memref<2000x128xf32, #tpu.memory_space<vmem>>, %arg4: memref<128x256xf32, #tpu.memory_space<vmem>>, %arg5: memref<1x256xf32, #tpu.memory_space<vmem>>, %arg6: memref<1x256xf32, #tpu.memory_space<vmem>>, %arg7: memref<1x256xf32, #tpu.memory_space<vmem>>, %arg8: memref<2000x256xf32, #tpu.memory_space<vmem>>) attributes {dimension_semantics = [#tpu.dimension_semantics<arbitrary>], iteration_bounds = array<i64: 5>, scalar_prefetch = 0 : i64, scratch_operands = 0 : i64, tpu.core_type = #tpu.core_type<tc>, window_params = [{transform_indices = @transform_0, window_bounds = array<i64: 2000, 128>}, {transform_indices = @transform_1, window_bounds = array<i64: 2000, 128>}, {transform_indices = @transform_2, window_bounds = array<i64: 2000, 128>}, {pipeline_mode = #tpu.pipeline_mode<synchronous>, transform_indices = @transform_3, window_bounds = array<i64: 128, 256>}, {pipeline_mode = #tpu.pipeline_mode<synchronous>, transform_indices = @transform_4, window_bounds = array<i64: 1, 256>}, {pipeline_mode = #tpu.pipeline_mode<synchronous>, transform_indices = @transform_5, window_bounds = array<i64: 1, 256>}, {pipeline_mode = #tpu.pipeline_mode<synchronous>, transform_indices = @transform_6, window_bounds = array<i64: 1, 256>}, {transform_indices = @transform_7, window_bounds = array<i64: 2000, 256>}]} {
    %get3A = arith.constant 0 : index
    %get3A_0 = arith.constant 0 : index
    %get3A_1 = vector.load %arg1[%get3A, %get3A_0] : memref<2000x128xf32, #tpu.memory_space<vmem>>, vector<2000x128xf32>
    %get3A_2 = arith.constant 0 : index
    %get3A_3 = arith.constant 0 : index
    %get3A_4 = vector.load %arg2[%get3A_2, %get3A_3] : memref<2000x128xf32, #tpu.memory_space<vmem>>, vector<2000x128xf32>
    %add3A = arith.addf %get3A_1, %get3A_4 : vector<2000x128xf32>
    %get3A_5 = arith.constant 0 : index
    %get3A_6 = arith.constant 0 : index
    %get3A_7 = vector.load %arg3[%get3A_5, %get3A_6] : memref<2000x128xf32, #tpu.memory_space<vmem>>, vector<2000x128xf32>
    %add3A_8 = arith.addf %add3A, %get3A_7 : vector<2000x128xf32>
    %get3A_9 = arith.constant 0 : index
    %get3A_10 = arith.constant 0 : index
    %get3A_11 = vector.load %arg4[%get3A_9, %get3A_10] : memref<128x256xf32, #tpu.memory_space<vmem>>, vector<128x256xf32>
    %dot_general3A = arith.constant dense<0.000000e+00> : vector<2000x256xf32>
    %dot_general3A_12 = tpu.matmul %add3A_8, %get3A_11, %dot_general3A {dimension_numbers = #tpu.dot_dimension_numbers<[1], [0], [0], [1], [0, 0, 1, 1], [], []>, transpose_lhs_hint = false} : vector<2000x128xf32>, vector<128x256xf32>, vector<2000x256xf32> -> vector<2000x256xf32>
    %get3A_13 = arith.constant 0 : index
    %get3A_14 = arith.constant 0 : index
    %get3A_15 = vector.load %arg5[%get3A_13, %get3A_14] : memref<1x256xf32, #tpu.memory_space<vmem>>, vector<1x256xf32>
    %add3A_16 = vector.broadcast %get3A_15 : vector<1x256xf32> to vector<2000x256xf32>
    %add3A_17 = arith.addf %dot_general3A_12, %add3A_16 : vector<2000x256xf32>
    %max3A = arith.constant 0.000000e+00 : f32
    %max3A_18 = vector.broadcast %max3A : f32 to vector<2000x256xf32>
    %max3A_19 = arith.maximumf %add3A_17, %max3A_18 : vector<2000x256xf32>
    %get3A_20 = arith.constant 0 : index
    %get3A_21 = arith.constant 0 : index
    %get3A_22 = vector.load %arg6[%get3A_20, %get3A_21] : memref<1x256xf32, #tpu.memory_space<vmem>>, vector<1x256xf32>
    %mul3A = vector.broadcast %get3A_22 : vector<1x256xf32> to vector<2000x256xf32>
    %mul3A_23 = arith.mulf %mul3A, %max3A_19 : vector<2000x256xf32>
    %get3A_24 = arith.constant 0 : index
    %get3A_25 = arith.constant 0 : index
    %get3A_26 = vector.load %arg7[%get3A_24, %get3A_25] : memref<1x256xf32, #tpu.memory_space<vmem>>, vector<1x256xf32>
    %add3A_27 = vector.broadcast %get3A_26 : vector<1x256xf32> to vector<2000x256xf32>
    %add3A_28 = arith.addf %mul3A_23, %add3A_27 : vector<2000x256xf32>
    %swap3A = arith.constant 0 : index
    %swap3A_29 = arith.constant 0 : index
    %swap3A_30 = vector.load %arg8[%swap3A, %swap3A_29] : memref<2000x256xf32, #tpu.memory_space<vmem>>, vector<2000x256xf32>
    tpu.vector_store %arg8[%swap3A, %swap3A_29], %add3A_28 {strides = array<i32>} : memref<2000x256xf32, #tpu.memory_space<vmem>>, vector<2000x256xf32>,
    return
  }
  func.func @transform_0(%arg0: i32) -> (i32, i32) {
    %c0_i32 = arith.constant 0 : i32
    %c0_i32_0 = arith.constant 0 : i32
    return %arg0, %c0_i32 : i32, i32
  }
  func.func @transform_1(%arg0: i32) -> (i32, i32) {
    %c0_i32 = arith.constant 0 : i32
    %c0_i32_0 = arith.constant 0 : i32
    return %arg0, %c0_i32 : i32, i32
  }
  func.func @transform_2(%arg0: i32) -> (i32, i32) {
    %c0_i32 = arith.constant 0 : i32
    %c0_i32_0 = arith.constant 0 : i32
    return %arg0, %c0_i32 : i32, i32
  }
  func.func @transform_3(%arg0: i32) -> (i32, i32) {
    %c0_i32 = arith.constant 0 : i32
    %c0_i32_0 = arith.constant 0 : i32
    %c0_i32_1 = arith.constant 0 : i32
    return %c0_i32, %c0_i32_0 : i32, i32
  }
  func.func @transform_4(%arg0: i32) -> (i32, i32) {
    %c0_i32 = arith.constant 0 : i32
    %c0_i32_0 = arith.constant 0 : i32
    %c0_i32_1 = arith.constant 0 : i32
    return %c0_i32, %c0_i32_0 : i32, i32
  }
  func.func @transform_5(%arg0: i32) -> (i32, i32) {
    %c0_i32 = arith.constant 0 : i32
    %c0_i32_0 = arith.constant 0 : i32
    %c0_i32_1 = arith.constant 0 : i32
    return %c0_i32, %c0_i32_0 : i32, i32
  }
  func.func @transform_6(%arg0: i32) -> (i32, i32) {
    %c0_i32 = arith.constant 0 : i32
    %c0_i32_0 = arith.constant 0 : i32
    %c0_i32_1 = arith.constant 0 : i32
    return %c0_i32, %c0_i32_0 : i32, i32
  }
  func.func @transform_7(%arg0: i32) -> (i32, i32) {
    %c0_i32 = arith.constant 0 : i32
    %c0_i32_0 = arith.constant 0 : i32
    return %arg0, %c0_i32 : i32, i32
  }
}

module attributes {stable_mosaic.version = 14 : i64} {
  func.func @_lin_body(%arg0: i32, %arg1: memref<1000x64xf32, #tpu.memory_space<vmem>>, %arg2: memref<1000x64xf32, #tpu.memory_space<vmem>>, %arg3: memref<1000x128xf32, #tpu.memory_space<vmem>>, %arg4: memref<1000x256xf32, #tpu.memory_space<vmem>>, %arg5: memref<64x1024xf32, #tpu.memory_space<vmem>>, %arg6: memref<64x1024xf32, #tpu.memory_space<vmem>>, %arg7: memref<128x1024xf32, #tpu.memory_space<vmem>>, %arg8: memref<256x1024xf32, #tpu.memory_space<vmem>>, %arg9: memref<1x1024xf32, #tpu.memory_space<vmem>>, %arg10: memref<1000x1024xf32, #tpu.memory_space<vmem>>) attributes {dimension_semantics = [#tpu.dimension_semantics<arbitrary>], iteration_bounds = array<i64: 10>, scalar_prefetch = 0 : i64, scratch_operands = 0 : i64, tpu.core_type = #tpu.core_type<tc>, window_params = [{transform_indices = @transform_0, window_bounds = array<i64: 1000, 64>}, {transform_indices = @transform_1, window_bounds = array<i64: 1000, 64>}, {transform_indices = @transform_2, window_bounds = array<i64: 1000, 128>}, {transform_indices = @transform_3, window_bounds = array<i64: 1000, 256>}, {pipeline_mode = #tpu.pipeline_mode<synchronous>, transform_indices = @transform_4, window_bounds = array<i64: 64, 1024>}, {pipeline_mode = #tpu.pipeline_mode<synchronous>, transform_indices = @transform_5, window_bounds = array<i64: 64, 1024>}, {pipeline_mode = #tpu.pipeline_mode<synchronous>, transform_indices = @transform_6, window_bounds = array<i64: 128, 1024>}, {pipeline_mode = #tpu.pipeline_mode<synchronous>, transform_indices = @transform_7, window_bounds = array<i64: 256, 1024>}, {pipeline_mode = #tpu.pipeline_mode<synchronous>, transform_indices = @transform_8, window_bounds = array<i64: 1, 1024>}, {transform_indices = @transform_9, window_bounds = array<i64: 1000, 1024>}]} {
    %get3A = arith.constant 0 : index
    %get3A_0 = arith.constant 0 : index
    %get3A_1 = vector.load %arg1[%get3A, %get3A_0] : memref<1000x64xf32, #tpu.memory_space<vmem>>, vector<1000x64xf32>
    %get3A_2 = arith.constant 0 : index
    %get3A_3 = arith.constant 0 : index
    %get3A_4 = vector.load %arg5[%get3A_2, %get3A_3] : memref<64x1024xf32, #tpu.memory_space<vmem>>, vector<64x1024xf32>
    %dot_general3A = arith.constant dense<0.000000e+00> : vector<1000x1024xf32>
    %dot_general3A_5 = tpu.matmul %get3A_1, %get3A_4, %dot_general3A {dimension_numbers = #tpu.dot_dimension_numbers<[1], [0], [0], [1], [0, 0, 1, 1], [], []>, transpose_lhs_hint = false} : vector<1000x64xf32>, vector<64x1024xf32>, vector<1000x1024xf32> -> vector<1000x1024xf32>
    %get3A_6 = arith.constant 0 : index
    %get3A_7 = arith.constant 0 : index
    %get3A_8 = vector.load %arg2[%get3A_6, %get3A_7] : memref<1000x64xf32, #tpu.memory_space<vmem>>, vector<1000x64xf32>
    %get3A_9 = arith.constant 0 : index
    %get3A_10 = arith.constant 0 : index
    %get3A_11 = vector.load %arg6[%get3A_9, %get3A_10] : memref<64x1024xf32, #tpu.memory_space<vmem>>, vector<64x1024xf32>
    %dot_general3A_12 = arith.constant dense<0.000000e+00> : vector<1000x1024xf32>
    %dot_general3A_13 = tpu.matmul %get3A_8, %get3A_11, %dot_general3A_12 {dimension_numbers = #tpu.dot_dimension_numbers<[1], [0], [0], [1], [0, 0, 1, 1], [], []>, transpose_lhs_hint = false} : vector<1000x64xf32>, vector<64x1024xf32>, vector<1000x1024xf32> -> vector<1000x1024xf32>
    %add3A = arith.addf %dot_general3A_5, %dot_general3A_13 : vector<1000x1024xf32>
    %get3A_14 = arith.constant 0 : index
    %get3A_15 = arith.constant 0 : index
    %get3A_16 = vector.load %arg3[%get3A_14, %get3A_15] : memref<1000x128xf32, #tpu.memory_space<vmem>>, vector<1000x128xf32>
    %get3A_17 = arith.constant 0 : index
    %get3A_18 = arith.constant 0 : index
    %get3A_19 = vector.load %arg7[%get3A_17, %get3A_18] : memref<128x1024xf32, #tpu.memory_space<vmem>>, vector<128x1024xf32>
    %dot_general3A_20 = arith.constant dense<0.000000e+00> : vector<1000x1024xf32>
    %dot_general3A_21 = tpu.matmul %get3A_16, %get3A_19, %dot_general3A_20 {dimension_numbers = #tpu.dot_dimension_numbers<[1], [0], [0], [1], [0, 0, 1, 1], [], []>, transpose_lhs_hint = false} : vector<1000x128xf32>, vector<128x1024xf32>, vector<1000x1024xf32> -> vector<1000x1024xf32>
    %add3A_22 = arith.addf %add3A, %dot_general3A_21 : vector<1000x1024xf32>
    %get3A_23 = arith.constant 0 : index
    %get3A_24 = arith.constant 0 : index
    %get3A_25 = vector.load %arg4[%get3A_23, %get3A_24] : memref<1000x256xf32, #tpu.memory_space<vmem>>, vector<1000x256xf32>
    %get3A_26 = arith.constant 0 : index
    %get3A_27 = arith.constant 0 : index
    %get3A_28 = vector.load %arg8[%get3A_26, %get3A_27] : memref<256x1024xf32, #tpu.memory_space<vmem>>, vector<256x1024xf32>
    %dot_general3A_29 = arith.constant dense<0.000000e+00> : vector<1000x1024xf32>
    %dot_general3A_30 = tpu.matmul %get3A_25, %get3A_28, %dot_general3A_29 {dimension_numbers = #tpu.dot_dimension_numbers<[1], [0], [0], [1], [0, 0, 1, 1], [], []>, transpose_lhs_hint = false} : vector<1000x256xf32>, vector<256x1024xf32>, vector<1000x1024xf32> -> vector<1000x1024xf32>
    %add3A_31 = arith.addf %add3A_22, %dot_general3A_30 : vector<1000x1024xf32>
    %get3A_32 = arith.constant 0 : index
    %get3A_33 = arith.constant 0 : index
    %get3A_34 = vector.load %arg9[%get3A_32, %get3A_33] : memref<1x1024xf32, #tpu.memory_space<vmem>>, vector<1x1024xf32>
    %add3A_35 = vector.broadcast %get3A_34 : vector<1x1024xf32> to vector<1000x1024xf32>
    %add3A_36 = arith.addf %add3A_31, %add3A_35 : vector<1000x1024xf32>
    %max3A = arith.constant 0.000000e+00 : f32
    %max3A_37 = vector.broadcast %max3A : f32 to vector<1000x1024xf32>
    %max3A_38 = arith.maximumf %add3A_36, %max3A_37 : vector<1000x1024xf32>
    %swap3A = arith.constant 0 : index
    %swap3A_39 = arith.constant 0 : index
    %swap3A_40 = vector.load %arg10[%swap3A, %swap3A_39] : memref<1000x1024xf32, #tpu.memory_space<vmem>>, vector<1000x1024xf32>
    tpu.vector_store %arg10[%swap3A, %swap3A_39], %max3A_38 {strides = array<i32>} : memref<1000x1024xf32, #tpu.memory_space<vmem>>, vector<1000x1024xf32>,
    return
  }
  func.func @transform_0(%arg0: i32) -> (i32, i32) {
    %c0_i32 = arith.constant 0 : i32
    %c0_i32_0 = arith.constant 0 : i32
    return %arg0, %c0_i32 : i32, i32
  }
  func.func @transform_1(%arg0: i32) -> (i32, i32) {
    %c0_i32 = arith.constant 0 : i32
    %c0_i32_0 = arith.constant 0 : i32
    return %arg0, %c0_i32 : i32, i32
  }
  func.func @transform_2(%arg0: i32) -> (i32, i32) {
    %c0_i32 = arith.constant 0 : i32
    %c0_i32_0 = arith.constant 0 : i32
    return %arg0, %c0_i32 : i32, i32
  }
  func.func @transform_3(%arg0: i32) -> (i32, i32) {
    %c0_i32 = arith.constant 0 : i32
    %c0_i32_0 = arith.constant 0 : i32
    return %arg0, %c0_i32 : i32, i32
  }
  func.func @transform_4(%arg0: i32) -> (i32, i32) {
    %c0_i32 = arith.constant 0 : i32
    %c0_i32_0 = arith.constant 0 : i32
    %c0_i32_1 = arith.constant 0 : i32
    return %c0_i32, %c0_i32_0 : i32, i32
  }
  func.func @transform_5(%arg0: i32) -> (i32, i32) {
    %c0_i32 = arith.constant 0 : i32
    %c0_i32_0 = arith.constant 0 : i32
    %c0_i32_1 = arith.constant 0 : i32
    return %c0_i32, %c0_i32_0 : i32, i32
  }
  func.func @transform_6(%arg0: i32) -> (i32, i32) {
    %c0_i32 = arith.constant 0 : i32
    %c0_i32_0 = arith.constant 0 : i32
    %c0_i32_1 = arith.constant 0 : i32
    return %c0_i32, %c0_i32_0 : i32, i32
  }
  func.func @transform_7(%arg0: i32) -> (i32, i32) {
    %c0_i32 = arith.constant 0 : i32
    %c0_i32_0 = arith.constant 0 : i32
    %c0_i32_1 = arith.constant 0 : i32
    return %c0_i32, %c0_i32_0 : i32, i32
  }
  func.func @transform_8(%arg0: i32) -> (i32, i32) {
    %c0_i32 = arith.constant 0 : i32
    %c0_i32_0 = arith.constant 0 : i32
    %c0_i32_1 = arith.constant 0 : i32
    return %c0_i32, %c0_i32_0 : i32, i32
  }
  func.func @transform_9(%arg0: i32) -> (i32, i32) {
    %c0_i32 = arith.constant 0 : i32
    %c0_i32_0 = arith.constant 0 : i32
    return %arg0, %c0_i32 : i32, i32
  }
}

module attributes {stable_mosaic.version = 14 : i64} {
  func.func @_head_body(%arg0: i32, %arg1: memref<104x2048xf32, #tpu.memory_space<vmem>>, %arg2: memref<2048x512xf32, #tpu.memory_space<vmem>>, %arg3: memref<1x512xf32, #tpu.memory_space<vmem>>, %arg4: memref<512x256xf32, #tpu.memory_space<vmem>>, %arg5: memref<1x256xf32, #tpu.memory_space<vmem>>, %arg6: memref<256x40xf32, #tpu.memory_space<vmem>>, %arg7: memref<1x40xf32, #tpu.memory_space<vmem>>, %arg8: memref<104x40xf32, #tpu.memory_space<vmem>>) attributes {dimension_semantics = [#tpu.dimension_semantics<arbitrary>], iteration_bounds = array<i64: 1>, scalar_prefetch = 0 : i64, scratch_operands = 0 : i64, tpu.core_type = #tpu.core_type<tc>, window_params = [{transform_indices = @transform_0, window_bounds = array<i64: 104, 2048>}, {pipeline_mode = #tpu.pipeline_mode<synchronous>, transform_indices = @transform_1, window_bounds = array<i64: 2048, 512>}, {pipeline_mode = #tpu.pipeline_mode<synchronous>, transform_indices = @transform_2, window_bounds = array<i64: 1, 512>}, {pipeline_mode = #tpu.pipeline_mode<synchronous>, transform_indices = @transform_3, window_bounds = array<i64: 512, 256>}, {pipeline_mode = #tpu.pipeline_mode<synchronous>, transform_indices = @transform_4, window_bounds = array<i64: 1, 256>}, {pipeline_mode = #tpu.pipeline_mode<synchronous>, transform_indices = @transform_5, window_bounds = array<i64: 256, 40>}, {pipeline_mode = #tpu.pipeline_mode<synchronous>, transform_indices = @transform_6, window_bounds = array<i64: 1, 40>}, {transform_indices = @transform_7, window_bounds = array<i64: 104, 40>}]} {
    %get3A = arith.constant 0 : index
    %get3A_0 = arith.constant 0 : index
    %get3A_1 = vector.load %arg1[%get3A, %get3A_0] : memref<104x2048xf32, #tpu.memory_space<vmem>>, vector<104x2048xf32>
    %get3A_2 = arith.constant 0 : index
    %get3A_3 = arith.constant 0 : index
    %get3A_4 = vector.load %arg2[%get3A_2, %get3A_3] : memref<2048x512xf32, #tpu.memory_space<vmem>>, vector<2048x512xf32>
    %dot_general3A = arith.constant dense<0.000000e+00> : vector<104x512xf32>
    %dot_general3A_5 = tpu.matmul %get3A_1, %get3A_4, %dot_general3A {dimension_numbers = #tpu.dot_dimension_numbers<[1], [0], [0], [1], [0, 0, 1, 1], [], []>, transpose_lhs_hint = false} : vector<104x2048xf32>, vector<2048x512xf32>, vector<104x512xf32> -> vector<104x512xf32>
    %get3A_6 = arith.constant 0 : index
    %get3A_7 = arith.constant 0 : index
    %get3A_8 = vector.load %arg3[%get3A_6, %get3A_7] : memref<1x512xf32, #tpu.memory_space<vmem>>, vector<1x512xf32>
    %add3A = vector.broadcast %get3A_8 : vector<1x512xf32> to vector<104x512xf32>
    %add3A_9 = arith.addf %dot_general3A_5, %add3A : vector<104x512xf32>
    %max3A = arith.constant 0.000000e+00 : f32
    %max3A_10 = vector.broadcast %max3A : f32 to vector<104x512xf32>
    %max3A_11 = arith.maximumf %add3A_9, %max3A_10 : vector<104x512xf32>
    %get3A_12 = arith.constant 0 : index
    %get3A_13 = arith.constant 0 : index
    %get3A_14 = vector.load %arg4[%get3A_12, %get3A_13] : memref<512x256xf32, #tpu.memory_space<vmem>>, vector<512x256xf32>
    %dot_general3A_15 = arith.constant dense<0.000000e+00> : vector<104x256xf32>
    %dot_general3A_16 = tpu.matmul %max3A_11, %get3A_14, %dot_general3A_15 {dimension_numbers = #tpu.dot_dimension_numbers<[1], [0], [0], [1], [0, 0, 1, 1], [], []>, transpose_lhs_hint = false} : vector<104x512xf32>, vector<512x256xf32>, vector<104x256xf32> -> vector<104x256xf32>
    %get3A_17 = arith.constant 0 : index
    %get3A_18 = arith.constant 0 : index
    %get3A_19 = vector.load %arg5[%get3A_17, %get3A_18] : memref<1x256xf32, #tpu.memory_space<vmem>>, vector<1x256xf32>
    %add3A_20 = vector.broadcast %get3A_19 : vector<1x256xf32> to vector<104x256xf32>
    %add3A_21 = arith.addf %dot_general3A_16, %add3A_20 : vector<104x256xf32>
    %max3A_22 = arith.constant 0.000000e+00 : f32
    %max3A_23 = vector.broadcast %max3A_22 : f32 to vector<104x256xf32>
    %max3A_24 = arith.maximumf %add3A_21, %max3A_23 : vector<104x256xf32>
    %get3A_25 = arith.constant 0 : index
    %get3A_26 = arith.constant 0 : index
    %get3A_27 = vector.load %arg6[%get3A_25, %get3A_26] : memref<256x40xf32, #tpu.memory_space<vmem>>, vector<256x40xf32>
    %dot_general3A_28 = arith.constant dense<0.000000e+00> : vector<104x40xf32>
    %dot_general3A_29 = tpu.matmul %max3A_24, %get3A_27, %dot_general3A_28 {dimension_numbers = #tpu.dot_dimension_numbers<[1], [0], [0], [1], [0, 0, 1, 1], [], []>, transpose_lhs_hint = false} : vector<104x256xf32>, vector<256x40xf32>, vector<104x40xf32> -> vector<104x40xf32>
    %get3A_30 = arith.constant 0 : index
    %get3A_31 = arith.constant 0 : index
    %get3A_32 = vector.load %arg7[%get3A_30, %get3A_31] : memref<1x40xf32, #tpu.memory_space<vmem>>, vector<1x40xf32>
    %add3A_33 = vector.broadcast %get3A_32 : vector<1x40xf32> to vector<104x40xf32>
    %add3A_34 = arith.addf %dot_general3A_29, %add3A_33 : vector<104x40xf32>
    %reduce_max3A = arith.constant dense<0xFF800000> : vector<104xf32>
    %reduce_max3A_35 = vector.multi_reduction <maximumf>, %add3A_34, %reduce_max3A [1] : vector<104x40xf32> to vector<104xf32>
    %broadcast_in_dim3A = vector.shape_cast %reduce_max3A_35 : vector<104xf32> to vector<104x1xf32>
    %sub3A = vector.broadcast %broadcast_in_dim3A : vector<104x1xf32> to vector<104x40xf32>
    %sub3A_36 = arith.subf %add3A_34, %sub3A : vector<104x40xf32>
    %exp3A = math.exp %sub3A_36 : vector<104x40xf32>
    %sub3A_37 = vector.broadcast %broadcast_in_dim3A : vector<104x1xf32> to vector<104x40xf32>
    %sub3A_38 = arith.subf %add3A_34, %sub3A_37 : vector<104x40xf32>
    %reduce_sum3A = arith.constant dense<0.000000e+00> : vector<104xf32>
    %reduce_sum3A_39 = vector.multi_reduction <add>, %exp3A, %reduce_sum3A [1] : vector<104x40xf32> to vector<104xf32>
    %broadcast_in_dim3A_40 = vector.shape_cast %reduce_sum3A_39 : vector<104xf32> to vector<104x1xf32>
    %log3A = math.log %broadcast_in_dim3A_40 : vector<104x1xf32>
    %sub3A_41 = vector.broadcast %log3A : vector<104x1xf32> to vector<104x40xf32>
    %sub3A_42 = arith.subf %sub3A_38, %sub3A_41 : vector<104x40xf32>
    %swap3A = arith.constant 0 : index
    %swap3A_43 = arith.constant 0 : index
    %swap3A_44 = vector.load %arg8[%swap3A, %swap3A_43] : memref<104x40xf32, #tpu.memory_space<vmem>>, vector<104x40xf32>
    tpu.vector_store %arg8[%swap3A, %swap3A_43], %sub3A_42 {strides = array<i32>} : memref<104x40xf32, #tpu.memory_space<vmem>>, vector<104x40xf32>,
    return
  }
  func.func @transform_0(%arg0: i32) -> (i32, i32) {
    %c0_i32 = arith.constant 0 : i32
    %c0_i32_0 = arith.constant 0 : i32
    return %arg0, %c0_i32 : i32, i32
  }
  func.func @transform_1(%arg0: i32) -> (i32, i32) {
    %c0_i32 = arith.constant 0 : i32
    %c0_i32_0 = arith.constant 0 : i32
    %c0_i32_1 = arith.constant 0 : i32
    return %c0_i32, %c0_i32_0 : i32, i32
  }
  func.func @transform_2(%arg0: i32) -> (i32, i32) {
    %c0_i32 = arith.constant 0 : i32
    %c0_i32_0 = arith.constant 0 : i32
    %c0_i32_1 = arith.constant 0 : i32
    return %c0_i32, %c0_i32_0 : i32, i32
  }
  func.func @transform_3(%arg0: i32) -> (i32, i32) {
    %c0_i32 = arith.constant 0 : i32
    %c0_i32_0 = arith.constant 0 : i32
    %c0_i32_1 = arith.constant 0 : i32
    return %c0_i32, %c0_i32_0 : i32, i32
  }
  func.func @transform_4(%arg0: i32) -> (i32, i32) {
    %c0_i32 = arith.constant 0 : i32
    %c0_i32_0 = arith.constant 0 : i32
    %c0_i32_1 = arith.constant 0 : i32
    return %c0_i32, %c0_i32_0 : i32, i32
  }
  func.func @transform_5(%arg0: i32) -> (i32, i32) {
    %c0_i32 = arith.constant 0 : i32
    %c0_i32_0 = arith.constant 0 : i32
    %c0_i32_1 = arith.constant 0 : i32
    return %c0_i32, %c0_i32_0 : i32, i32
  }
  func.func @transform_6(%arg0: i32) -> (i32, i32) {
    %c0_i32 = arith.constant 0 : i32
    %c0_i32_0 = arith.constant 0 : i32
    %c0_i32_1 = arith.constant 0 : i32
    return %c0_i32, %c0_i32_0 : i32, i32
  }
  func.func @transform_7(%arg0: i32) -> (i32, i32) {
    %c0_i32 = arith.constant 0 : i32
    %c0_i32_0 = arith.constant 0 : i32
    return %arg0, %c0_i32 : i32, i32
  }
}

</mosaic_0001>

<sc_bundles>
// kernel: kernel.13.cloned.1.call-start
scs
__scs_entry_jumppad:
0x0: {  	(pc) =	sbr.rel $0x88, $3  }
0x1: {  	(tag) =	ssettag $0x0;
	lr =	simm.s32 $0x1  }
0x2: {  	[smem:$0x3F72] =	sst lr;
	_ =	strace $0xD0000000  }
0x3: {  	_ = 	snop  }
0x4: {  	_ = 	snop  }
0x5: {  	_ = 	snop  }
0x6: {  	_ = 	snop  }
0x7: {  	_ = 	snop  }
__scs_overlays_trampoline_lowered:
0x8: {  	[smem:$0x3F81] =	sst s0  }
0x9: {  	[smem:$0x3F82] =	sst s1  }
0xa: {  	[smem:$0x3F83] =	sst s2  }
0xb: {  	[smem:$0x3F84] =	sst s3  }
0xc: {  	[smem:$0x3F85] =	sst s4  }
0xd: {  	[smem:$0x3F86] =	sst s5  }
0xe: {  	[smem:$0x3F87] =	sst s6  }
0xf: {  	[smem:$0x3F88] =	sst s7  }
0x10: {  	[smem:$0x3F89] =	sst s8  }
0x11: {  	[smem:$0x3F8A] =	sst s9;
	s0 =	simm.s32 @!p0 $0x0  }
0x12: {  	s1 =	sld [smem:$0x3F70];
	s0 =	simm.s32 @p0 $0x1  }
0x13: {  	[smem:$0x3F8B] =	sst s0;
	s0 =	simm.s32 @!p1 $0x0  }
0x14: {  	s2 =	sld [smem:$0x3F6F];
	s0 =	simm.s32 @p1 $0x1  }
0x15: {  	[smem:$0x3F8C] =	sst s0;
	s0 =	simm.s32 @!p2 $0x0  }
0x16: {  	s3 =	sld [smem:$0x3FDB];
	s0 =	simm.s32 @p2 $0x1  }
0x17: {  	s4 =	simm.s32 $0x1BF5;
	[smem:$0x3F8E] =	sst s0  }
0x18: {  	s0 =	sld [smem:$0x3F71];
	_ =	swait.ge [sflag:s4], $0x0  }
0x19: {  	s7 =	sld [smem:$0x3F72]  }
0x1a: {  	s8 =	sadd.s32 $0xFFFFE003, lr  }
0x1b: {  	s9 =	sadd.s32 $0xFFFFFEF7, lr;
	s5 =	simm.s32 $0xFFFFFFFF;
	p2 =	slt.u32 s8, $0xFFFFF086  }
0x1c: {  	p1 =	slt.u32 s9, $0xF7A;
	s5 =	simm.s32 @!p2 $0x0  }
0x1d: {  	s5 =	simm.s32 @p1 $0x1;
	p0 =	seq.s32 s7, s2  }
0x1e: {  	s7 =	smul.u32 @!p0 $0xF7A, s2;
	p2 =	seq.s32 @!p0 s5, $0x0  }
0x1f: {  	s9 =	smul.u32 $0xF7A, s1;
	s8 =	simm.s32 @!p0 $0x1BF5;
	p2 =	por !p2, p0  }
0x20: {  	[sflag:s8] =	ssyncset.s32 @!p0 $0xFFFFF086;
	s6 =	sadd.s32 @!p0 s3, s7;
	s7 =	simm.s32 @!p0 $0x108  }
0x21: {  	s3 =	sadd.s32 s3, s9;
	s6 =	sadd.s32 @!p0 $0x88, s6;
	s7 =	simm.s32 @p2 $0x1082  }
0x22: {  	[simem:s7], [sflag:s8] =	dma.local @!p0 [hbm:s6], $0xF7A  }
0x23: {  	s9 =	sor.u32 $0xD0000000, s2;
	s6 =	simm.s32 $0x108;
	_ =	swait.ge @!p0 [sflag:s8], $0x0  }
0x24: {  	s3 =	sadd.s32 $0x88, s3;
	s6 =	simm.s32 @!p1 $0x1082;
	[sflag:s4] =	ssyncset.s32 $0xFFFFF086  }
0x25: {  	[simem:s6], [sflag:s4] =	dma.local [hbm:s3], $0xF7A  }
0x26: {  	[smem:$0x3F72] =	sst s1;
	(tag) =	ssettag s2;
	_ =	strace s9  }
0x27: {  	s1 =	sld [smem:$0x3F82]  }
0x28: {  	s2 =	sld [smem:$0x3F83]  }
0x29: {  	s4 =	sld [smem:$0x3F85]  }
0x2a: {  	p0 =	seq.s32 s5, $0x0;
	s5 =	sld [smem:$0x3F86]  }
0x2b: {  	s6 =	sld [smem:$0x3F87]  }
0x2c: {  	s7 =	sld [smem:$0x3F88]  }
0x2d: {  	s3 =	simm.s32 $0x108;
	s8 =	sld [smem:$0x3F89]  }
0x2e: {  	s3 =	simm.s32 @!p0 $0x1082;
	s9 =	sld [smem:$0x3F8A]  }
0x2f: {  	lr =	sadd.s32 s0, s3;
	s0 =	sld [smem:$0x3F81]  }
0x30: {  	s3 =	sld [smem:$0x3F84]  }
0x31: {  	[smem:$0x3F8D] =	sst s10  }
0x32: {  	s10 =	sld [smem:$0x3F8B];
	_ =	sdelay $0x3  }
0x33: {  	p0 =	seq.s32 s10, $0x1;
	s10 =	sld [smem:$0x3F8D];
	_ =	sdelay $0x3  }
0x34: {  	[smem:$0x3F8D] =	sst s10  }
0x35: {  	s10 =	sld [smem:$0x3F8C];
	_ =	sdelay $0x3  }
0x36: {  	p1 =	seq.s32 s10, $0x1;
	s10 =	sld [smem:$0x3F8D];
	_ =	sdelay $0x3  }
0x37: {  	[smem:$0x3F8D] =	sst s10  }
0x38: {  	s10 =	sld [smem:$0x3F8E]  }
0x39: {  	_ = 	snop;
	(pc) =	sbr.ind lr, $3  }
0x3a: {  	_ = 	snop  }
0x3b: {  	_ = 	snop  }
0x3c: {  	p2 =	seq.s32 s10, $0x1;
	s10 =	sld [smem:$0x3F8D]  }
0x3d: {  	_ =	shalt  }
0x3e: {  	_ =	shalt  }
0x3f: {  	_ =	shalt  }
0x40: {  	_ =	shalt  }
0x41: {  	_ =	shalt  }
0x42: {  	_ =	shalt  }
0x43: {  	_ =	shalt  }
0x44: {  	_ =	shalt  }
0x45: {  	_ =	shalt  }
0x46: {  	_ =	shalt  }
0x47: {  	_ =	shalt  }
0x48: {  	_ =	shalt  }
0x49: {  	_ =	shalt  }
0x4a: {  	_ =	shalt  }
0x4b: {  	_ =	shalt  }
0x4c: {  	_ =	shalt  }
0x4d: {  	_ =	shalt  }
0x4e: {  	_ =	shalt  }
0x4f: {  	_ =	shalt  }
0x50: {  	_ =	shalt  }
0x51: {  	_ =	shalt  }
0x52: {  	_ =	shalt  }
0x53: {  	_ =	shalt  }
0x54: {  	_ =	shalt  }
0x55: {  	_ =	shalt  }
0x56: {  	_ =	shalt  }
0x57: {  	_ =	shalt  }
0x58: {  	_ =	shalt  }
0x59: {  	_ =	shalt  }
0x5a: {  	_ =	shalt  }
0x5b: {  	_ =	shalt  }
0x5c: {  	_ =	shalt  }
0x5d: {  	_ =	shalt  }
0x5e: {  	_ =	shalt  }
0x5f: {  	_ =	shalt  }
0x60: {  	_ =	shalt  }
0x61: {  	_ =	shalt  }
0x62: {  	_ =	shalt  }
0x63: {  	_ =	shalt  }
0x64: {  	_ =	shalt  }
0x65: {  	_ =	shalt  }
0x66: {  	_ =	shalt  }
0x67: {  	_ =	shalt  }
0x68: {  	_ =	shalt  }
0x69: {  	_ =	shalt  }
0x6a: {  	_ =	shalt  }
0x6b: {  	_ =	shalt  }
0x6c: {  	_ =	shalt  }
0x6d: {  	_ =	shalt  }
0x6e: {  	_ =	shalt  }
0x6f: {  	_ =	shalt  }
0x70: {  	_ =	shalt  }
0x71: {  	_ =	shalt  }
0x72: {  	_ =	shalt  }
0x73: {  	_ =	shalt  }
0x74: {  	_ =	shalt  }
0x75: {  	_ =	shalt  }
0x76: {  	_ =	shalt  }
0x77: {  	_ =	shalt  }
0x78: {  	_ =	shalt  }
0x79: {  	_ =	shalt  }
0x7a: {  	_ =	shalt  }
0x7b: {  	_ =	shalt  }
0x7c: {  	_ =	shalt  }
0x7d: {  	_ =	shalt  }
0x7e: {  	_ =	shalt  }
0x7f: {  	_ =	shalt  }
0x80: {  	_ =	shalt  }
0x81: {  	_ =	shalt  }
0x82: {  	_ =	shalt  }
0x83: {  	_ =	shalt  }
0x84: {  	_ =	shalt  }
0x85: {  	_ =	shalt  }
0x86: {  	_ =	shalt  }
0x87: {  	_ =	shalt  }
.Lfunc_end0:
.L_simem_size_0:
called_computation.2_lowered:
.L_overlay_start_0:
0x88: {  	s2 =	sld [smem:$0x3FD9]  }
0x89: {  	s3 =	sld [smem:$0x3FFE];
	_ =	sdelay $0x1  }
0x8a: {  	s1 =	srdreg.scid  }
0x8b: {  	s0 =	sand.u32 $0x1, s1  }
0x8c: {  	s16 =	sshll.u32 s0, $0xA;
	s2 =	sadd.s32 s3, s2  }
0x8d: {  	s2 =	sadd.s32 s2, s16  }
0x8e: {  	[smem:$0x3F99] =	sst s2  }
0x8f: {  	_ = 	snop  }
0x90: {  	(tm) =	ssettm $0x1  }
0x91: {  	s17 =	sld [smem:$0x3FFB];
	_ =	sdelay $0x3  }
0x92: {  	_ =	strace s17  }
0x93: {  	s2 =	sld [smem:$0x3FFC];
	_ =	sdelay $0x3  }
0x94: {  	_ =	strace s2  }
0x95: {  	s2 =	sld [smem:$0x3FFD];
	_ =	sdelay $0x3  }
0x96: {  	_ =	strace s2  }
0x97: {  	_ =	strace $0x8FFFFFFF  }
0x98: {  	s18 =	sld [smem:$0x3FDB];
	_ =	sdelay $0x1  }
0x99: {  	s19 =	simm.s32 $_scs_section_size  }
0x9a: {  	s4 =	simm.s32 $_size__tile_overlayer_lowered;
	s5 =	simm.s32 $_tile_overlayer_lowered  }
0x9b: {  	s22 =	simm.s32 $0x1BFF;
	s21 =	sshll.u32 s5, $0x1;
	s2 =	sadd.s32 s19, s18  }
0x9c: {  	s6 =	simm.s32 $0x0;
	s20 =	sshll.u32 s4, $0x1;
	s4 =	sadd.s32 s21, s2  }
0x9d: {  	[timem:s6], [sflag:s22] =	dma.local [hbm:s4], s20  }
0x9e: {  	_ =	swait.ge [sflag:s22], s20  }
0x9f: {  	s3 =	ssub.s32 $0x0, s20;
	[sflag:s22] =	ssyncset.done $0x0  }
0xa0: {  	[sflag:s22] =	ssyncadd.s32 s3;
	_ =	sdelay $0x1  }
0xa1: {  	s23 =	simm.s32 $0x1B8B  }
0xa2: {  	_ =	swait.ge [sflag:s23], $0x1  }
0xa3: {  	[sflag:s23] =	ssyncset.done $0x0  }
0xa4: {  	s25 =	simm.s32 $0x1B8E;
	s24 =	sld [smem:$0x3FFE];
	[sflag:s23] =	ssyncadd.s32 $0xFFFFFFFF  }
0xa5: {  	s26 =	simm.s32 $execute0_lowered;
	[smem:$0x3FD2] =	sst s25  }
0xa6: {  	s4 =	sshll.u32 s26, $0x1;
	_ =	strace $0x80000046;
	[dreg:$0x1] =	wrdreg $0xFFFFFFFF  }
0xa7: {  	s28 =	simm.s32 $_size_execute0_lowered;
	s2 =	sadd.s32 s2, s4;
	[dreg:$0x0] =	wrdreg $0x0  }
0xa8: {  	s4 =	sshll.u32 s28, $0x1;
	[dreg:$0x2] =	wrdreg s2  }
0xa9: {  	[dreg:$0x3] =	wrdreg s4  }
0xaa: {  	[dreg:$0x4] =	wrdreg $0xC0  }
0xab: {  	_ =	task [dreg:s6], $0x5FFFF  }
0xac: {  	[dreg:$0x1] =	wrdreg $0xFFFFFFFF  }
0xad: {  	[dreg:$0x0] =	wrdreg $0x60  }
0xae: {  	[dreg:$0x2] =	wrdreg s24  }
0xaf: {  	[dreg:$0x3] =	wrdreg $0x9  }
0xb0: {  	_ =	task.clear_ibuf [dreg:s6], $0x4FFFF;
	_ =	strace $0x90000046  }
0xb1: {  	s29 =	simm.s32 $0x9;
	_ =	strace $0x80000048  }
0xb2: {  	_ =	swait.ge [sflag:s29], $0x1  }
0xb3: {  	[sflag:s29] =	ssyncadd.s32 $0xFFFFFFFF  }
0xb4: {  	_ =	strace $0x90000048  }
0xb5: {  	_ =	sfence  }
0xb6: {  	s30 =	sld [smem:$0x0];
	_ =	sdelay $0x2  }
0xb7: {  	s31 =	sshll.u32 s1, $0xD;
	s1 =	sshrl.u32 s1, $0x2  }
0xb8: {  	s3 =	sand.u32 $0x4000, s31;
	s1 =	sadd.s32 s1, s30  }
0xb9: {  	s0 =	sor.u32 s3, s0;
	s1 =	sshll.u32 s1, $0x11  }
0xba: {  	s0 =	sor.u32 s1, s0  }
0xbb: {  	s0 =	sadd.s32 $0x8F2B, s0  }
0xbc: {  	[sflag:s0] =	ssyncadd.remote.s32 $0x1  }
0xbd: {  	_ =	sfence.sel $0xFFFF  }
0xbe: {  	[dreg:$0x0] =	wrdreg $0xFFFFFFFF;
	(pc) =	sbr.abs _section_cstart, $3  }
0xbf: {  	[dreg:$0x1] =	wrdreg $0xFFFFFFFF  }
0xc0: {  	_ =	task.clear_ibuf [dreg:s6], $0x2FFFF;
	_ =	strace $0x9FFFFFFF  }
0xc1: {  	(tm) =	ssettm $0x7FFFFFFF  }
tec
execute0_lowered:
.L_overlay_start_1:
0x0: {  	(tag) =	ssettag $0x1  }
0x1: {  	s4 =	rddreg [dreg:$0x0]  }
0x2: {  	s1 =	srdreg.scid;
	s0 =	rddreg [dreg:$0x1]  }
0x3: {  	s2 =	simm.s32 $0x0;
	s11 =	simm.s32 $0x50;
	s12 =	simm.s32 $0x100  }
0x4: {  	s13 =	simm.s32 $0x2900;
	s14 =	simm.s32 $0x1;
	s5 =	sand.u32 $0x1, s1  }
0x5: {  	s15 =	simm.s32 $0x0;
	s1 =	stileid.u32;
	s6 =	smul.u32 $0x27100, s5  }
0x6: {  	[smem:$0x7FF] =	sst s2;
	s3 =	sadd.s32 $0x1AA00, s4;
	s7 =	smul.u32 $0x2710, s1  }
0x7: {  	_ =	strace $0x80000047;
	s8 =	smul.u32 $0x271000, s5;
	s5 =	ssub.s32 $0x2, s5  }
0x8: {  	s29 =	smul.u32 $0x27100, s1;
	s9 =	sshrl.u32 s5, $0x1;
	s6 =	sadd.s32 s7, s6  }
0x9: {  	s8 =	sadd.s32 s8, s4;
	s30 =	ssub.s32 s5, s9;
	s6 =	sshrl.u32 s6, $0x3  }
0xa: {  	s9 =	simm.s32 $0x2;
	s31 =	sadd.s32 s29, s8;
	s10 =	sadd.s32 s6, s4  }
0xb: {  	s4 =	smax.u32 s30, $0x1;
	s5 =	sadd.s32 $0x41C00, s31;
	s6 =	sadd.s32 $0x523C00, s31  }
0xc: {  	s7 =	sadd.s32 $0x6E00, s10;
	s8 =	sadd.s32 $0x10C00, s10;
	s10 =	simm.s32 $0x80  }
.LBB2_1:
0xd: {  	s16 =	sadd.s32 $0x0, s8  }
0xe: {  	[tilespmem:s2], [sflag:$0x2] =	stream.linear.gather [hbm4b:s16+s2], $0x50, $0x38;
	[tilespmem:$0x5100] =	vst v63  }
0xf: {  	_ =	swait.ge [sflag:s9], $0x50  }
0x10: {  	[sflag:s9] =	ssyncset.done $0x0  }
0x11: {  	s31 =	sadd.s32 $0x0, s7;
	[sflag:s9] =	ssyncadd.s32 $0xFFFFFFB0  }
0x12: {  	[tilespmem:s10], [sflag:$0x2] =	stream.linear.gather [hbm4b:s31+s2], $0x50, $0x38;
	[tilespmem:$0x5100] =	vst v63  }
0x13: {  	_ =	swait.ge [sflag:s9], $0x50  }
0x14: {  	[sflag:s9] =	ssyncset.done $0x0  }
0x15: {  	[sflag:s9] =	ssyncadd.s32 $0xFFFFFFB0  }
0x16: {  	[tilespmem:s12], [sflag:$0x1] =	stream.indirect.gather [hbm4b:s3+s11], $0x80, s2, s11, $0xb8;
	[tilespmem:$0x5100] =	vst v63  }
0x17: {  	_ = 	snop  }
0x18: {  	[tilespmem:s13], [sflag:$0x1] =	stream.indirect.gather [hbm4b:s3+s11], $0x80, s10, s11, $0xb8;
	[tilespmem:$0x5100] =	vst v63  }
0x19: {  	_ =	swait.ge [sflag:s14], $0x2800  }
0x1a: {  	[sflag:s14] =	ssyncset.done $0x0  }
0x1b: {  	[sflag:s14] =	ssyncadd.s32 $0xFFFFD800  }
0x1c: {  	_ =	swait.ge [sflag:s14], $0x2800  }
0x1d: {  	[sflag:s14] =	ssyncset.done $0x0  }
0x1e: {  	[sflag:s14] =	ssyncadd.s32 $0xFFFFD800  }
0x1f: {  	[hbm4b:s5+s2] =	stream.linear.scatter [tilespmem:s12], [sflag:$0x2], $0x2800, $0x38;
	[tilespmem:$0x5100] =	vst v63  }
0x20: {  	_ =	swait.ge [sflag:s9], $0x2800  }
0x21: {  	[sflag:s9] =	ssyncset.done $0x0  }
0x22: {  	[sflag:s9] =	ssyncadd.s32 $0xFFFFD800  }
0x23: {  	[hbm4b:s6+s2] =	stream.linear.scatter [tilespmem:s13], [sflag:$0x2], $0x2800, $0x38;
	[tilespmem:$0x5100] =	vst v63  }
0x24: {  	s18 =	simm.s32 $0xA;
	s19 =	simm.s32 $0x14;
	_ =	swait.ge [sflag:s9], $0x2800  }
0x25: {  	s17 =	sadd.s32 $0x500, s5;
	s16 =	sadd.s32 $0x500, s6;
	[sflag:s9] =	ssyncset.done $0x0  }
.LBB2_2:
0x26: {  	s20 =	sadd.s32 s18, s8  }
0x27: {  	[sflag:s9] =	ssyncadd.s32 $0xFFFFD800;
	s21 =	smov.u32 s19;
	s22 =	sadd.s32 $0xA, s19  }
0x28: {  	[tilespmem:s2], [sflag:$0x2] =	stream.linear.gather [hbm4b:s20+s2], $0x50, $0x38;
	[tilespmem:$0x5100] =	vst v63  }
0x29: {  	p0 =	sne.s32 s19, $0x4D8;
	_ =	swait.ge [sflag:s9], $0x50  }
0x2a: {  	[sflag:s9] =	ssyncset.done $0x0  }
0x2b: {  	s19 =	sadd.s32 s18, s7;
	s18 =	smov.u32 s21;
	[sflag:s9] =	ssyncadd.s32 $0xFFFFFFB0  }
0x2c: {  	[tilespmem:s10], [sflag:$0x2] =	stream.linear.gather [hbm4b:s19+s2], $0x50, $0x38;
	[tilespmem:$0x5100] =	vst v63  }
0x2d: {  	_ =	swait.ge [sflag:s9], $0x50  }
0x2e: {  	[sflag:s9] =	ssyncset.done $0x0  }
0x2f: {  	[sflag:s9] =	ssyncadd.s32 $0xFFFFFFB0  }
0x30: {  	[tilespmem:s12], [sflag:$0x1] =	stream.indirect.gather [hbm4b:s3+s11], $0x80, s2, s11, $0xb8;
	[tilespmem:$0x5100] =	vst v63  }
0x31: {  	_ = 	snop  }
0x32: {  	[tilespmem:s13], [sflag:$0x1] =	stream.indirect.gather [hbm4b:s3+s11], $0x80, s10, s11, $0xb8;
	[tilespmem:$0x5100] =	vst v63  }
0x33: {  	_ =	swait.ge [sflag:s14], $0x2800  }
0x34: {  	[sflag:s14] =	ssyncset.done $0x0  }
0x35: {  	[sflag:s14] =	ssyncadd.s32 $0xFFFFD800  }
0x36: {  	_ =	swait.ge [sflag:s14], $0x2800  }
0x37: {  	[sflag:s14] =	ssyncset.done $0x0  }
0x38: {  	[sflag:s14] =	ssyncadd.s32 $0xFFFFD800  }
0x39: {  	[hbm4b:s17+s2] =	stream.linear.scatter [tilespmem:s12], [sflag:$0x2], $0x2800, $0x38;
	[tilespmem:$0x5100] =	vst v63  }
0x3a: {  	_ =	swait.ge [sflag:s9], $0x2800  }
.Ltmp0:
0x3b: {  	[sflag:s9] =	ssyncset.done $0x0;
	(pc) =	sbr.rel @p0 .LBB2_2-.Ltmp0, $4  }
0x3c: {  	[sflag:s9] =	ssyncadd.s32 $0xFFFFD800  }
0x3d: {  	[hbm4b:s16+s2] =	stream.linear.scatter [tilespmem:s13], [sflag:$0x2], $0x2800, $0x38;
	[tilespmem:$0x5100] =	vst v63  }
0x3e: {  	s19 =	smov.u32 s22;
	_ =	swait.ge [sflag:s9], $0x2800  }
0x3f: {  	s17 =	sadd.s32 $0x500, s17;
	s16 =	sadd.s32 $0x500, s16;
	[sflag:s9] =	ssyncset.done $0x0  }
0x40: {  	s19 =	sadd.s32 s18, s8;
	[sflag:s9] =	ssyncadd.s32 $0xFFFFD800  }
0x41: {  	[tilespmem:s2], [sflag:$0x2] =	stream.linear.gather [hbm4b:s19+s2], $0x50, $0x38;
	[tilespmem:$0x5100] =	vst v63  }
0x42: {  	_ =	swait.ge [sflag:s9], $0x50  }
0x43: {  	[sflag:s9] =	ssyncset.done $0x0  }
0x44: {  	s31 =	sadd.s32 s18, s7;
	[sflag:s9] =	ssyncadd.s32 $0xFFFFFFB0  }
0x45: {  	[tilespmem:s10], [sflag:$0x2] =	stream.linear.gather [hbm4b:s31+s2], $0x50, $0x38;
	[tilespmem:$0x5100] =	vst v63  }
0x46: {  	_ =	swait.ge [sflag:s9], $0x50  }
0x47: {  	[sflag:s9] =	ssyncset.done $0x0  }
0x48: {  	[sflag:s9] =	ssyncadd.s32 $0xFFFFFFB0  }
0x49: {  	[tilespmem:s12], [sflag:$0x1] =	stream.indirect.gather [hbm4b:s3+s11], $0x80, s2, s11, $0xb8;
	[tilespmem:$0x5100] =	vst v63  }
0x4a: {  	_ = 	snop  }
0x4b: {  	[tilespmem:s13], [sflag:$0x1] =	stream.indirect.gather [hbm4b:s3+s11], $0x80, s10, s11, $0xb8;
	[tilespmem:$0x5100] =	vst v63  }
0x4c: {  	_ =	swait.ge [sflag:s14], $0x2800  }
0x4d: {  	[sflag:s14] =	ssyncset.done $0x0  }
0x4e: {  	[sflag:s14] =	ssyncadd.s32 $0xFFFFD800  }
0x4f: {  	_ =	swait.ge [sflag:s14], $0x2800  }
0x50: {  	[sflag:s14] =	ssyncset.done $0x0  }
0x51: {  	[sflag:s14] =	ssyncadd.s32 $0xFFFFD800  }
0x52: {  	[hbm4b:s17+s2] =	stream.linear.scatter [tilespmem:s12], [sflag:$0x2], $0x2800, $0x38;
	[tilespmem:$0x5100] =	vst v63  }
0x53: {  	s15 =	sadd.s32 $0x1, s15;
	_ =	swait.ge [sflag:s9], $0x2800  }
0x54: {  	p0 =	sne.s32 s15, s4;
	[sflag:s9] =	ssyncset.done $0x0  }
.Ltmp1:
0x55: {  	[sflag:s9] =	ssyncadd.s32 $0xFFFFD800;
	(pc) =	sbr.rel @p0 .LBB2_1-.Ltmp1, $4  }
0x56: {  	[hbm4b:s16+s2] =	stream.linear.scatter [tilespmem:s13], [sflag:$0x2], $0x2800, $0x38;
	[tilespmem:$0x5100] =	vst v63  }
0x57: {  	_ =	swait.ge [sflag:s9], $0x2800  }
0x58: {  	[sflag:s9] =	ssyncset.done $0x0  }
0x59: {  	[sflag:s9] =	ssyncadd.s32 $0xFFFFD800  }
0x5a: {  	_ =	sfence.sel $0x180000  }
0x5b: {  	[bflag:$0x0] =	sbarrier.arrive $0xFFFF  }
0x5c: {  	p0 =	sne.s32 s1, $0x0;
	_ =	strace $0x90000047  }
0x5d: {  	s0 =	sadd.s32 @!p0 $0x100000, s0;
	[bflag:$0x2] =	sbarrier.arrive $0xFFFF  }
0x5e: {  	[sflag:s0] =	ssyncadd.tile.s32 @!p0 $0x1;
	_ =	shalt  }
.Lfunc_end2:
_tile_overlayer_lowered:
.L_overlay_start_2:
0x5f: {  	(tag) =	ssettag $0x2  }
0x60: {  	s0 =	rddreg [dreg:$0x0];
	s2 =	stileid.u32  }
0x61: {  	s1 =	rddreg [dreg:$0x1];
	p0 =	sne.s32 s2, $0x0  }
0x62: {  	s3 =	rddreg [dreg:$0x2];
	[bflag:$0x3] =	sbarrier.arrive $0xFFFF;
	s2 =	simm.s32 @!p0 $0x1C02  }
0x63: {  	[timem:s3], [sflag:s2] =	dma.local @!p0 [hbm:s0], s1  }
0x64: {  	s0 =	simm.s32 @!p0 $0x2  }
0x65: {  	_ =	swait.ge @!p0 [sflag:s0], s1  }
0x66: {  	s1 =	ssub.s32 @!p0 $0x0, s1;
	[sflag:s0] =	ssyncset.done @!p0 $0x0  }
0x67: {  	[sflag:s0] =	ssyncadd.s32 @!p0 s1  }
0x68: {  	[bflag:$0x3] =	sbarrier.arrive $0xFFFF  }
0x69: {  	_ =	shalt  }

// kernel: kernel.16.cloned.1.call-start
scs
__scs_entry_jumppad:
0x0: {  	(pc) =	sbr.rel $0x88, $3  }
0x1: {  	(tag) =	ssettag $0x0;
	lr =	simm.s32 $0x1  }
0x2: {  	[smem:$0x3F72] =	sst lr;
	_ =	strace $0xD0000000  }
0x3: {  	_ = 	snop  }
0x4: {  	_ = 	snop  }
0x5: {  	_ = 	snop  }
0x6: {  	_ = 	snop  }
0x7: {  	_ = 	snop  }
__scs_overlays_trampoline_lowered:
0x8: {  	[smem:$0x3F81] =	sst s0  }
0x9: {  	[smem:$0x3F82] =	sst s1  }
0xa: {  	[smem:$0x3F83] =	sst s2  }
0xb: {  	[smem:$0x3F84] =	sst s3  }
0xc: {  	[smem:$0x3F85] =	sst s4  }
0xd: {  	[smem:$0x3F86] =	sst s5  }
0xe: {  	[smem:$0x3F87] =	sst s6  }
0xf: {  	[smem:$0x3F88] =	sst s7  }
0x10: {  	[smem:$0x3F89] =	sst s8  }
0x11: {  	[smem:$0x3F8A] =	sst s9;
	s0 =	simm.s32 @!p0 $0x0  }
0x12: {  	s1 =	sld [smem:$0x3F70];
	s0 =	simm.s32 @p0 $0x1  }
0x13: {  	[smem:$0x3F8B] =	sst s0;
	s0 =	simm.s32 @!p1 $0x0  }
0x14: {  	s2 =	sld [smem:$0x3F6F];
	s0 =	simm.s32 @p1 $0x1  }
0x15: {  	[smem:$0x3F8C] =	sst s0;
	s0 =	simm.s32 @!p2 $0x0  }
0x16: {  	s3 =	sld [smem:$0x3FDB];
	s0 =	simm.s32 @p2 $0x1  }
0x17: {  	s4 =	simm.s32 $0x1BF5;
	[smem:$0x3F8E] =	sst s0  }
0x18: {  	s0 =	sld [smem:$0x3F71];
	_ =	swait.ge [sflag:s4], $0x0  }
0x19: {  	s7 =	sld [smem:$0x3F72]  }
0x1a: {  	s8 =	sadd.s32 $0xFFFFE003, lr  }
0x1b: {  	s9 =	sadd.s32 $0xFFFFFEF7, lr;
	s5 =	simm.s32 $0xFFFFFFFF;
	p2 =	slt.u32 s8, $0xFFFFF086  }
0x1c: {  	p1 =	slt.u32 s9, $0xF7A;
	s5 =	simm.s32 @!p2 $0x0  }
0x1d: {  	s5 =	simm.s32 @p1 $0x1;
	p0 =	seq.s32 s7, s2  }
0x1e: {  	s7 =	smul.u32 @!p0 $0xF7A, s2;
	p2 =	seq.s32 @!p0 s5, $0x0  }
0x1f: {  	s9 =	smul.u32 $0xF7A, s1;
	s8 =	simm.s32 @!p0 $0x1BF5;
	p2 =	por !p2, p0  }
0x20: {  	[sflag:s8] =	ssyncset.s32 @!p0 $0xFFFFF086;
	s6 =	sadd.s32 @!p0 s3, s7;
	s7 =	simm.s32 @!p0 $0x108  }
0x21: {  	s3 =	sadd.s32 s3, s9;
	s6 =	sadd.s32 @!p0 $0x88, s6;
	s7 =	simm.s32 @p2 $0x1082  }
0x22: {  	[simem:s7], [sflag:s8] =	dma.local @!p0 [hbm:s6], $0xF7A  }
0x23: {  	s9 =	sor.u32 $0xD0000000, s2;
	s6 =	simm.s32 $0x108;
	_ =	swait.ge @!p0 [sflag:s8], $0x0  }
0x24: {  	s3 =	sadd.s32 $0x88, s3;
	s6 =	simm.s32 @!p1 $0x1082;
	[sflag:s4] =	ssyncset.s32 $0xFFFFF086  }
0x25: {  	[simem:s6], [sflag:s4] =	dma.local [hbm:s3], $0xF7A  }
0x26: {  	[smem:$0x3F72] =	sst s1;
	(tag) =	ssettag s2;
	_ =	strace s9  }
0x27: {  	s1 =	sld [smem:$0x3F82]  }
0x28: {  	s2 =	sld [smem:$0x3F83]  }
0x29: {  	s4 =	sld [smem:$0x3F85]  }
0x2a: {  	p0 =	seq.s32 s5, $0x0;
	s5 =	sld [smem:$0x3F86]  }
0x2b: {  	s6 =	sld [smem:$0x3F87]  }
0x2c: {  	s7 =	sld [smem:$0x3F88]  }
0x2d: {  	s3 =	simm.s32 $0x108;
	s8 =	sld [smem:$0x3F89]  }
0x2e: {  	s3 =	simm.s32 @!p0 $0x1082;
	s9 =	sld [smem:$0x3F8A]  }
0x2f: {  	lr =	sadd.s32 s0, s3;
	s0 =	sld [smem:$0x3F81]  }
0x30: {  	s3 =	sld [smem:$0x3F84]  }
0x31: {  	[smem:$0x3F8D] =	sst s10  }
0x32: {  	s10 =	sld [smem:$0x3F8B];
	_ =	sdelay $0x3  }
0x33: {  	p0 =	seq.s32 s10, $0x1;
	s10 =	sld [smem:$0x3F8D];
	_ =	sdelay $0x3  }
0x34: {  	[smem:$0x3F8D] =	sst s10  }
0x35: {  	s10 =	sld [smem:$0x3F8C];
	_ =	sdelay $0x3  }
0x36: {  	p1 =	seq.s32 s10, $0x1;
	s10 =	sld [smem:$0x3F8D];
	_ =	sdelay $0x3  }
0x37: {  	[smem:$0x3F8D] =	sst s10  }
0x38: {  	s10 =	sld [smem:$0x3F8E]  }
0x39: {  	_ = 	snop;
	(pc) =	sbr.ind lr, $3  }
0x3a: {  	_ = 	snop  }
0x3b: {  	_ = 	snop  }
0x3c: {  	p2 =	seq.s32 s10, $0x1;
	s10 =	sld [smem:$0x3F8D]  }
0x3d: {  	_ =	shalt  }
0x3e: {  	_ =	shalt  }
0x3f: {  	_ =	shalt  }
0x40: {  	_ =	shalt  }
0x41: {  	_ =	shalt  }
0x42: {  	_ =	shalt  }
0x43: {  	_ =	shalt  }
0x44: {  	_ =	shalt  }
0x45: {  	_ =	shalt  }
0x46: {  	_ =	shalt  }
0x47: {  	_ =	shalt  }
0x48: {  	_ =	shalt  }
0x49: {  	_ =	shalt  }
0x4a: {  	_ =	shalt  }
0x4b: {  	_ =	shalt  }
0x4c: {  	_ =	shalt  }
0x4d: {  	_ =	shalt  }
0x4e: {  	_ =	shalt  }
0x4f: {  	_ =	shalt  }
0x50: {  	_ =	shalt  }
0x51: {  	_ =	shalt  }
0x52: {  	_ =	shalt  }
0x53: {  	_ =	shalt  }
0x54: {  	_ =	shalt  }
0x55: {  	_ =	shalt  }
0x56: {  	_ =	shalt  }
0x57: {  	_ =	shalt  }
0x58: {  	_ =	shalt  }
0x59: {  	_ =	shalt  }
0x5a: {  	_ =	shalt  }
0x5b: {  	_ =	shalt  }
0x5c: {  	_ =	shalt  }
0x5d: {  	_ =	shalt  }
0x5e: {  	_ =	shalt  }
0x5f: {  	_ =	shalt  }
0x60: {  	_ =	shalt  }
0x61: {  	_ =	shalt  }
0x62: {  	_ =	shalt  }
0x63: {  	_ =	shalt  }
0x64: {  	_ =	shalt  }
0x65: {  	_ =	shalt  }
0x66: {  	_ =	shalt  }
0x67: {  	_ =	shalt  }
0x68: {  	_ =	shalt  }
0x69: {  	_ =	shalt  }
0x6a: {  	_ =	shalt  }
0x6b: {  	_ =	shalt  }
0x6c: {  	_ =	shalt  }
0x6d: {  	_ =	shalt  }
0x6e: {  	_ =	shalt  }
0x6f: {  	_ =	shalt  }
0x70: {  	_ =	shalt  }
0x71: {  	_ =	shalt  }
0x72: {  	_ =	shalt  }
0x73: {  	_ =	shalt  }
0x74: {  	_ =	shalt  }
0x75: {  	_ =	shalt  }
0x76: {  	_ =	shalt  }
0x77: {  	_ =	shalt  }
0x78: {  	_ =	shalt  }
0x79: {  	_ =	shalt  }
0x7a: {  	_ =	shalt  }
0x7b: {  	_ =	shalt  }
0x7c: {  	_ =	shalt  }
0x7d: {  	_ =	shalt  }
0x7e: {  	_ =	shalt  }
0x7f: {  	_ =	shalt  }
0x80: {  	_ =	shalt  }
0x81: {  	_ =	shalt  }
0x82: {  	_ =	shalt  }
0x83: {  	_ =	shalt  }
0x84: {  	_ =	shalt  }
0x85: {  	_ =	shalt  }
0x86: {  	_ =	shalt  }
0x87: {  	_ =	shalt  }
.Lfunc_end0:
.L_simem_size_0:
called_computation.3_lowered:
.L_overlay_start_0:
0x88: {  	s2 =	sld [smem:$0x3FD9]  }
0x89: {  	s3 =	sld [smem:$0x3FFE];
	_ =	sdelay $0x1  }
0x8a: {  	s1 =	srdreg.scid  }
0x8b: {  	s0 =	sand.u32 $0x1, s1  }
0x8c: {  	s16 =	sshll.u32 s0, $0xA;
	s2 =	sadd.s32 s3, s2  }
0x8d: {  	s2 =	sadd.s32 s2, s16  }
0x8e: {  	[smem:$0x3F99] =	sst s2  }
0x8f: {  	_ = 	snop  }
0x90: {  	(tm) =	ssettm $0x1  }
0x91: {  	s17 =	sld [smem:$0x3FFB];
	_ =	sdelay $0x3  }
0x92: {  	_ =	strace s17  }
0x93: {  	s2 =	sld [smem:$0x3FFC];
	_ =	sdelay $0x3  }
0x94: {  	_ =	strace s2  }
0x95: {  	s2 =	sld [smem:$0x3FFD];
	_ =	sdelay $0x3  }
0x96: {  	_ =	strace s2  }
0x97: {  	_ =	strace $0x8FFFFFFF  }
0x98: {  	s18 =	sld [smem:$0x3FDB];
	_ =	sdelay $0x1  }
0x99: {  	s19 =	simm.s32 $_scs_section_size  }
0x9a: {  	s4 =	simm.s32 $_size__tile_overlayer_lowered;
	s5 =	simm.s32 $_tile_overlayer_lowered  }
0x9b: {  	s22 =	simm.s32 $0x1BFF;
	s21 =	sshll.u32 s5, $0x1;
	s2 =	sadd.s32 s19, s18  }
0x9c: {  	s6 =	simm.s32 $0x0;
	s20 =	sshll.u32 s4, $0x1;
	s4 =	sadd.s32 s21, s2  }
0x9d: {  	[timem:s6], [sflag:s22] =	dma.local [hbm:s4], s20  }
0x9e: {  	_ =	swait.ge [sflag:s22], s20  }
0x9f: {  	s3 =	ssub.s32 $0x0, s20;
	[sflag:s22] =	ssyncset.done $0x0  }
0xa0: {  	[sflag:s22] =	ssyncadd.s32 s3;
	_ =	sdelay $0x1  }
0xa1: {  	s23 =	simm.s32 $0x1B8B  }
0xa2: {  	_ =	swait.ge [sflag:s23], $0x1  }
0xa3: {  	[sflag:s23] =	ssyncset.done $0x0  }
0xa4: {  	s25 =	simm.s32 $0x1B8E;
	s24 =	sld [smem:$0x3FFE];
	[sflag:s23] =	ssyncadd.s32 $0xFFFFFFFF  }
0xa5: {  	s26 =	simm.s32 $execute0_lowered;
	[smem:$0x3FD2] =	sst s25  }
0xa6: {  	s4 =	sshll.u32 s26, $0x1;
	_ =	strace $0x8000004C;
	[dreg:$0x1] =	wrdreg $0xFFFFFFFF  }
0xa7: {  	s28 =	simm.s32 $_size_execute0_lowered;
	s2 =	sadd.s32 s2, s4;
	[dreg:$0x0] =	wrdreg $0x0  }
0xa8: {  	s4 =	sshll.u32 s28, $0x1;
	[dreg:$0x2] =	wrdreg s2  }
0xa9: {  	[dreg:$0x3] =	wrdreg s4  }
0xaa: {  	[dreg:$0x4] =	wrdreg $0xC0  }
0xab: {  	_ =	task [dreg:s6], $0x5FFFF  }
0xac: {  	[dreg:$0x1] =	wrdreg $0xFFFFFFFF  }
0xad: {  	[dreg:$0x0] =	wrdreg $0x60  }
0xae: {  	[dreg:$0x2] =	wrdreg s24  }
0xaf: {  	[dreg:$0x3] =	wrdreg $0x52000  }
0xb0: {  	[dreg:$0x4] =	wrdreg $0x9  }
0xb1: {  	_ =	task.clear_ibuf [dreg:s6], $0x5FFFF;
	_ =	strace $0x9000004C  }
0xb2: {  	s29 =	simm.s32 $0x9;
	_ =	strace $0x8000004E  }
0xb3: {  	_ =	swait.ge [sflag:s29], $0x1  }
0xb4: {  	[sflag:s29] =	ssyncadd.s32 $0xFFFFFFFF  }
0xb5: {  	_ =	strace $0x9000004E  }
0xb6: {  	_ =	sfence  }
0xb7: {  	s30 =	sld [smem:$0x0];
	_ =	sdelay $0x2  }
0xb8: {  	s31 =	sshll.u32 s1, $0xD;
	s1 =	sshrl.u32 s1, $0x2  }
0xb9: {  	s3 =	sand.u32 $0x4000, s31;
	s1 =	sadd.s32 s1, s30  }
0xba: {  	s0 =	sor.u32 s3, s0;
	s1 =	sshll.u32 s1, $0x11  }
0xbb: {  	s0 =	sor.u32 s1, s0  }
0xbc: {  	s0 =	sadd.s32 $0x8F2B, s0  }
0xbd: {  	[sflag:s0] =	ssyncadd.remote.s32 $0x1  }
0xbe: {  	_ =	sfence.sel $0xFFFF  }
0xbf: {  	[dreg:$0x0] =	wrdreg $0xFFFFFFFF;
	(pc) =	sbr.abs _section_cstart, $3  }
0xc0: {  	[dreg:$0x1] =	wrdreg $0xFFFFFFFF  }
0xc1: {  	_ =	task.clear_ibuf [dreg:s6], $0x2FFFF;
	_ =	strace $0x9FFFFFFF  }
0xc2: {  	(tm) =	ssettm $0x7FFFFFFF  }
0xc3: {  	_ =	shalt  }
tec
execute0_lowered:
.L_overlay_start_1:
0x0: {  	(tag) =	ssettag $0x1  }
0x1: {  	s0 =	rddreg [dreg:$0x0]  }
0x2: {  	s1 =	rddreg [dreg:$0x1];
	s2 =	simm.s32 $0x0;
	s17 =	stileid.u32  }
0x3: {  	s5 =	srdreg.scid;
	s19 =	simm.s32 $0x80;
	s20 =	simm.s32 $0x50  }
0x4: {  	s21 =	simm.s32 $0x200;
	s22 =	simm.s32 $0x100;
	s23 =	simm.s32 $0x180  }
0x5: {  	s28 =	simm.s32 $0x0;
	[smem:$0x7FF] =	sst s2;
	s3 =	smul.u32 $0x2700, s17  }
0x6: {  	s4 =	sadd.s32 $0x1AA00, s0;
	s16 =	sadd.s32 $0x6E00, s0;
	s5 =	sand.u32 $0x1, s5  }
0x7: {  	s15 =	sadd.s32 $0x10C00, s0;
	s8 =	smul.u32 $0x4E000, s17;
	s26 =	sshll.u32 s17, $0x6  }
0x8: {  	s14 =	smul.u32 $0x2710, s17;
	p0 =	sne.s32 s17, $0x0;
	_ =	strace $0x8000004D  }
0x9: {  	s11 =	smul.u32 $0x27100, s5;
	s7 =	ssub.s32 $0x2, s5;
	s5 =	sshll.u32 s5, $0x4  }
0xa: {  	[dreg:$0x3] =	wrdreg s3;
	s6 =	sadd.s32 s3, s0;
	s9 =	sshrl.u32 s7, $0x1  }
0xb: {  	s5 =	sor.u32 s17, s5;
	s24 =	sshrl.u32 s8, $0x2;
	s8 =	sadd.s32 $0x68C00, s0  }
0xc: {  	s12 =	sadd.s32 s11, s0;
	s13 =	ssub.s32 s7, s9;
	s25 =	smul.u32 $0x2710, s5  }
0xd: {  	s18 =	sadd.s32 s24, s1;
	s3 =	sadd.s32 $0x41C00, s6;
	s6 =	sor.u32 $0x1C03, s26  }
0xe: {  	s7 =	sadd.s32 $0x138000, s1;
	s31 =	sadd.s32 s14, s11;
	s24 =	simm.s32 $0x2A00  }
0xf: {  	s26 =	simm.s32 $0x2;
	[dreg:$0x4] =	wrdreg s3;
	s11 =	sadd.s32 $0x68E00, s12  }
0x10: {  	s14 =	sshrl.u32 s31, $0x3;
	s0 =	sadd.s32 $0x50, s31;
	s12 =	smax.u32 s13, $0x1  }
0x11: {  	s17 =	sshrl.u32 s18, $0x3;
	s18 =	simm.s32 $0x3;
	s29 =	sshrl.u32 s25, $0x3  }
0x12: {  	s13 =	sadd.s32 s14, s15;
	s0 =	sshrl.u32 s0, $0x3;
	s30 =	sadd.s32 $0x4D8, s29  }
0x13: {  	s14 =	sadd.s32 s14, s16;
	s25 =	simm.s32 $0x1;
	s9 =	sadd.s32 s16, s30  }
0x14: {  	s10 =	sadd.s32 s15, s30;
	s15 =	sadd.s32 s0, s15;
	s16 =	sadd.s32 s0, s16  }
.LBB2_1:
0x15: {  	s0 =	rddreg [dreg:$0x4]  }
0x16: {  	[spmem:s17], [sflag:s6] =	dma.local [hbm:s0], $0x2700  }
0x17: {  	_ =	swait.ge [sflag:s18], $0x2700  }
0x18: {  	[sflag:s18] =	ssyncset.done $0x0  }
0x19: {  	s29 =	sshrl.u32 @!p0 s7, $0x3;
	s0 =	simm.s32 @!p0 $0x3;
	[sflag:s18] =	ssyncadd.s32 $0xFFFFD900  }
0x1a: {  	[spmem:s29], [sflag:s6] =	dma.local @!p0 [hbm:s8], $0x100  }
0x1b: {  	_ =	swait.ge @!p0 [sflag:s0], $0x100  }
0x1c: {  	[sflag:s0] =	ssyncset.done @!p0 $0x0  }
0x1d: {  	[sflag:s0] =	ssyncadd.s32 @!p0 $0xFFFFFF00  }
0x1e: {  	s3 =	sadd.s32 $0x0, s14;
	[bflag:$0x0] =	sbarrier.arrive $0xFFFF  }
0x1f: {  	[tilespmem:s2], [sflag:$0x3] =	stream.linear.gather [hbm4b:s3+s2], $0x50, $0x38;
	[tilespmem:$0x18A80] =	vst v63  }
0x20: {  	_ =	swait.ge [sflag:s18], $0x50  }
0x21: {  	[sflag:s18] =	ssyncset.done $0x0  }
0x22: {  	s5 =	sadd.s32 $0x0, s13;
	[sflag:s18] =	ssyncadd.s32 $0xFFFFFFB0  }
0x23: {  	[tilespmem:s19], [sflag:$0x3] =	stream.linear.gather [hbm4b:s5+s2], $0x50, $0x38;
	[tilespmem:$0x18A80] =	vst v63  }
0x24: {  	_ =	swait.ge [sflag:s18], $0x50  }
0x25: {  	[sflag:s18] =	ssyncset.done $0x0  }
0x26: {  	[sflag:s18] =	ssyncadd.s32 $0xFFFFFFB0  }
0x27: {  	[tilespmem:s21], [sflag:$0x1] =	stream.indirect.gather [hbm4b:s4+s20], $0x80, s2, s20, $0xb8;
	[tilespmem:$0x18A80] =	vst v63  }
0x28: {  	s3 =	sadd.s32 $0x0, s16  }
0x29: {  	[tilespmem:s22], [sflag:$0x3] =	stream.linear.gather [hbm4b:s3+s2], $0x50, $0x38;
	[tilespmem:$0x18A80] =	vst v63  }
0x2a: {  	_ =	swait.ge [sflag:s18], $0x50  }
0x2b: {  	[sflag:s18] =	ssyncset.done $0x0  }
0x2c: {  	s5 =	sadd.s32 $0x0, s15;
	[sflag:s18] =	ssyncadd.s32 $0xFFFFFFB0  }
0x2d: {  	[tilespmem:s23], [sflag:$0x3] =	stream.linear.gather [hbm4b:s5+s2], $0x50, $0x38;
	[tilespmem:$0x18A80] =	vst v63  }
0x2e: {  	_ =	swait.ge [sflag:s18], $0x50  }
0x2f: {  	[sflag:s18] =	ssyncset.done $0x0  }
0x30: {  	[sflag:s18] =	ssyncadd.s32 $0xFFFFFFB0  }
0x31: {  	[tilespmem:s24], [sflag:$0x2] =	stream.indirect.gather [hbm4b:s4+s20], $0x80, s22, s20, $0xb8;
	[tilespmem:$0x18A80] =	vst v63  }
0x32: {  	_ =	swait.ge [sflag:s25], $0x2800  }
0x33: {  	[sflag:s25] =	ssyncset.done $0x0  }
0x34: {  	[sflag:s25] =	ssyncadd.s32 $0xFFFFD800  }
0x35: {  	[spmem:s1] =	stream.indirect.scatter.add.f32 [tilespmem:s21], [sflag:$0x3], $0x80, s19, s20, $0xb8;
	[tilespmem:$0x18A80] =	vst v63  }
0x36: {  	_ =	swait.ge [sflag:s18], $0x2800  }
0x37: {  	[sflag:s18] =	ssyncset.done $0x0  }
0x38: {  	[sflag:s18] =	ssyncadd.s32 $0xFFFFD800  }
0x39: {  	_ =	swait.ge [sflag:s26], $0x2800  }
0x3a: {  	[sflag:s26] =	ssyncset.done $0x0  }
0x3b: {  	[sflag:s26] =	ssyncadd.s32 $0xFFFFD800  }
0x3c: {  	[spmem:s1] =	stream.indirect.scatter.add.f32 [tilespmem:s24], [sflag:$0x3], $0x80, s23, s20, $0xb8;
	[tilespmem:$0x18A80] =	vst v63  }
0x3d: {  	_ =	swait.ge [sflag:s18], $0x2800  }
0x3e: {  	s30 =	simm.s32 $0x14;
	s31 =	simm.s32 $0x28;
	[sflag:s18] =	ssyncset.done $0x0  }
.LBB2_2:
0x3f: {  	s3 =	sadd.s32 s30, s14  }
0x40: {  	[sflag:s18] =	ssyncadd.s32 $0xFFFFD800;
	s5 =	smov.u32 s31;
	s0 =	sadd.s32 $0x14, s31  }
0x41: {  	[tilespmem:s2], [sflag:$0x3] =	stream.linear.gather [hbm4b:s3+s2], $0x50, $0x38;
	[tilespmem:$0x18A80] =	vst v63  }
0x42: {  	p1 =	sne.s32 s31, $0x4C4;
	_ =	swait.ge [sflag:s18], $0x50  }
0x43: {  	[sflag:s18] =	ssyncset.done $0x0  }
0x44: {  	s3 =	sadd.s32 s30, s13;
	[sflag:s18] =	ssyncadd.s32 $0xFFFFFFB0  }
0x45: {  	[tilespmem:s19], [sflag:$0x3] =	stream.linear.gather [hbm4b:s3+s2], $0x50, $0x38;
	[tilespmem:$0x18A80] =	vst v63  }
0x46: {  	_ =	swait.ge [sflag:s18], $0x50  }
0x47: {  	[sflag:s18] =	ssyncset.done $0x0  }
0x48: {  	[sflag:s18] =	ssyncadd.s32 $0xFFFFFFB0  }
0x49: {  	[tilespmem:s21], [sflag:$0x1] =	stream.indirect.gather [hbm4b:s4+s20], $0x80, s2, s20, $0xb8;
	[tilespmem:$0x18A80] =	vst v63  }
0x4a: {  	s3 =	sadd.s32 s30, s16  }
0x4b: {  	[tilespmem:s22], [sflag:$0x3] =	stream.linear.gather [hbm4b:s3+s2], $0x50, $0x38;
	[tilespmem:$0x18A80] =	vst v63  }
0x4c: {  	_ =	swait.ge [sflag:s18], $0x50  }
0x4d: {  	[sflag:s18] =	ssyncset.done $0x0  }
0x4e: {  	s3 =	sadd.s32 s30, s15;
	s30 =	smov.u32 s5;
	[sflag:s18] =	ssyncadd.s32 $0xFFFFFFB0  }
0x4f: {  	[tilespmem:s23], [sflag:$0x3] =	stream.linear.gather [hbm4b:s3+s2], $0x50, $0x38;
	[tilespmem:$0x18A80] =	vst v63  }
0x50: {  	_ =	swait.ge [sflag:s18], $0x50  }
0x51: {  	[sflag:s18] =	ssyncset.done $0x0  }
0x52: {  	[sflag:s18] =	ssyncadd.s32 $0xFFFFFFB0  }
0x53: {  	[tilespmem:s24], [sflag:$0x2] =	stream.indirect.gather [hbm4b:s4+s20], $0x80, s22, s20, $0xb8;
	[tilespmem:$0x18A80] =	vst v63  }
0x54: {  	_ =	swait.ge [sflag:s25], $0x2800  }
0x55: {  	[sflag:s25] =	ssyncset.done $0x0  }
0x56: {  	[sflag:s25] =	ssyncadd.s32 $0xFFFFD800  }
0x57: {  	[spmem:s1] =	stream.indirect.scatter.add.f32 [tilespmem:s21], [sflag:$0x3], $0x80, s19, s20, $0xb8;
	[tilespmem:$0x18A80] =	vst v63  }
0x58: {  	_ =	swait.ge [sflag:s18], $0x2800  }
0x59: {  	[sflag:s18] =	ssyncset.done $0x0  }
0x5a: {  	[sflag:s18] =	ssyncadd.s32 $0xFFFFD800  }
0x5b: {  	_ =	swait.ge [sflag:s26], $0x2800  }
.Ltmp0:
0x5c: {  	[sflag:s26] =	ssyncset.done $0x0;
	(pc) =	sbr.rel @p1 .LBB2_2-.Ltmp0, $4  }
0x5d: {  	[sflag:s26] =	ssyncadd.s32 $0xFFFFD800  }
0x5e: {  	[spmem:s1] =	stream.indirect.scatter.add.f32 [tilespmem:s24], [sflag:$0x3], $0x80, s23, s20, $0xb8;
	[tilespmem:$0x18A80] =	vst v63  }
0x5f: {  	_ =	swait.ge [sflag:s18], $0x2800  }
0x60: {  	s31 =	smov.u32 s0;
	[sflag:s18] =	ssyncset.done $0x0  }
0x61: {  	s0 =	sadd.s32 s30, s14;
	[sflag:s18] =	ssyncadd.s32 $0xFFFFD800  }
0x62: {  	[tilespmem:s2], [sflag:$0x3] =	stream.linear.gather [hbm4b:s0+s2], $0x50, $0x38;
	[tilespmem:$0x18A80] =	vst v63  }
0x63: {  	_ =	swait.ge [sflag:s18], $0x50  }
0x64: {  	[sflag:s18] =	ssyncset.done $0x0  }
0x65: {  	s3 =	sadd.s32 s30, s13;
	[sflag:s18] =	ssyncadd.s32 $0xFFFFFFB0  }
0x66: {  	[tilespmem:s19], [sflag:$0x3] =	stream.linear.gather [hbm4b:s3+s2], $0x50, $0x38;
	[tilespmem:$0x18A80] =	vst v63  }
0x67: {  	_ =	swait.ge [sflag:s18], $0x50  }
0x68: {  	[sflag:s18] =	ssyncset.done $0x0  }
0x69: {  	[sflag:s18] =	ssyncadd.s32 $0xFFFFFFB0  }
0x6a: {  	[tilespmem:s21], [sflag:$0x1] =	stream.indirect.gather [hbm4b:s4+s20], $0x80, s2, s20, $0xb8;
	[tilespmem:$0x18A80] =	vst v63  }
0x6b: {  	s5 =	sadd.s32 s30, s16  }
0x6c: {  	[tilespmem:s22], [sflag:$0x3] =	stream.linear.gather [hbm4b:s5+s2], $0x50, $0x38;
	[tilespmem:$0x18A80] =	vst v63  }
0x6d: {  	_ =	swait.ge [sflag:s18], $0x50  }
0x6e: {  	[sflag:s18] =	ssyncset.done $0x0  }
0x6f: {  	s30 =	sadd.s32 s30, s15;
	[sflag:s18] =	ssyncadd.s32 $0xFFFFFFB0  }
0x70: {  	[tilespmem:s23], [sflag:$0x3] =	stream.linear.gather [hbm4b:s30+s2], $0x50, $0x38;
	[tilespmem:$0x18A80] =	vst v63  }
0x71: {  	_ =	swait.ge [sflag:s18], $0x50  }
0x72: {  	[sflag:s18] =	ssyncset.done $0x0  }
0x73: {  	[sflag:s18] =	ssyncadd.s32 $0xFFFFFFB0  }
0x74: {  	[tilespmem:s24], [sflag:$0x2] =	stream.indirect.gather [hbm4b:s4+s20], $0x80, s22, s20, $0xb8;
	[tilespmem:$0x18A80] =	vst v63  }
0x75: {  	_ =	swait.ge [sflag:s25], $0x2800  }
0x76: {  	[sflag:s25] =	ssyncset.done $0x0  }
0x77: {  	[sflag:s25] =	ssyncadd.s32 $0xFFFFD800  }
0x78: {  	[spmem:s1] =	stream.indirect.scatter.add.f32 [tilespmem:s21], [sflag:$0x3], $0x80, s19, s20, $0xb8;
	[tilespmem:$0x18A80] =	vst v63  }
0x79: {  	_ =	swait.ge [sflag:s18], $0x2800  }
0x7a: {  	[sflag:s18] =	ssyncset.done $0x0  }
0x7b: {  	[sflag:s18] =	ssyncadd.s32 $0xFFFFD800  }
0x7c: {  	_ =	swait.ge [sflag:s26], $0x2800  }
0x7d: {  	[sflag:s26] =	ssyncset.done $0x0  }
0x7e: {  	[sflag:s26] =	ssyncadd.s32 $0xFFFFD800  }
0x7f: {  	[spmem:s1] =	stream.indirect.scatter.add.f32 [tilespmem:s24], [sflag:$0x3], $0x80, s23, s20, $0xb8;
	[tilespmem:$0x18A80] =	vst v63  }
0x80: {  	_ =	swait.ge [sflag:s18], $0x2800  }
0x81: {  	[sflag:s18] =	ssyncset.done $0x0  }
0x82: {  	[sflag:s18] =	ssyncadd.s32 $0xFFFFD800  }
0x83: {  	[tilespmem:s2], [sflag:$0x3] =	stream.linear.gather [hbm4b:s9+s2], $0x50, $0x38;
	[tilespmem:$0x18A80] =	vst v63  }
0x84: {  	_ =	swait.ge [sflag:s18], $0x50  }
0x85: {  	[sflag:s18] =	ssyncset.done $0x0  }
0x86: {  	[sflag:s18] =	ssyncadd.s32 $0xFFFFFFB0  }
0x87: {  	[tilespmem:s19], [sflag:$0x3] =	stream.linear.gather [hbm4b:s10+s2], $0x50, $0x38;
	[tilespmem:$0x18A80] =	vst v63  }
0x88: {  	_ =	swait.ge [sflag:s18], $0x50  }
0x89: {  	[sflag:s18] =	ssyncset.done $0x0  }
0x8a: {  	[sflag:s18] =	ssyncadd.s32 $0xFFFFFFB0  }
0x8b: {  	[tilespmem:s21], [sflag:$0x1] =	stream.indirect.gather [hbm4b:s4+s20], $0x80, s2, s20, $0xb8;
	[tilespmem:$0x18A80] =	vst v63  }
0x8c: {  	_ =	swait.ge [sflag:s25], $0x2800  }
0x8d: {  	[sflag:s25] =	ssyncset.done $0x0  }
0x8e: {  	[sflag:s25] =	ssyncadd.s32 $0xFFFFD800  }
0x8f: {  	[spmem:s1] =	stream.indirect.scatter.add.f32 [tilespmem:s21], [sflag:$0x3], $0x80, s19, s20, $0xb8;
	[tilespmem:$0x18A80] =	vst v63  }
0x90: {  	_ =	swait.ge [sflag:s18], $0x2800  }
0x91: {  	[sflag:s18] =	ssyncset.done $0x0  }
0x92: {  	[sflag:s18] =	ssyncadd.s32 $0xFFFFD800  }
0x93: {  	[bflag:$0x0] =	sbarrier.arrive $0xFFFF  }
0x94: {  	s31 =	rddreg [dreg:$0x3]  }
0x95: {  	s0 =	sadd.s32 s31, s11  }
0x96: {  	[hbm:s0], [sflag:s6] =	dma.local [spmem:s17], $0x2700  }
0x97: {  	_ =	swait.ge [sflag:s18], $0x2700  }
0x98: {  	s28 =	sadd.s32 $0x1, s28;
	[sflag:s18] =	ssyncset.done $0x0  }
0x99: {  	p1 =	sne.s32 s28, s12;
	s0 =	sadd.s32 @!p0 $0x27000, s11;
	[sflag:s18] =	ssyncadd.s32 $0xFFFFD900  }
0x9a: {  	[hbm:s0], [sflag:s6] =	dma.local @!p0 [spmem:s29], $0x100  }
.Ltmp1:
0x9b: {  	_ = 	snop;
	(pc) =	sbr.rel @p1 .LBB2_1-.Ltmp1, $4  }
0x9c: {  	s0 =	simm.s32 @!p0 $0x3  }
0x9d: {  	_ =	swait.ge @!p0 [sflag:s0], $0x100  }
0x9e: {  	[sflag:s0] =	ssyncset.done @!p0 $0x0  }
0x9f: {  	[sflag:s0] =	ssyncadd.s32 @!p0 $0xFFFFFF00  }
0xa0: {  	_ =	sfence.sel $0x180000  }
0xa1: {  	[bflag:$0x0] =	sbarrier.arrive $0xFFFF  }
0xa2: {  	_ =	strace $0x9000004D  }
0xa3: {  	[bflag:$0x2] =	sbarrier.arrive $0xFFFF  }
0xa4: {  	s0 =	rddreg [dreg:$0x2]  }
0xa5: {  	s0 =	sadd.s32 @!p0 $0x100000, s0  }
0xa6: {  	[sflag:s0] =	ssyncadd.tile.s32 @!p0 $0x1;
	_ =	shalt  }
.Lfunc_end2:
_tile_overlayer_lowered:
.L_overlay_start_2:
0xa7: {  	(tag) =	ssettag $0x2  }
0xa8: {  	s0 =	rddreg [dreg:$0x0];
	s2 =	stileid.u32  }
0xa9: {  	s1 =	rddreg [dreg:$0x1];
	p0 =	sne.s32 s2, $0x0  }
0xaa: {  	s3 =	rddreg [dreg:$0x2];
	[bflag:$0x3] =	sbarrier.arrive $0xFFFF;
	s2 =	simm.s32 @!p0 $0x1C03  }
0xab: {  	[timem:s3], [sflag:s2] =	dma.local @!p0 [hbm:s0], s1  }
0xac: {  	s0 =	simm.s32 @!p0 $0x3  }
0xad: {  	_ =	swait.ge @!p0 [sflag:s0], s1  }
0xae: {  	s1 =	ssub.s32 @!p0 $0x0, s1;
	[sflag:s0] =	ssyncset.done @!p0 $0x0  }
0xaf: {  	[sflag:s0] =	ssyncadd.s32 @!p0 s1  }
0xb0: {  	[bflag:$0x3] =	sbarrier.arrive $0xFFFF  }
0xb1: {  	_ =	shalt  }

// kernel: kernel.19.cloned.1.call-start
scs
__scs_entry_jumppad:
0x0: {  	(pc) =	sbr.rel $0x88, $3  }
0x1: {  	(tag) =	ssettag $0x0;
	lr =	simm.s32 $0x1  }
0x2: {  	[smem:$0x3F72] =	sst lr;
	_ =	strace $0xD0000000  }
0x3: {  	_ = 	snop  }
0x4: {  	_ = 	snop  }
0x5: {  	_ = 	snop  }
0x6: {  	_ = 	snop  }
0x7: {  	_ = 	snop  }
__scs_overlays_trampoline_lowered:
0x8: {  	[smem:$0x3F81] =	sst s0  }
0x9: {  	[smem:$0x3F82] =	sst s1  }
0xa: {  	[smem:$0x3F83] =	sst s2  }
0xb: {  	[smem:$0x3F84] =	sst s3  }
0xc: {  	[smem:$0x3F85] =	sst s4  }
0xd: {  	[smem:$0x3F86] =	sst s5  }
0xe: {  	[smem:$0x3F87] =	sst s6  }
0xf: {  	[smem:$0x3F88] =	sst s7  }
0x10: {  	[smem:$0x3F89] =	sst s8  }
0x11: {  	[smem:$0x3F8A] =	sst s9;
	s0 =	simm.s32 @!p0 $0x0  }
0x12: {  	s1 =	sld [smem:$0x3F70];
	s0 =	simm.s32 @p0 $0x1  }
0x13: {  	[smem:$0x3F8B] =	sst s0;
	s0 =	simm.s32 @!p1 $0x0  }
0x14: {  	s2 =	sld [smem:$0x3F6F];
	s0 =	simm.s32 @p1 $0x1  }
0x15: {  	[smem:$0x3F8C] =	sst s0;
	s0 =	simm.s32 @!p2 $0x0  }
0x16: {  	s3 =	sld [smem:$0x3FDB];
	s0 =	simm.s32 @p2 $0x1  }
0x17: {  	s4 =	simm.s32 $0x1BF5;
	[smem:$0x3F8E] =	sst s0  }
0x18: {  	s0 =	sld [smem:$0x3F71];
	_ =	swait.ge [sflag:s4], $0x0  }
0x19: {  	s7 =	sld [smem:$0x3F72]  }
0x1a: {  	s8 =	sadd.s32 $0xFFFFE003, lr  }
0x1b: {  	s9 =	sadd.s32 $0xFFFFFEF7, lr;
	s5 =	simm.s32 $0xFFFFFFFF;
	p2 =	slt.u32 s8, $0xFFFFF086  }
0x1c: {  	p1 =	slt.u32 s9, $0xF7A;
	s5 =	simm.s32 @!p2 $0x0  }
0x1d: {  	s5 =	simm.s32 @p1 $0x1;
	p0 =	seq.s32 s7, s2  }
0x1e: {  	s7 =	smul.u32 @!p0 $0xF7A, s2;
	p2 =	seq.s32 @!p0 s5, $0x0  }
0x1f: {  	s9 =	smul.u32 $0xF7A, s1;
	s8 =	simm.s32 @!p0 $0x1BF5;
	p2 =	por !p2, p0  }
0x20: {  	[sflag:s8] =	ssyncset.s32 @!p0 $0xFFFFF086;
	s6 =	sadd.s32 @!p0 s3, s7;
	s7 =	simm.s32 @!p0 $0x108  }
0x21: {  	s3 =	sadd.s32 s3, s9;
	s6 =	sadd.s32 @!p0 $0x88, s6;
	s7 =	simm.s32 @p2 $0x1082  }
0x22: {  	[simem:s7], [sflag:s8] =	dma.local @!p0 [hbm:s6], $0xF7A  }
0x23: {  	s9 =	sor.u32 $0xD0000000, s2;
	s6 =	simm.s32 $0x108;
	_ =	swait.ge @!p0 [sflag:s8], $0x0  }
0x24: {  	s3 =	sadd.s32 $0x88, s3;
	s6 =	simm.s32 @!p1 $0x1082;
	[sflag:s4] =	ssyncset.s32 $0xFFFFF086  }
0x25: {  	[simem:s6], [sflag:s4] =	dma.local [hbm:s3], $0xF7A  }
0x26: {  	[smem:$0x3F72] =	sst s1;
	(tag) =	ssettag s2;
	_ =	strace s9  }
0x27: {  	s1 =	sld [smem:$0x3F82]  }
0x28: {  	s2 =	sld [smem:$0x3F83]  }
0x29: {  	s4 =	sld [smem:$0x3F85]  }
0x2a: {  	p0 =	seq.s32 s5, $0x0;
	s5 =	sld [smem:$0x3F86]  }
0x2b: {  	s6 =	sld [smem:$0x3F87]  }
0x2c: {  	s7 =	sld [smem:$0x3F88]  }
0x2d: {  	s3 =	simm.s32 $0x108;
	s8 =	sld [smem:$0x3F89]  }
0x2e: {  	s3 =	simm.s32 @!p0 $0x1082;
	s9 =	sld [smem:$0x3F8A]  }
0x2f: {  	lr =	sadd.s32 s0, s3;
	s0 =	sld [smem:$0x3F81]  }
0x30: {  	s3 =	sld [smem:$0x3F84]  }
0x31: {  	[smem:$0x3F8D] =	sst s10  }
0x32: {  	s10 =	sld [smem:$0x3F8B];
	_ =	sdelay $0x3  }
0x33: {  	p0 =	seq.s32 s10, $0x1;
	s10 =	sld [smem:$0x3F8D];
	_ =	sdelay $0x3  }
0x34: {  	[smem:$0x3F8D] =	sst s10  }
0x35: {  	s10 =	sld [smem:$0x3F8C];
	_ =	sdelay $0x3  }
0x36: {  	p1 =	seq.s32 s10, $0x1;
	s10 =	sld [smem:$0x3F8D];
	_ =	sdelay $0x3  }
0x37: {  	[smem:$0x3F8D] =	sst s10  }
0x38: {  	s10 =	sld [smem:$0x3F8E]  }
0x39: {  	_ = 	snop;
	(pc) =	sbr.ind lr, $3  }
0x3a: {  	_ = 	snop  }
0x3b: {  	_ = 	snop  }
0x3c: {  	p2 =	seq.s32 s10, $0x1;
	s10 =	sld [smem:$0x3F8D]  }
0x3d: {  	_ =	shalt  }
0x3e: {  	_ =	shalt  }
0x3f: {  	_ =	shalt  }
0x40: {  	_ =	shalt  }
0x41: {  	_ =	shalt  }
0x42: {  	_ =	shalt  }
0x43: {  	_ =	shalt  }
0x44: {  	_ =	shalt  }
0x45: {  	_ =	shalt  }
0x46: {  	_ =	shalt  }
0x47: {  	_ =	shalt  }
0x48: {  	_ =	shalt  }
0x49: {  	_ =	shalt  }
0x4a: {  	_ =	shalt  }
0x4b: {  	_ =	shalt  }
0x4c: {  	_ =	shalt  }
0x4d: {  	_ =	shalt  }
0x4e: {  	_ =	shalt  }
0x4f: {  	_ =	shalt  }
0x50: {  	_ =	shalt  }
0x51: {  	_ =	shalt  }
0x52: {  	_ =	shalt  }
0x53: {  	_ =	shalt  }
0x54: {  	_ =	shalt  }
0x55: {  	_ =	shalt  }
0x56: {  	_ =	shalt  }
0x57: {  	_ =	shalt  }
0x58: {  	_ =	shalt  }
0x59: {  	_ =	shalt  }
0x5a: {  	_ =	shalt  }
0x5b: {  	_ =	shalt  }
0x5c: {  	_ =	shalt  }
0x5d: {  	_ =	shalt  }
0x5e: {  	_ =	shalt  }
0x5f: {  	_ =	shalt  }
0x60: {  	_ =	shalt  }
0x61: {  	_ =	shalt  }
0x62: {  	_ =	shalt  }
0x63: {  	_ =	shalt  }
0x64: {  	_ =	shalt  }
0x65: {  	_ =	shalt  }
0x66: {  	_ =	shalt  }
0x67: {  	_ =	shalt  }
0x68: {  	_ =	shalt  }
0x69: {  	_ =	shalt  }
0x6a: {  	_ =	shalt  }
0x6b: {  	_ =	shalt  }
0x6c: {  	_ =	shalt  }
0x6d: {  	_ =	shalt  }
0x6e: {  	_ =	shalt  }
0x6f: {  	_ =	shalt  }
0x70: {  	_ =	shalt  }
0x71: {  	_ =	shalt  }
0x72: {  	_ =	shalt  }
0x73: {  	_ =	shalt  }
0x74: {  	_ =	shalt  }
0x75: {  	_ =	shalt  }
0x76: {  	_ =	shalt  }
0x77: {  	_ =	shalt  }
0x78: {  	_ =	shalt  }
0x79: {  	_ =	shalt  }
0x7a: {  	_ =	shalt  }
0x7b: {  	_ =	shalt  }
0x7c: {  	_ =	shalt  }
0x7d: {  	_ =	shalt  }
0x7e: {  	_ =	shalt  }
0x7f: {  	_ =	shalt  }
0x80: {  	_ =	shalt  }
0x81: {  	_ =	shalt  }
0x82: {  	_ =	shalt  }
0x83: {  	_ =	shalt  }
0x84: {  	_ =	shalt  }
0x85: {  	_ =	shalt  }
0x86: {  	_ =	shalt  }
0x87: {  	_ =	shalt  }
.Lfunc_end0:
.L_simem_size_0:
called_computation.4_lowered:
.L_overlay_start_0:
0x88: {  	s2 =	sld [smem:$0x3FD9]  }
0x89: {  	s3 =	sld [smem:$0x3FFE];
	_ =	sdelay $0x1  }
0x8a: {  	s1 =	srdreg.scid  }
0x8b: {  	s0 =	sand.u32 $0x1, s1  }
0x8c: {  	s16 =	sshll.u32 s0, $0xA;
	s2 =	sadd.s32 s3, s2  }
0x8d: {  	s2 =	sadd.s32 s2, s16  }
0x8e: {  	[smem:$0x3F99] =	sst s2  }
0x8f: {  	_ = 	snop  }
0x90: {  	(tm) =	ssettm $0x1  }
0x91: {  	s17 =	sld [smem:$0x3FFB];
	_ =	sdelay $0x3  }
0x92: {  	_ =	strace s17  }
0x93: {  	s2 =	sld [smem:$0x3FFC];
	_ =	sdelay $0x3  }
0x94: {  	_ =	strace s2  }
0x95: {  	s2 =	sld [smem:$0x3FFD];
	_ =	sdelay $0x3  }
0x96: {  	_ =	strace s2  }
0x97: {  	_ =	strace $0x8FFFFFFF  }
0x98: {  	s18 =	sld [smem:$0x3FDB];
	_ =	sdelay $0x1  }
0x99: {  	s19 =	simm.s32 $_scs_section_size  }
0x9a: {  	s4 =	simm.s32 $_size__tile_overlayer_lowered;
	s5 =	simm.s32 $_tile_overlayer_lowered  }
0x9b: {  	s22 =	simm.s32 $0x1BFF;
	s21 =	sshll.u32 s5, $0x1;
	s2 =	sadd.s32 s19, s18  }
0x9c: {  	s6 =	simm.s32 $0x0;
	s20 =	sshll.u32 s4, $0x1;
	s4 =	sadd.s32 s21, s2  }
0x9d: {  	[timem:s6], [sflag:s22] =	dma.local [hbm:s4], s20  }
0x9e: {  	_ =	swait.ge [sflag:s22], s20  }
0x9f: {  	s3 =	ssub.s32 $0x0, s20;
	[sflag:s22] =	ssyncset.done $0x0  }
0xa0: {  	[sflag:s22] =	ssyncadd.s32 s3;
	_ =	sdelay $0x1  }
0xa1: {  	s23 =	simm.s32 $0x1B8B  }
0xa2: {  	_ =	swait.ge [sflag:s23], $0x1  }
0xa3: {  	[sflag:s23] =	ssyncset.done $0x0  }
0xa4: {  	s25 =	simm.s32 $0x1B8E;
	s24 =	sld [smem:$0x3FFE];
	[sflag:s23] =	ssyncadd.s32 $0xFFFFFFFF  }
0xa5: {  	s26 =	simm.s32 $execute0_lowered;
	[smem:$0x3FD2] =	sst s25  }
0xa6: {  	s4 =	sshll.u32 s26, $0x1;
	_ =	strace $0x8000004F;
	[dreg:$0x1] =	wrdreg $0xFFFFFFFF  }
0xa7: {  	s28 =	simm.s32 $_size_execute0_lowered;
	s2 =	sadd.s32 s2, s4;
	[dreg:$0x0] =	wrdreg $0x0  }
0xa8: {  	s4 =	sshll.u32 s28, $0x1;
	[dreg:$0x2] =	wrdreg s2  }
0xa9: {  	[dreg:$0x3] =	wrdreg s4  }
0xaa: {  	[dreg:$0x4] =	wrdreg $0xC0  }
0xab: {  	_ =	task [dreg:s6], $0x5FFFF  }
0xac: {  	[dreg:$0x1] =	wrdreg $0xFFFFFFFF  }
0xad: {  	[dreg:$0x0] =	wrdreg $0x60  }
0xae: {  	[dreg:$0x2] =	wrdreg s24  }
0xaf: {  	[dreg:$0x3] =	wrdreg $0x52000  }
0xb0: {  	[dreg:$0x4] =	wrdreg $0x9  }
0xb1: {  	_ =	task.clear_ibuf [dreg:s6], $0x5FFFF;
	_ =	strace $0x9000004F  }
0xb2: {  	s29 =	simm.s32 $0x9;
	_ =	strace $0x80000051  }
0xb3: {  	_ =	swait.ge [sflag:s29], $0x1  }
0xb4: {  	[sflag:s29] =	ssyncadd.s32 $0xFFFFFFFF  }
0xb5: {  	_ =	strace $0x90000051  }
0xb6: {  	_ =	sfence  }
0xb7: {  	s30 =	sld [smem:$0x0];
	_ =	sdelay $0x2  }
0xb8: {  	s31 =	sshll.u32 s1, $0xD;
	s1 =	sshrl.u32 s1, $0x2  }
0xb9: {  	s3 =	sand.u32 $0x4000, s31;
	s1 =	sadd.s32 s1, s30  }
0xba: {  	s0 =	sor.u32 s3, s0;
	s1 =	sshll.u32 s1, $0x11  }
0xbb: {  	s0 =	sor.u32 s1, s0  }
0xbc: {  	s0 =	sadd.s32 $0x8F2B, s0  }
0xbd: {  	[sflag:s0] =	ssyncadd.remote.s32 $0x1  }
0xbe: {  	_ =	sfence.sel $0xFFFF  }
0xbf: {  	[dreg:$0x0] =	wrdreg $0xFFFFFFFF;
	(pc) =	sbr.abs _section_cstart, $3  }
0xc0: {  	[dreg:$0x1] =	wrdreg $0xFFFFFFFF  }
0xc1: {  	_ =	task.clear_ibuf [dreg:s6], $0x2FFFF;
	_ =	strace $0x9FFFFFFF  }
0xc2: {  	(tm) =	ssettm $0x7FFFFFFF  }
0xc3: {  	_ =	shalt  }
tec
execute0_lowered:
.L_overlay_start_1:
0x0: {  	(tag) =	ssettag $0x1  }
0x1: {  	s0 =	rddreg [dreg:$0x0]  }
0x2: {  	s1 =	rddreg [dreg:$0x1];
	s2 =	simm.s32 $0x0;
	s17 =	stileid.u32  }
0x3: {  	s5 =	srdreg.scid;
	s19 =	simm.s32 $0x80;
	s20 =	simm.s32 $0x50  }
0x4: {  	s21 =	simm.s32 $0x200;
	s22 =	simm.s32 $0x100;
	s23 =	simm.s32 $0x180  }
0x5: {  	s28 =	simm.s32 $0x0;
	[smem:$0x7FF] =	sst s2;
	s3 =	smul.u32 $0x2700, s17  }
0x6: {  	s4 =	sadd.s32 $0x1AA00, s0;
	s16 =	sadd.s32 $0x6E00, s0;
	s5 =	sand.u32 $0x1, s5  }
0x7: {  	s15 =	sadd.s32 $0x10C00, s0;
	s8 =	smul.u32 $0x4E000, s17;
	s26 =	sshll.u32 s17, $0x6  }
0x8: {  	s14 =	smul.u32 $0x2710, s17;
	p0 =	sne.s32 s17, $0x0;
	_ =	strace $0x80000050  }
0x9: {  	s11 =	smul.u32 $0x27100, s5;
	s7 =	ssub.s32 $0x2, s5;
	s5 =	sshll.u32 s5, $0x4  }
0xa: {  	[dreg:$0x3] =	wrdreg s3;
	s6 =	sadd.s32 s3, s0;
	s9 =	sshrl.u32 s7, $0x1  }
0xb: {  	s5 =	sor.u32 s17, s5;
	s24 =	sshrl.u32 s8, $0x2;
	s8 =	sadd.s32 $0x68C00, s0  }
0xc: {  	s12 =	sadd.s32 s11, s0;
	s13 =	ssub.s32 s7, s9;
	s25 =	smul.u32 $0x2710, s5  }
0xd: {  	s18 =	sadd.s32 s24, s1;
	s3 =	sadd.s32 $0x41C00, s6;
	s6 =	sor.u32 $0x1C03, s26  }
0xe: {  	s7 =	sadd.s32 $0x138000, s1;
	s31 =	sadd.s32 s14, s11;
	s24 =	simm.s32 $0x2A00  }
0xf: {  	s26 =	simm.s32 $0x2;
	[dreg:$0x4] =	wrdreg s3;
	s11 =	sadd.s32 $0x68E00, s12  }
0x10: {  	s14 =	sshrl.u32 s31, $0x3;
	s0 =	sadd.s32 $0x50, s31;
	s12 =	smax.u32 s13, $0x1  }
0x11: {  	s17 =	sshrl.u32 s18, $0x3;
	s18 =	simm.s32 $0x3;
	s29 =	sshrl.u32 s25, $0x3  }
0x12: {  	s13 =	sadd.s32 s14, s15;
	s0 =	sshrl.u32 s0, $0x3;
	s30 =	sadd.s32 $0x4D8, s29  }
0x13: {  	s14 =	sadd.s32 s14, s16;
	s25 =	simm.s32 $0x1;
	s9 =	sadd.s32 s16, s30  }
0x14: {  	s10 =	sadd.s32 s15, s30;
	s15 =	sadd.s32 s0, s15;
	s16 =	sadd.s32 s0, s16  }
.LBB2_1:
0x15: {  	s0 =	rddreg [dreg:$0x4]  }
0x16: {  	[spmem:s17], [sflag:s6] =	dma.local [hbm:s0], $0x2700  }
0x17: {  	_ =	swait.ge [sflag:s18], $0x2700  }
0x18: {  	[sflag:s18] =	ssyncset.done $0x0  }
0x19: {  	s29 =	sshrl.u32 @!p0 s7, $0x3;
	s0 =	simm.s32 @!p0 $0x3;
	[sflag:s18] =	ssyncadd.s32 $0xFFFFD900  }
0x1a: {  	[spmem:s29], [sflag:s6] =	dma.local @!p0 [hbm:s8], $0x100  }
0x1b: {  	_ =	swait.ge @!p0 [sflag:s0], $0x100  }
0x1c: {  	[sflag:s0] =	ssyncset.done @!p0 $0x0  }
0x1d: {  	[sflag:s0] =	ssyncadd.s32 @!p0 $0xFFFFFF00  }
0x1e: {  	s3 =	sadd.s32 $0x0, s14;
	[bflag:$0x0] =	sbarrier.arrive $0xFFFF  }
0x1f: {  	[tilespmem:s2], [sflag:$0x3] =	stream.linear.gather [hbm4b:s3+s2], $0x50, $0x38;
	[tilespmem:$0x18A80] =	vst v63  }
0x20: {  	_ =	swait.ge [sflag:s18], $0x50  }
0x21: {  	[sflag:s18] =	ssyncset.done $0x0  }
0x22: {  	s5 =	sadd.s32 $0x0, s13;
	[sflag:s18] =	ssyncadd.s32 $0xFFFFFFB0  }
0x23: {  	[tilespmem:s19], [sflag:$0x3] =	stream.linear.gather [hbm4b:s5+s2], $0x50, $0x38;
	[tilespmem:$0x18A80] =	vst v63  }
0x24: {  	_ =	swait.ge [sflag:s18], $0x50  }
0x25: {  	[sflag:s18] =	ssyncset.done $0x0  }
0x26: {  	[sflag:s18] =	ssyncadd.s32 $0xFFFFFFB0  }
0x27: {  	[tilespmem:s21], [sflag:$0x1] =	stream.indirect.gather [hbm4b:s4+s20], $0x80, s2, s20, $0xb8;
	[tilespmem:$0x18A80] =	vst v63  }
0x28: {  	s3 =	sadd.s32 $0x0, s16  }
0x29: {  	[tilespmem:s22], [sflag:$0x3] =	stream.linear.gather [hbm4b:s3+s2], $0x50, $0x38;
	[tilespmem:$0x18A80] =	vst v63  }
0x2a: {  	_ =	swait.ge [sflag:s18], $0x50  }
0x2b: {  	[sflag:s18] =	ssyncset.done $0x0  }
0x2c: {  	s5 =	sadd.s32 $0x0, s15;
	[sflag:s18] =	ssyncadd.s32 $0xFFFFFFB0  }
0x2d: {  	[tilespmem:s23], [sflag:$0x3] =	stream.linear.gather [hbm4b:s5+s2], $0x50, $0x38;
	[tilespmem:$0x18A80] =	vst v63  }
0x2e: {  	_ =	swait.ge [sflag:s18], $0x50  }
0x2f: {  	[sflag:s18] =	ssyncset.done $0x0  }
0x30: {  	[sflag:s18] =	ssyncadd.s32 $0xFFFFFFB0  }
0x31: {  	[tilespmem:s24], [sflag:$0x2] =	stream.indirect.gather [hbm4b:s4+s20], $0x80, s22, s20, $0xb8;
	[tilespmem:$0x18A80] =	vst v63  }
0x32: {  	_ =	swait.ge [sflag:s25], $0x2800  }
0x33: {  	[sflag:s25] =	ssyncset.done $0x0  }
0x34: {  	[sflag:s25] =	ssyncadd.s32 $0xFFFFD800  }
0x35: {  	[spmem:s1] =	stream.indirect.scatter.add.f32 [tilespmem:s21], [sflag:$0x3], $0x80, s19, s20, $0xb8;
	[tilespmem:$0x18A80] =	vst v63  }
0x36: {  	_ =	swait.ge [sflag:s18], $0x2800  }
0x37: {  	[sflag:s18] =	ssyncset.done $0x0  }
0x38: {  	[sflag:s18] =	ssyncadd.s32 $0xFFFFD800  }
0x39: {  	_ =	swait.ge [sflag:s26], $0x2800  }
0x3a: {  	[sflag:s26] =	ssyncset.done $0x0  }
0x3b: {  	[sflag:s26] =	ssyncadd.s32 $0xFFFFD800  }
0x3c: {  	[spmem:s1] =	stream.indirect.scatter.add.f32 [tilespmem:s24], [sflag:$0x3], $0x80, s23, s20, $0xb8;
	[tilespmem:$0x18A80] =	vst v63  }
0x3d: {  	_ =	swait.ge [sflag:s18], $0x2800  }
0x3e: {  	s30 =	simm.s32 $0x14;
	s31 =	simm.s32 $0x28;
	[sflag:s18] =	ssyncset.done $0x0  }
.LBB2_2:
0x3f: {  	s3 =	sadd.s32 s30, s14  }
0x40: {  	[sflag:s18] =	ssyncadd.s32 $0xFFFFD800;
	s5 =	smov.u32 s31;
	s0 =	sadd.s32 $0x14, s31  }
0x41: {  	[tilespmem:s2], [sflag:$0x3] =	stream.linear.gather [hbm4b:s3+s2], $0x50, $0x38;
	[tilespmem:$0x18A80] =	vst v63  }
0x42: {  	p1 =	sne.s32 s31, $0x4C4;
	_ =	swait.ge [sflag:s18], $0x50  }
0x43: {  	[sflag:s18] =	ssyncset.done $0x0  }
0x44: {  	s3 =	sadd.s32 s30, s13;
	[sflag:s18] =	ssyncadd.s32 $0xFFFFFFB0  }
0x45: {  	[tilespmem:s19], [sflag:$0x3] =	stream.linear.gather [hbm4b:s3+s2], $0x50, $0x38;
	[tilespmem:$0x18A80] =	vst v63  }
0x46: {  	_ =	swait.ge [sflag:s18], $0x50  }
0x47: {  	[sflag:s18] =	ssyncset.done $0x0  }
0x48: {  	[sflag:s18] =	ssyncadd.s32 $0xFFFFFFB0  }
0x49: {  	[tilespmem:s21], [sflag:$0x1] =	stream.indirect.gather [hbm4b:s4+s20], $0x80, s2, s20, $0xb8;
	[tilespmem:$0x18A80] =	vst v63  }
0x4a: {  	s3 =	sadd.s32 s30, s16  }
0x4b: {  	[tilespmem:s22], [sflag:$0x3] =	stream.linear.gather [hbm4b:s3+s2], $0x50, $0x38;
	[tilespmem:$0x18A80] =	vst v63  }
0x4c: {  	_ =	swait.ge [sflag:s18], $0x50  }
0x4d: {  	[sflag:s18] =	ssyncset.done $0x0  }
0x4e: {  	s3 =	sadd.s32 s30, s15;
	s30 =	smov.u32 s5;
	[sflag:s18] =	ssyncadd.s32 $0xFFFFFFB0  }
0x4f: {  	[tilespmem:s23], [sflag:$0x3] =	stream.linear.gather [hbm4b:s3+s2], $0x50, $0x38;
	[tilespmem:$0x18A80] =	vst v63  }
0x50: {  	_ =	swait.ge [sflag:s18], $0x50  }
0x51: {  	[sflag:s18] =	ssyncset.done $0x0  }
0x52: {  	[sflag:s18] =	ssyncadd.s32 $0xFFFFFFB0  }
0x53: {  	[tilespmem:s24], [sflag:$0x2] =	stream.indirect.gather [hbm4b:s4+s20], $0x80, s22, s20, $0xb8;
	[tilespmem:$0x18A80] =	vst v63  }
0x54: {  	_ =	swait.ge [sflag:s25], $0x2800  }
0x55: {  	[sflag:s25] =	ssyncset.done $0x0  }
0x56: {  	[sflag:s25] =	ssyncadd.s32 $0xFFFFD800  }
0x57: {  	[spmem:s1] =	stream.indirect.scatter.add.f32 [tilespmem:s21], [sflag:$0x3], $0x80, s19, s20, $0xb8;
	[tilespmem:$0x18A80] =	vst v63  }
0x58: {  	_ =	swait.ge [sflag:s18], $0x2800  }
0x59: {  	[sflag:s18] =	ssyncset.done $0x0  }
0x5a: {  	[sflag:s18] =	ssyncadd.s32 $0xFFFFD800  }
0x5b: {  	_ =	swait.ge [sflag:s26], $0x2800  }
.Ltmp0:
0x5c: {  	[sflag:s26] =	ssyncset.done $0x0;
	(pc) =	sbr.rel @p1 .LBB2_2-.Ltmp0, $4  }
0x5d: {  	[sflag:s26] =	ssyncadd.s32 $0xFFFFD800  }
0x5e: {  	[spmem:s1] =	stream.indirect.scatter.add.f32 [tilespmem:s24], [sflag:$0x3], $0x80, s23, s20, $0xb8;
	[tilespmem:$0x18A80] =	vst v63  }
0x5f: {  	_ =	swait.ge [sflag:s18], $0x2800  }
0x60: {  	s31 =	smov.u32 s0;
	[sflag:s18] =	ssyncset.done $0x0  }
0x61: {  	s0 =	sadd.s32 s30, s14;
	[sflag:s18] =	ssyncadd.s32 $0xFFFFD800  }
0x62: {  	[tilespmem:s2], [sflag:$0x3] =	stream.linear.gather [hbm4b:s0+s2], $0x50, $0x38;
	[tilespmem:$0x18A80] =	vst v63  }
0x63: {  	_ =	swait.ge [sflag:s18], $0x50  }
0x64: {  	[sflag:s18] =	ssyncset.done $0x0  }
0x65: {  	s3 =	sadd.s32 s30, s13;
	[sflag:s18] =	ssyncadd.s32 $0xFFFFFFB0  }
0x66: {  	[tilespmem:s19], [sflag:$0x3] =	stream.linear.gather [hbm4b:s3+s2], $0x50, $0x38;
	[tilespmem:$0x18A80] =	vst v63  }
0x67: {  	_ =	swait.ge [sflag:s18], $0x50  }
0x68: {  	[sflag:s18] =	ssyncset.done $0x0  }
0x69: {  	[sflag:s18] =	ssyncadd.s32 $0xFFFFFFB0  }
0x6a: {  	[tilespmem:s21], [sflag:$0x1] =	stream.indirect.gather [hbm4b:s4+s20], $0x80, s2, s20, $0xb8;
	[tilespmem:$0x18A80] =	vst v63  }
0x6b: {  	s5 =	sadd.s32 s30, s16  }
0x6c: {  	[tilespmem:s22], [sflag:$0x3] =	stream.linear.gather [hbm4b:s5+s2], $0x50, $0x38;
	[tilespmem:$0x18A80] =	vst v63  }
0x6d: {  	_ =	swait.ge [sflag:s18], $0x50  }
0x6e: {  	[sflag:s18] =	ssyncset.done $0x0  }
0x6f: {  	s30 =	sadd.s32 s30, s15;
	[sflag:s18] =	ssyncadd.s32 $0xFFFFFFB0  }
0x70: {  	[tilespmem:s23], [sflag:$0x3] =	stream.linear.gather [hbm4b:s30+s2], $0x50, $0x38;
	[tilespmem:$0x18A80] =	vst v63  }
0x71: {  	_ =	swait.ge [sflag:s18], $0x50  }
0x72: {  	[sflag:s18] =	ssyncset.done $0x0  }
0x73: {  	[sflag:s18] =	ssyncadd.s32 $0xFFFFFFB0  }
0x74: {  	[tilespmem:s24], [sflag:$0x2] =	stream.indirect.gather [hbm4b:s4+s20], $0x80, s22, s20, $0xb8;
	[tilespmem:$0x18A80] =	vst v63  }
0x75: {  	_ =	swait.ge [sflag:s25], $0x2800  }
0x76: {  	[sflag:s25] =	ssyncset.done $0x0  }
0x77: {  	[sflag:s25] =	ssyncadd.s32 $0xFFFFD800  }
0x78: {  	[spmem:s1] =	stream.indirect.scatter.add.f32 [tilespmem:s21], [sflag:$0x3], $0x80, s19, s20, $0xb8;
	[tilespmem:$0x18A80] =	vst v63  }
0x79: {  	_ =	swait.ge [sflag:s18], $0x2800  }
0x7a: {  	[sflag:s18] =	ssyncset.done $0x0  }
0x7b: {  	[sflag:s18] =	ssyncadd.s32 $0xFFFFD800  }
0x7c: {  	_ =	swait.ge [sflag:s26], $0x2800  }
0x7d: {  	[sflag:s26] =	ssyncset.done $0x0  }
0x7e: {  	[sflag:s26] =	ssyncadd.s32 $0xFFFFD800  }
0x7f: {  	[spmem:s1] =	stream.indirect.scatter.add.f32 [tilespmem:s24], [sflag:$0x3], $0x80, s23, s20, $0xb8;
	[tilespmem:$0x18A80] =	vst v63  }
0x80: {  	_ =	swait.ge [sflag:s18], $0x2800  }
0x81: {  	[sflag:s18] =	ssyncset.done $0x0  }
0x82: {  	[sflag:s18] =	ssyncadd.s32 $0xFFFFD800  }
0x83: {  	[tilespmem:s2], [sflag:$0x3] =	stream.linear.gather [hbm4b:s9+s2], $0x50, $0x38;
	[tilespmem:$0x18A80] =	vst v63  }
0x84: {  	_ =	swait.ge [sflag:s18], $0x50  }
0x85: {  	[sflag:s18] =	ssyncset.done $0x0  }
0x86: {  	[sflag:s18] =	ssyncadd.s32 $0xFFFFFFB0  }
0x87: {  	[tilespmem:s19], [sflag:$0x3] =	stream.linear.gather [hbm4b:s10+s2], $0x50, $0x38;
	[tilespmem:$0x18A80] =	vst v63  }
0x88: {  	_ =	swait.ge [sflag:s18], $0x50  }
0x89: {  	[sflag:s18] =	ssyncset.done $0x0  }
0x8a: {  	[sflag:s18] =	ssyncadd.s32 $0xFFFFFFB0  }
0x8b: {  	[tilespmem:s21], [sflag:$0x1] =	stream.indirect.gather [hbm4b:s4+s20], $0x80, s2, s20, $0xb8;
	[tilespmem:$0x18A80] =	vst v63  }
0x8c: {  	_ =	swait.ge [sflag:s25], $0x2800  }
0x8d: {  	[sflag:s25] =	ssyncset.done $0x0  }
0x8e: {  	[sflag:s25] =	ssyncadd.s32 $0xFFFFD800  }
0x8f: {  	[spmem:s1] =	stream.indirect.scatter.add.f32 [tilespmem:s21], [sflag:$0x3], $0x80, s19, s20, $0xb8;
	[tilespmem:$0x18A80] =	vst v63  }
0x90: {  	_ =	swait.ge [sflag:s18], $0x2800  }
0x91: {  	[sflag:s18] =	ssyncset.done $0x0  }
0x92: {  	[sflag:s18] =	ssyncadd.s32 $0xFFFFD800  }
0x93: {  	[bflag:$0x0] =	sbarrier.arrive $0xFFFF  }
0x94: {  	s31 =	rddreg [dreg:$0x3]  }
0x95: {  	s0 =	sadd.s32 s31, s11  }
0x96: {  	[hbm:s0], [sflag:s6] =	dma.local [spmem:s17], $0x2700  }
0x97: {  	_ =	swait.ge [sflag:s18], $0x2700  }
0x98: {  	s28 =	sadd.s32 $0x1, s28;
	[sflag:s18] =	ssyncset.done $0x0  }
0x99: {  	p1 =	sne.s32 s28, s12;
	s0 =	sadd.s32 @!p0 $0x27000, s11;
	[sflag:s18] =	ssyncadd.s32 $0xFFFFD900  }
0x9a: {  	[hbm:s0], [sflag:s6] =	dma.local @!p0 [spmem:s29], $0x100  }
.Ltmp1:
0x9b: {  	_ = 	snop;
	(pc) =	sbr.rel @p1 .LBB2_1-.Ltmp1, $4  }
0x9c: {  	s0 =	simm.s32 @!p0 $0x3  }
0x9d: {  	_ =	swait.ge @!p0 [sflag:s0], $0x100  }
0x9e: {  	[sflag:s0] =	ssyncset.done @!p0 $0x0  }
0x9f: {  	[sflag:s0] =	ssyncadd.s32 @!p0 $0xFFFFFF00  }
0xa0: {  	_ =	sfence.sel $0x180000  }
0xa1: {  	[bflag:$0x0] =	sbarrier.arrive $0xFFFF  }
0xa2: {  	_ =	strace $0x90000050  }
0xa3: {  	[bflag:$0x2] =	sbarrier.arrive $0xFFFF  }
0xa4: {  	s0 =	rddreg [dreg:$0x2]  }
0xa5: {  	s0 =	sadd.s32 @!p0 $0x100000, s0  }
0xa6: {  	[sflag:s0] =	ssyncadd.tile.s32 @!p0 $0x1;
	_ =	shalt  }
.Lfunc_end2:
_tile_overlayer_lowered:
.L_overlay_start_2:
0xa7: {  	(tag) =	ssettag $0x2  }
0xa8: {  	s0 =	rddreg [dreg:$0x0];
	s2 =	stileid.u32  }
0xa9: {  	s1 =	rddreg [dreg:$0x1];
	p0 =	sne.s32 s2, $0x0  }
0xaa: {  	s3 =	rddreg [dreg:$0x2];
	[bflag:$0x3] =	sbarrier.arrive $0xFFFF;
	s2 =	simm.s32 @!p0 $0x1C03  }
0xab: {  	[timem:s3], [sflag:s2] =	dma.local @!p0 [hbm:s0], s1  }
0xac: {  	s0 =	simm.s32 @!p0 $0x3  }
0xad: {  	_ =	swait.ge @!p0 [sflag:s0], s1  }
0xae: {  	s1 =	ssub.s32 @!p0 $0x0, s1;
	[sflag:s0] =	ssyncset.done @!p0 $0x0  }
0xaf: {  	[sflag:s0] =	ssyncadd.s32 @!p0 s1  }
0xb0: {  	[bflag:$0x3] =	sbarrier.arrive $0xFFFF  }
0xb1: {  	_ =	shalt  }

// kernel: kernel.22.cloned.1.call-start
scs
__scs_entry_jumppad:
0x0: {  	(pc) =	sbr.rel $0x88, $3  }
0x1: {  	(tag) =	ssettag $0x0;
	lr =	simm.s32 $0x1  }
0x2: {  	[smem:$0x3F72] =	sst lr;
	_ =	strace $0xD0000000  }
0x3: {  	_ = 	snop  }
0x4: {  	_ = 	snop  }
0x5: {  	_ = 	snop  }
0x6: {  	_ = 	snop  }
0x7: {  	_ = 	snop  }
__scs_overlays_trampoline_lowered:
0x8: {  	[smem:$0x3F81] =	sst s0  }
0x9: {  	[smem:$0x3F82] =	sst s1  }
0xa: {  	[smem:$0x3F83] =	sst s2  }
0xb: {  	[smem:$0x3F84] =	sst s3  }
0xc: {  	[smem:$0x3F85] =	sst s4  }
0xd: {  	[smem:$0x3F86] =	sst s5  }
0xe: {  	[smem:$0x3F87] =	sst s6  }
0xf: {  	[smem:$0x3F88] =	sst s7  }
0x10: {  	[smem:$0x3F89] =	sst s8  }
0x11: {  	[smem:$0x3F8A] =	sst s9;
	s0 =	simm.s32 @!p0 $0x0  }
0x12: {  	s1 =	sld [smem:$0x3F70];
	s0 =	simm.s32 @p0 $0x1  }
0x13: {  	[smem:$0x3F8B] =	sst s0;
	s0 =	simm.s32 @!p1 $0x0  }
0x14: {  	s2 =	sld [smem:$0x3F6F];
	s0 =	simm.s32 @p1 $0x1  }
0x15: {  	[smem:$0x3F8C] =	sst s0;
	s0 =	simm.s32 @!p2 $0x0  }
0x16: {  	s3 =	sld [smem:$0x3FDB];
	s0 =	simm.s32 @p2 $0x1  }
0x17: {  	s4 =	simm.s32 $0x1BF5;
	[smem:$0x3F8E] =	sst s0  }
0x18: {  	s0 =	sld [smem:$0x3F71];
	_ =	swait.ge [sflag:s4], $0x0  }
0x19: {  	s7 =	sld [smem:$0x3F72]  }
0x1a: {  	s8 =	sadd.s32 $0xFFFFE003, lr  }
0x1b: {  	s9 =	sadd.s32 $0xFFFFFEF7, lr;
	s5 =	simm.s32 $0xFFFFFFFF;
	p2 =	slt.u32 s8, $0xFFFFF086  }
0x1c: {  	p1 =	slt.u32 s9, $0xF7A;
	s5 =	simm.s32 @!p2 $0x0  }
0x1d: {  	s5 =	simm.s32 @p1 $0x1;
	p0 =	seq.s32 s7, s2  }
0x1e: {  	s7 =	smul.u32 @!p0 $0xF7A, s2;
	p2 =	seq.s32 @!p0 s5, $0x0  }
0x1f: {  	s9 =	smul.u32 $0xF7A, s1;
	s8 =	simm.s32 @!p0 $0x1BF5;
	p2 =	por !p2, p0  }
0x20: {  	[sflag:s8] =	ssyncset.s32 @!p0 $0xFFFFF086;
	s6 =	sadd.s32 @!p0 s3, s7;
	s7 =	simm.s32 @!p0 $0x108  }
0x21: {  	s3 =	sadd.s32 s3, s9;
	s6 =	sadd.s32 @!p0 $0x88, s6;
	s7 =	simm.s32 @p2 $0x1082  }
0x22: {  	[simem:s7], [sflag:s8] =	dma.local @!p0 [hbm:s6], $0xF7A  }
0x23: {  	s9 =	sor.u32 $0xD0000000, s2;
	s6 =	simm.s32 $0x108;
	_ =	swait.ge @!p0 [sflag:s8], $0x0  }
0x24: {  	s3 =	sadd.s32 $0x88, s3;
	s6 =	simm.s32 @!p1 $0x1082;
	[sflag:s4] =	ssyncset.s32 $0xFFFFF086  }
0x25: {  	[simem:s6], [sflag:s4] =	dma.local [hbm:s3], $0xF7A  }
0x26: {  	[smem:$0x3F72] =	sst s1;
	(tag) =	ssettag s2;
	_ =	strace s9  }
0x27: {  	s1 =	sld [smem:$0x3F82]  }
0x28: {  	s2 =	sld [smem:$0x3F83]  }
0x29: {  	s4 =	sld [smem:$0x3F85]  }
0x2a: {  	p0 =	seq.s32 s5, $0x0;
	s5 =	sld [smem:$0x3F86]  }
0x2b: {  	s6 =	sld [smem:$0x3F87]  }
0x2c: {  	s7 =	sld [smem:$0x3F88]  }
0x2d: {  	s3 =	simm.s32 $0x108;
	s8 =	sld [smem:$0x3F89]  }
0x2e: {  	s3 =	simm.s32 @!p0 $0x1082;
	s9 =	sld [smem:$0x3F8A]  }
0x2f: {  	lr =	sadd.s32 s0, s3;
	s0 =	sld [smem:$0x3F81]  }
0x30: {  	s3 =	sld [smem:$0x3F84]  }
0x31: {  	[smem:$0x3F8D] =	sst s10  }
0x32: {  	s10 =	sld [smem:$0x3F8B];
	_ =	sdelay $0x3  }
0x33: {  	p0 =	seq.s32 s10, $0x1;
	s10 =	sld [smem:$0x3F8D];
	_ =	sdelay $0x3  }
0x34: {  	[smem:$0x3F8D] =	sst s10  }
0x35: {  	s10 =	sld [smem:$0x3F8C];
	_ =	sdelay $0x3  }
0x36: {  	p1 =	seq.s32 s10, $0x1;
	s10 =	sld [smem:$0x3F8D];
	_ =	sdelay $0x3  }
0x37: {  	[smem:$0x3F8D] =	sst s10  }
0x38: {  	s10 =	sld [smem:$0x3F8E]  }
0x39: {  	_ = 	snop;
	(pc) =	sbr.ind lr, $3  }
0x3a: {  	_ = 	snop  }
0x3b: {  	_ = 	snop  }
0x3c: {  	p2 =	seq.s32 s10, $0x1;
	s10 =	sld [smem:$0x3F8D]  }
0x3d: {  	_ =	shalt  }
0x3e: {  	_ =	shalt  }
0x3f: {  	_ =	shalt  }
0x40: {  	_ =	shalt  }
0x41: {  	_ =	shalt  }
0x42: {  	_ =	shalt  }
0x43: {  	_ =	shalt  }
0x44: {  	_ =	shalt  }
0x45: {  	_ =	shalt  }
0x46: {  	_ =	shalt  }
0x47: {  	_ =	shalt  }
0x48: {  	_ =	shalt  }
0x49: {  	_ =	shalt  }
0x4a: {  	_ =	shalt  }
0x4b: {  	_ =	shalt  }
0x4c: {  	_ =	shalt  }
0x4d: {  	_ =	shalt  }
0x4e: {  	_ =	shalt  }
0x4f: {  	_ =	shalt  }
0x50: {  	_ =	shalt  }
0x51: {  	_ =	shalt  }
0x52: {  	_ =	shalt  }
0x53: {  	_ =	shalt  }
0x54: {  	_ =	shalt  }
0x55: {  	_ =	shalt  }
0x56: {  	_ =	shalt  }
0x57: {  	_ =	shalt  }
0x58: {  	_ =	shalt  }
0x59: {  	_ =	shalt  }
0x5a: {  	_ =	shalt  }
0x5b: {  	_ =	shalt  }
0x5c: {  	_ =	shalt  }
0x5d: {  	_ =	shalt  }
0x5e: {  	_ =	shalt  }
0x5f: {  	_ =	shalt  }
0x60: {  	_ =	shalt  }
0x61: {  	_ =	shalt  }
0x62: {  	_ =	shalt  }
0x63: {  	_ =	shalt  }
0x64: {  	_ =	shalt  }
0x65: {  	_ =	shalt  }
0x66: {  	_ =	shalt  }
0x67: {  	_ =	shalt  }
0x68: {  	_ =	shalt  }
0x69: {  	_ =	shalt  }
0x6a: {  	_ =	shalt  }
0x6b: {  	_ =	shalt  }
0x6c: {  	_ =	shalt  }
0x6d: {  	_ =	shalt  }
0x6e: {  	_ =	shalt  }
0x6f: {  	_ =	shalt  }
0x70: {  	_ =	shalt  }
0x71: {  	_ =	shalt  }
0x72: {  	_ =	shalt  }
0x73: {  	_ =	shalt  }
0x74: {  	_ =	shalt  }
0x75: {  	_ =	shalt  }
0x76: {  	_ =	shalt  }
0x77: {  	_ =	shalt  }
0x78: {  	_ =	shalt  }
0x79: {  	_ =	shalt  }
0x7a: {  	_ =	shalt  }
0x7b: {  	_ =	shalt  }
0x7c: {  	_ =	shalt  }
0x7d: {  	_ =	shalt  }
0x7e: {  	_ =	shalt  }
0x7f: {  	_ =	shalt  }
0x80: {  	_ =	shalt  }
0x81: {  	_ =	shalt  }
0x82: {  	_ =	shalt  }
0x83: {  	_ =	shalt  }
0x84: {  	_ =	shalt  }
0x85: {  	_ =	shalt  }
0x86: {  	_ =	shalt  }
0x87: {  	_ =	shalt  }
.Lfunc_end0:
.L_simem_size_0:
called_computation.5_lowered:
.L_overlay_start_0:
0x88: {  	s2 =	sld [smem:$0x3FD9]  }
0x89: {  	s3 =	sld [smem:$0x3FFE];
	_ =	sdelay $0x1  }
0x8a: {  	s1 =	srdreg.scid  }
0x8b: {  	s0 =	sand.u32 $0x1, s1  }
0x8c: {  	s17 =	sshll.u32 s0, $0xA;
	s2 =	sadd.s32 s3, s2  }
0x8d: {  	s2 =	sadd.s32 s2, s17  }
0x8e: {  	[smem:$0x3F99] =	sst s2  }
0x8f: {  	_ = 	snop  }
0x90: {  	(tm) =	ssettm $0x1  }
0x91: {  	s18 =	sld [smem:$0x3FFB];
	_ =	sdelay $0x3  }
0x92: {  	_ =	strace s18  }
0x93: {  	s2 =	sld [smem:$0x3FFC];
	_ =	sdelay $0x3  }
0x94: {  	_ =	strace s2  }
0x95: {  	s2 =	sld [smem:$0x3FFD];
	_ =	sdelay $0x3  }
0x96: {  	_ =	strace s2  }
0x97: {  	_ =	strace $0x8FFFFFFF  }
0x98: {  	s19 =	sld [smem:$0x3FDB];
	_ =	sdelay $0x1  }
0x99: {  	s20 =	simm.s32 $_scs_section_size  }
0x9a: {  	s4 =	simm.s32 $_size__tile_overlayer_lowered;
	s5 =	simm.s32 $_tile_overlayer_lowered  }
0x9b: {  	s6 =	simm.s32 $0x1BFF;
	s21 =	sshll.u32 s5, $0x1;
	s3 =	sadd.s32 s20, s19  }
0x9c: {  	s22 =	simm.s32 $0x0;
	s4 =	sshll.u32 s4, $0x1;
	s5 =	sadd.s32 s21, s3  }
0x9d: {  	[timem:s22], [sflag:s6] =	dma.local [hbm:s5], s4  }
0x9e: {  	_ =	swait.ge [sflag:s6], s4  }
0x9f: {  	s4 =	ssub.s32 $0x0, s4;
	[sflag:s6] =	ssyncset.done $0x0  }
0xa0: {  	[sflag:s6] =	ssyncadd.s32 s4;
	_ =	sdelay $0x1  }
0xa1: {  	s23 =	simm.s32 $0x1B8B  }
0xa2: {  	_ =	swait.ge [sflag:s23], $0x1  }
0xa3: {  	[sflag:s23] =	ssyncset.done $0x0  }
0xa4: {  	[sflag:s23] =	ssyncadd.s32 $0xFFFFFFFF  }
0xa5: {  	s4 =	sld [smem:$0x0]  }
0xa6: {  	s5 =	sand.u32 $0xFFFFFFFE, s1  }
0xa7: {  	p0 =	sne.s32 s1, s5  }
0xa8: {  	s5 =	sshll.u32 @p0 s5, $0xE  }
0xa9: {  	s5 =	sadd.s32 @p0 $0x11B8D, s5;
	s6 =	sshll.u32 @p0 s4, $0x11  }
0xaa: {  	s5 =	sor.u32 @p0 s6, s5  }
0xab: {  	[sflag:s5] =	ssyncadd.remote.s32 @p0 $0x1;
	_ =	sdelay $0x1  }
0xac: {  	s5 =	simm.s32 @p0 $0x1B8D  }
0xad: {  	_ =	swait.eq @p0 [sflag:s5], $0x1  }
0xae: {  	[sflag:s5] =	ssyncadd.s32 @p0 $0xFFFFFFFF  }
0xaf: {  	s6 =	sshll.u32 @!p0 s1, $0xE  }
0xb0: {  	s6 =	sor.u32 @!p0 $0x4000, s6;
	s5 =	simm.s32 @!p0 $0x1B8D  }
0xb1: {  	s4 =	sshll.u32 @!p0 s4, $0x11;
	s6 =	sadd.s32 @!p0 $0x11B8D, s6;
	_ =	swait.eq @!p0 [sflag:s5], $0x1  }
0xb2: {  	s4 =	sor.u32 @!p0 s4, s6;
	[sflag:s5] =	ssyncadd.s32 @!p0 $0xFFFFFFFF  }
0xb3: {  	s25 =	simm.s32 $0x1B8E;
	s24 =	sld [smem:$0x3FFE];
	[sflag:s4] =	ssyncadd.remote.s32 @!p0 $0x1  }
0xb4: {  	s26 =	simm.s32 $execute0_lowered;
	[smem:$0x3FD2] =	sst s25  }
0xb5: {  	s5 =	sshll.u32 s26, $0x1;
	_ =	strace $0x80000055;
	[dreg:$0x1] =	wrdreg $0xFFFFFFFF  }
0xb6: {  	s28 =	simm.s32 $_size_execute0_lowered;
	s3 =	sadd.s32 s3, s5;
	[dreg:$0x0] =	wrdreg $0x0  }
0xb7: {  	s5 =	sshll.u32 s28, $0x1;
	[dreg:$0x2] =	wrdreg s3  }
0xb8: {  	[dreg:$0x3] =	wrdreg s5  }
0xb9: {  	[dreg:$0x4] =	wrdreg $0xC0  }
0xba: {  	_ =	task [dreg:s22], $0x5FFFF  }
0xbb: {  	[dreg:$0x1] =	wrdreg $0xFFFFFFFF  }
0xbc: {  	[dreg:$0x0] =	wrdreg $0x60  }
0xbd: {  	[dreg:$0x2] =	wrdreg s24  }
0xbe: {  	[dreg:$0x3] =	wrdreg $0x52000  }
0xbf: {  	[dreg:$0x4] =	wrdreg $0xA  }
0xc0: {  	_ =	task.clear_ibuf [dreg:s22], $0x5FFFF;
	_ =	strace $0x90000055  }
0xc1: {  	s29 =	simm.s32 $0xA;
	_ =	strace $0x80000057  }
0xc2: {  	_ =	swait.ge [sflag:s29], $0x1  }
0xc3: {  	[sflag:s29] =	ssyncadd.s32 $0xFFFFFFFF  }
0xc4: {  	_ =	strace $0x90000057  }
0xc5: {  	_ =	sfence  }
0xc6: {  	s30 =	sld [smem:$0x0];
	_ =	sdelay $0x2  }
0xc7: {  	s31 =	sshll.u32 s1, $0xD;
	s1 =	sshrl.u32 s1, $0x2  }
0xc8: {  	s4 =	sand.u32 $0x4000, s31;
	s1 =	sadd.s32 s1, s30  }
0xc9: {  	s0 =	sor.u32 s4, s0;
	s1 =	sshll.u32 s1, $0x11  }
0xca: {  	s0 =	sor.u32 s1, s0  }
0xcb: {  	s0 =	sadd.s32 $0x8F2B, s0  }
0xcc: {  	[sflag:s0] =	ssyncadd.remote.s32 $0x1  }
0xcd: {  	_ =	sfence.sel $0xFFFF  }
0xce: {  	[dreg:$0x0] =	wrdreg $0xFFFFFFFF;
	(pc) =	sbr.abs _section_cstart, $3  }
0xcf: {  	[dreg:$0x1] =	wrdreg $0xFFFFFFFF  }
0xd0: {  	_ =	task.clear_ibuf [dreg:s22], $0x2FFFF;
	_ =	strace $0x9FFFFFFF  }
0xd1: {  	(tm) =	ssettm $0x7FFFFFFF  }
tec
execute0_lowered:
.L_overlay_start_1:
0x0: {  	(tag) =	ssettag $0x1  }
0x1: {  	s0 =	rddreg [dreg:$0x0]  }
0x2: {  	s1 =	rddreg [dreg:$0x1];
	s2 =	simm.s32 $0x0;
	s17 =	stileid.u32  }
0x3: {  	s5 =	srdreg.scid;
	s19 =	simm.s32 $0x80;
	s20 =	simm.s32 $0x50  }
0x4: {  	s21 =	simm.s32 $0x200;
	s22 =	simm.s32 $0x100;
	s23 =	simm.s32 $0x180  }
0x5: {  	s28 =	simm.s32 $0x0;
	[smem:$0x7FF] =	sst s2;
	s3 =	smul.u32 $0x2700, s17  }
0x6: {  	s4 =	sadd.s32 $0x1AA00, s0;
	s16 =	sadd.s32 $0x6E00, s0;
	s5 =	sand.u32 $0x1, s5  }
0x7: {  	s15 =	sadd.s32 $0x10C00, s0;
	s8 =	smul.u32 $0x4E000, s17;
	s26 =	sshll.u32 s17, $0x6  }
0x8: {  	s14 =	smul.u32 $0x2710, s17;
	p0 =	sne.s32 s17, $0x0;
	_ =	strace $0x80000056  }
0x9: {  	s11 =	smul.u32 $0x27100, s5;
	s7 =	ssub.s32 $0x2, s5;
	s5 =	sshll.u32 s5, $0x4  }
0xa: {  	[dreg:$0x3] =	wrdreg s3;
	s6 =	sadd.s32 s3, s0;
	s9 =	sshrl.u32 s7, $0x1  }
0xb: {  	s5 =	sor.u32 s17, s5;
	s24 =	sshrl.u32 s8, $0x2;
	s8 =	sadd.s32 $0x68C00, s0  }
0xc: {  	s12 =	sadd.s32 s11, s0;
	s13 =	ssub.s32 s7, s9;
	s25 =	smul.u32 $0x2710, s5  }
0xd: {  	s18 =	sadd.s32 s24, s1;
	s3 =	sadd.s32 $0x41C00, s6;
	s6 =	sor.u32 $0x1C03, s26  }
0xe: {  	s7 =	sadd.s32 $0x138000, s1;
	s31 =	sadd.s32 s14, s11;
	s24 =	simm.s32 $0x2A00  }
0xf: {  	s26 =	simm.s32 $0x2;
	[dreg:$0x4] =	wrdreg s3;
	s11 =	sadd.s32 $0x68E00, s12  }
0x10: {  	s14 =	sshrl.u32 s31, $0x3;
	s0 =	sadd.s32 $0x50, s31;
	s12 =	smax.u32 s13, $0x1  }
0x11: {  	s17 =	sshrl.u32 s18, $0x3;
	s18 =	simm.s32 $0x3;
	s29 =	sshrl.u32 s25, $0x3  }
0x12: {  	s13 =	sadd.s32 s14, s15;
	s0 =	sshrl.u32 s0, $0x3;
	s30 =	sadd.s32 $0x4D8, s29  }
0x13: {  	s14 =	sadd.s32 s14, s16;
	s25 =	simm.s32 $0x1;
	s9 =	sadd.s32 s16, s30  }
0x14: {  	s10 =	sadd.s32 s15, s30;
	s15 =	sadd.s32 s0, s15;
	s16 =	sadd.s32 s0, s16  }
.LBB2_1:
0x15: {  	s0 =	rddreg [dreg:$0x4]  }
0x16: {  	[spmem:s17], [sflag:s6] =	dma.local [hbm:s0], $0x2700  }
0x17: {  	_ =	swait.ge [sflag:s18], $0x2700  }
0x18: {  	[sflag:s18] =	ssyncset.done $0x0  }
0x19: {  	s29 =	sshrl.u32 @!p0 s7, $0x3;
	s0 =	simm.s32 @!p0 $0x3;
	[sflag:s18] =	ssyncadd.s32 $0xFFFFD900  }
0x1a: {  	[spmem:s29], [sflag:s6] =	dma.local @!p0 [hbm:s8], $0x100  }
0x1b: {  	_ =	swait.ge @!p0 [sflag:s0], $0x100  }
0x1c: {  	[sflag:s0] =	ssyncset.done @!p0 $0x0  }
0x1d: {  	[sflag:s0] =	ssyncadd.s32 @!p0 $0xFFFFFF00  }
0x1e: {  	s3 =	sadd.s32 $0x0, s14;
	[bflag:$0x0] =	sbarrier.arrive $0xFFFF  }
0x1f: {  	[tilespmem:s2], [sflag:$0x3] =	stream.linear.gather [hbm4b:s3+s2], $0x50, $0x38;
	[tilespmem:$0x18A80] =	vst v63  }
0x20: {  	_ =	swait.ge [sflag:s18], $0x50  }
0x21: {  	[sflag:s18] =	ssyncset.done $0x0  }
0x22: {  	s5 =	sadd.s32 $0x0, s13;
	[sflag:s18] =	ssyncadd.s32 $0xFFFFFFB0  }
0x23: {  	[tilespmem:s19], [sflag:$0x3] =	stream.linear.gather [hbm4b:s5+s2], $0x50, $0x38;
	[tilespmem:$0x18A80] =	vst v63  }
0x24: {  	_ =	swait.ge [sflag:s18], $0x50  }
0x25: {  	[sflag:s18] =	ssyncset.done $0x0  }
0x26: {  	[sflag:s18] =	ssyncadd.s32 $0xFFFFFFB0  }
0x27: {  	[tilespmem:s21], [sflag:$0x1] =	stream.indirect.gather [hbm4b:s4+s20], $0x80, s2, s20, $0xb8;
	[tilespmem:$0x18A80] =	vst v63  }
0x28: {  	s3 =	sadd.s32 $0x0, s16  }
0x29: {  	[tilespmem:s22], [sflag:$0x3] =	stream.linear.gather [hbm4b:s3+s2], $0x50, $0x38;
	[tilespmem:$0x18A80] =	vst v63  }
0x2a: {  	_ =	swait.ge [sflag:s18], $0x50  }
0x2b: {  	[sflag:s18] =	ssyncset.done $0x0  }
0x2c: {  	s5 =	sadd.s32 $0x0, s15;
	[sflag:s18] =	ssyncadd.s32 $0xFFFFFFB0  }
0x2d: {  	[tilespmem:s23], [sflag:$0x3] =	stream.linear.gather [hbm4b:s5+s2], $0x50, $0x38;
	[tilespmem:$0x18A80] =	vst v63  }
0x2e: {  	_ =	swait.ge [sflag:s18], $0x50  }
0x2f: {  	[sflag:s18] =	ssyncset.done $0x0  }
0x30: {  	[sflag:s18] =	ssyncadd.s32 $0xFFFFFFB0  }
0x31: {  	[tilespmem:s24], [sflag:$0x2] =	stream.indirect.gather [hbm4b:s4+s20], $0x80, s22, s20, $0xb8;
	[tilespmem:$0x18A80] =	vst v63  }
0x32: {  	_ =	swait.ge [sflag:s25], $0x2800  }
0x33: {  	[sflag:s25] =	ssyncset.done $0x0  }
0x34: {  	[sflag:s25] =	ssyncadd.s32 $0xFFFFD800  }
0x35: {  	[spmem:s1] =	stream.indirect.scatter.add.f32 [tilespmem:s21], [sflag:$0x3], $0x80, s19, s20, $0xb8;
	[tilespmem:$0x18A80] =	vst v63  }
0x36: {  	_ =	swait.ge [sflag:s18], $0x2800  }
0x37: {  	[sflag:s18] =	ssyncset.done $0x0  }
0x38: {  	[sflag:s18] =	ssyncadd.s32 $0xFFFFD800  }
0x39: {  	_ =	swait.ge [sflag:s26], $0x2800  }
0x3a: {  	[sflag:s26] =	ssyncset.done $0x0  }
0x3b: {  	[sflag:s26] =	ssyncadd.s32 $0xFFFFD800  }
0x3c: {  	[spmem:s1] =	stream.indirect.scatter.add.f32 [tilespmem:s24], [sflag:$0x3], $0x80, s23, s20, $0xb8;
	[tilespmem:$0x18A80] =	vst v63  }
0x3d: {  	_ =	swait.ge [sflag:s18], $0x2800  }
0x3e: {  	s30 =	simm.s32 $0x14;
	s31 =	simm.s32 $0x28;
	[sflag:s18] =	ssyncset.done $0x0  }
.LBB2_2:
0x3f: {  	s3 =	sadd.s32 s30, s14  }
0x40: {  	[sflag:s18] =	ssyncadd.s32 $0xFFFFD800;
	s5 =	smov.u32 s31;
	s0 =	sadd.s32 $0x14, s31  }
0x41: {  	[tilespmem:s2], [sflag:$0x3] =	stream.linear.gather [hbm4b:s3+s2], $0x50, $0x38;
	[tilespmem:$0x18A80] =	vst v63  }
0x42: {  	p1 =	sne.s32 s31, $0x4C4;
	_ =	swait.ge [sflag:s18], $0x50  }
0x43: {  	[sflag:s18] =	ssyncset.done $0x0  }
0x44: {  	s3 =	sadd.s32 s30, s13;
	[sflag:s18] =	ssyncadd.s32 $0xFFFFFFB0  }
0x45: {  	[tilespmem:s19], [sflag:$0x3] =	stream.linear.gather [hbm4b:s3+s2], $0x50, $0x38;
	[tilespmem:$0x18A80] =	vst v63  }
0x46: {  	_ =	swait.ge [sflag:s18], $0x50  }
0x47: {  	[sflag:s18] =	ssyncset.done $0x0  }
0x48: {  	[sflag:s18] =	ssyncadd.s32 $0xFFFFFFB0  }
0x49: {  	[tilespmem:s21], [sflag:$0x1] =	stream.indirect.gather [hbm4b:s4+s20], $0x80, s2, s20, $0xb8;
	[tilespmem:$0x18A80] =	vst v63  }
0x4a: {  	s3 =	sadd.s32 s30, s16  }
0x4b: {  	[tilespmem:s22], [sflag:$0x3] =	stream.linear.gather [hbm4b:s3+s2], $0x50, $0x38;
	[tilespmem:$0x18A80] =	vst v63  }
0x4c: {  	_ =	swait.ge [sflag:s18], $0x50  }
0x4d: {  	[sflag:s18] =	ssyncset.done $0x0  }
0x4e: {  	s3 =	sadd.s32 s30, s15;
	s30 =	smov.u32 s5;
	[sflag:s18] =	ssyncadd.s32 $0xFFFFFFB0  }
0x4f: {  	[tilespmem:s23], [sflag:$0x3] =	stream.linear.gather [hbm4b:s3+s2], $0x50, $0x38;
	[tilespmem:$0x18A80] =	vst v63  }
0x50: {  	_ =	swait.ge [sflag:s18], $0x50  }
0x51: {  	[sflag:s18] =	ssyncset.done $0x0  }
0x52: {  	[sflag:s18] =	ssyncadd.s32 $0xFFFFFFB0  }
0x53: {  	[tilespmem:s24], [sflag:$0x2] =	stream.indirect.gather [hbm4b:s4+s20], $0x80, s22, s20, $0xb8;
	[tilespmem:$0x18A80] =	vst v63  }
0x54: {  	_ =	swait.ge [sflag:s25], $0x2800  }
0x55: {  	[sflag:s25] =	ssyncset.done $0x0  }
0x56: {  	[sflag:s25] =	ssyncadd.s32 $0xFFFFD800  }
0x57: {  	[spmem:s1] =	stream.indirect.scatter.add.f32 [tilespmem:s21], [sflag:$0x3], $0x80, s19, s20, $0xb8;
	[tilespmem:$0x18A80] =	vst v63  }
0x58: {  	_ =	swait.ge [sflag:s18], $0x2800  }
0x59: {  	[sflag:s18] =	ssyncset.done $0x0  }
0x5a: {  	[sflag:s18] =	ssyncadd.s32 $0xFFFFD800  }
0x5b: {  	_ =	swait.ge [sflag:s26], $0x2800  }
.Ltmp0:
0x5c: {  	[sflag:s26] =	ssyncset.done $0x0;
	(pc) =	sbr.rel @p1 .LBB2_2-.Ltmp0, $4  }
0x5d: {  	[sflag:s26] =	ssyncadd.s32 $0xFFFFD800  }
0x5e: {  	[spmem:s1] =	stream.indirect.scatter.add.f32 [tilespmem:s24], [sflag:$0x3], $0x80, s23, s20, $0xb8;
	[tilespmem:$0x18A80] =	vst v63  }
0x5f: {  	_ =	swait.ge [sflag:s18], $0x2800  }
0x60: {  	s31 =	smov.u32 s0;
	[sflag:s18] =	ssyncset.done $0x0  }
0x61: {  	s0 =	sadd.s32 s30, s14;
	[sflag:s18] =	ssyncadd.s32 $0xFFFFD800  }
0x62: {  	[tilespmem:s2], [sflag:$0x3] =	stream.linear.gather [hbm4b:s0+s2], $0x50, $0x38;
	[tilespmem:$0x18A80] =	vst v63  }
0x63: {  	_ =	swait.ge [sflag:s18], $0x50  }
0x64: {  	[sflag:s18] =	ssyncset.done $0x0  }
0x65: {  	s3 =	sadd.s32 s30, s13;
	[sflag:s18] =	ssyncadd.s32 $0xFFFFFFB0  }
0x66: {  	[tilespmem:s19], [sflag:$0x3] =	stream.linear.gather [hbm4b:s3+s2], $0x50, $0x38;
	[tilespmem:$0x18A80] =	vst v63  }
0x67: {  	_ =	swait.ge [sflag:s18], $0x50  }
0x68: {  	[sflag:s18] =	ssyncset.done $0x0  }
0x69: {  	[sflag:s18] =	ssyncadd.s32 $0xFFFFFFB0  }
0x6a: {  	[tilespmem:s21], [sflag:$0x1] =	stream.indirect.gather [hbm4b:s4+s20], $0x80, s2, s20, $0xb8;
	[tilespmem:$0x18A80] =	vst v63  }
0x6b: {  	s5 =	sadd.s32 s30, s16  }
0x6c: {  	[tilespmem:s22], [sflag:$0x3] =	stream.linear.gather [hbm4b:s5+s2], $0x50, $0x38;
	[tilespmem:$0x18A80] =	vst v63  }
0x6d: {  	_ =	swait.ge [sflag:s18], $0x50  }
0x6e: {  	[sflag:s18] =	ssyncset.done $0x0  }
0x6f: {  	s30 =	sadd.s32 s30, s15;
	[sflag:s18] =	ssyncadd.s32 $0xFFFFFFB0  }
0x70: {  	[tilespmem:s23], [sflag:$0x3] =	stream.linear.gather [hbm4b:s30+s2], $0x50, $0x38;
	[tilespmem:$0x18A80] =	vst v63  }
0x71: {  	_ =	swait.ge [sflag:s18], $0x50  }
0x72: {  	[sflag:s18] =	ssyncset.done $0x0  }
0x73: {  	[sflag:s18] =	ssyncadd.s32 $0xFFFFFFB0  }
0x74: {  	[tilespmem:s24], [sflag:$0x2] =	stream.indirect.gather [hbm4b:s4+s20], $0x80, s22, s20, $0xb8;
	[tilespmem:$0x18A80] =	vst v63  }
0x75: {  	_ =	swait.ge [sflag:s25], $0x2800  }
0x76: {  	[sflag:s25] =	ssyncset.done $0x0  }
0x77: {  	[sflag:s25] =	ssyncadd.s32 $0xFFFFD800  }
0x78: {  	[spmem:s1] =	stream.indirect.scatter.add.f32 [tilespmem:s21], [sflag:$0x3], $0x80, s19, s20, $0xb8;
	[tilespmem:$0x18A80] =	vst v63  }
0x79: {  	_ =	swait.ge [sflag:s18], $0x2800  }
0x7a: {  	[sflag:s18] =	ssyncset.done $0x0  }
0x7b: {  	[sflag:s18] =	ssyncadd.s32 $0xFFFFD800  }
0x7c: {  	_ =	swait.ge [sflag:s26], $0x2800  }
0x7d: {  	[sflag:s26] =	ssyncset.done $0x0  }
0x7e: {  	[sflag:s26] =	ssyncadd.s32 $0xFFFFD800  }
0x7f: {  	[spmem:s1] =	stream.indirect.scatter.add.f32 [tilespmem:s24], [sflag:$0x3], $0x80, s23, s20, $0xb8;
	[tilespmem:$0x18A80] =	vst v63  }
0x80: {  	_ =	swait.ge [sflag:s18], $0x2800  }
0x81: {  	[sflag:s18] =	ssyncset.done $0x0  }
0x82: {  	[sflag:s18] =	ssyncadd.s32 $0xFFFFD800  }
0x83: {  	[tilespmem:s2], [sflag:$0x3] =	stream.linear.gather [hbm4b:s9+s2], $0x50, $0x38;
	[tilespmem:$0x18A80] =	vst v63  }
0x84: {  	_ =	swait.ge [sflag:s18], $0x50  }
0x85: {  	[sflag:s18] =	ssyncset.done $0x0  }
0x86: {  	[sflag:s18] =	ssyncadd.s32 $0xFFFFFFB0  }
0x87: {  	[tilespmem:s19], [sflag:$0x3] =	stream.linear.gather [hbm4b:s10+s2], $0x50, $0x38;
	[tilespmem:$0x18A80] =	vst v63  }
0x88: {  	_ =	swait.ge [sflag:s18], $0x50  }
0x89: {  	[sflag:s18] =	ssyncset.done $0x0  }
0x8a: {  	[sflag:s18] =	ssyncadd.s32 $0xFFFFFFB0  }
0x8b: {  	[tilespmem:s21], [sflag:$0x1] =	stream.indirect.gather [hbm4b:s4+s20], $0x80, s2, s20, $0xb8;
	[tilespmem:$0x18A80] =	vst v63  }
0x8c: {  	_ =	swait.ge [sflag:s25], $0x2800  }
0x8d: {  	[sflag:s25] =	ssyncset.done $0x0  }
0x8e: {  	[sflag:s25] =	ssyncadd.s32 $0xFFFFD800  }
0x8f: {  	[spmem:s1] =	stream.indirect.scatter.add.f32 [tilespmem:s21], [sflag:$0x3], $0x80, s19, s20, $0xb8;
	[tilespmem:$0x18A80] =	vst v63  }
0x90: {  	_ =	swait.ge [sflag:s18], $0x2800  }
0x91: {  	[sflag:s18] =	ssyncset.done $0x0  }
0x92: {  	[sflag:s18] =	ssyncadd.s32 $0xFFFFD800  }
0x93: {  	[bflag:$0x0] =	sbarrier.arrive $0xFFFF  }
0x94: {  	s31 =	rddreg [dreg:$0x3]  }
0x95: {  	s0 =	sadd.s32 s31, s11  }
0x96: {  	[hbm:s0], [sflag:s6] =	dma.local [spmem:s17], $0x2700  }
0x97: {  	_ =	swait.ge [sflag:s18], $0x2700  }
0x98: {  	s28 =	sadd.s32 $0x1, s28;
	[sflag:s18] =	ssyncset.done $0x0  }
0x99: {  	p1 =	sne.s32 s28, s12;
	s0 =	sadd.s32 @!p0 $0x27000, s11;
	[sflag:s18] =	ssyncadd.s32 $0xFFFFD900  }
0x9a: {  	[hbm:s0], [sflag:s6] =	dma.local @!p0 [spmem:s29], $0x100  }
.Ltmp1:
0x9b: {  	_ = 	snop;
	(pc) =	sbr.rel @p1 .LBB2_1-.Ltmp1, $4  }
0x9c: {  	s0 =	simm.s32 @!p0 $0x3  }
0x9d: {  	_ =	swait.ge @!p0 [sflag:s0], $0x100  }
0x9e: {  	[sflag:s0] =	ssyncset.done @!p0 $0x0  }
0x9f: {  	[sflag:s0] =	ssyncadd.s32 @!p0 $0xFFFFFF00  }
0xa0: {  	_ =	sfence.sel $0x180000  }
0xa1: {  	[bflag:$0x0] =	sbarrier.arrive $0xFFFF  }
0xa2: {  	_ =	strace $0x90000056  }
0xa3: {  	[bflag:$0x2] =	sbarrier.arrive $0xFFFF  }
0xa4: {  	s0 =	rddreg [dreg:$0x2]  }
0xa5: {  	s0 =	sadd.s32 @!p0 $0x100000, s0  }
0xa6: {  	[sflag:s0] =	ssyncadd.tile.s32 @!p0 $0x1;
	_ =	shalt  }
.Lfunc_end2:
_tile_overlayer_lowered:
.L_overlay_start_2:
0xa7: {  	(tag) =	ssettag $0x2  }
0xa8: {  	s0 =	rddreg [dreg:$0x0];
	s2 =	stileid.u32  }
0xa9: {  	s1 =	rddreg [dreg:$0x1];
	p0 =	sne.s32 s2, $0x0  }
0xaa: {  	s3 =	rddreg [dreg:$0x2];
	[bflag:$0x3] =	sbarrier.arrive $0xFFFF;
	s2 =	simm.s32 @!p0 $0x1C03  }
0xab: {  	[timem:s3], [sflag:s2] =	dma.local @!p0 [hbm:s0], s1  }
0xac: {  	s0 =	simm.s32 @!p0 $0x3  }
0xad: {  	_ =	swait.ge @!p0 [sflag:s0], s1  }
0xae: {  	s1 =	ssub.s32 @!p0 $0x0, s1;
	[sflag:s0] =	ssyncset.done @!p0 $0x0  }
0xaf: {  	[sflag:s0] =	ssyncadd.s32 @!p0 s1  }
0xb0: {  	[bflag:$0x3] =	sbarrier.arrive $0xFFFF  }
0xb1: {  	_ =	shalt  }

// kernel: scatter_offload_async_start.1
scs
__scs_entry_jumppad:
0x0: {  	(pc) =	sbr.rel $0x88, $3  }
0x1: {  	(tag) =	ssettag $0x0;
	lr =	simm.s32 $0x1  }
0x2: {  	[smem:$0x3F72] =	sst lr;
	_ =	strace $0xD0000000  }
0x3: {  	_ = 	snop  }
0x4: {  	_ = 	snop  }
0x5: {  	_ = 	snop  }
0x6: {  	_ = 	snop  }
0x7: {  	_ = 	snop  }
__scs_overlays_trampoline_lowered:
0x8: {  	[smem:$0x3F81] =	sst s0  }
0x9: {  	[smem:$0x3F82] =	sst s1  }
0xa: {  	[smem:$0x3F83] =	sst s2  }
0xb: {  	[smem:$0x3F84] =	sst s3  }
0xc: {  	[smem:$0x3F85] =	sst s4  }
0xd: {  	[smem:$0x3F86] =	sst s5  }
0xe: {  	[smem:$0x3F87] =	sst s6  }
0xf: {  	[smem:$0x3F88] =	sst s7  }
0x10: {  	[smem:$0x3F89] =	sst s8  }
0x11: {  	[smem:$0x3F8A] =	sst s9;
	s0 =	simm.s32 @!p0 $0x0  }
0x12: {  	s1 =	sld [smem:$0x3F70];
	s0 =	simm.s32 @p0 $0x1  }
0x13: {  	[smem:$0x3F8B] =	sst s0;
	s0 =	simm.s32 @!p1 $0x0  }
0x14: {  	s2 =	sld [smem:$0x3F6F];
	s0 =	simm.s32 @p1 $0x1  }
0x15: {  	[smem:$0x3F8C] =	sst s0;
	s0 =	simm.s32 @!p2 $0x0  }
0x16: {  	s3 =	sld [smem:$0x3FDB];
	s0 =	simm.s32 @p2 $0x1  }
0x17: {  	s4 =	simm.s32 $0x1BF5;
	[smem:$0x3F8E] =	sst s0  }
0x18: {  	s0 =	sld [smem:$0x3F71];
	_ =	swait.ge [sflag:s4], $0x0  }
0x19: {  	s7 =	sld [smem:$0x3F72]  }
0x1a: {  	s8 =	sadd.s32 $0xFFFFE003, lr  }
0x1b: {  	s9 =	sadd.s32 $0xFFFFFEF7, lr;
	s5 =	simm.s32 $0xFFFFFFFF;
	p2 =	slt.u32 s8, $0xFFFFF086  }
0x1c: {  	p1 =	slt.u32 s9, $0xF7A;
	s5 =	simm.s32 @!p2 $0x0  }
0x1d: {  	s5 =	simm.s32 @p1 $0x1;
	p0 =	seq.s32 s7, s2  }
0x1e: {  	s7 =	smul.u32 @!p0 $0xF7A, s2;
	p2 =	seq.s32 @!p0 s5, $0x0  }
0x1f: {  	s9 =	smul.u32 $0xF7A, s1;
	s8 =	simm.s32 @!p0 $0x1BF5;
	p2 =	por !p2, p0  }
0x20: {  	[sflag:s8] =	ssyncset.s32 @!p0 $0xFFFFF086;
	s6 =	sadd.s32 @!p0 s3, s7;
	s7 =	simm.s32 @!p0 $0x108  }
0x21: {  	s3 =	sadd.s32 s3, s9;
	s6 =	sadd.s32 @!p0 $0x88, s6;
	s7 =	simm.s32 @p2 $0x1082  }
0x22: {  	[simem:s7], [sflag:s8] =	dma.local @!p0 [hbm:s6], $0xF7A  }
0x23: {  	s9 =	sor.u32 $0xD0000000, s2;
	s6 =	simm.s32 $0x108;
	_ =	swait.ge @!p0 [sflag:s8], $0x0  }
0x24: {  	s3 =	sadd.s32 $0x88, s3;
	s6 =	simm.s32 @!p1 $0x1082;
	[sflag:s4] =	ssyncset.s32 $0xFFFFF086  }
0x25: {  	[simem:s6], [sflag:s4] =	dma.local [hbm:s3], $0xF7A  }
0x26: {  	[smem:$0x3F72] =	sst s1;
	(tag) =	ssettag s2;
	_ =	strace s9  }
0x27: {  	s1 =	sld [smem:$0x3F82]  }
0x28: {  	s2 =	sld [smem:$0x3F83]  }
0x29: {  	s4 =	sld [smem:$0x3F85]  }
0x2a: {  	p0 =	seq.s32 s5, $0x0;
	s5 =	sld [smem:$0x3F86]  }
0x2b: {  	s6 =	sld [smem:$0x3F87]  }
0x2c: {  	s7 =	sld [smem:$0x3F88]  }
0x2d: {  	s3 =	simm.s32 $0x108;
	s8 =	sld [smem:$0x3F89]  }
0x2e: {  	s3 =	simm.s32 @!p0 $0x1082;
	s9 =	sld [smem:$0x3F8A]  }
0x2f: {  	lr =	sadd.s32 s0, s3;
	s0 =	sld [smem:$0x3F81]  }
0x30: {  	s3 =	sld [smem:$0x3F84]  }
0x31: {  	[smem:$0x3F8D] =	sst s10  }
0x32: {  	s10 =	sld [smem:$0x3F8B];
	_ =	sdelay $0x3  }
0x33: {  	p0 =	seq.s32 s10, $0x1;
	s10 =	sld [smem:$0x3F8D];
	_ =	sdelay $0x3  }
0x34: {  	[smem:$0x3F8D] =	sst s10  }
0x35: {  	s10 =	sld [smem:$0x3F8C];
	_ =	sdelay $0x3  }
0x36: {  	p1 =	seq.s32 s10, $0x1;
	s10 =	sld [smem:$0x3F8D];
	_ =	sdelay $0x3  }
0x37: {  	[smem:$0x3F8D] =	sst s10  }
0x38: {  	s10 =	sld [smem:$0x3F8E]  }
0x39: {  	_ = 	snop;
	(pc) =	sbr.ind lr, $3  }
0x3a: {  	_ = 	snop  }
0x3b: {  	_ = 	snop  }
0x3c: {  	p2 =	seq.s32 s10, $0x1;
	s10 =	sld [smem:$0x3F8D]  }
0x3d: {  	_ =	shalt  }
0x3e: {  	_ =	shalt  }
0x3f: {  	_ =	shalt  }
0x40: {  	_ =	shalt  }
0x41: {  	_ =	shalt  }
0x42: {  	_ =	shalt  }
0x43: {  	_ =	shalt  }
0x44: {  	_ =	shalt  }
0x45: {  	_ =	shalt  }
0x46: {  	_ =	shalt  }
0x47: {  	_ =	shalt  }
0x48: {  	_ =	shalt  }
0x49: {  	_ =	shalt  }
0x4a: {  	_ =	shalt  }
0x4b: {  	_ =	shalt  }
0x4c: {  	_ =	shalt  }
0x4d: {  	_ =	shalt  }
0x4e: {  	_ =	shalt  }
0x4f: {  	_ =	shalt  }
0x50: {  	_ =	shalt  }
0x51: {  	_ =	shalt  }
0x52: {  	_ =	shalt  }
0x53: {  	_ =	shalt  }
0x54: {  	_ =	shalt  }
0x55: {  	_ =	shalt  }
0x56: {  	_ =	shalt  }
0x57: {  	_ =	shalt  }
0x58: {  	_ =	shalt  }
0x59: {  	_ =	shalt  }
0x5a: {  	_ =	shalt  }
0x5b: {  	_ =	shalt  }
0x5c: {  	_ =	shalt  }
0x5d: {  	_ =	shalt  }
0x5e: {  	_ =	shalt  }
0x5f: {  	_ =	shalt  }
0x60: {  	_ =	shalt  }
0x61: {  	_ =	shalt  }
0x62: {  	_ =	shalt  }
0x63: {  	_ =	shalt  }
0x64: {  	_ =	shalt  }
0x65: {  	_ =	shalt  }
0x66: {  	_ =	shalt  }
0x67: {  	_ =	shalt  }
0x68: {  	_ =	shalt  }
0x69: {  	_ =	shalt  }
0x6a: {  	_ =	shalt  }
0x6b: {  	_ =	shalt  }
0x6c: {  	_ =	shalt  }
0x6d: {  	_ =	shalt  }
0x6e: {  	_ =	shalt  }
0x6f: {  	_ =	shalt  }
0x70: {  	_ =	shalt  }
0x71: {  	_ =	shalt  }
0x72: {  	_ =	shalt  }
0x73: {  	_ =	shalt  }
0x74: {  	_ =	shalt  }
0x75: {  	_ =	shalt  }
0x76: {  	_ =	shalt  }
0x77: {  	_ =	shalt  }
0x78: {  	_ =	shalt  }
0x79: {  	_ =	shalt  }
0x7a: {  	_ =	shalt  }
0x7b: {  	_ =	shalt  }
0x7c: {  	_ =	shalt  }
0x7d: {  	_ =	shalt  }
0x7e: {  	_ =	shalt  }
0x7f: {  	_ =	shalt  }
0x80: {  	_ =	shalt  }
0x81: {  	_ =	shalt  }
0x82: {  	_ =	shalt  }
0x83: {  	_ =	shalt  }
0x84: {  	_ =	shalt  }
0x85: {  	_ =	shalt  }
0x86: {  	_ =	shalt  }
0x87: {  	_ =	shalt  }
.Lfunc_end0:
.L_simem_size_0:
called_computation.1_lowered:
.L_overlay_start_0:
0x88: {  	s0 =	sld [smem:$0x3FD9]  }
0x89: {  	s1 =	sld [smem:$0x3FFE];
	_ =	sdelay $0x3  }
0x8a: {  	s0 =	sadd.s32 s1, s0  }
0x8b: {  	[smem:$0x3F99] =	sst s0  }
0x8c: {  	_ = 	snop  }
0x8d: {  	s0 =	sld [smem:$0x3FD0];
	(tm) =	ssettm $0x1  }
0x8e: {  	s16 =	sld [smem:$0x3FFB];
	_ =	sdelay $0x3  }
0x8f: {  	_ =	strace s16  }
0x90: {  	s1 =	sld [smem:$0x3FFC];
	_ =	sdelay $0x3  }
0x91: {  	_ =	strace s1  }
0x92: {  	s1 =	sld [smem:$0x3FFD];
	_ =	sdelay $0x3  }
0x93: {  	_ =	strace s1  }
0x94: {  	_ =	strace $0x8FFFFFFF  }
0x95: {  	s17 =	sld [smem:$0x3FDB];
	_ =	sdelay $0x1  }
0x96: {  	s2 =	simm.s32 $_scs_section_size  }
0x97: {  	s3 =	simm.s32 $_size__tile_overlayer_lowered;
	s4 =	simm.s32 $_tile_overlayer_lowered  }
0x98: {  	s20 =	simm.s32 $0x1BFF;
	s19 =	sshll.u32 s4, $0x1;
	s1 =	sadd.s32 s2, s17  }
0x99: {  	s5 =	simm.s32 $0x0;
	s18 =	sshll.u32 s3, $0x1;
	s3 =	sadd.s32 s19, s1  }
0x9a: {  	[timem:s5], [sflag:s20] =	dma.local [hbm:s3], s18  }
0x9b: {  	_ =	swait.ge [sflag:s20], s18  }
0x9c: {  	s2 =	ssub.s32 $0x0, s18;
	[sflag:s20] =	ssyncset.done $0x0  }
0x9d: {  	[sflag:s20] =	ssyncadd.s32 s2;
	_ =	sdelay $0x1  }
0x9e: {  	s21 =	simm.s32 $0x1B8B  }
0x9f: {  	_ =	swait.ge [sflag:s21], $0x1  }
0xa0: {  	[sflag:s21] =	ssyncset.done $0x0  }
0xa1: {  	s23 =	simm.s32 $0x1B8E;
	s22 =	sld [smem:$0x3FFE];
	[sflag:s21] =	ssyncadd.s32 $0xFFFFFFFF  }
0xa2: {  	s24 =	simm.s32 $execute0_lowered;
	[smem:$0x3FD2] =	sst s23  }
0xa3: {  	s3 =	sshll.u32 s24, $0x1;
	_ =	strace $0x80000052;
	[dreg:$0x1] =	wrdreg $0xFFFFFFFF  }
0xa4: {  	s25 =	simm.s32 $_size_execute0_lowered;
	s1 =	sadd.s32 s1, s3;
	[dreg:$0x0] =	wrdreg $0x0  }
0xa5: {  	s3 =	sshll.u32 s25, $0x1;
	[dreg:$0x2] =	wrdreg s1  }
0xa6: {  	[dreg:$0x3] =	wrdreg s3  }
0xa7: {  	[dreg:$0x4] =	wrdreg $0xC0  }
0xa8: {  	_ =	task [dreg:s5], $0x5FFFF  }
0xa9: {  	[dreg:$0x1] =	wrdreg $0xFFFFFFFF  }
0xaa: {  	[dreg:$0x0] =	wrdreg $0x60  }
0xab: {  	[dreg:$0x2] =	wrdreg s0  }
0xac: {  	[dreg:$0x3] =	wrdreg s22  }
0xad: {  	[dreg:$0x4] =	wrdreg $0x9  }
0xae: {  	_ =	task.clear_ibuf [dreg:s5], $0x5FFFF;
	_ =	strace $0x90000052  }
0xaf: {  	s26 =	simm.s32 $0x9;
	_ =	strace $0x80000054  }
0xb0: {  	_ =	swait.ge [sflag:s26], $0x1  }
0xb1: {  	[sflag:s26] =	ssyncadd.s32 $0xFFFFFFFF  }
0xb2: {  	_ =	strace $0x90000054  }
0xb3: {  	_ =	sfence  }
0xb4: {  	s28 =	sld [smem:$0x0];
	_ =	sdelay $0x1  }
0xb5: {  	s29 =	srdreg.scid  }
0xb6: {  	s30 =	sshll.u32 s29, $0xD;
	s31 =	sshrl.u32 s29, $0x2  }
0xb7: {  	s2 =	sand.u32 $0x4000, s30;
	s1 =	sand.u32 $0x1, s29;
	s0 =	sadd.s32 s31, s28  }
0xb8: {  	s1 =	sor.u32 s2, s1;
	s0 =	sshll.u32 s0, $0x11  }
0xb9: {  	s0 =	sor.u32 s0, s1  }
0xba: {  	s0 =	sadd.s32 $0x8F2B, s0  }
0xbb: {  	[sflag:s0] =	ssyncadd.remote.s32 $0x1  }
0xbc: {  	_ =	sfence.sel $0xFFFF  }
0xbd: {  	[dreg:$0x0] =	wrdreg $0xFFFFFFFF;
	(pc) =	sbr.abs _section_cstart, $3  }
0xbe: {  	[dreg:$0x1] =	wrdreg $0xFFFFFFFF  }
0xbf: {  	_ =	task.clear_ibuf [dreg:s5], $0x2FFFF;
	_ =	strace $0x9FFFFFFF  }
0xc0: {  	(tm) =	ssettm $0x7FFFFFFF  }
0xc1: {  	_ =	shalt  }
tec
execute0_lowered:
.L_overlay_start_1:
0x0: {  	(tag) =	ssettag $0x1  }
0x1: {  	s1 =	rddreg [dreg:$0x0];
	s6 =	stileid.u32  }
0x2: {  	s0 =	rddreg [dreg:$0x1];
	_ =	strace $0x80000053;
	s2 =	smin.u32 s6, $0x9  }
0x3: {  	s9 =	simm.s32 $0x1;
	p0 =	slt.u32 s6, $0x9;
	s2 =	sadd.s32 s6, s2  }
0x4: {  	v1 =	vimm.s32 $0xFFFFFFFF;
	[sflag:s9] =	ssyncpa.u1 $0x0;
	s3 =	smul.u32 $0x190, s2;
	s2 =	simm.s32 $0x320  }
0x5: {  	[tilespmem:$0x10] =	vst v1;
	s2 =	simm.s32 @!p0 $0x190  }
0x6: {  	v0 =	vimm.f32 $0.0e+00;
	[tilespmem:$0x20] =	vst v1;
	s2 =	sadd.s32 s2, s3  }
0x7: {  	[tilespmem:$0x30] =	vst v0;
	s4 =	smin.u32 s2, $0x2710  }
0x8: {  	[tilespmem:$0x40] =	vst v0;
	s2 =	ssub.s32 s4, s3  }
0x9: {  	[tilespmem:$0x50] =	vst v0;
	p0 =	sgt.s32 s2, $0x0  }
0xa: {  	[tilespmem:$0x60] =	vst v1;
	s2 =	simm.s32 @!p0 $0x0  }
0xb: {  	s7 =	simm.s32 $0x2;
	s8 =	simm.s32 $0x8;
	[tilespmem:$0x70] =	vst v1;
	s5 =	sand.u32 $0xFFF0, s2  }
0xc: {  	s31 =	simm.s32 $0x9;
	s16 =	simm.s32 $0x0;
	[tilespmem:$0x80] =	vst v1;
	s5 =	sshrl.u32 s5, $0x4  }
0xd: {  	s17 =	simm.s32 $0xF0;
	s18 =	simm.s32 $0xFFFFFFFF;
	v1 =	vimm.s32 $0x0;
	[tilespmem:$0xB0] =	vst v0;
	s5 =	smul.u32 $0xA3E, s5  }
0xe: {  	s19 =	simm.s32 $0xFFFFFDE0;
	s20 =	simm.s32 $0xFFFFFFFE;
	s21 =	simm.s32 $0xF;
	[tilespmem:$0x90] =	vst v1  }
0xf: {  	[tilespmem:$0xA0] =	vst v1;
	[sflag:s7] =	ssyncpa.u1 $0x0;
	s7 =	simm.s32 $0x7;
	s10 =	sshrl.u32 s5, $0x10  }
0x10: {  	s25 =	simm.s32 $0x0;
	[sflag:s7] =	ssyncpa.u1 $0x0;
	s11 =	smul.u32 $0x190, s10  }
0x11: {  	s24 =	simm.s32 $0x0;
	s14 =	sshllo.u32 s6, $0x1;
	[sflag:s8] =	ssyncpa.u1 $0x0  }
.Ltmp0:
0x12: {  	s23 =	smov.u32 s3;
	p0 =	sne.s32 s2, s11;
	(pc) =	sbr.rel .LBB2_1-.Ltmp0, $4  }
0x13: {  	s5 =	sadd.s32 $0xB7000, s0;
	s0 =	sadd.s32 $0xB7600, s0;
	s9 =	simm.s32 @!p0 $0x0  }
0x14: {  	[sflag:s31] =	ssyncpa.u1 $0x0;
	[dreg:$0x3] =	wrdreg s0;
	s9 =	sadd.s32 s10, s9  }
0x15: {  	vm0 =	vmmov $0xffff;
	v2 =	vlaneseq.u32;
	p0 =	por $0x0, $0x0;
	s10 =	sshll.u32 s6, $0x1;
	s11 =	sadd.s32 $0x1, s9  }
0x16: {  	vm1 =	vmxor vm1, vm1;
	vm2 =	vmmov $0x1;
	vm3 =	vcmask $0x3F3C;
	s12 =	sadd.s32 $0x2, s9;
	s13 =	sor.u32 $0x81, s10;
	s15 =	sor.u32 $0x80, s10  }
.LBB2_9:
0x17: {  	p1 =	slt.u32 s24, $0x3  }
0x18: {  	s0 =	simm.s32 @!p1 $0x2  }
0x19: {  	_ =	swait.ge @!p1 [sflag:s0], $0x190  }
0x1a: {  	[sflag:s0] =	ssyncset.done @!p1 $0x0  }
0x1b: {  	[sflag:s0] =	ssyncadd.s32 @!p1 $0xFFFFFE70;
	s0 =	simm.s32 @!p1 $0x9  }
0x1c: {  	_ =	swait.ge @!p1 [sflag:s0], $0x10  }
0x1d: {  	[sflag:s0] =	ssyncset.done @!p1 $0x0  }
0x1e: {  	[sflag:s0] =	ssyncadd.s32 @!p1 $0xFFFFFFF0;
	p1 =	sne.s32 s24, s12  }
.Ltmp1:
0x1f: {  	s2 =	sadd.s32 $0x190, s23;
	(pc) =	sbr.rel @!p1 .LBB2_10-.Ltmp1, $4  }
0x20: {  	s6 =	smov.u32 s3;
	s31 =	sadd.s32 $0x1, s24;
	s17 =	sadd.s32 $0x190, s17  }
0x21: {  	s18 =	sadd.s32 $0x1, s18;
	s25 =	smov.u32 s23;
	p2 =	slt.s32 s2, s4  }
0x22: {  	p0 =	por !p0, !p0;
	s19 =	sadd.s32 $0x190, s19;
	s6 =	smov.u32 @p2 s2  }
0x23: {  	s20 =	sadd.s32 $0x1, s20;
	s23 =	smov.u32 s6;
	s24 =	smov.u32 s31  }
.LBB2_1:
0x24: {  	p1 =	sge.u32 s24, s9  }
0x25: {  	s0 =	smulhi.u32 @!p1 $0xAAAAAAAB, s24;
	_ =	sdelay $0x1  }
0x26: {  	s0 =	sshrl.u32 @!p1 s0, $0x1  }
0x27: {  	s0 =	smul.u32 @!p1 $0x3, s0;
	_ =	sdelay $0x1  }
0x28: {  	s0 =	ssub.s32 @!p1 s24, s0  }
0x29: {  	s0 =	smul.u32 @!p1 $0x640, s0;
	_ =	sdelay $0x1  }
0x2a: {  	s2 =	sshrl.u32 @!p1 s23, $0x3;
	s0 =	sshrl.u32 @!p1 s0, $0x2  }
0x2b: {  	s22 =	sand.u32 @!p1 $0x7, s23;
	s2 =	sadd.s32 @!p1 s5, s2;
	s0 =	sadd.s32 @!p1 $0x100, s0  }
0x2c: {  	[tilespmem:s0], [sflag:$0x7] =	stream.linear.gather @!p1 [hbm4b:s2+s22], $0x190, $0x38;
	[tilespmem:$0xF30] =	vst v63  }
0x2d: {  	s0 =	sadd.s32 $0xFFFFFFFF, s24  }
0x2e: {  	p1 =	sge.u32 s0, s9  }
.Ltmp2:
0x2f: {  	_ = 	snop;
	(pc) =	sbr.rel @p1 .LBB2_5-.Ltmp2, $1  }
0x30: {  	_ =	sdelay $0x3  }
0x31: {  	s2 =	smulhi.u32 $0xAAAAAAAB, s0;
	_ =	sdelay $0x1  }
0x32: {  	s2 =	sshrl.u32 s2, $0x1  }
0x33: {  	s2 =	smul.u32 $0x3, s2;
	_ =	sdelay $0x1  }
0x34: {  	s2 =	ssub.s32 s0, s2  }
0x35: {  	s2 =	smul.u32 $0x640, s2  }
0x36: {  	_ =	swait.ge [sflag:s7], $0x190  }
0x37: {  	[sflag:s7] =	ssyncset.done $0x0;
	s2 =	sshrl.u32 s2, $0x2  }
0x38: {  	[sflag:s7] =	ssyncadd.s32 $0xFFFFFE70;
	(ifvalue) =	ssetifvalue $0xFFFFFFFF;
	v3 =	vld.msk [tilespmem:s2+$0x100 ss:$0x1], $0xffff;
	_ =	sdelay $0x2  }
0x39: {  	s30 =	smulhi.u32 $0xAAAAAAAB, s18;
	p1 =	sne.s32 s24, $0x1  }
0x3a: {  	v4 =	vimm.s32 @!p1 $0x0  }
0x3b: {  	s2 =	sshrl.u32 s30, $0x1;
	v4 =	vperm.xlane @!p1 v3, v4  }
0x3c: {  	s22 =	sshll.u32 s24, $0x4;
	s2 =	smul.u32 $0xFFFFED40, s2;
	vm4 =	vlt.u32 v3, $0x80  }
0x3d: {  	s22 =	sand.u32 $0x10, s22;
	v3 =	vnsel vm4, $0xFFFFFFFE, v3;
	vm4 =	vlt.u32 @!p1 v4, $0x80  }
0x3e: {  	s2 =	sshra.s32 s2, $0x2;
	[tilespmem:s22+$0x60] =	vst v3;
	v3 =	vnsel @!p1 vm4, $0xFFFFFFFE, v4  }
0x3f: {  	s28 =	sadd.s32 s2, s17;
	[tilespmem:$0x80] =	vst @!p1 v3  }
0x40: {  	v3 =	vld.msk [tilespmem:s28+$0x0 ss:$0x1], $0xffff;
	_ =	sdelay $0x4  }
0x41: {  	(xrf1) =	vunique.msk.u32 $0xffff, v3;
	_ =	sdelay $0xd  }
0x42: {  	v4 =	vimm.s32 $0xFFFFFFFF;
	v5, _, _ =	vpop (xrf1)  }
0x43: {  	vm5 =	vne.s32 v3, v4;
	vm4 =	veq.s32 v5, v2  }
0x44: {  	vm6 =	vlt.u32 v3, $0x80;
	vm4 =	vmand vm5, vm4  }
0x45: {  	vm4 =	vmand vm6, vm4  }
0x46: {  	v4 =	vnsel vm4, $0xFFFFFFFF, v3  }
0x47: {  	s31 =	sand.u32 $0x1, s0  }
0x48: {  	s0 =	simm.s32 $0x190;
	p1 =	seq.s32 s31, $0x1  }
0x49: {  	s0 =	simm.s32 @!p1 $0x0  }
0x4a: {  	s26 =	sadd.s32 $0x730, s0;
	(ifvalue) =	ssetifvalue $0xFFFFFFFF  }
0x4b: {  	v3 =	vperm.xlane v3, v1;
	[tilespmem:s26], [sflag:$0x8] =	stream.indirect_vreg.gather [hbm4b:s1+s16], $0x1, v4, vm0, $0x4038;
	v4 =	vnsel vm6, $0xFFFFFFFE, v4;
	[tilespmem:$0xF30] =	vst v63  }
0x4c: {  	s2 =	simm.s32 $0x0;
	s22 =	sadd.s32 $0xFFFFFFF0, s28;
	[tilespmem:s28+$0x0] =	vst v4  }
.LBB2_3:
0x4d: {  	v4 =	vld.msk [tilespmem:s22+$0x0 ss:$0x1], $0xffff;
	s2 =	sadd.s32 $0x10, s2;
	v5 =	vmov v3;
	s28 =	smov.u32 s22  }
0x4e: {  	p1 =	slt.u32 s2, $0x180;
	_ =	sdelay $0x4  }
0x4f: {  	v3 =	vperm.xlane v4, v1;
	(xrf1) =	vunique.msk.u32 $0xffff, v4;
	_ =	sdelay $0xd  }
0x50: {  	v6, _, _ =	vpop (xrf1)  }
0x51: {  	vm5 =	vne.s32 v4, v5;
	vm4 =	veq.s32 v6, v2  }
0x52: {  	vm6 =	vlt.u32 v4, $0x80;
	vm4 =	vmand vm5, vm4  }
0x53: {  	vm4 =	vmand vm6, vm4  }
0x54: {  	v4 =	vnsel vm4, $0xFFFFFFFF, v4  }
.Ltmp3:
0x55: {  	v5 =	vnsel vm6, $0xFFFFFFFE, v4;
	(pc) =	sbr.rel @p1 .LBB2_3-.Ltmp3, $3  }
0x56: {  	_ =	sdelay $0x1  }
0x57: {  	s22 =	sadd.s32 $0xFFFFFFF0, s22;
	s26 =	sadd.s32 $0xFFFFFFF0, s26;
	(ifvalue) =	ssetifvalue $0xFFFFFFFF  }
0x58: {  	[tilespmem:s26], [sflag:$0x8] =	stream.indirect_vreg.gather [hbm4b:s1+s16], $0x1, v4, vm0, $0x4038;
	[tilespmem:s28+$0x0] =	vst v5  }
0x59: {  	s2 =	sshrl.u32 s25, $0x3;
	s6 =	rddreg [dreg:$0x3]  }
0x5a: {  	s0 =	sadd.s32 $0x8D0, s0;
	s2 =	sadd.s32 s6, s2  }
0x5b: {  	[tilespmem:s0], [sflag:$0x8] =	stream.linear.gather [hbm:s2], $0x190, $0x38;
	[tilespmem:$0xF30] =	vst v63  }
.LBB2_5:
0x5c: {  	p1 =	slt.u32 s24, $0x2  }
0x5d: {  	p2 =	sge.u32 @!p1 s24, s12  }
0x5e: {  	p1 =	por p1, p2  }
.Ltmp4:
0x5f: {  	_ = 	snop;
	(pc) =	sbr.rel @p1 .LBB2_9-.Ltmp4, $1  }
0x60: {  	_ =	sdelay $0x3  }
0x61: {  	s0 =	sadd.s32 $0xFFFFFFFE, s24  }
0x62: {  	s2 =	smulhi.u32 $0xAAAAAAAB, s0;
	_ =	sdelay $0x1  }
0x63: {  	s2 =	sshrl.u32 s2, $0x1  }
0x64: {  	s2 =	smul.u32 $0x3, s2;
	_ =	sdelay $0x1  }
0x65: {  	s0 =	ssub.s32 s0, s2  }
0x66: {  	_ =	swait.ge [sflag:s8], $0x320;
	s0 =	smul.u32 $0x190, s0  }
0x67: {  	p1 =	sne.s32 s24, s11;
	[sflag:s8] =	ssyncset.done $0x0  }
0x68: {  	[sflag:s8] =	ssyncadd.s32 $0xFFFFFCE0;
	s2 =	sadd.s32 @!p1 $0x28F, s0  }
0x69: {  	[spmem:s13] =	stream.linear.scatter @!p1 [tilespmem:s2], [sflag:$0x1], $0x1, $0x38;
	[tilespmem:$0xF30] =	vst v63  }
0x6a: {  	s2 =	simm.s32 @!p1 $0x1  }
0x6b: {  	_ =	swait.ge @!p1 [sflag:s2], $0x1  }
0x6c: {  	s22 =	sshll.u32 s24, $0x4;
	[sflag:s2] =	ssyncset.done @!p1 $0x0  }
0x6d: {  	s25 =	sand.u32 $0x10, s22;
	[sflag:s2] =	ssyncadd.s32 @!p1 $0xFFFFFFFF  }
0x6e: {  	s2 =	sxor.u32 $0x10, s25;
	v4 =	vld [tilespmem:s25+$0x10]  }
0x6f: {  	v5 =	vld [tilespmem:s2+$0x60]  }
0x70: {  	v3 =	vld [tilespmem:$0x80];
	_ =	sdelay $0x2  }
0x71: {  	(v2sf) =	vpush v4, $0x0  }
0x72: {  	(v2sf) =	vpush v5, $0x0  }
0x73: {  	(v2sf) =	vpush v3, $0x0;
	_ =	sdelay $0xc  }
0x74: {  	s6 =	spop (v2sf)  }
0x75: {  	s28 =	spop (v2sf)  }
0x76: {  	s26 =	spop (v2sf)  }
0x77: {  	p2 =	seq.s32 s6, s28;
	p3 =	seq.s32 s26, s6  }
0x78: {  	p3 =	por p2, p3  }
0x79: {  	s6 =	sand.u32 $0x1, s24;
	v4 =	vpsel p3, $0xFFFFFFFF, v4  }
0x7a: {  	s28 =	smul.u32 $0x190, s6;
	[tilespmem:s25+$0x10] =	vst.msk $0x1, v4  }
0x7b: {  	v4 =	vld [tilespmem:$0x30]  }
0x7c: {  	v5 =	vld [tilespmem:s28+$0x8D0]  }
0x7d: {  	v6 =	vld [tilespmem:s25+$0x40];
	_ =	sdelay $0x3  }
0x7e: {  	vm4 =	vmmov vm1;
	v5 =	vadd.f32 v5, v4  }
0x7f: {  	vm5 =	vmmov vm2;
	vm4 =	vmmov @p2 vm2;
	v4 =	vadd.f32 v6, v4  }
0x80: {  	s22 =	sshll.u32 s6, $0x4;
	vm5 =	vmmov @p3 vm1;
	[tilespmem:s28+$0x8D0] =	vst.msk vm4, v5  }
0x81: {  	[tilespmem:s22+$0xF10] =	vst.msk vm5, v4  }
0x82: {  	v4 =	vld [tilespmem:s28+$0x730];
	_ =	sdelay $0x3  }
0x83: {  	v5 =	vimm.f32 $0.0e+00  }
0x84: {  	v4 =	vshift.insert v4, v5, s21  }
0x85: {  	s29 =	sor.u32 $0x40, s2  }
0x86: {  	[tilespmem:s29+$0x0] =	vst.msk $0x1, v4  }
0x87: {  	[tilespmem:s28+$0x73F] =	vst.msk $0x1, v5  }
0x88: {  	v4 =	vld [tilespmem:s0+$0x280];
	_ =	sdelay $0x1  }
0x89: {  	s29 =	smulhi.u32 $0xAAAAAAAB, s20;
	s0 =	simm.s32 $0x1  }
0x8a: {  	s0 =	simm.s32 @!p0 $0x0  }
0x8b: {  	s29 =	sshrl.u32 s29, $0x1;
	s0 =	smul.u32 $0x640, s0  }
0x8c: {  	s29 =	smul.u32 $0xFFFFED40, s29;
	v4 =	vshift.insert v4, v1, s21  }
0x8d: {  	s0 =	sshrl.u32 s0, $0x2  }
0x8e: {  	s29 =	sshra.s32 s29, $0x2;
	s30 =	sadd.s32 $0x8D0, s0;
	[tilespmem:s2+$0x10] =	vst.msk $0x1, v4  }
0x8f: {  	s6 =	sadd.s32 s29, s19;
	v6 =	vld [tilespmem:s30+$0x0]  }
0x90: {  	v7 =	vld [tilespmem:s6+$0x0];
	_ =	sdelay $0x3  }
0x91: {  	v5 =	vadd.f32 v6, v5  }
0x92: {  	vm4 =	vne.s32 v7, $0xFFFFFFFF  }
0x93: {  	(xrf2) =	vadd.seg.scan.f32 vm4, v5;
	_ =	sdelay $0x3  }
0x94: {  	s31 =	sadd.s32 $0x5B0, s0;
	v5 =	vperm.xlane v4, v1  }
0x95: {  	v6 =	vld [tilespmem:s31+$0x0]  }
0x96: {  	vm5 =	veq.s32 v7, v3;
	vm6 =	veq.s32 v7, v5  }
0x97: {  	vm7 =	vgt.u32 v7, $0xFFFFFFFD;
	vm6 =	vmor vm6, vm5  }
0x98: {  	vm6 =	vmor vm6, vm7  }
0x99: {  	v9 =	vld [tilespmem:$0xA0];
	v7 =	vsel vm6, $0xFFFFFFFF, v7  }
0x9a: {  	v10 =	vld [tilespmem:$0x90];
	v6 =	vsel vm5, $0x0, v6;
	v8, _, _ =	vpop (xrf2)  }
0x9b: {  	v6 =	vadd.f32 v8, v6  }
0x9c: {  	s0 =	sadd.s32 $0xBF0, s0  }
0x9d: {  	vm4 =	vmand vm4, vm3;
	[tilespmem:s0+$0x0] =	vst v6;
	(ifvalue) =	ssetifvalue $0xFFFFFFFF  }
0x9e: {  	vm6 =	veq.s32 v9, $0x1;
	[hbm4b:s1+s16] =	stream.indirect_vreg.scatter [tilespmem:s0], [sflag:$0x2], $0x1, v7, vm0, $0x4038;
	v7 =	vsel vm4, $0x0, v8;
	[tilespmem:$0xF30] =	vst v63  }
0x9f: {  	s29 =	sadd.s32 $0xF10, s22;
	s22 =	sadd.s32 $0x10, s6;
	s2 =	simm.s32 $0x0;
	vm4 =	vmor vm6, vm5;
	v6 =	vsel vm5, v8, v10;
	v7 =	vshift.insert v7, v0, s21  }
.LBB2_7:
0xa0: {  	v8 =	vld [tilespmem:s22+$0x0];
	s30 =	sadd.s32 $0x10, s30  }
0xa1: {  	s31 =	sadd.s32 $0x10, s31;
	v9 =	vld [tilespmem:s30+$0x0]  }
0xa2: {  	s2 =	sadd.s32 $0x10, s2;
	v10 =	vld [tilespmem:s31+$0x0]  }
0xa3: {  	p2 =	slt.u32 s2, $0x180;
	_ =	sdelay $0x2  }
0xa4: {  	v7 =	vadd.f32 v9, v7  }
0xa5: {  	vm5 =	vne.s32 v8, $0xFFFFFFFF  }
0xa6: {  	vm6 =	vmand vm5, vm3;
	(xrf2) =	vadd.seg.scan.f32 vm5, v7;
	_ =	sdelay $0x5  }
0xa7: {  	vm7 =	veq.s32 v8, v5;
	vm5 =	veq.s32 v8, v3  }
0xa8: {  	vm8 =	vgt.u32 v8, $0xFFFFFFFD;
	vm4 =	vmor vm4, vm5;
	vm7 =	vmor vm7, vm5  }
0xa9: {  	vm7 =	vmor vm7, vm8  }
0xaa: {  	v8 =	vsel vm7, $0xFFFFFFFF, v8  }
.Ltmp5:
0xab: {  	v7 =	vsel vm5, $0x0, v10;
	v9, _, _ =	vpop (xrf2);
	(pc) =	sbr.rel @p2 .LBB2_7-.Ltmp5, $4  }
0xac: {  	v6 =	vsel vm5, v9, v6;
	v10 =	vadd.f32 v9, v7;
	v7 =	vsel vm6, $0x0, v9  }
0xad: {  	s0 =	sadd.s32 $0x10, s0;
	v7 =	vshift.insert v7, v0, s21  }
0xae: {  	s22 =	sadd.s32 $0x10, s22;
	[tilespmem:s0+$0x0] =	vst v10;
	(ifvalue) =	ssetifvalue $0xFFFFFFFF  }
0xaf: {  	[hbm4b:s1+s16] =	stream.indirect_vreg.scatter [tilespmem:s0], [sflag:$0x2], $0x1, v8, vm0, $0x4038;
	[tilespmem:$0xF30] =	vst v63  }
0xb0: {  	v3 =	vld [tilespmem:s28+$0xD70];
	_ =	sdelay $0x4  }
0xb1: {  	v3 =	vshift.insert v3, v0, s21  }
0xb2: {  	s0 =	simm.s32 $0x30  }
0xb3: {  	[tilespmem:s0+$0x0] =	vst.msk $0x1, v3  }
0xb4: {  	v3 =	vsel vm4, $0x1, v1;
	[tilespmem:$0x90] =	vst v6  }
0xb5: {  	s0 =	sadd.s32 @!p1 $0xD7F, s28;
	[tilespmem:$0xA0] =	vst v3  }
0xb6: {  	[spmem:s14] =	stream.linear.scatter @!p1 [tilespmem:s0], [sflag:$0x1], $0x1, $0x38;
	[tilespmem:$0xF30] =	vst v63  }
0xb7: {  	s0 =	simm.s32 @!p1 $0x1  }
0xb8: {  	v3 =	vmctz.xlane @!p1 vm4;
	_ =	swait.ge @!p1 [sflag:s0], $0x1  }
0xb9: {  	(v2sf) =	vpush @!p1 v4, $0x0  }
0xba: {  	(v2sf) =	vpush @!p1 v3, $0x0;
	_ =	sdelay $0xd  }
0xbb: {  	s2 =	spop @!p1 (v2sf)  }
0xbc: {  	s6 =	spop @!p1 (v2sf)  }
0xbd: {  	p2 =	sne.s32 @!p1 s26, s2;
	p3 =	slt.s32 @!p1 s6, $0xF  }
0xbe: {  	[sflag:s0] =	ssyncset.done @!p1 $0x0;
	p2 =	por p2, p1;
	p3 =	por !p3, p1  }
0xbf: {  	[sflag:s0] =	ssyncadd.s32 @!p1 $0xFFFFFFFF;
	v3 =	vimm.s32 @!p2 $0xFFFFFFFF;
	s6 =	simm.s32 @p3 $0xF  }
0xc0: {  	[tilespmem:$0x80] =	vst @!p2 v3;
	s2 =	sadd.s32 @!p1 $0x90, s6  }
0xc1: {  	[spmem:s10] =	stream.linear.scatter @!p1 [tilespmem:s2], [sflag:$0x1], $0x1, $0x38;
	[tilespmem:$0xF30] =	vst v63  }
0xc2: {  	_ =	swait.ge @!p1 [sflag:s0], $0x1  }
0xc3: {  	[sflag:s0] =	ssyncset.done @!p1 $0x0  }
0xc4: {  	s2 =	simm.s32 @!p1 $0x80;
	[sflag:s0] =	ssyncadd.s32 @!p1 $0xFFFFFFFF  }
0xc5: {  	[spmem:s15] =	stream.linear.scatter @!p1 [tilespmem:s2], [sflag:$0x1], $0x1, $0x38;
	[tilespmem:$0xF30] =	vst v63  }
0xc6: {  	_ =	swait.ge @!p1 [sflag:s0], $0x1  }
0xc7: {  	[sflag:s0] =	ssyncset.done @!p1 $0x0  }
0xc8: {  	[sflag:s0] =	ssyncadd.s32 @!p1 $0xFFFFFFFF;
	(ifvalue) =	ssetifvalue $0xFFFFFFFF;
	v3 =	vld [tilespmem:s25+$0x10];
	_ =	sdelay $0x3  }
.Ltmp6:
0xc9: {  	_ = 	snop;
	(pc) =	sbr.rel .LBB2_9-.Ltmp6, $3  }
0xca: {  	_ =	sdelay $0x1  }
0xcb: {  	(ifvalue) =	ssetifvalue $0xFFFFFFFF  }
0xcc: {  	[hbm4b:s1+s16] =	stream.indirect_vreg.scatter [tilespmem:s29], [sflag:$0x9], $0x1, v3, vm0, $0x4038;
	[tilespmem:$0xF30] =	vst v63  }
.LBB2_10:
0xcd: {  	_ =	sfence.sel $0x180000  }
0xce: {  	s0 =	simm.s32 $0x7;
	[bflag:$0x0] =	sbarrier.arrive $0xFFFF  }
0xcf: {  	s26 =	simm.s32 $0x8;
	[sflag:s0] =	ssyncpa.u1 $0x1  }
0xd0: {  	s28 =	simm.s32 $0x9;
	[sflag:s26] =	ssyncpa.u1 $0x1  }
0xd1: {  	[sflag:s28] =	ssyncpa.u1 $0x1  }
0xd2: {  	_ =	sfence.stream.spmem  }
0xd3: {  	s29 =	simm.s32 $0x3;
	[bflag:$0x0] =	sbarrier.arrive $0xFFFF  }
0xd4: {  	s30 =	simm.s32 $0x4;
	[sflag:s29] =	ssyncpa.u1 $0x1  }
0xd5: {  	s31 =	simm.s32 $0x3C;
	s2 =	stileid.u32;
	[sflag:s30] =	ssyncpa.u1 $0x1  }
0xd6: {  	p0 =	sne.s32 s2, $0x0;
	[sflag:s31] =	ssyncpa.u1 $0x1  }
0xd7: {  	s0 =	simm.s32 @p0 $0x1;
	_ =	sfence @p0  }
0xd8: {  	[sflag:s0] =	ssyncpa.u1 @p0 $0x1;
	s0 =	simm.s32 @p0 $0x2  }
0xd9: {  	[sflag:s0] =	ssyncpa.u1 @p0 $0x1  }
0xda: {  	_ =	strace @p0 $0x90000053  }
0xdb: {  	[bflag:$0x2] =	sbarrier.arrive @p0 $0xFFFF  }
0xdc: {  	_ =	shalt @p0  }
.LBB2_11:
0xdd: {  	_ =	sfence.stream.spmem;
	s0 =	simm.s32 $0x5  }
0xde: {  	s2 =	simm.s32 $0x80;
	s3 =	simm.s32 $0xC0;
	[sflag:s0] =	ssyncpa.u1 $0x0  }
0xdf: {  	[tilespmem:s3], [sflag:$0x5] =	stream.linear.gather [spmem:s2], $0x20, $0x38;
	[tilespmem:$0xF30] =	vst v63  }
0xe0: {  	s2 =	simm.s32 $0x0;
	s3 =	simm.s32 $0xE0  }
0xe1: {  	[tilespmem:s3], [sflag:$0x5] =	stream.linear.gather [spmem:s2], $0x20, $0x38;
	[tilespmem:$0xF30] =	vst v63  }
.Ltmp7:
0xe2: {  	_ = 	snop;
	(pc) =	sbr.rel .LBB2_12-.Ltmp7, $4  }
0xe3: {  	_ =	swait.ge [sflag:s0], $0x40  }
0xe4: {  	[sflag:s0] =	ssyncset.done $0x0  }
0xe5: {  	s31 =	simm.s32 $0x6;
	[sflag:s0] =	ssyncadd.s32 $0xFFFFFFC0  }
0xe6: {  	s4 =	simm.s32 $0x0;
	[sflag:s31] =	ssyncpa.u1 $0x0  }
.LBB2_17:
0xe7: {  	p0 =	sgt.u32 s5, $0x7F  }
0xe8: {  	s0 =	sshrl.u32 @!p0 s5, $0x3  }
0xe9: {  	s5 =	sand.u32 @!p0 $0x7, s5;
	s6 =	simm.s32 @!p0 $0xB0;
	s0 =	sadd.s32 @!p0 s1, s0  }
0xea: {  	[tilespmem:s6], [sflag:$0x6] =	stream.linear.gather @!p0 [hbm4b:s0+s5], $0x1, $0x38;
	[tilespmem:$0xF30] =	vst v63  }
0xeb: {  	s0 =	simm.s32 @!p0 $0x6  }
0xec: {  	_ =	swait.ge @!p0 [sflag:s0], $0x1  }
0xed: {  	[sflag:s0] =	ssyncset.done @!p0 $0x0  }
0xee: {  	[sflag:s0] =	ssyncadd.s32 @!p0 $0xFFFFFFFF  }
0xef: {  	v2 =	vmov @!p0 s4;
	v1 =	vld.msk @!p0 [tilespmem:$0xB0], $0x1;
	_ =	sdelay $0x3  }
0xf0: {  	s0 =	simm.s32 @!p0 $0xE0  }
0xf1: {  	[tilespmem:v2+s0+$0x0], v1 =	vst.idx.ret.add.f32.msk @!p0 $0x1, v1  }
0xf2: {  	[tilespmem:s2+$0xC0] =	vst.msk $0x1, v0  }
0xf3: {  	v0 =	vld.msk [tilespmem:s4+$0xE0], $0x1;
	_ =	sdelay $0x4  }
0xf4: {  	[tilespmem:s2+$0xE0] =	vst.msk $0x1, v0;
	s2 =	sadd.s32 $0x1, s2  }
.LBB2_19:
0xf5: {  	s4 =	sadd.s32 $0x1, s4  }
0xf6: {  	p0 =	sne.s32 s4, $0x20  }
.Ltmp8:
0xf7: {  	_ = 	snop;
	(pc) =	sbr.rel @!p0 .LBB2_20-.Ltmp8, $1  }
0xf8: {  	_ =	sdelay $0x3  }
.LBB2_12:
0xf9: {  	v0 =	vld.msk [tilespmem:s4+$0xC0], $0x1;
	_ =	sdelay $0x4  }
0xfa: {  	(v2sf) =	vpush v0, $0x0;
	_ =	sdelay $0xe  }
0xfb: {  	s5 =	spop (v2sf)  }
0xfc: {  	p0 =	seq.s32 s5, $0xFFFFFFFF  }
.Ltmp9:
0xfd: {  	_ = 	snop;
	(pc) =	sbr.rel @p0 .LBB2_19-.Ltmp9, $1  }
0xfe: {  	_ =	sdelay $0x3  }
0xff: {  	p0 =	slt.s32 s2, $0x1  }
.Ltmp10:
0x100: {  	_ = 	snop;
	(pc) =	sbr.rel @p0 .LBB2_17-.Ltmp10, $1  }
0x101: {  	_ =	sdelay $0x3  }
0x102: {  	s0 =	simm.s32 $0xC0;
	p0 =	por $0x0, $0x0  }
0x103: {  	v1 =	vld.msk @!p0 [tilespmem:s0+$0x0], $0x1;
	_ =	sdelay $0x4  }
0x104: {  	(v2sf) =	vpush @!p0 v1, $0x0;
	_ =	sdelay $0xd  }
0x105: {  	p2 =	sne.s32 s2, $0x1  }
.Ltmp11:
0x106: {  	s6 =	spop @!p0 (v2sf);
	(pc) =	sbr.rel @!p2 .LBB2_16-.Ltmp11, $4  }
0x107: {  	p1 =	seq.s32 @!p0 s5, s6  }
0x108: {  	s6 =	simm.s32 $0x0;
	p1 =	por !p1, p0  }
0x109: {  	s8 =	simm.s32 $0xFFFFFFFF;
	s6 =	simm.s32 @p1 $0xFFFFFFFF  }
0x10a: {  	s7 =	simm.s32 $0x1;
	s6 =	smov.u32 @p0 s8  }
.LBB2_15:
0x10b: {  	s8 =	smov.u32 s6;
	p0 =	sne.s32 s6, $0xFFFFFFFF  }
0x10c: {  	s0 =	sadd.s32 $0x1, s0;
	s6 =	smov.u32 s7;
	s7 =	sadd.s32 $0x1, s7  }
0x10d: {  	p1 =	sne.s32 s2, s7;
	v1 =	vld.msk @!p0 [tilespmem:s0+$0x0], $0x1;
	_ =	sdelay $0x4  }
0x10e: {  	(v2sf) =	vpush @!p0 v1, $0x0;
	_ =	sdelay $0xe  }
.Ltmp12:
0x10f: {  	s9 =	spop @!p0 (v2sf);
	(pc) =	sbr.rel @p1 .LBB2_15-.Ltmp12, $4  }
0x110: {  	p2 =	seq.s32 @!p0 s5, s9  }
0x111: {  	p2 =	por !p2, p0  }
0x112: {  	s6 =	simm.s32 @p2 $0xFFFFFFFF  }
0x113: {  	s6 =	smov.u32 @p0 s8  }
.LBB2_16:
0x114: {  	p0 =	sne.s32 s6, $0xFFFFFFFF  }
.Ltmp13:
0x115: {  	_ = 	snop;
	(pc) =	sbr.rel @!p0 .LBB2_17-.Ltmp13, $1  }
0x116: {  	_ =	sdelay $0x3  }
0x117: {  	v0 =	vld.msk [tilespmem:s4+$0xE0], $0x1;
	v1 =	vmov s6  }
.Ltmp14:
0x118: {  	_ = 	snop;
	(pc) =	sbr.rel .LBB2_19-.Ltmp14, $2  }
0x119: {  	_ =	sdelay $0x2  }
0x11a: {  	[tilespmem:v1+s3+$0x0], v0 =	vst.idx.ret.add.f32.msk $0x1, v0  }
.LBB2_20:
0x11b: {  	p0 =	slt.s32 s2, $0x1  }
.Ltmp15:
0x11c: {  	_ = 	snop;
	(pc) =	sbr.rel @p0 .LBB2_24-.Ltmp15, $3  }
0x11d: {  	_ =	sdelay $0x1  }
0x11e: {  	s0 =	simm.s32 $0x6  }
0x11f: {  	s3 =	simm.s32 $0x0;
	[sflag:s0] =	ssyncpa.u1 $0x1  }
0x120: {  	s0 =	simm.s32 $0xC0  }
0x121: {  	v0 =	vld.msk [tilespmem:s0+$0x0], $0x1;
	_ =	sdelay $0x4  }
0x122: {  	(v2sf) =	vpush v0, $0x0;
	_ =	sdelay $0xe  }
0x123: {  	s2 =	sadd.s32 $0xFFFFFFFF, s2;
	s4 =	spop (v2sf)  }
0x124: {  	p1 =	sne.s32 s2, $0x0;
	p0 =	sgt.u32 s4, $0x7F  }
.Ltmp16:
0x125: {  	s5 =	sshrl.u32 @!p0 s4, $0x3;
	(pc) =	sbr.rel @!p1 .LBB2_23-.Ltmp16, $4  }
0x126: {  	s0 =	simm.s32 $0xE0;
	s4 =	sand.u32 @!p0 $0x7, s4;
	s5 =	sadd.s32 @!p0 s1, s5  }
0x127: {  	[hbm4b:s5+s4] =	stream.linear.scatter @!p0 [tilespmem:s0], [sflag:$0x5], $0x1, $0x38;
	[tilespmem:$0xF30] =	vst v63  }
0x128: {  	s5 =	simm.s32 $0x0  }
0x129: {  	s4 =	simm.s32 $0xC1;
	s5 =	simm.s32 @!p0 $0x4  }
.LBB2_22:
0x12a: {  	v0 =	vld.msk [tilespmem:s4+$0x0], $0x1;
	s2 =	sadd.s32 $0xFFFFFFFF, s2;
	s3 =	sadd.s32 s3, s5  }
0x12b: {  	p0 =	sne.s32 s2, $0x0;
	_ =	sdelay $0x3  }
0x12c: {  	(v2sf) =	vpush v0, $0x0;
	_ =	sdelay $0xe  }
.Ltmp17:
0x12d: {  	s6 =	spop (v2sf);
	(pc) =	sbr.rel @p0 .LBB2_22-.Ltmp17, $4  }
0x12e: {  	s5 =	simm.s32 $0x0;
	p1 =	sgt.u32 s6, $0x7F  }
0x12f: {  	s0 =	sadd.s32 $0x1, s0;
	s5 =	simm.s32 @!p1 $0x4;
	s7 =	sshrl.u32 @!p1 s6, $0x3  }
0x130: {  	s4 =	sadd.s32 $0x1, s4;
	s6 =	sand.u32 @!p1 $0x7, s6;
	s7 =	sadd.s32 @!p1 s1, s7  }
0x131: {  	[hbm4b:s7+s6] =	stream.linear.scatter @!p1 [tilespmem:s0], [sflag:$0x5], $0x1, $0x38;
	[tilespmem:$0xF30] =	vst v63  }
.LBB2_23:
0x132: {  	s0 =	sadd.s32 s3, s5  }
0x133: {  	s3 =	sshrl.u32 s0, $0x2  }
.LBB2_24:
0x134: {  	s0 =	simm.s32 $0x5  }
0x135: {  	_ =	swait.ge [sflag:s0], s3  }
0x136: {  	s1 =	ssub.s32 $0x0, s3;
	[sflag:s0] =	ssyncset.done $0x0  }
0x137: {  	[sflag:s0] =	ssyncadd.s32 s1  }
0x138: {  	[sflag:s0] =	ssyncpa.u1 $0x1  }
0x139: {  	s29 =	simm.s32 $0x1;
	_ =	sfence  }
0x13a: {  	s30 =	simm.s32 $0x2;
	[sflag:s29] =	ssyncpa.u1 $0x1  }
0x13b: {  	[sflag:s30] =	ssyncpa.u1 $0x1  }
0x13c: {  	_ =	strace $0x90000053  }
0x13d: {  	[bflag:$0x2] =	sbarrier.arrive $0xFFFF  }
0x13e: {  	s31 =	rddreg [dreg:$0x2]  }
0x13f: {  	s0 =	sadd.s32 $0x100000, s31  }
0x140: {  	[sflag:s0] =	ssyncadd.tile.s32 $0x1;
	_ =	shalt  }
.Lfunc_end2:
_tile_overlayer_lowered:
.L_overlay_start_2:
0x141: {  	(tag) =	ssettag $0x2  }
0x142: {  	s0 =	rddreg [dreg:$0x0];
	s2 =	stileid.u32  }
0x143: {  	s1 =	rddreg [dreg:$0x1];
	p0 =	sne.s32 s2, $0x0  }
0x144: {  	s3 =	rddreg [dreg:$0x2];
	[bflag:$0x3] =	sbarrier.arrive $0xFFFF;
	s2 =	simm.s32 @!p0 $0x1C01  }
0x145: {  	[timem:s3], [sflag:s2] =	dma.local @!p0 [hbm:s0], s1  }
0x146: {  	s0 =	simm.s32 @!p0 $0x1  }
0x147: {  	_ =	swait.ge @!p0 [sflag:s0], s1  }
0x148: {  	s1 =	ssub.s32 @!p0 $0x0, s1;
	[sflag:s0] =	ssyncset.done @!p0 $0x0  }
0x149: {  	[sflag:s0] =	ssyncadd.s32 @!p0 s1  }
0x14a: {  	[bflag:$0x3] =	sbarrier.arrive $0xFFFF  }
0x14b: {  	_ =	shalt  }

// kernel: scatter_offload_async_start
scs
__scs_entry_jumppad:
0x0: {  	(pc) =	sbr.rel $0x88, $3  }
0x1: {  	(tag) =	ssettag $0x0;
	lr =	simm.s32 $0x1  }
0x2: {  	[smem:$0x3F72] =	sst lr;
	_ =	strace $0xD0000000  }
0x3: {  	_ = 	snop  }
0x4: {  	_ = 	snop  }
0x5: {  	_ = 	snop  }
0x6: {  	_ = 	snop  }
0x7: {  	_ = 	snop  }
__scs_overlays_trampoline_lowered:
0x8: {  	[smem:$0x3F81] =	sst s0  }
0x9: {  	[smem:$0x3F82] =	sst s1  }
0xa: {  	[smem:$0x3F83] =	sst s2  }
0xb: {  	[smem:$0x3F84] =	sst s3  }
0xc: {  	[smem:$0x3F85] =	sst s4  }
0xd: {  	[smem:$0x3F86] =	sst s5  }
0xe: {  	[smem:$0x3F87] =	sst s6  }
0xf: {  	[smem:$0x3F88] =	sst s7  }
0x10: {  	[smem:$0x3F89] =	sst s8  }
0x11: {  	[smem:$0x3F8A] =	sst s9;
	s0 =	simm.s32 @!p0 $0x0  }
0x12: {  	s1 =	sld [smem:$0x3F70];
	s0 =	simm.s32 @p0 $0x1  }
0x13: {  	[smem:$0x3F8B] =	sst s0;
	s0 =	simm.s32 @!p1 $0x0  }
0x14: {  	s2 =	sld [smem:$0x3F6F];
	s0 =	simm.s32 @p1 $0x1  }
0x15: {  	[smem:$0x3F8C] =	sst s0;
	s0 =	simm.s32 @!p2 $0x0  }
0x16: {  	s3 =	sld [smem:$0x3FDB];
	s0 =	simm.s32 @p2 $0x1  }
0x17: {  	s4 =	simm.s32 $0x1BF5;
	[smem:$0x3F8E] =	sst s0  }
0x18: {  	s0 =	sld [smem:$0x3F71];
	_ =	swait.ge [sflag:s4], $0x0  }
0x19: {  	s7 =	sld [smem:$0x3F72]  }
0x1a: {  	s8 =	sadd.s32 $0xFFFFE003, lr  }
0x1b: {  	s9 =	sadd.s32 $0xFFFFFEF7, lr;
	s5 =	simm.s32 $0xFFFFFFFF;
	p2 =	slt.u32 s8, $0xFFFFF086  }
0x1c: {  	p1 =	slt.u32 s9, $0xF7A;
	s5 =	simm.s32 @!p2 $0x0  }
0x1d: {  	s5 =	simm.s32 @p1 $0x1;
	p0 =	seq.s32 s7, s2  }
0x1e: {  	s7 =	smul.u32 @!p0 $0xF7A, s2;
	p2 =	seq.s32 @!p0 s5, $0x0  }
0x1f: {  	s9 =	smul.u32 $0xF7A, s1;
	s8 =	simm.s32 @!p0 $0x1BF5;
	p2 =	por !p2, p0  }
0x20: {  	[sflag:s8] =	ssyncset.s32 @!p0 $0xFFFFF086;
	s6 =	sadd.s32 @!p0 s3, s7;
	s7 =	simm.s32 @!p0 $0x108  }
0x21: {  	s3 =	sadd.s32 s3, s9;
	s6 =	sadd.s32 @!p0 $0x88, s6;
	s7 =	simm.s32 @p2 $0x1082  }
0x22: {  	[simem:s7], [sflag:s8] =	dma.local @!p0 [hbm:s6], $0xF7A  }
0x23: {  	s9 =	sor.u32 $0xD0000000, s2;
	s6 =	simm.s32 $0x108;
	_ =	swait.ge @!p0 [sflag:s8], $0x0  }
0x24: {  	s3 =	sadd.s32 $0x88, s3;
	s6 =	simm.s32 @!p1 $0x1082;
	[sflag:s4] =	ssyncset.s32 $0xFFFFF086  }
0x25: {  	[simem:s6], [sflag:s4] =	dma.local [hbm:s3], $0xF7A  }
0x26: {  	[smem:$0x3F72] =	sst s1;
	(tag) =	ssettag s2;
	_ =	strace s9  }
0x27: {  	s1 =	sld [smem:$0x3F82]  }
0x28: {  	s2 =	sld [smem:$0x3F83]  }
0x29: {  	s4 =	sld [smem:$0x3F85]  }
0x2a: {  	p0 =	seq.s32 s5, $0x0;
	s5 =	sld [smem:$0x3F86]  }
0x2b: {  	s6 =	sld [smem:$0x3F87]  }
0x2c: {  	s7 =	sld [smem:$0x3F88]  }
0x2d: {  	s3 =	simm.s32 $0x108;
	s8 =	sld [smem:$0x3F89]  }
0x2e: {  	s3 =	simm.s32 @!p0 $0x1082;
	s9 =	sld [smem:$0x3F8A]  }
0x2f: {  	lr =	sadd.s32 s0, s3;
	s0 =	sld [smem:$0x3F81]  }
0x30: {  	s3 =	sld [smem:$0x3F84]  }
0x31: {  	[smem:$0x3F8D] =	sst s10  }
0x32: {  	s10 =	sld [smem:$0x3F8B];
	_ =	sdelay $0x3  }
0x33: {  	p0 =	seq.s32 s10, $0x1;
	s10 =	sld [smem:$0x3F8D];
	_ =	sdelay $0x3  }
0x34: {  	[smem:$0x3F8D] =	sst s10  }
0x35: {  	s10 =	sld [smem:$0x3F8C];
	_ =	sdelay $0x3  }
0x36: {  	p1 =	seq.s32 s10, $0x1;
	s10 =	sld [smem:$0x3F8D];
	_ =	sdelay $0x3  }
0x37: {  	[smem:$0x3F8D] =	sst s10  }
0x38: {  	s10 =	sld [smem:$0x3F8E]  }
0x39: {  	_ = 	snop;
	(pc) =	sbr.ind lr, $3  }
0x3a: {  	_ = 	snop  }
0x3b: {  	_ = 	snop  }
0x3c: {  	p2 =	seq.s32 s10, $0x1;
	s10 =	sld [smem:$0x3F8D]  }
0x3d: {  	_ =	shalt  }
0x3e: {  	_ =	shalt  }
0x3f: {  	_ =	shalt  }
0x40: {  	_ =	shalt  }
0x41: {  	_ =	shalt  }
0x42: {  	_ =	shalt  }
0x43: {  	_ =	shalt  }
0x44: {  	_ =	shalt  }
0x45: {  	_ =	shalt  }
0x46: {  	_ =	shalt  }
0x47: {  	_ =	shalt  }
0x48: {  	_ =	shalt  }
0x49: {  	_ =	shalt  }
0x4a: {  	_ =	shalt  }
0x4b: {  	_ =	shalt  }
0x4c: {  	_ =	shalt  }
0x4d: {  	_ =	shalt  }
0x4e: {  	_ =	shalt  }
0x4f: {  	_ =	shalt  }
0x50: {  	_ =	shalt  }
0x51: {  	_ =	shalt  }
0x52: {  	_ =	shalt  }
0x53: {  	_ =	shalt  }
0x54: {  	_ =	shalt  }
0x55: {  	_ =	shalt  }
0x56: {  	_ =	shalt  }
0x57: {  	_ =	shalt  }
0x58: {  	_ =	shalt  }
0x59: {  	_ =	shalt  }
0x5a: {  	_ =	shalt  }
0x5b: {  	_ =	shalt  }
0x5c: {  	_ =	shalt  }
0x5d: {  	_ =	shalt  }
0x5e: {  	_ =	shalt  }
0x5f: {  	_ =	shalt  }
0x60: {  	_ =	shalt  }
0x61: {  	_ =	shalt  }
0x62: {  	_ =	shalt  }
0x63: {  	_ =	shalt  }
0x64: {  	_ =	shalt  }
0x65: {  	_ =	shalt  }
0x66: {  	_ =	shalt  }
0x67: {  	_ =	shalt  }
0x68: {  	_ =	shalt  }
0x69: {  	_ =	shalt  }
0x6a: {  	_ =	shalt  }
0x6b: {  	_ =	shalt  }
0x6c: {  	_ =	shalt  }
0x6d: {  	_ =	shalt  }
0x6e: {  	_ =	shalt  }
0x6f: {  	_ =	shalt  }
0x70: {  	_ =	shalt  }
0x71: {  	_ =	shalt  }
0x72: {  	_ =	shalt  }
0x73: {  	_ =	shalt  }
0x74: {  	_ =	shalt  }
0x75: {  	_ =	shalt  }
0x76: {  	_ =	shalt  }
0x77: {  	_ =	shalt  }
0x78: {  	_ =	shalt  }
0x79: {  	_ =	shalt  }
0x7a: {  	_ =	shalt  }
0x7b: {  	_ =	shalt  }
0x7c: {  	_ =	shalt  }
0x7d: {  	_ =	shalt  }
0x7e: {  	_ =	shalt  }
0x7f: {  	_ =	shalt  }
0x80: {  	_ =	shalt  }
0x81: {  	_ =	shalt  }
0x82: {  	_ =	shalt  }
0x83: {  	_ =	shalt  }
0x84: {  	_ =	shalt  }
0x85: {  	_ =	shalt  }
0x86: {  	_ =	shalt  }
0x87: {  	_ =	shalt  }
.Lfunc_end0:
.L_simem_size_0:
called_computation_lowered:
.L_overlay_start_0:
0x88: {  	s2 =	sld [smem:$0x3FD9]  }
0x89: {  	s3 =	sld [smem:$0x3FFE];
	_ =	sdelay $0x1  }
0x8a: {  	s1 =	srdreg.scid  }
0x8b: {  	s0 =	sand.u32 $0x1, s1  }
0x8c: {  	s15 =	sshll.u32 s0, $0xA;
	s2 =	sadd.s32 s3, s2  }
0x8d: {  	s2 =	sadd.s32 s2, s15  }
0x8e: {  	[smem:$0x3F99] =	sst s2  }
0x8f: {  	_ = 	snop  }
0x90: {  	(tm) =	ssettm $0x1  }
0x91: {  	s16 =	sld [smem:$0x3FFB];
	_ =	sdelay $0x3  }
0x92: {  	_ =	strace s16  }
0x93: {  	s2 =	sld [smem:$0x3FFC];
	_ =	sdelay $0x3  }
0x94: {  	_ =	strace s2  }
0x95: {  	s2 =	sld [smem:$0x3FFD];
	_ =	sdelay $0x3  }
0x96: {  	_ =	strace s2  }
0x97: {  	_ =	strace $0x8FFFFFFF  }
0x98: {  	s17 =	sld [smem:$0x3FDB];
	_ =	sdelay $0x1  }
0x99: {  	s18 =	simm.s32 $_scs_section_size  }
0x9a: {  	s4 =	simm.s32 $_size__tile_overlayer_lowered;
	s5 =	simm.s32 $_tile_overlayer_lowered  }
0x9b: {  	s21 =	simm.s32 $0x1BFF;
	s20 =	sshll.u32 s5, $0x1;
	s2 =	sadd.s32 s18, s17  }
0x9c: {  	s6 =	simm.s32 $0x0;
	s19 =	sshll.u32 s4, $0x1;
	s4 =	sadd.s32 s20, s2  }
0x9d: {  	[timem:s6], [sflag:s21] =	dma.local [hbm:s4], s19  }
0x9e: {  	_ =	swait.ge [sflag:s21], s19  }
0x9f: {  	s3 =	ssub.s32 $0x0, s19;
	[sflag:s21] =	ssyncset.done $0x0  }
0xa0: {  	[sflag:s21] =	ssyncadd.s32 s3;
	_ =	sdelay $0x1  }
0xa1: {  	s22 =	simm.s32 $0x1B8B  }
0xa2: {  	_ =	swait.ge [sflag:s22], $0x1  }
0xa3: {  	[sflag:s22] =	ssyncset.done $0x0  }
0xa4: {  	s23 =	sld [smem:$0x3FFE];
	[sflag:s22] =	ssyncadd.s32 $0xFFFFFFFF  }
0xa5: {  	s25 =	simm.s32 $0x1B8E;
	s24 =	sld [smem:$0x0]  }
0xa6: {  	s26 =	simm.s32 $execute0_lowered;
	[smem:$0x3FD2] =	sst s25  }
0xa7: {  	s5 =	sshll.u32 s26, $0x1;
	_ =	strace $0x80000049;
	[dreg:$0x1] =	wrdreg $0xFFFFFFFF  }
0xa8: {  	s28 =	simm.s32 $_size_execute0_lowered;
	s2 =	sadd.s32 s2, s5;
	[dreg:$0x0] =	wrdreg $0x0  }
0xa9: {  	s5 =	sshll.u32 s28, $0x1;
	[dreg:$0x2] =	wrdreg s2  }
0xaa: {  	[dreg:$0x3] =	wrdreg s5  }
0xab: {  	[dreg:$0x4] =	wrdreg $0xC0  }
0xac: {  	_ =	task [dreg:s6], $0x5FFFF  }
0xad: {  	[dreg:$0x1] =	wrdreg $0xFFFFFFFF  }
0xae: {  	[dreg:$0x0] =	wrdreg $0x60  }
0xaf: {  	[dreg:$0x2] =	wrdreg s23  }
0xb0: {  	[dreg:$0x3] =	wrdreg s1  }
0xb1: {  	[dreg:$0x4] =	wrdreg s24  }
0xb2: {  	[dreg:$0x5] =	wrdreg $0x9  }
0xb3: {  	_ =	task.clear_ibuf [dreg:s6], $0x6FFFF;
	_ =	strace $0x90000049  }
0xb4: {  	s29 =	simm.s32 $0x9;
	_ =	strace $0x8000004B  }
0xb5: {  	_ =	swait.ge [sflag:s29], $0x1  }
0xb6: {  	[sflag:s29] =	ssyncadd.s32 $0xFFFFFFFF  }
0xb7: {  	_ =	strace $0x9000004B  }
0xb8: {  	_ =	sfence  }
0xb9: {  	s30 =	sld [smem:$0x0];
	_ =	sdelay $0x2  }
0xba: {  	s31 =	sshll.u32 s1, $0xD;
	s1 =	sshrl.u32 s1, $0x2  }
0xbb: {  	s3 =	sand.u32 $0x4000, s31;
	s1 =	sadd.s32 s1, s30  }
0xbc: {  	s0 =	sor.u32 s3, s0;
	s1 =	sshll.u32 s1, $0x11  }
0xbd: {  	s0 =	sor.u32 s1, s0  }
0xbe: {  	s0 =	sadd.s32 $0x8F2B, s0  }
0xbf: {  	[sflag:s0] =	ssyncadd.remote.s32 $0x1  }
0xc0: {  	_ =	sfence.sel $0xFFFF  }
0xc1: {  	[dreg:$0x0] =	wrdreg $0xFFFFFFFF;
	(pc) =	sbr.abs _section_cstart, $3  }
0xc2: {  	[dreg:$0x1] =	wrdreg $0xFFFFFFFF  }
0xc3: {  	_ =	task.clear_ibuf [dreg:s6], $0x2FFFF;
	_ =	strace $0x9FFFFFFF  }
0xc4: {  	(tm) =	ssettm $0x7FFFFFFF  }
0xc5: {  	_ =	shalt  }
tec
execute0_lowered:
.L_overlay_start_1:
0x0: {  	(tag) =	ssettag $0x1  }
0x1: {  	s2 =	rddreg [dreg:$0x0]  }
0x2: {  	s4 =	rddreg [dreg:$0x1];
	_ =	strace $0x8000004A;
	s0 =	simm.s32 $0x1  }
0x3: {  	s3 =	simm.s32 $0x88;
	v0 =	vimm.s32 $0x0;
	[sflag:s0] =	ssyncpa.u1 $0x0  }
0x4: {  	s1 =	sadd.s32 $0x1AA00, s2;
	[tilespmem:s3+$0x30] =	vst v0  }
0x5: {  	s0 =	sadd.s32 $0xA05C00, s2;
	s6 =	sadd.s32 $0xA19800, s2;
	[tilespmem:s3+$0x20] =	vst v0  }
0x6: {  	s2 =	sadd.s32 $0xA0FA00, s2;
	s7 =	sand.u32 $0x1, s4;
	s4 =	simm.s32 $0x40;
	[tilespmem:s3+$0x10] =	vst v0  }
.LBB2_1:
0x7: {  	s4 =	sadd.s32 $0x40, s4  }
0x8: {  	[tilespmem:s3+$0x0] =	vst v0;
	s3 =	sadd.s32 $0x40, s3;
	p0 =	slt.u32 s4, $0x5040  }
.Ltmp0:
0x9: {  	(pc) =	sbr.rel @p0 .LBB2_1-.Ltmp0, $4  }
0xa: {  	_ = 	snop  }
0xb: {  	[tilespmem:s3+$0x30] =	vst v0  }
0xc: {  	[tilespmem:s3+$0x20] =	vst v0  }
0xd: {  	[tilespmem:s3+$0x10] =	vst v0  }
0xe: {  	s8 =	stileid.u32  }
0xf: {  	s4 =	smul.u32 $0x1F, s8  }
0x10: {  	s5 =	smin.u32 s8, $0x4  }
0x11: {  	s4 =	sadd.s32 s5, s4  }
0x12: {  	p0 =	slt.u32 s8, $0x4;
	s12 =	smul.u32 $0x140, s4;
	s4 =	simm.s32 $0x2800  }
0x13: {  	s4 =	simm.s32 @!p0 $0x26C0  }
0x14: {  	s25 =	simm.s32 $0x2;
	s4 =	sadd.s32 s4, s12  }
0x15: {  	s28 =	simm.s32 $0x9;
	s9 =	simm.s32 $0xA;
	s14 =	smin.u32 s4, $0x27100  }
0x16: {  	s30 =	simm.s32 $0xB;
	[dreg:$0x4] =	wrdreg s7;
	s4 =	ssub.s32 s14, s12  }
0x17: {  	s31 =	smul.u32 $0x4E20, s7;
	s13 =	simm.s32 $0x1;
	p0 =	sgt.s32 s4, $0x0  }
0x18: {  	s19 =	simm.s32 $0x0;
	s20 =	simm.s32 $0xA808;
	s4 =	simm.s32 @!p0 $0x0  }
0x19: {  	s21 =	simm.s32 $0xFFFFFFFF;
	p1 =	por $0x0, $0x0;
	s26 =	smulhi.u32 $0x66666667, s4  }
0x1a: {  	[tilespmem:s3+$0x0] =	vst v0;
	s23 =	simm.s32 $0x0;
	[sflag:s25] =	ssyncpa.u1 $0x0;
	s18 =	sshll.u32 s8, $0x7  }
0x1b: {  	s0 =	sadd.s32 s31, s0;
	[dreg:$0xa] =	wrdreg s18;
	s3 =	sshrl.u32 s26, $0x7  }
0x1c: {  	v0 =	vimm.s32 $0xFFFFFFFF;
	s17 =	sadd.s32 s31, s2;
	[dreg:$0x9] =	wrdreg s0;
	s29 =	smul.u32 $0x140, s3  }
0x1d: {  	s25 =	simm.s32 $0x0;
	[tilespmem:$0xA108] =	vst v0;
	[sflag:s28] =	ssyncpa.u1 $0x0;
	[dreg:$0x8] =	wrdreg s17  }
.Ltmp1:
0x1e: {  	p0 =	sne.s32 s4, s29;
	s4 =	simm.s32 $0x1;
	(pc) =	sbr.rel .LBB2_3-.Ltmp1, $4  }
0x1f: {  	[sflag:s9] =	ssyncpa.u1 $0x0;
	[dreg:$0x5] =	wrdreg s12;
	s4 =	simm.s32 @!p0 $0x0  }
0x20: {  	[sflag:s30] =	ssyncpa.u1 $0x0;
	[dreg:$0x6] =	wrdreg s14;
	s15 =	sadd.s32 s4, s3  }
0x21: {  	s24 =	smov.u32 s12;
	s22 =	sadd.s32 $0x1, s15;
	[dreg:$0x7] =	wrdreg s15  }
0x22: {  	v0 =	vlaneseq.u32;
	s26 =	simm.s32 $0x0;
	p0 =	por $0x1, $0x1;
	[dreg:$0xb] =	wrdreg s22  }
.LBB2_22:
0x23: {  	s0 =	sshrl.u32 s2, $0x2  }
.LBB2_24:
0x24: {  	s2 =	simm.s32 $0xC  }
0x25: {  	_ =	swait.ge [sflag:s2], s0  }
0x26: {  	s31 =	ssub.s32 $0x0, s0;
	v1 =	vmov s4;
	vm0 =	veq.s32 v0, $0x0;
	[sflag:s2] =	ssyncset.done $0x0  }
0x27: {  	vm15 =	veq.s32 v0, $0x2;
	v1 =	vsel vm0, s5, v1;
	[sflag:s2] =	ssyncadd.s32 s31  }
0x28: {  	v1 =	vsel vm15, s26, v1;
	[sflag:s2] =	ssyncpa.u1 $0x1  }
0x29: {  	[tilespmem:$0xA108] =	vst v1  }
.LBB2_25:
0x2a: {  	s0 =	sadd.s32 $0x140, s24  }
0x2b: {  	s2 =	smov.u32 s12;
	p2 =	slt.s32 s0, s14  }
0x2c: {  	s2 =	smov.u32 @p2 s0;
	p2 =	sne.s32 s25, s22  }
.Ltmp2:
0x2d: {  	_ = 	snop;
	(pc) =	sbr.rel @!p2 .LBB2_26-.Ltmp2, $4  }
0x2e: {  	_ = 	snop  }
0x2f: {  	s26 =	smov.u32 s23;
	s31 =	sadd.s32 $0x1, s25;
	p0 =	por !p0, !p0  }
0x30: {  	s23 =	smov.u32 s24;
	s20 =	sadd.s32 $0x140, s20;
	s21 =	sadd.s32 $0x1, s21  }
0x31: {  	p1 =	por !p1, !p1;
	s25 =	smov.u32 s31;
	s24 =	smov.u32 s2  }
.LBB2_3:
0x32: {  	p2 =	sge.u32 s25, s15  }
0x33: {  	s0 =	smulhi.u32 @!p2 $0xAAAAAAAB, s25  }
0x34: {  	s2 =	smov.u32 s24;
	p3 =	sgt.s32 @!p2 s24, $0x26FC0  }
0x35: {  	s3 =	sshra.s32 @!p2 s24, $0x1F;
	p3 =	por !p3, p2;
	s0 =	sshrl.u32 @!p2 s0, $0x1  }
0x36: {  	s3 =	sand.u32 @!p2 s3, s24;
	s2 =	simm.s32 @p3 $0x26FC0;
	s0 =	smul.u32 @!p2 $0x3, s0  }
0x37: {  	s2 =	ssub.s32 @!p2 s2, s3  }
0x38: {  	s2 =	sadd.s32 @!p2 $0xFFFD9040, s2;
	s0 =	ssub.s32 @!p2 s25, s0  }
0x39: {  	s3 =	sshll.u32 @!p2 s2, $0x2;
	p3 =	sgt.s32 @!p2 s2, $0x13F;
	s0 =	smul.u32 @!p2 $0x500, s0  }
0x3a: {  	s4 =	sand.u32 @!p2 $0x7, s24;
	s2 =	ssub.s32 @!p2 $0x500, s3;
	p3 =	por !p3, p2  }
0x3b: {  	s3 =	sshrl.u32 @!p2 s24, $0x3;
	s2 =	sshrl.u32 @!p2 s2, $0x2;
	s0 =	sshrl.u32 @!p2 s0, $0x2  }
0x3c: {  	s3 =	sadd.s32 @!p2 s3, s17;
	s2 =	simm.s32 @!p3 $0x0;
	s0 =	sadd.s32 @!p2 $0xA948, s0  }
0x3d: {  	[tilespmem:s0], [sflag:$0xA] =	stream.linear.gather @!p2 [hbm4b:s3+s4], s2, $0x38;
	[tilespmem:$0x1EF88] =	vst v63  }
0x3e: {  	s0 =	sadd.s32 $0xFFFFFFFF, s25  }
0x3f: {  	p2 =	sge.u32 s0, s15  }
.Ltmp3:
0x40: {  	_ = 	snop;
	(pc) =	sbr.rel @p2 .LBB2_7-.Ltmp3, $1  }
0x41: {  	_ =	sdelay $0x3  }
0x42: {  	p2 =	sgt.s32 s23, $0x26FC0;
	s2 =	smov.u32 s23;
	s3 =	sshra.s32 s23, $0x1F  }
0x43: {  	s2 =	simm.s32 @!p2 $0x26FC0;
	s3 =	sand.u32 s3, s23  }
0x44: {  	s2 =	ssub.s32 s2, s3  }
0x45: {  	s17 =	smulhi.u32 $0xAAAAAAAB, s21;
	s0 =	sand.u32 $0x1, s0;
	s2 =	sadd.s32 $0xFFFD9040, s2  }
0x46: {  	s5 =	simm.s32 $0xA;
	s22 =	sshrl.u32 s23, $0x3;
	s4 =	sshll.u32 s2, $0x2  }
0x47: {  	s0 =	smul.u32 $0x500, s0;
	s3 =	sshrl.u32 s17, $0x1;
	s4 =	ssub.s32 $0x500, s4  }
0x48: {  	s3 =	smul.u32 $0xFFFFF100, s3;
	p2 =	sgt.s32 s2, $0x13F;
	s2 =	sshrl.u32 s4, $0x2  }
0x49: {  	s7 =	sand.u32 $0x7, s23;
	s0 =	sshrl.u32 s0, $0x2;
	s2 =	simm.s32 @p2 $0x0  }
0x4a: {  	s0 =	sadd.s32 $0xAD08, s0;
	s3 =	sshra.s32 s3, $0x2;
	_ =	swait.ge [sflag:s5], s2  }
0x4b: {  	s18 =	ssub.s32 $0x0, s2;
	[sflag:s5] =	ssyncset.done $0x0;
	s31 =	rddreg [dreg:$0x9]  }
0x4c: {  	s4 =	sadd.s32 s3, s20;
	[sflag:s5] =	ssyncadd.s32 s18;
	s3 =	sadd.s32 s22, s31  }
0x4d: {  	[tilespmem:s0], [sflag:$0xB] =	stream.linear.gather [hbm4b:s3+s7], s2, $0x38;
	[tilespmem:$0x1EF88] =	vst v63  }
0x4e: {  	v1 =	vld.msk [tilespmem:s4+$0x0], $0xffff;
	_ =	sdelay $0x4  }
0x4f: {  	v1 =	vshll.u32 v1, $0x4  }
0x50: {  	(v2sf) =	vpush v1, $0x0;
	_ =	sdelay $0x1  }
0x51: {  	(v2sf) =	vpush v1, $0x1  }
0x52: {  	(v2sf) =	vpush v1, $0x2;
	_ =	sdelay $0x1  }
0x53: {  	(v2sf) =	vpush v1, $0x3  }
0x54: {  	(v2sf) =	vpush v1, $0x4;
	_ =	sdelay $0x1  }
0x55: {  	(v2sf) =	vpush v1, $0x5  }
0x56: {  	s0 =	simm.s32 $0x1  }
0x57: {  	s0 =	simm.s32 @!p0 $0x0  }
0x58: {  	s0 =	smul.u32 $0x28000, s0  }
0x59: {  	(v2sf) =	vpush v1, $0x6  }
0x5a: {  	s0 =	sshrl.u32 s0, $0x2  }
0x5b: {  	s28 =	sadd.s32 $0xB708, s0  }
0x5c: {  	s10 =	sadd.s32 $0xFFFFF880, s28;
	s15 =	sadd.s32 $0xFFFFF900, s28;
	s8 =	spop (v2sf)  }
0x5d: {  	s16 =	sadd.s32 $0xFFFFF980, s28;
	s31 =	sadd.s32 $0xFFFFFA00, s28;
	(v2sf) =	vpush v1, $0x7;
	s9 =	sand.u32 $0x1FFFFFF0, s8  }
0x5e: {  	s3 =	sadd.s32 $0xFFFFFA80, s28;
	s11 =	spop (v2sf);
	s0 =	sadd.s32 s6, s9  }
0x5f: {  	(v2sf) =	vpush v1, $0x8;
	s12 =	sand.u32 $0x1FFFFFF0, s11;
	s14 =	spop (v2sf);
	s9 =	sadd.s32 $0xFFFFFB00, s28  }
0x60: {  	(v2sf) =	vpush v1, $0x9;
	[tilespmem:s10], [sflag:$0x9] =	stream.linear.gather [hbm4b:s0+s19], $0x40, $0x38;
	[tilespmem:$0x1EF88] =	vst v63  }
0x61: {  	s0 =	sadd.s32 s6, s12;
	s2 =	sand.u32 $0x1FFFFFF0, s14;
	s17 =	spop (v2sf)  }
0x62: {  	(v2sf) =	vpush v1, $0xA;
	s10 =	sadd.s32 $0xFFFFFB80, s28;
	s18 =	sand.u32 $0x1FFFFFF0, s17;
	s22 =	spop (v2sf)  }
0x63: {  	[tilespmem:s15], [sflag:$0x9] =	stream.linear.gather [hbm4b:s0+s19], $0x40, $0x38;
	[tilespmem:$0x1EF88] =	vst v63  }
0x64: {  	s2 =	sadd.s32 s6, s2;
	(v2sf) =	vpush v1, $0xB;
	s0 =	sadd.s32 s6, s18;
	s5 =	spop (v2sf)  }
0x65: {  	[tilespmem:s16], [sflag:$0x9] =	stream.linear.gather [hbm4b:s2+s19], $0x40, $0x38;
	[tilespmem:$0x1EF88] =	vst v63  }
0x66: {  	(v2sf) =	vpush v1, $0xC;
	s15 =	sadd.s32 $0xFFFFFC00, s28;
	s7 =	sand.u32 $0x1FFFFFF0, s5;
	s2 =	sand.u32 $0x1FFFFFF0, s22  }
0x67: {  	[tilespmem:s31], [sflag:$0x9] =	stream.linear.gather [hbm4b:s0+s19], $0x40, $0x38;
	[tilespmem:$0x1EF88] =	vst v63  }
0x68: {  	s8 =	spop (v2sf);
	(v2sf) =	vpush v1, $0xD;
	s5 =	sadd.s32 $0xFFFFFD80, s28;
	s2 =	sadd.s32 s6, s2  }
0x69: {  	[tilespmem:s3], [sflag:$0x9] =	stream.linear.gather [hbm4b:s2+s19], $0x40, $0x38;
	[tilespmem:$0x1EF88] =	vst v63  }
0x6a: {  	s16 =	sadd.s32 $0xFFFFFC80, s28;
	s0 =	sadd.s32 s6, s7;
	s2 =	sand.u32 $0x1FFFFFF0, s8  }
0x6b: {  	[tilespmem:s9], [sflag:$0x9] =	stream.linear.gather [hbm4b:s0+s19], $0x40, $0x38;
	[tilespmem:$0x1EF88] =	vst v63  }
0x6c: {  	s31 =	sadd.s32 $0xFFFFFD00, s28;
	s2 =	sadd.s32 s6, s2;
	s11 =	spop (v2sf);
	(v2sf) =	vpush v1, $0xE  }
0x6d: {  	[tilespmem:s10], [sflag:$0x9] =	stream.linear.gather [hbm4b:s2+s19], $0x40, $0x38;
	[tilespmem:$0x1EF88] =	vst v63  }
0x6e: {  	s10 =	sadd.s32 $0xFFFFFE00, s28;
	s12 =	sand.u32 $0x1FFFFFF0, s11;
	s14 =	spop (v2sf);
	(v2sf) =	vpush v1, $0xF  }
0x6f: {  	s0 =	sadd.s32 s6, s12;
	s2 =	sand.u32 $0x1FFFFFF0, s14;
	s17 =	spop (v2sf)  }
0x70: {  	[tilespmem:s15], [sflag:$0x9] =	stream.linear.gather [hbm4b:s0+s19], $0x40, $0x38;
	[tilespmem:$0x1EF88] =	vst v63  }
0x71: {  	s2 =	sadd.s32 s6, s2;
	s18 =	sand.u32 $0x1FFFFFF0, s17;
	s22 =	spop (v2sf)  }
0x72: {  	[tilespmem:s16], [sflag:$0x9] =	stream.linear.gather [hbm4b:s2+s19], $0x40, $0x38;
	[tilespmem:$0x1EF88] =	vst v63  }
0x73: {  	s0 =	sadd.s32 s6, s18;
	s7 =	spop (v2sf);
	s2 =	sand.u32 $0x1FFFFFF0, s22  }
0x74: {  	[tilespmem:s31], [sflag:$0x9] =	stream.linear.gather [hbm4b:s0+s19], $0x40, $0x38;
	[tilespmem:$0x1EF88] =	vst v63  }
0x75: {  	s8 =	sand.u32 $0x1FFFFFF0, s7;
	s9 =	spop (v2sf);
	s2 =	sadd.s32 s6, s2  }
0x76: {  	[tilespmem:s5], [sflag:$0x9] =	stream.linear.gather [hbm4b:s2+s19], $0x40, $0x38;
	[tilespmem:$0x1EF88] =	vst v63  }
0x77: {  	s12 =	spop (v2sf);
	s0 =	sadd.s32 s6, s8;
	s2 =	sand.u32 $0x1FFFFFF0, s9  }
0x78: {  	[tilespmem:s10], [sflag:$0x9] =	stream.linear.gather [hbm4b:s0+s19], $0x40, $0x38;
	[tilespmem:$0x1EF88] =	vst v63  }
0x79: {  	s11 =	sadd.s32 $0xFFFFFE80, s28;
	s14 =	sand.u32 $0x1FFFFFF0, s12;
	s2 =	sadd.s32 s6, s2  }
0x7a: {  	[tilespmem:s11], [sflag:$0x9] =	stream.linear.gather [hbm4b:s2+s19], $0x40, $0x38;
	[tilespmem:$0x1EF88] =	vst v63  }
0x7b: {  	s16 =	sadd.s32 $0xFFFFFF00, s28;
	s0 =	sadd.s32 s6, s14;
	s15 =	spop (v2sf)  }
0x7c: {  	[tilespmem:s16], [sflag:$0x9] =	stream.linear.gather [hbm4b:s0+s19], $0x40, $0x38;
	[tilespmem:$0x1EF88] =	vst v63  }
0x7d: {  	s30 =	sadd.s32 $0x10, s4;
	s2 =	sand.u32 $0x1FFFFFF0, s15;
	s17 =	spop (v2sf)  }
0x7e: {  	s22 =	sadd.s32 $0xFFFFFF80, s28;
	s18 =	sadd.s32 s6, s2;
	s31 =	sand.u32 $0x1FFFFFF0, s17  }
0x7f: {  	[tilespmem:s22], [sflag:$0x9] =	stream.linear.gather [hbm4b:s18+s19], $0x40, $0x38;
	[tilespmem:$0x1EF88] =	vst v63  }
0x80: {  	s29 =	sadd.s32 $0x800, s28;
	s0 =	simm.s32 $0x0;
	s2 =	sadd.s32 s6, s31  }
.LBB2_5:
0x81: {  	[tilespmem:s28], [sflag:$0x9] =	stream.linear.gather [hbm4b:s2+s19], $0x40, $0x38;
	[tilespmem:$0x1EF88] =	vst v63  }
0x82: {  	s0 =	sadd.s32 $0x10, s0;
	s28 =	smov.u32 s29  }
0x83: {  	p2 =	slt.u32 s0, $0x130;
	v1 =	vld.msk [tilespmem:s30+$0x0], $0xffff;
	_ =	sdelay $0x4  }
0x84: {  	v1 =	vshll.u32 v1, $0x4  }
0x85: {  	(v2sf) =	vpush v1, $0x0  }
0x86: {  	(v2sf) =	vpush v1, $0x1  }
0x87: {  	(v2sf) =	vpush v1, $0x2;
	_ =	sdelay $0x1  }
0x88: {  	(v2sf) =	vpush v1, $0x3;
	_ =	sdelay $0x1  }
0x89: {  	(v2sf) =	vpush v1, $0x4;
	_ =	sdelay $0x1  }
0x8a: {  	(v2sf) =	vpush v1, $0x5;
	_ =	sdelay $0x1  }
0x8b: {  	(v2sf) =	vpush v1, $0x6  }
0x8c: {  	s31 =	sadd.s32 $0xFFFFFE80, s29;
	s4 =	sadd.s32 $0xFFFFFF00, s29  }
0x8d: {  	s3 =	sadd.s32 $0xFFFFFD00, s29;
	s2 =	sadd.s32 $0xFFFFFD80, s29;
	s5 =	sadd.s32 $0xFFFFFE00, s29;
	(v2sf) =	vpush v1, $0x7  }
0x8e: {  	s10 =	sadd.s32 $0xFFFFFB80, s29;
	s9 =	sadd.s32 $0xFFFFFC00, s29;
	s16 =	sadd.s32 $0xFFFFFC80, s29  }
0x8f: {  	s11 =	sadd.s32 $0xFFFFFA00, s29;
	s12 =	sadd.s32 $0xFFFFFA80, s29;
	s15 =	sadd.s32 $0xFFFFFB00, s29;
	(v2sf) =	vpush v1, $0x8  }
0x90: {  	s18 =	sadd.s32 $0xFFFFF900, s29;
	s7 =	sadd.s32 $0xFFFFF980, s29;
	s22 =	spop (v2sf)  }
0x91: {  	s8 =	sadd.s32 $0xFFFFF880, s29;
	s22 =	sand.u32 $0x1FFFFFF0, s22;
	s14 =	spop (v2sf);
	(v2sf) =	vpush v1, $0x9  }
0x92: {  	s22 =	sadd.s32 s6, s22;
	s14 =	sand.u32 $0x1FFFFFF0, s14;
	s17 =	spop (v2sf)  }
0x93: {  	[tilespmem:s8], [sflag:$0x9] =	stream.linear.gather [hbm4b:s22+s19], $0x40, $0x38;
	(v2sf) =	vpush v1, $0xA;
	[tilespmem:$0x1EF88] =	vst v63  }
0x94: {  	s8 =	sadd.s32 s6, s14;
	s14 =	sand.u32 $0x1FFFFFF0, s17;
	s17 =	spop (v2sf)  }
0x95: {  	[tilespmem:s18], [sflag:$0x9] =	stream.linear.gather [hbm4b:s8+s19], $0x40, $0x38;
	(v2sf) =	vpush v1, $0xB;
	[tilespmem:$0x1EF88] =	vst v63  }
0x96: {  	s8 =	sadd.s32 s6, s14;
	s14 =	sand.u32 $0x1FFFFFF0, s17;
	s17 =	spop (v2sf)  }
0x97: {  	[tilespmem:s7], [sflag:$0x9] =	stream.linear.gather [hbm4b:s8+s19], $0x40, $0x38;
	(v2sf) =	vpush v1, $0xC;
	[tilespmem:$0x1EF88] =	vst v63  }
0x98: {  	s7 =	sadd.s32 s6, s14;
	s8 =	sand.u32 $0x1FFFFFF0, s17;
	s14 =	spop (v2sf)  }
0x99: {  	[tilespmem:s11], [sflag:$0x9] =	stream.linear.gather [hbm4b:s7+s19], $0x40, $0x38;
	(v2sf) =	vpush v1, $0xD;
	[tilespmem:$0x1EF88] =	vst v63  }
0x9a: {  	s7 =	sadd.s32 s6, s8;
	s8 =	sand.u32 $0x1FFFFFF0, s14;
	s11 =	spop (v2sf)  }
0x9b: {  	[tilespmem:s12], [sflag:$0x9] =	stream.linear.gather [hbm4b:s7+s19], $0x40, $0x38;
	(v2sf) =	vpush v1, $0xE;
	[tilespmem:$0x1EF88] =	vst v63  }
0x9c: {  	s7 =	sadd.s32 s6, s8;
	s8 =	sand.u32 $0x1FFFFFF0, s11;
	s11 =	spop (v2sf)  }
0x9d: {  	[tilespmem:s15], [sflag:$0x9] =	stream.linear.gather [hbm4b:s7+s19], $0x40, $0x38;
	(v2sf) =	vpush v1, $0xF;
	[tilespmem:$0x1EF88] =	vst v63  }
0x9e: {  	s7 =	sadd.s32 s6, s8;
	s8 =	sand.u32 $0x1FFFFFF0, s11;
	s11 =	spop (v2sf)  }
0x9f: {  	[tilespmem:s10], [sflag:$0x9] =	stream.linear.gather [hbm4b:s7+s19], $0x40, $0x38;
	[tilespmem:$0x1EF88] =	vst v63  }
0xa0: {  	s7 =	sadd.s32 s6, s8;
	s8 =	sand.u32 $0x1FFFFFF0, s11;
	s10 =	spop (v2sf)  }
0xa1: {  	[tilespmem:s9], [sflag:$0x9] =	stream.linear.gather [hbm4b:s7+s19], $0x40, $0x38;
	[tilespmem:$0x1EF88] =	vst v63  }
0xa2: {  	s7 =	sadd.s32 s6, s8;
	s8 =	sand.u32 $0x1FFFFFF0, s10;
	s9 =	spop (v2sf)  }
0xa3: {  	[tilespmem:s16], [sflag:$0x9] =	stream.linear.gather [hbm4b:s7+s19], $0x40, $0x38;
	[tilespmem:$0x1EF88] =	vst v63  }
0xa4: {  	s7 =	sadd.s32 s6, s8;
	s8 =	sand.u32 $0x1FFFFFF0, s9;
	s9 =	spop (v2sf)  }
0xa5: {  	[tilespmem:s3], [sflag:$0x9] =	stream.linear.gather [hbm4b:s7+s19], $0x40, $0x38;
	[tilespmem:$0x1EF88] =	vst v63  }
0xa6: {  	s3 =	sadd.s32 s6, s8;
	s7 =	sand.u32 $0x1FFFFFF0, s9;
	s8 =	spop (v2sf)  }
0xa7: {  	[tilespmem:s2], [sflag:$0x9] =	stream.linear.gather [hbm4b:s3+s19], $0x40, $0x38;
	[tilespmem:$0x1EF88] =	vst v63  }
0xa8: {  	s2 =	sadd.s32 s6, s7;
	s3 =	sand.u32 $0x1FFFFFF0, s8;
	s7 =	spop (v2sf)  }
0xa9: {  	[tilespmem:s5], [sflag:$0x9] =	stream.linear.gather [hbm4b:s2+s19], $0x40, $0x38;
	[tilespmem:$0x1EF88] =	vst v63  }
0xaa: {  	s2 =	sadd.s32 s6, s3;
	s3 =	sand.u32 $0x1FFFFFF0, s7;
	s5 =	spop (v2sf)  }
0xab: {  	[tilespmem:s31], [sflag:$0x9] =	stream.linear.gather [hbm4b:s2+s19], $0x40, $0x38;
	[tilespmem:$0x1EF88] =	vst v63  }
0xac: {  	s2 =	sadd.s32 s6, s3  }
.Ltmp4:
0xad: {  	s3 =	sand.u32 $0x1FFFFFF0, s5;
	s5 =	spop (v2sf);
	(pc) =	sbr.rel @p2 .LBB2_5-.Ltmp4, $4  }
0xae: {  	[tilespmem:s4], [sflag:$0x9] =	stream.linear.gather [hbm4b:s2+s19], $0x40, $0x38;
	[tilespmem:$0x1EF88] =	vst v63  }
0xaf: {  	s2 =	sadd.s32 s6, s3;
	s3 =	sadd.s32 $0xFFFFFF80, s29;
	s4 =	sand.u32 $0x1FFFFFF0, s5  }
0xb0: {  	[tilespmem:s3], [sflag:$0x9] =	stream.linear.gather [hbm4b:s2+s19], $0x40, $0x38;
	[tilespmem:$0x1EF88] =	vst v63  }
0xb1: {  	s30 =	sadd.s32 $0x10, s30;
	s29 =	sadd.s32 $0x800, s29;
	s2 =	sadd.s32 s6, s4  }
0xb2: {  	[tilespmem:s28], [sflag:$0x9] =	stream.linear.gather [hbm4b:s2+s19], $0x40, $0x38;
	[tilespmem:$0x1EF88] =	vst v63  }
0xb3: {  	s12 =	rddreg [dreg:$0x5]  }
0xb4: {  	s14 =	rddreg [dreg:$0x6]  }
0xb5: {  	s15 =	rddreg [dreg:$0x7]  }
0xb6: {  	s17 =	rddreg [dreg:$0x8]  }
0xb7: {  	s18 =	rddreg [dreg:$0xa]  }
0xb8: {  	s22 =	rddreg [dreg:$0xb]  }
.LBB2_7:
0xb9: {  	p2 =	slt.u32 s25, $0x2  }
.Ltmp5:
0xba: {  	_ = 	snop;
	(pc) =	sbr.rel @p2 .LBB2_25-.Ltmp5, $1  }
0xbb: {  	_ =	sdelay $0x3  }
0xbc: {  	p2 =	sgt.s32 s26, $0x26FC0;
	s0 =	smov.u32 s26;
	s2 =	sshra.s32 s26, $0x1F  }
0xbd: {  	s0 =	simm.s32 @!p2 $0x26FC0;
	s2 =	sand.u32 s2, s26  }
0xbe: {  	s0 =	ssub.s32 s0, s2  }
0xbf: {  	s0 =	sadd.s32 $0xFFFD9040, s0  }
0xc0: {  	s3 =	simm.s32 $0x9;
	s29 =	sshll.u32 s0, $0x2  }
0xc1: {  	_ =	swait.ge [sflag:s3], $0x5000;
	s2 =	ssub.s32 $0x500, s29  }
0xc2: {  	[sflag:s3] =	ssyncset.done $0x0;
	p2 =	sgt.s32 s0, $0x13F;
	s0 =	sshrl.u32 s2, $0x2  }
0xc3: {  	s30 =	simm.s32 $0xB;
	[sflag:s3] =	ssyncadd.s32 $0xFFFFB000;
	s0 =	simm.s32 @p2 $0x0  }
0xc4: {  	_ =	swait.ge [sflag:s30], s0  }
0xc5: {  	s0 =	ssub.s32 $0x0, s0;
	[sflag:s30] =	ssyncset.done $0x0  }
0xc6: {  	[sflag:s30] =	ssyncadd.s32 s0  }
0xc7: {  	v1 =	vld [tilespmem:$0xA108];
	_ =	sdelay $0x4  }
0xc8: {  	(v2sf) =	vpush v1, $0x0  }
0xc9: {  	(v2sf) =	vpush v1, $0x1  }
0xca: {  	(v2sf) =	vpush v1, $0x2;
	_ =	sdelay $0x3  }
0xcb: {  	s0 =	sadd.s32 $0x140, s26  }
0xcc: {  	s4 =	ssub.s32 $0x4E200, s26;
	p2 =	slt.s32 s14, s0  }
0xcd: {  	s0 =	smov.u32 @p2 s14;
	p2 =	sgt.s32 s4, $0x0  }
0xce: {  	s0 =	ssub.s32 s0, s26;
	s4 =	simm.s32 @!p2 $0x0  }
0xcf: {  	p2 =	slt.s32 s4, s0  }
0xd0: {  	s0 =	smov.u32 @p2 s4  }
0xd1: {  	s2 =	simm.s32 $0x1;
	p2 =	slt.s32 s0, $0x1  }
.Ltmp6:
0xd2: {  	s2 =	simm.s32 @!p1 $0x0;
	(pc) =	sbr.rel @p2 .LBB2_12-.Ltmp6, $4  }
0xd3: {  	s7 =	smul.u32 $0x500, s2  }
0xd4: {  	s3 =	spop (v2sf)  }
0xd5: {  	s31 =	sshrl.u32 s7, $0x2;
	s5 =	spop (v2sf)  }
0xd6: {  	s28 =	sadd.s32 $0xAD08, s31;
	s26 =	spop (v2sf)  }
0xd7: {  	s4 =	smin.u32 s0, $0x10  }
0xd8: {  	v1 =	vmov s4  }
0xd9: {  	p3 =	sgt.s32 s0, $0x10;
	vm1 =	vgt.u32 v1, v0  }
.Ltmp7:
0xda: {  	_ = 	snop;
	(pc) =	sbr.rel @!p3 .LBB2_11-.Ltmp7, $2  }
0xdb: {  	_ =	sdelay $0x2  }
0xdc: {  	s9 =	simm.s32 $0x10;
	s10 =	sadd.s32 $0xFFFFFFF0, s0;
	s4 =	smov.u32 s28;
	vm0 =	vmmov vm1  }
.LBB2_10:
0xdd: {  	s7 =	smin.u32 s10, $0x10;
	s9 =	sadd.s32 $0x10, s9;
	v1 =	vld.msk [tilespmem:s4+$0x0 ss:$0x1], vm1  }
0xde: {  	v2 =	vmov s7;
	p3 =	slt.s32 s9, s0  }
0xdf: {  	vm1 =	vgt.u32 v2, v0  }
.Ltmp8:
0xe0: {  	(pc) =	sbr.rel @p3 .LBB2_10-.Ltmp8, $3  }
0xe1: {  	_ =	sdelay $0x1  }
0xe2: {  	v1 =	vshll.u32 v1, $0x4  }
0xe3: {  	s10 =	sadd.s32 $0xFFFFFFF0, s10;
	[tilespmem:s4+$0x0] =	vst.msk vm0, v1;
	s4 =	sadd.s32 $0x10, s4;
	vm0 =	vmmov vm1  }
.LBB2_11:
0xe4: {  	_ =	sdelay $0x4  }
0xe5: {  	v1 =	vld.msk [tilespmem:s4+$0x0 ss:$0x1], vm1;
	_ =	sdelay $0x4  }
0xe6: {  	v1 =	vshll.u32 v1, $0x4  }
0xe7: {  	[tilespmem:s4+$0x0] =	vst.msk vm0, v1  }
.LBB2_12:
0xe8: {  	s4 =	sand.u32 $0x1, s25  }
0xe9: {  	s7 =	smul.u32 $0xA000, s4  }
0xea: {  	p3 =	sne.s32 s5, $0xFFFFFFFF;
	s4 =	smul.u32 $0x140, s4  }
0xeb: {  	v1 =	vld @!p3 [tilespmem:s7+$0xAF88]  }
0xec: {  	v2 =	vld.msk @!p3 [tilespmem:s4+$0xAD08], $0x1;
	_ =	sdelay $0x3  }
0xed: {  	[tilespmem:$0x88] =	vst @!p3 v1  }
0xee: {  	(v2sf) =	vpush @!p3 v2, $0x0;
	v1 =	vld @!p3 [tilespmem:s7+$0xAF98];
	_ =	sdelay $0x4  }
0xef: {  	[tilespmem:$0x98] =	vst @!p3 v1  }
0xf0: {  	v1 =	vld @!p3 [tilespmem:s7+$0xAFA8];
	_ =	sdelay $0x4  }
0xf1: {  	[tilespmem:$0xA8] =	vst @!p3 v1  }
0xf2: {  	v1 =	vld @!p3 [tilespmem:s7+$0xAFB8]  }
.Ltmp9:
0xf3: {  	_ = 	snop;
	(pc) =	sbr.rel @p2 .LBB2_23-.Ltmp9, $4  }
0xf4: {  	_ = 	snop  }
0xf5: {  	s29 =	spop @!p3 (v2sf)  }
0xf6: {  	s31 =	simm.s32 $0xC;
	s26 =	simm.s32 @!p3 $0x0;
	s4 =	smov.u32 s29  }
0xf7: {  	s29 =	smov.u32 @p3 s3;
	s4 =	smov.u32 @p3 s5;
	[tilespmem:$0xB8] =	vst @!p3 v1;
	[sflag:s31] =	ssyncpa.u1 $0x0  }
0xf8: {  	v1 =	vld.msk [tilespmem:s28+$0x0], $0x1;
	_ =	sdelay $0x4  }
0xf9: {  	(v2sf) =	vpush v1, $0x0;
	_ =	sdelay $0xe  }
0xfa: {  	s2 =	smul.u32 $0x28000, s2;
	s5 =	spop (v2sf)  }
0xfb: {  	s31 =	ssub.s32 $0x0, s0;
	p2 =	seq.s32 s29, s5  }
0xfc: {  	s3 =	smov.u32 s29;
	s2 =	sshrl.u32 s2, $0x2;
	p3 =	sgt.s32 @!p2 s29, $0x0  }
0xfd: {  	s30 =	sadd.s32 $0xAFA8, s2;
	s2 =	sadd.s32 $0x1, s31;
	p3 =	por !p3, p2  }
0xfe: {  	s3 =	simm.s32 @p3 $0x0;
	p3 =	seq.s32 s2, $0x0  }
.Ltmp10:
0xff: {  	_ = 	snop;
	(pc) =	sbr.rel @p3 .LBB2_15-.Ltmp10, $4  }
0x100: {  	_ = 	snop  }
0x101: {  	s0 =	simm.s32 $0x0;
	s9 =	simm.s32 @!p2 $0x1;
	s3 =	smin.u32 @!p2 s3, $0x270F8  }
0x102: {  	s10 =	simm.s32 @!p2 $0x50C8;
	s9 =	smov.u32 @p2 s0;
	s7 =	sand.u32 @!p2 $0x3FFF8, s3  }
0x103: {  	s16 =	sand.u32 @!p2 $0x7, s3;
	s3 =	sadd.s32 $0x1, s28;
	s11 =	sadd.s32 @!p2 s1, s7  }
.LBB2_14:
0x104: {  	s7 =	smov.u32 s9  }
0x105: {  	[tilespmem:s10], [sflag:$0x2] =	stream.linear.gather @!p2 [hbm4b:s11+s16], $0x40, $0x38;
	[tilespmem:$0x1EF88] =	vst v63  }
0x106: {  	s2 =	sadd.s32 $0x1, s2;
	s8 =	smov.u32 s5;
	v1 =	vld.msk [tilespmem:s3+$0x0], $0x1  }
0x107: {  	p3 =	seq.s32 s2, $0x0;
	_ =	sdelay $0x3  }
0x108: {  	(v2sf) =	vpush v1, $0x0;
	_ =	sdelay $0xe  }
0x109: {  	s5 =	spop (v2sf)  }
0x10a: {  	p2 =	seq.s32 s8, s5  }
0x10b: {  	p4 =	sgt.s32 @!p2 s8, $0x0;
	s10 =	sshll.u32 @!p2 s9, $0x8;
	s9 =	sadd.s32 @!p2 $0x1, s9  }
.Ltmp11:
0x10c: {  	p4 =	por !p4, p2;
	s10 =	sshra.s32 @!p2 s10, $0x2;
	(pc) =	sbr.rel @!p3 .LBB2_14-.Ltmp11, $4  }
0x10d: {  	s9 =	smov.u32 @p2 s7;
	s8 =	simm.s32 @p4 $0x0;
	s10 =	sadd.s32 @!p2 $0x50C8, s10  }
0x10e: {  	s7 =	smin.u32 @!p2 s8, $0x270F8  }
0x10f: {  	s8 =	sand.u32 @!p2 $0x3FFF8, s7;
	s16 =	sand.u32 @!p2 $0x7, s7  }
0x110: {  	s3 =	sadd.s32 $0x1, s3;
	s11 =	sadd.s32 @!p2 s1, s8  }
.LBB2_15:
0x111: {  	[tilespmem:s10], [sflag:$0x2] =	stream.linear.gather @!p2 [hbm4b:s11+s16], $0x40, $0x38;
	[tilespmem:$0x1EF88] =	vst v63  }
.Ltmp12:
0x112: {  	s2 =	sshll.u32 s9, $0x6;
	(pc) =	sbr.rel .LBB2_16-.Ltmp12, $4  }
0x113: {  	s3 =	simm.s32 $0x2;
	s2 =	sand.u32 $0x3FFFFFC0, s2  }
0x114: {  	_ =	swait.ge [sflag:s3], s2  }
0x115: {  	s2 =	ssub.s32 $0x0, s2;
	[sflag:s3] =	ssyncset.done $0x0  }
0x116: {  	[sflag:s3] =	ssyncadd.s32 s2;
	s2 =	simm.s32 $0x0  }
.LBB2_17:
0x117: {  	v1 =	vld [tilespmem:s30+$0xFFFFFFE0]  }
0x118: {  	v2 =	vld [tilespmem:s3+$0x88];
	_ =	sdelay $0x4  }
0x119: {  	v1 =	vmax.f32 v1, v2  }
0x11a: {  	v2 =	vld [tilespmem:s3+$0x98];
	[tilespmem:s3+$0x88] =	vst v1  }
0x11b: {  	v1 =	vld [tilespmem:s30+$0xFFFFFFF0];
	_ =	sdelay $0x4  }
0x11c: {  	v1 =	vmax.f32 v1, v2  }
0x11d: {  	v2 =	vld [tilespmem:s3+$0xA8];
	[tilespmem:s3+$0x98] =	vst v1  }
0x11e: {  	v1 =	vld [tilespmem:s30+$0x0];
	_ =	sdelay $0x4  }
0x11f: {  	v1 =	vmax.f32 v1, v2  }
0x120: {  	v2 =	vld [tilespmem:s3+$0xB8];
	[tilespmem:s3+$0xA8] =	vst v1  }
0x121: {  	v1 =	vld [tilespmem:s30+$0x10];
	_ =	sdelay $0x4  }
0x122: {  	v1 =	vmax.f32 v1, v2  }
0x123: {  	[tilespmem:s3+$0xB8] =	vst v1  }
.LBB2_21:
0x124: {  	s31 =	sadd.s32 $0x1, s31  }
0x125: {  	p2 =	seq.s32 s31, $0x0  }
.Ltmp13:
0x126: {  	_ = 	snop;
	(pc) =	sbr.rel @p2 .LBB2_22-.Ltmp13, $2  }
0x127: {  	_ =	sdelay $0x2  }
0x128: {  	s30 =	sadd.s32 $0x80, s30;
	s28 =	sadd.s32 $0x1, s28;
	s29 =	smov.u32 s5  }
.LBB2_16:
0x129: {  	v1 =	vld.msk [tilespmem:s28+$0x0], $0x1;
	_ =	sdelay $0x4  }
0x12a: {  	(v2sf) =	vpush v1, $0x0;
	_ =	sdelay $0xe  }
0x12b: {  	s5 =	spop (v2sf)  }
0x12c: {  	p2 =	sne.s32 s29, s5  }
.Ltmp14:
0x12d: {  	_ = 	snop;
	(pc) =	sbr.rel @!p2 .LBB2_17-.Ltmp14, $3  }
0x12e: {  	_ =	sdelay $0x1  }
0x12f: {  	s3 =	sshll.u32 s26, $0x8  }
0x130: {  	s3 =	sshra.s32 s3, $0x2  }
0x131: {  	p2 =	seq.s32 s29, s4  }
.Ltmp15:
0x132: {  	_ = 	snop;
	(pc) =	sbr.rel @!p2 .LBB2_19-.Ltmp15, $1  }
0x133: {  	_ =	sdelay $0x3  }
.Ltmp16:
0x134: {  	s3 =	sadd.s32 $0x88, s3;
	(pc) =	sbr.rel .LBB2_20-.Ltmp16, $4  }
0x135: {  	[spmem:s18] =	stream.linear.scatter [tilespmem:s3], [sflag:$0x1], $0x40, $0x38;
	[tilespmem:$0x1EF88] =	vst v63  }
0x136: {  	_ =	swait.ge [sflag:s13], $0x40  }
0x137: {  	[sflag:s13] =	ssyncset.done $0x0  }
0x138: {  	[sflag:s13] =	ssyncadd.s32 $0xFFFFFFC0  }
.LBB2_19:
0x139: {  	s7 =	sshll.u32 s0, $0x8  }
0x13a: {  	v2 =	vld [tilespmem:s3+$0x88];
	s7 =	sshra.s32 s7, $0x2  }
0x13b: {  	v1 =	vld [tilespmem:s7+$0x50C8];
	_ =	sdelay $0x4  }
0x13c: {  	v1 =	vmax.f32 v1, v2  }
0x13d: {  	v2 =	vld [tilespmem:s3+$0x98];
	[tilespmem:s3+$0x88] =	vst v1  }
0x13e: {  	v1 =	vld [tilespmem:s7+$0x50D8];
	_ =	sdelay $0x4  }
0x13f: {  	v1 =	vmax.f32 v1, v2  }
0x140: {  	v2 =	vld [tilespmem:s3+$0xA8];
	[tilespmem:s3+$0x98] =	vst v1  }
0x141: {  	v1 =	vld [tilespmem:s7+$0x50E8];
	_ =	sdelay $0x4  }
0x142: {  	v1 =	vmax.f32 v1, v2  }
0x143: {  	v2 =	vld [tilespmem:s3+$0xB8];
	[tilespmem:s3+$0xA8] =	vst v1  }
0x144: {  	v1 =	vld [tilespmem:s7+$0x50F8];
	_ =	sdelay $0x3  }
0x145: {  	p2 =	sgt.u32 s29, $0x270F8  }
0x146: {  	s7 =	sand.u32 @!p2 $0x3FFF8, s29;
	v1 =	vmax.f32 v1, v2  }
0x147: {  	s8 =	sadd.s32 $0x88, s3;
	[tilespmem:s3+$0xB8] =	vst v1;
	s3 =	sadd.s32 @!p2 s1, s7;
	s7 =	sand.u32 @!p2 $0x7, s29  }
0x148: {  	[hbm4b:s3+s7] =	stream.linear.scatter @!p2 [tilespmem:s8], [sflag:$0xC], $0x40, $0x38;
	[tilespmem:$0x1EF88] =	vst v63  }
0x149: {  	s3 =	simm.s32 $0x0  }
0x14a: {  	s3 =	simm.s32 @!p2 $0x100  }
0x14b: {  	s2 =	sadd.s32 s3, s2  }
.LBB2_20:
0x14c: {  	s3 =	sadd.s32 $0x1, s26  }
0x14d: {  	s7 =	smulhi.u32 $0xCCCCCCCD, s3;
	_ =	sdelay $0x1  }
0x14e: {  	v1 =	vld [tilespmem:s30+$0xFFFFFFE0];
	s7 =	sshrl.u32 s7, $0x8  }
0x14f: {  	s7 =	smul.u32 $0x140, s7;
	_ =	sdelay $0x1  }
0x150: {  	s26 =	ssub.s32 s3, s7  }
0x151: {  	s3 =	sshll.u32 s26, $0x6  }
0x152: {  	[tilespmem:s3+$0x88] =	vst v1  }
0x153: {  	v1 =	vld [tilespmem:s30+$0xFFFFFFF0];
	_ =	sdelay $0x4  }
0x154: {  	[tilespmem:s3+$0x98] =	vst v1  }
0x155: {  	v1 =	vld [tilespmem:s30+$0x0];
	_ =	sdelay $0x4  }
0x156: {  	[tilespmem:s3+$0xA8] =	vst v1  }
0x157: {  	v1 =	vld [tilespmem:s30+$0x10]  }
.Ltmp17:
0x158: {  	_ = 	snop;
	(pc) =	sbr.rel .LBB2_21-.Ltmp17, $2  }
0x159: {  	_ =	sdelay $0x2  }
0x15a: {  	s0 =	sadd.s32 $0x1, s0;
	[tilespmem:s3+$0xB8] =	vst v1  }
.LBB2_23:
.Ltmp18:
0x15b: {  	(pc) =	sbr.rel .LBB2_24-.Ltmp18, $4  }
0x15c: {  	_ = 	snop  }
0x15d: {  	s0 =	simm.s32 $0x2  }
0x15e: {  	_ =	swait.ge [sflag:s0], $0x0  }
0x15f: {  	s5 =	smov.u32 s29;
	[sflag:s0] =	ssyncset.done $0x0;
	s0 =	simm.s32 $0x0  }
.LBB2_26:
0x160: {  	_ =	sfence.sel $0x180000  }
0x161: {  	s0 =	simm.s32 $0x9;
	[bflag:$0x0] =	sbarrier.arrive $0xFFFF  }
0x162: {  	s24 =	simm.s32 $0xA;
	[sflag:s0] =	ssyncpa.u1 $0x1  }
0x163: {  	s25 =	simm.s32 $0xB;
	[sflag:s24] =	ssyncpa.u1 $0x1  }
0x164: {  	s26 =	simm.s32 $0x2;
	[sflag:s25] =	ssyncpa.u1 $0x1  }
0x165: {  	[sflag:s26] =	ssyncpa.u1 $0x1  }
0x166: {  	v0 =	vld [tilespmem:$0xA108];
	_ =	sdelay $0x4  }
0x167: {  	(v2sf) =	vpush v0, $0x0  }
0x168: {  	(v2sf) =	vpush v0, $0x1;
	_ =	sdelay $0x1  }
0x169: {  	(v2sf) =	vpush v0, $0x2;
	_ =	sdelay $0xb  }
0x16a: {  	s0 =	spop (v2sf)  }
0x16b: {  	s2 =	spop (v2sf)  }
0x16c: {  	s3 =	smov.u32 s0;
	p0 =	sne.s32 s0, s2  }
0x16d: {  	s4 =	spop (v2sf);
	s3 =	simm.s32 @!p0 $0xFFFFFFFF  }
0x16e: {  	v2 =	vimm.s32 $0x1;
	v3 =	vlaneseq.u32;
	p0 =	seq.s32 s4, $0xFFFFFFFF;
	v1 =	vmov s3  }
0x16f: {  	s14 =	stileid.u32;
	v0 =	vperm.xlane v0, v2;
	p1 =	sne.s32 @!p0 s0, s2;
	v1 =	vperm.xlane v1, v3  }
0x170: {  	vm0 =	vcmask $0x3F04;
	s6 =	simm.s32 $0xA108;
	s0 =	simm.s32 @!p0 $0x1;
	p1 =	por !p1, p0  }
0x171: {  	s3 =	sshll.u32 s14, $0x1;
	s2 =	sshll.u32 @!p0 s4, $0x8;
	s0 =	simm.s32 @p1 $0x0;
	v0 =	vsel vm0, v1, v0  }
0x172: {  	s5 =	sor.u32 $0x800, s3;
	s2 =	sshra.s32 @!p0 s2, $0x2;
	s0 =	sor.u32 @!p0 s0, s3;
	[tilespmem:$0xA108] =	vst v0  }
0x173: {  	[spmem:s5] =	stream.linear.scatter [tilespmem:s6], [sflag:$0x1], $0x2, $0x38;
	[tilespmem:$0x1EF88] =	vst v63  }
0x174: {  	s2 =	sadd.s32 @!p0 $0x88, s2;
	s0 =	sshll.u32 @!p0 s0, $0x6  }
0x175: {  	[spmem:s0] =	stream.linear.scatter @!p0 [tilespmem:s2], [sflag:$0x1], $0x40, $0x38;
	[tilespmem:$0x1EF88] =	vst v63  }
0x176: {  	s0 =	simm.s32 @!p0 $0x42  }
0x177: {  	s28 =	simm.s32 $0x1;
	s0 =	simm.s32 @p0 $0x2  }
0x178: {  	_ =	swait.ge [sflag:s28], s0  }
0x179: {  	s0 =	ssub.s32 $0x0, s0;
	[sflag:s28] =	ssyncset.done $0x0  }
0x17a: {  	p0 =	sne.s32 s14, $0x0;
	[sflag:s28] =	ssyncadd.s32 s0  }
.Ltmp19:
0x17b: {  	_ =	sfence.stream.spmem;
	(pc) =	sbr.rel @p0 .LBB2_43-.Ltmp19, $4  }
0x17c: {  	s29 =	simm.s32 $0x3;
	[bflag:$0x0] =	sbarrier.arrive $0xFFFF  }
0x17d: {  	s30 =	simm.s32 $0x4;
	[sflag:s29] =	ssyncpa.u1 $0x1  }
0x17e: {  	s31 =	simm.s32 $0x3C;
	[sflag:s30] =	ssyncpa.u1 $0x1  }
0x17f: {  	s13 =	rddreg [dreg:$0x4];
	[sflag:s31] =	ssyncpa.u1 $0x1  }
0x180: {  	_ =	sfence.stream.spmem;
	s0 =	simm.s32 $0x5  }
0x181: {  	s2 =	simm.s32 $0x800;
	s3 =	simm.s32 $0xA118;
	[sflag:s0] =	ssyncpa.u1 $0x0  }
0x182: {  	[tilespmem:s3], [sflag:$0x5] =	stream.linear.gather [spmem:s2], $0x20, $0x38;
	[tilespmem:$0x1EF88] =	vst v63  }
0x183: {  	s26 =	simm.s32 $0x0;
	s28 =	simm.s32 $0xA138  }
0x184: {  	[tilespmem:s28], [sflag:$0x5] =	stream.linear.gather [spmem:s26], $0x800, $0x38;
	[tilespmem:$0x1EF88] =	vst v63  }
0x185: {  	_ =	swait.ge [sflag:s0], $0x820  }
0x186: {  	[sflag:s0] =	ssyncset.done $0x0  }
0x187: {  	s29 =	simm.s32 $0x0;
	[sflag:s0] =	ssyncadd.s32 $0xFFFFF7E0  }
0x188: {  	v0 =	vld.msk [tilespmem:s29+$0xA118], $0x1;
	_ =	sdelay $0x1  }
0x189: {  	s30 =	simm.s32 $0x1  }
0x18a: {  	v1 =	vld.msk [tilespmem:s30+$0xA118], $0x1;
	_ =	sdelay $0x1  }
0x18b: {  	(v2sf) =	vpush v0, $0x0;
	_ =	sdelay $0x2  }
0x18c: {  	(v2sf) =	vpush v1, $0x0;
	_ =	sdelay $0x2  }
0x18d: {  	s31 =	simm.s32 $0x2  }
0x18e: {  	v0 =	vld.msk [tilespmem:s31+$0xA118], $0x1;
	_ =	sdelay $0x2  }
0x18f: {  	s2 =	simm.s32 $0xFFFFFFFF;
	s3 =	simm.s32 $0xFFFFFFFF;
	s0 =	simm.s32 $0xC  }
.LBB2_28:
0x190: {  	s4 =	smov.u32 s3;
	s5 =	smov.u32 s2  }
0x191: {  	s2 =	sshra.s32 s0, $0x2;
	p1 =	sne.s32 s0, $0x7C;
	s0 =	sadd.s32 $0x4, s0;
	(v2sf) =	vpush v0, $0x0  }
0x192: {  	v0 =	vld.msk [tilespmem:s2+$0xA118], $0x1  }
.Ltmp20:
0x193: {  	(pc) =	sbr.rel @p1 .LBB2_28-.Ltmp20, $4  }
0x194: {  	s3 =	spop (v2sf)  }
0x195: {  	p2 =	sne.s32 s5, $0xFFFFFFFF;
	s2 =	smov.u32 s3  }
0x196: {  	p3 =	seq.s32 s3, $0xFFFFFFFF;
	s2 =	smov.u32 @p2 s5  }
0x197: {  	s3 =	smov.u32 @p3 s4;
	s2 =	smov.u32 @p3 s5  }
0x198: {  	(v2sf) =	vpush v0, $0x0;
	_ =	sdelay $0x8  }
0x199: {  	s0 =	spop (v2sf)  }
0x19a: {  	p1 =	sne.s32 s2, $0xFFFFFFFF;
	s4 =	smov.u32 s0  }
0x19b: {  	s6 =	simm.s32 $0x0;
	p2 =	seq.s32 s0, $0xFFFFFFFF;
	s4 =	smov.u32 @p1 s2  }
0x19c: {  	s9 =	simm.s32 $0xA0C8;
	s4 =	smov.u32 @p2 s2;
	s2 =	spop (v2sf)  }
0x19d: {  	s0 =	smov.u32 @p2 s3;
	p1 =	sne.s32 s4, $0xFFFFFFFF;
	s5 =	smov.u32 s2  }
.Ltmp21:
0x19e: {  	p2 =	seq.s32 s2, $0xFFFFFFFF;
	s5 =	smov.u32 @p1 s4;
	(pc) =	sbr.rel .LBB2_30-.Ltmp21, $4  }
0x19f: {  	s10 =	simm.s32 $0x0;
	s5 =	smov.u32 @p2 s4;
	s7 =	spop (v2sf)  }
0x1a0: {  	s2 =	smov.u32 @p2 s0;
	p1 =	sne.s32 s5, $0xFFFFFFFF;
	s8 =	smov.u32 s7  }
0x1a1: {  	s0 =	simm.s32 $0x6;
	p2 =	seq.s32 s7, $0xFFFFFFFF;
	s8 =	smov.u32 @p1 s5  }
0x1a2: {  	[sflag:s0] =	ssyncpa.u1 $0x0;
	s7 =	smov.u32 @p2 s2;
	s8 =	smov.u32 @p2 s5  }
.LBB2_36:
0x1a3: {  	p1 =	sgt.u32 s2, $0x270F8  }
0x1a4: {  	p2 =	seq.s32 @!p1 s2, s8  }
0x1a5: {  	p1 =	por p1, p2  }
0x1a6: {  	p2 =	sne.s32 @!p1 s2, s7  }
0x1a7: {  	p1 =	por p1, !p2  }
0x1a8: {  	s2 =	sshll.u32 @p1 s10, $0x8  }
0x1a9: {  	s3 =	sand.u32 @!p1 $0x3FFF8, s2  }
0x1aa: {  	s2 =	sand.u32 @!p1 $0x7, s2;
	s3 =	sadd.s32 @!p1 s1, s3  }
0x1ab: {  	[tilespmem:s9], [sflag:$0x6] =	stream.linear.gather @!p1 [hbm4b:s3+s2], $0x40, $0x38;
	[tilespmem:$0x1EF88] =	vst v63  }
0x1ac: {  	_ =	swait.ge @!p1 [sflag:s0], $0x40  }
0x1ad: {  	[sflag:s0] =	ssyncset.done @!p1 $0x0  }
0x1ae: {  	s2 =	sshll.u32 @!p1 s10, $0x8;
	[sflag:s0] =	ssyncadd.s32 @!p1 $0xFFFFFFC0  }
0x1af: {  	s3 =	sshrl.u32 @!p1 s2, $0x2;
	v1 =	vld @!p1 [tilespmem:$0xA0C8]  }
0x1b0: {  	v2 =	vld @!p1 [tilespmem:s3+$0xA138];
	_ =	sdelay $0x4  }
0x1b1: {  	v1 =	vmax.f32 @!p1 v1, v2  }
0x1b2: {  	v2 =	vld @!p1 [tilespmem:s3+$0xA148];
	[tilespmem:s3+$0xA138] =	vst @!p1 v1  }
0x1b3: {  	v1 =	vld @!p1 [tilespmem:$0xA0D8];
	_ =	sdelay $0x4  }
0x1b4: {  	v1 =	vmax.f32 @!p1 v1, v2  }
0x1b5: {  	v2 =	vld @!p1 [tilespmem:s3+$0xA158];
	[tilespmem:s3+$0xA148] =	vst @!p1 v1  }
0x1b6: {  	v1 =	vld @!p1 [tilespmem:$0xA0E8];
	_ =	sdelay $0x4  }
0x1b7: {  	v1 =	vmax.f32 @!p1 v1, v2  }
0x1b8: {  	v2 =	vld @!p1 [tilespmem:s3+$0xA168];
	[tilespmem:s3+$0xA158] =	vst @!p1 v1  }
0x1b9: {  	v1 =	vld @!p1 [tilespmem:$0xA0F8];
	_ =	sdelay $0x4  }
0x1ba: {  	v1 =	vmax.f32 @!p1 v1, v2  }
0x1bb: {  	[tilespmem:s3+$0xA168] =	vst @!p1 v1  }
0x1bc: {  	s2 =	sshrl.u32 s2, $0x2;
	[tilespmem:s6+$0xA118] =	vst.msk $0x1, v0  }
0x1bd: {  	v0 =	vld [tilespmem:s2+$0xA138];
	_ =	sdelay $0x2  }
0x1be: {  	s31 =	sshll.u32 s6, $0x8  }
0x1bf: {  	s3 =	sshra.s32 s31, $0x2  }
0x1c0: {  	[tilespmem:s3+$0xA138] =	vst v0  }
0x1c1: {  	v0 =	vld [tilespmem:s2+$0xA148];
	_ =	sdelay $0x4  }
0x1c2: {  	[tilespmem:s3+$0xA148] =	vst v0  }
0x1c3: {  	v0 =	vld [tilespmem:s2+$0xA158];
	_ =	sdelay $0x4  }
0x1c4: {  	[tilespmem:s3+$0xA158] =	vst v0  }
0x1c5: {  	v0 =	vld [tilespmem:s2+$0xA168];
	_ =	sdelay $0x4  }
0x1c6: {  	s6 =	sadd.s32 $0x1, s6;
	[tilespmem:s3+$0xA168] =	vst v0  }
.LBB2_37:
0x1c7: {  	s10 =	sadd.s32 $0x1, s10  }
0x1c8: {  	p1 =	sne.s32 s10, $0x20  }
.Ltmp22:
0x1c9: {  	_ = 	snop;
	(pc) =	sbr.rel @!p1 .LBB2_38-.Ltmp22, $1  }
0x1ca: {  	_ =	sdelay $0x3  }
.LBB2_30:
0x1cb: {  	v0 =	vld.msk [tilespmem:s10+$0xA118], $0x1;
	_ =	sdelay $0x4  }
0x1cc: {  	(v2sf) =	vpush v0, $0x0;
	_ =	sdelay $0xe  }
0x1cd: {  	s2 =	spop (v2sf)  }
0x1ce: {  	p1 =	seq.s32 s2, $0xFFFFFFFF  }
.Ltmp23:
0x1cf: {  	_ = 	snop;
	(pc) =	sbr.rel @p1 .LBB2_37-.Ltmp23, $1  }
0x1d0: {  	_ =	sdelay $0x3  }
0x1d1: {  	p1 =	slt.s32 s6, $0x1  }
.Ltmp24:
0x1d2: {  	_ = 	snop;
	(pc) =	sbr.rel @p1 .LBB2_36-.Ltmp24, $1  }
0x1d3: {  	_ =	sdelay $0x3  }
0x1d4: {  	s3 =	simm.s32 $0xA118;
	p1 =	por $0x0, $0x0  }
0x1d5: {  	v1 =	vld.msk @!p1 [tilespmem:s3+$0x0], $0x1;
	_ =	sdelay $0x4  }
0x1d6: {  	(v2sf) =	vpush @!p1 v1, $0x0;
	_ =	sdelay $0xd  }
0x1d7: {  	p3 =	sne.s32 s6, $0x1  }
.Ltmp25:
0x1d8: {  	s4 =	spop @!p1 (v2sf);
	(pc) =	sbr.rel @!p3 .LBB2_34-.Ltmp25, $4  }
0x1d9: {  	p2 =	seq.s32 @!p1 s2, s4  }
0x1da: {  	s4 =	simm.s32 $0x0;
	p2 =	por !p2, p1  }
0x1db: {  	s11 =	simm.s32 $0xFFFFFFFF;
	s4 =	simm.s32 @p2 $0xFFFFFFFF  }
0x1dc: {  	s5 =	simm.s32 $0x1;
	s4 =	smov.u32 @p1 s11  }
.LBB2_33:
0x1dd: {  	s11 =	smov.u32 s4;
	p1 =	sne.s32 s4, $0xFFFFFFFF  }
0x1de: {  	s3 =	sadd.s32 $0x1, s3;
	s4 =	smov.u32 s5;
	s5 =	sadd.s32 $0x1, s5  }
0x1df: {  	p2 =	sne.s32 s6, s5;
	v1 =	vld.msk @!p1 [tilespmem:s3+$0x0], $0x1;
	_ =	sdelay $0x4  }
0x1e0: {  	(v2sf) =	vpush @!p1 v1, $0x0;
	_ =	sdelay $0xe  }
.Ltmp26:
0x1e1: {  	s12 =	spop @!p1 (v2sf);
	(pc) =	sbr.rel @p2 .LBB2_33-.Ltmp26, $4  }
0x1e2: {  	p3 =	seq.s32 @!p1 s2, s12  }
0x1e3: {  	p3 =	por !p3, p1  }
0x1e4: {  	s4 =	simm.s32 @p3 $0xFFFFFFFF  }
0x1e5: {  	s4 =	smov.u32 @p1 s11  }
.LBB2_34:
0x1e6: {  	p1 =	seq.s32 s4, $0xFFFFFFFF  }
.Ltmp27:
0x1e7: {  	_ = 	snop;
	(pc) =	sbr.rel @p1 .LBB2_36-.Ltmp27, $1  }
0x1e8: {  	_ =	sdelay $0x3  }
0x1e9: {  	s2 =	sshll.u32 s10, $0x6  }
0x1ea: {  	s3 =	sshll.u32 s4, $0x8;
	s2 =	sand.u32 $0x3FFFFFC0, s2  }
0x1eb: {  	s3 =	sshra.s32 s3, $0x2;
	v0 =	vld [tilespmem:s2+$0xA138]  }
0x1ec: {  	v1 =	vld [tilespmem:s3+$0xA138];
	_ =	sdelay $0x4  }
0x1ed: {  	v0 =	vmax.f32 v0, v1  }
0x1ee: {  	v61 =	vld [tilespmem:s3+$0xA148];
	[tilespmem:s3+$0xA138] =	vst v0  }
0x1ef: {  	v0 =	vld [tilespmem:s2+$0xA148];
	_ =	sdelay $0x4  }
0x1f0: {  	v0 =	vmax.f32 v0, v61  }
0x1f1: {  	v62 =	vld [tilespmem:s3+$0xA158];
	[tilespmem:s3+$0xA148] =	vst v0  }
0x1f2: {  	v0 =	vld [tilespmem:s2+$0xA158];
	_ =	sdelay $0x4  }
0x1f3: {  	v0 =	vmax.f32 v0, v62  }
0x1f4: {  	v63 =	vld [tilespmem:s3+$0xA168];
	[tilespmem:s3+$0xA158] =	vst v0  }
0x1f5: {  	v0 =	vld [tilespmem:s2+$0xA168];
	_ =	sdelay $0x1  }
.Ltmp28:
0x1f6: {  	_ = 	snop;
	(pc) =	sbr.rel .LBB2_37-.Ltmp28, $3  }
0x1f7: {  	_ =	sdelay $0x1  }
0x1f8: {  	v0 =	vmax.f32 v0, v63  }
0x1f9: {  	[tilespmem:s3+$0xA168] =	vst v0  }
.LBB2_38:
0x1fa: {  	s0 =	simm.s32 $0x6;
	p1 =	seq.s32 s6, $0x0  }
0x1fb: {  	[sflag:s0] =	ssyncpa.u1 $0x1;
	v0 =	vimm.s32 @p1 $0xFFFFFFFF  }
0x1fc: {  	s0 =	sadd.s32 $0xFFFFFFFF, s6;
	[tilespmem:$0xA938] =	vst @p1 v0  }
0x1fd: {  	v0 =	vld.msk @!p1 [tilespmem:s0+$0xA118], $0x1;
	_ =	sdelay $0x1  }
0x1fe: {  	v1 =	vld.msk @!p1 [tilespmem:$0xA118], $0x1;
	_ =	sdelay $0x2  }
0x1ff: {  	p2 =	seq.s32 @!p1 s0, $0x0;
	v0 =	vbroadcast @!p1 v0, $0x0  }
0x200: {  	vm0 =	vmmov @!p1 $0x1;
	p2 =	por !p2, p1  }
0x201: {  	v1 =	vnsel @!p1 vm0, $0xFFFFFFFF, v1;
	vm0 =	vcmask @!p1 $0x308;
	v0 =	vpsel !p2, $0xFFFFFFFF, v0  }
0x202: {  	p2 =	sne.s32 @!p1 s8, s7;
	v0 =	vsel @!p1 vm0, v1, v0  }
0x203: {  	s2 =	simm.s32 @!p1 $0xA138;
	s3 =	simm.s32 @!p1 $0x0;
	p3 =	por !p2, p1;
	[tilespmem:$0xA938] =	vst @!p1 v0  }
0x204: {  	[spmem:s3] =	stream.linear.scatter @!p1 [tilespmem:s2], [sflag:$0x1], $0x40, $0x38;
	[tilespmem:$0x1EF88] =	vst v63  }
0x205: {  	s2 =	sshll.u32 @!p3 s0, $0x8  }
0x206: {  	s2 =	sshra.s32 @!p3 s2, $0x2  }
0x207: {  	s3 =	simm.s32 @!p3 $0x40;
	s2 =	sadd.s32 @!p3 $0xA138, s2  }
0x208: {  	[spmem:s3] =	stream.linear.scatter @!p3 [tilespmem:s2], [sflag:$0x1], $0x40, $0x38;
	[tilespmem:$0x1EF88] =	vst v63  }
0x209: {  	s2 =	simm.s32 @!p3 $0x1  }
0x20a: {  	_ =	swait.ge @!p3 [sflag:s2], $0x80  }
0x20b: {  	p1 =	por p2, p1;
	[sflag:s2] =	ssyncset.done @!p3 $0x0  }
0x20c: {  	[sflag:s2] =	ssyncadd.s32 @!p3 $0xFFFFFF80;
	s2 =	simm.s32 @!p1 $0x1  }
0x20d: {  	_ =	swait.ge @!p1 [sflag:s2], $0x40  }
0x20e: {  	s29 =	simm.s32 $0xA938;
	[sflag:s2] =	ssyncset.done @!p1 $0x0  }
0x20f: {  	s30 =	simm.s32 $0x800;
	s31 =	simm.s32 $0x1;
	[sflag:s2] =	ssyncadd.s32 @!p1 $0xFFFFFFC0  }
0x210: {  	[spmem:s30] =	stream.linear.scatter [tilespmem:s29], [sflag:$0x1], $0x10, $0x38;
	[tilespmem:$0x1EF88] =	vst v63  }
0x211: {  	_ =	swait.ge [sflag:s31], $0x10  }
0x212: {  	[sflag:s31] =	ssyncset.done $0x0  }
0x213: {  	p1 =	seq.s32 s13, $0x0;
	s9 =	rddreg [dreg:$0x1];
	[sflag:s31] =	ssyncadd.s32 $0xFFFFFFF0  }
0x214: {  	s3 =	sshll.u32 @p1 s9, $0xE;
	s8 =	rddreg [dreg:$0x2]  }
0x215: {  	s2 =	sadd.s32 @p1 $0x15C3C, s3;
	s3 =	sshll.u32 @p1 s8, $0x11  }
0x216: {  	_ =	sfence.stream.spmem;
	s2 =	sor.u32 @p1 s3, s2  }
0x217: {  	[sflag:s2] =	ssyncadd.remote.s32 @p1 $0x1;
	s2 =	simm.s32 @p1 $0x4  }
0x218: {  	s4 =	simm.s32 @!p1 $0x3C;
	s3 =	sand.u32 $0xFFFFFFFE, s9;
	_ =	swait.ge @p1 [sflag:s2], $0x12  }
0x219: {  	s5 =	simm.s32 @!p1 $0x0;
	s3 =	sadd.s32 @!p1 $0x4, s3;
	[sflag:s2] =	ssyncset.done @p1 $0x0  }
0x21a: {  	s7 =	simm.s32 @!p1 $0x80;
	[sflag:s2] =	ssyncadd.s32 @p1 $0xFFFFFFEE;
	s2 =	sshll.u32 @!p1 s3, $0x1A  }
0x21b: {  	s3 =	sshll.u32 @!p1 s3, $0xD;
	s2 =	sor.u32 @!p1 s2, s8;
	_ =	swait.eq @!p1 [sflag:s4], $0x1  }
0x21c: {  	s3 =	sor.u32 @!p1 $0x1C04, s3;
	s4 =	simm.s32 @!p1 $0x1C03;
	s2 =	sor.u32 @!p1 $0x80004000, s2  }
0x21d: {  	[spmem:s7], [sflag:s3] =	dma.general @!p1 [spmem:s5], [sflag:s4], length:$0x10, [dreg:$0x0], stride_count:$0x0, ici_dest:s2, dma_misc:DstOpCode:WRITE  }
0x21e: {  	p2 =	slt.s32 s0, $0x2;
	s5 =	simm.s32 @!p1 $0x100;
	s7 =	simm.s32 @!p1 $0x102  }
0x21f: {  	[spmem:s7], [sflag:s3] =	dma.general @!p1 [spmem:s5], [sflag:s4], length:$0x2, [dreg:$0x0], stride_count:$0x0, ici_dest:s2, dma_misc:DstOpCode:WRITE  }
.Ltmp29:
0x220: {  	s2 =	simm.s32 @!p1 $0x3;
	(pc) =	sbr.rel @p2 .LBB2_42-.Ltmp29, $4  }
0x221: {  	s3 =	sshll.u32 @!p1 s9, $0xE;
	_ =	swait.ge @!p1 [sflag:s2], $0x12  }
0x222: {  	s4 =	sshll.u32 @!p1 s8, $0x11;
	s3 =	sadd.s32 @!p1 $0x11C3C, s3;
	[sflag:s2] =	ssyncset.done @!p1 $0x0  }
0x223: {  	[sflag:s2] =	ssyncadd.s32 @!p1 $0xFFFFFFEE;
	s2 =	sor.u32 @!p1 s4, s3  }
0x224: {  	s0 =	simm.s32 $0x0;
	[sflag:s2] =	ssyncadd.remote.s32 @!p1 $0xFFFFFFFF  }
0x225: {  	s0 =	simm.s32 $0xA119  }
0x226: {  	v0 =	vld.msk [tilespmem:s0+$0x0], $0x1;
	_ =	sdelay $0x4  }
0x227: {  	(v2sf) =	vpush v0, $0x0;
	_ =	sdelay $0xc  }
0x228: {  	s2 =	sadd.s32 $0xFFFFFFFE, s6  }
0x229: {  	s2 =	sadd.s32 $0xFFFFFFFF, s2  }
0x22a: {  	p2 =	sne.s32 s2, $0x0;
	s3 =	spop (v2sf)  }
.Ltmp30:
0x22b: {  	p1 =	sgt.u32 s3, $0x270F8;
	(pc) =	sbr.rel @!p2 .LBB2_41-.Ltmp30, $4  }
0x22c: {  	s5 =	simm.s32 $0x0;
	s4 =	sand.u32 @!p1 $0x3FFF8, s3  }
0x22d: {  	s0 =	simm.s32 $0xA178;
	s3 =	sand.u32 @!p1 $0x7, s3;
	s4 =	sadd.s32 @!p1 s1, s4  }
0x22e: {  	[hbm4b:s4+s3] =	stream.linear.scatter @!p1 [tilespmem:s0], [sflag:$0x5], $0x40, $0x38;
	[tilespmem:$0x1EF88] =	vst v63  }
0x22f: {  	s5 =	simm.s32 @!p1 $0x100;
	s3 =	simm.s32 $0x0;
	s4 =	simm.s32 $0xA11A  }
.LBB2_40:
0x230: {  	v0 =	vld.msk [tilespmem:s4+$0x0], $0x1;
	s2 =	sadd.s32 $0xFFFFFFFF, s2;
	s3 =	sadd.s32 s3, s5  }
0x231: {  	p1 =	sne.s32 s2, $0x0;
	_ =	sdelay $0x3  }
0x232: {  	(v2sf) =	vpush v0, $0x0;
	_ =	sdelay $0xe  }
.Ltmp31:
0x233: {  	s6 =	spop (v2sf);
	(pc) =	sbr.rel @p1 .LBB2_40-.Ltmp31, $4  }
0x234: {  	s5 =	simm.s32 $0x0;
	p2 =	sgt.u32 s6, $0x270F8  }
0x235: {  	s0 =	sadd.s32 $0x40, s0;
	s5 =	simm.s32 @!p2 $0x100;
	s7 =	sand.u32 @!p2 $0x3FFF8, s6  }
0x236: {  	s4 =	sadd.s32 $0x1, s4;
	s6 =	sand.u32 @!p2 $0x7, s6;
	s7 =	sadd.s32 @!p2 s1, s7  }
0x237: {  	[hbm4b:s7+s6] =	stream.linear.scatter @!p2 [tilespmem:s0], [sflag:$0x5], $0x40, $0x38;
	[tilespmem:$0x1EF88] =	vst v63  }
.LBB2_41:
0x238: {  	s0 =	sadd.s32 s3, s5  }
0x239: {  	s0 =	sshrl.u32 s0, $0x2  }
.LBB2_42:
0x23a: {  	s2 =	simm.s32 $0x5  }
0x23b: {  	_ =	swait.ge [sflag:s2], s0  }
0x23c: {  	s31 =	ssub.s32 $0x0, s0;
	[sflag:s2] =	ssyncset.done $0x0  }
0x23d: {  	[sflag:s2] =	ssyncadd.s32 s31  }
0x23e: {  	[sflag:s2] =	ssyncpa.u1 $0x1  }
.LBB2_43:
0x23f: {  	s0 =	sor.u32 s13, s14  }
0x240: {  	p1 =	sne.s32 s0, $0x0  }
.Ltmp32:
0x241: {  	_ = 	snop;
	(pc) =	sbr.rel @p1 .LBB2_58-.Ltmp32, $3  }
0x242: {  	_ =	sdelay $0x1  }
0x243: {  	[bflag:$0x0] =	sbarrier.arrive $0xFFFF  }
0x244: {  	_ =	sfence  }
0x245: {  	s2 =	simm.s32 $0x7  }
0x246: {  	s0 =	simm.s32 $0x800;
	s3 =	simm.s32 $0xA118;
	[sflag:s2] =	ssyncpa.u1 $0x0  }
0x247: {  	[tilespmem:s3], [sflag:$0x7] =	stream.linear.gather [spmem:s0], $0x20, $0x38;
	[tilespmem:$0x1EF88] =	vst v63  }
0x248: {  	s30 =	simm.s32 $0xA138;
	s0 =	simm.s32 $0x0  }
0x249: {  	[tilespmem:s30], [sflag:$0x7] =	stream.linear.gather [spmem:s0], $0x800, $0x38;
	[tilespmem:$0x1EF88] =	vst v63  }
.Ltmp33:
0x24a: {  	_ = 	snop;
	(pc) =	sbr.rel .LBB2_45-.Ltmp33, $4  }
0x24b: {  	_ =	swait.ge [sflag:s2], $0x820  }
0x24c: {  	[sflag:s2] =	ssyncset.done $0x0  }
0x24d: {  	s31 =	simm.s32 $0x8;
	[sflag:s2] =	ssyncadd.s32 $0xFFFFF7E0  }
0x24e: {  	s2 =	simm.s32 $0x0;
	[sflag:s31] =	ssyncpa.u1 $0x0  }
.LBB2_51:
0x24f: {  	p1 =	slt.u32 s3, $0x270F9  }
0x250: {  	s4 =	sand.u32 @p1 $0x3FFF8, s3  }
0x251: {  	s3 =	sand.u32 @p1 $0x7, s3;
	s5 =	simm.s32 @p1 $0xA0C8;
	s4 =	sadd.s32 @p1 s1, s4  }
0x252: {  	[tilespmem:s5], [sflag:$0x8] =	stream.linear.gather @p1 [hbm4b:s4+s3], $0x40, $0x38;
	[tilespmem:$0x1EF88] =	vst v63  }
0x253: {  	s3 =	simm.s32 @p1 $0x8  }
0x254: {  	_ =	swait.ge @p1 [sflag:s3], $0x40  }
0x255: {  	[sflag:s3] =	ssyncset.done @p1 $0x0  }
0x256: {  	[sflag:s3] =	ssyncadd.s32 @p1 $0xFFFFFFC0;
	s3 =	sshll.u32 @p1 s2, $0x8  }
0x257: {  	s4 =	sshrl.u32 @p1 s3, $0x2;
	v1 =	vld @p1 [tilespmem:$0xA0C8]  }
0x258: {  	v2 =	vld @p1 [tilespmem:s4+$0xA138];
	_ =	sdelay $0x4  }
0x259: {  	v1 =	vmax.f32 @p1 v1, v2  }
0x25a: {  	v2 =	vld @p1 [tilespmem:s4+$0xA148];
	[tilespmem:s4+$0xA138] =	vst @p1 v1  }
0x25b: {  	v1 =	vld @p1 [tilespmem:$0xA0D8];
	_ =	sdelay $0x4  }
0x25c: {  	v1 =	vmax.f32 @p1 v1, v2  }
0x25d: {  	v2 =	vld @p1 [tilespmem:s4+$0xA158];
	[tilespmem:s4+$0xA148] =	vst @p1 v1  }
0x25e: {  	v1 =	vld @p1 [tilespmem:$0xA0E8];
	_ =	sdelay $0x4  }
0x25f: {  	v1 =	vmax.f32 @p1 v1, v2  }
0x260: {  	v2 =	vld @p1 [tilespmem:s4+$0xA168];
	[tilespmem:s4+$0xA158] =	vst @p1 v1  }
0x261: {  	v1 =	vld @p1 [tilespmem:$0xA0F8];
	_ =	sdelay $0x4  }
0x262: {  	s5 =	sshll.u32 @!p1 s2, $0x8;
	v1 =	vmax.f32 @p1 v1, v2  }
0x263: {  	s5 =	smov.u32 @p1 s3;
	[tilespmem:s4+$0xA168] =	vst @p1 v1  }
0x264: {  	s3 =	sshrl.u32 s5, $0x2;
	[tilespmem:s0+$0xA118] =	vst.msk $0x1, v0  }
0x265: {  	v0 =	vld [tilespmem:s3+$0xA138];
	_ =	sdelay $0x2  }
0x266: {  	s31 =	sshll.u32 s0, $0x8  }
0x267: {  	s4 =	sshra.s32 s31, $0x2  }
0x268: {  	[tilespmem:s4+$0xA138] =	vst v0  }
0x269: {  	v0 =	vld [tilespmem:s3+$0xA148];
	_ =	sdelay $0x4  }
0x26a: {  	[tilespmem:s4+$0xA148] =	vst v0  }
0x26b: {  	v0 =	vld [tilespmem:s3+$0xA158];
	_ =	sdelay $0x4  }
0x26c: {  	[tilespmem:s4+$0xA158] =	vst v0  }
0x26d: {  	v0 =	vld [tilespmem:s3+$0xA168];
	_ =	sdelay $0x4  }
0x26e: {  	s0 =	sadd.s32 $0x1, s0;
	[tilespmem:s4+$0xA168] =	vst v0  }
.LBB2_52:
0x26f: {  	s2 =	sadd.s32 $0x1, s2  }
0x270: {  	p1 =	sne.s32 s2, $0x20  }
.Ltmp34:
0x271: {  	_ = 	snop;
	(pc) =	sbr.rel @!p1 .LBB2_53-.Ltmp34, $1  }
0x272: {  	_ =	sdelay $0x3  }
.LBB2_45:
0x273: {  	v0 =	vld.msk [tilespmem:s2+$0xA118], $0x1;
	_ =	sdelay $0x4  }
0x274: {  	(v2sf) =	vpush v0, $0x0;
	_ =	sdelay $0xe  }
0x275: {  	s3 =	spop (v2sf)  }
0x276: {  	p1 =	seq.s32 s3, $0xFFFFFFFF  }
.Ltmp35:
0x277: {  	_ = 	snop;
	(pc) =	sbr.rel @p1 .LBB2_52-.Ltmp35, $1  }
0x278: {  	_ =	sdelay $0x3  }
0x279: {  	p1 =	slt.s32 s0, $0x1  }
.Ltmp36:
0x27a: {  	_ = 	snop;
	(pc) =	sbr.rel @p1 .LBB2_51-.Ltmp36, $1  }
0x27b: {  	_ =	sdelay $0x3  }
0x27c: {  	s4 =	simm.s32 $0xA118;
	p1 =	por $0x0, $0x0  }
0x27d: {  	v1 =	vld.msk @!p1 [tilespmem:s4+$0x0], $0x1;
	_ =	sdelay $0x4  }
0x27e: {  	(v2sf) =	vpush @!p1 v1, $0x0;
	_ =	sdelay $0xd  }
0x27f: {  	p3 =	sne.s32 s0, $0x1  }
.Ltmp37:
0x280: {  	s5 =	spop @!p1 (v2sf);
	(pc) =	sbr.rel @!p3 .LBB2_49-.Ltmp37, $4  }
0x281: {  	p2 =	seq.s32 @!p1 s3, s5  }
0x282: {  	s5 =	simm.s32 $0x0;
	p2 =	por !p2, p1  }
0x283: {  	s7 =	simm.s32 $0xFFFFFFFF;
	s5 =	simm.s32 @p2 $0xFFFFFFFF  }
0x284: {  	s6 =	simm.s32 $0x1;
	s5 =	smov.u32 @p1 s7  }
.LBB2_48:
0x285: {  	s7 =	smov.u32 s5;
	p1 =	sne.s32 s5, $0xFFFFFFFF  }
0x286: {  	s4 =	sadd.s32 $0x1, s4;
	s5 =	smov.u32 s6;
	s6 =	sadd.s32 $0x1, s6  }
0x287: {  	p2 =	sne.s32 s0, s6;
	v1 =	vld.msk @!p1 [tilespmem:s4+$0x0], $0x1;
	_ =	sdelay $0x4  }
0x288: {  	(v2sf) =	vpush @!p1 v1, $0x0;
	_ =	sdelay $0xe  }
.Ltmp38:
0x289: {  	s8 =	spop @!p1 (v2sf);
	(pc) =	sbr.rel @p2 .LBB2_48-.Ltmp38, $4  }
0x28a: {  	p3 =	seq.s32 @!p1 s3, s8  }
0x28b: {  	p3 =	por !p3, p1  }
0x28c: {  	s5 =	simm.s32 @p3 $0xFFFFFFFF  }
0x28d: {  	s5 =	smov.u32 @p1 s7  }
.LBB2_49:
0x28e: {  	p1 =	seq.s32 s5, $0xFFFFFFFF  }
.Ltmp39:
0x28f: {  	_ = 	snop;
	(pc) =	sbr.rel @p1 .LBB2_51-.Ltmp39, $1  }
0x290: {  	_ =	sdelay $0x3  }
0x291: {  	s3 =	sshll.u32 s2, $0x6  }
0x292: {  	s4 =	sshll.u32 s5, $0x8;
	s3 =	sand.u32 $0x3FFFFFC0, s3  }
0x293: {  	s4 =	sshra.s32 s4, $0x2;
	v0 =	vld [tilespmem:s3+$0xA138]  }
0x294: {  	v1 =	vld [tilespmem:s4+$0xA138];
	_ =	sdelay $0x4  }
0x295: {  	v0 =	vmax.f32 v0, v1  }
0x296: {  	v61 =	vld [tilespmem:s4+$0xA148];
	[tilespmem:s4+$0xA138] =	vst v0  }
0x297: {  	v0 =	vld [tilespmem:s3+$0xA148];
	_ =	sdelay $0x4  }
0x298: {  	v0 =	vmax.f32 v0, v61  }
0x299: {  	v62 =	vld [tilespmem:s4+$0xA158];
	[tilespmem:s4+$0xA148] =	vst v0  }
0x29a: {  	v0 =	vld [tilespmem:s3+$0xA158];
	_ =	sdelay $0x4  }
0x29b: {  	v0 =	vmax.f32 v0, v62  }
0x29c: {  	v63 =	vld [tilespmem:s4+$0xA168];
	[tilespmem:s4+$0xA158] =	vst v0  }
0x29d: {  	v0 =	vld [tilespmem:s3+$0xA168];
	_ =	sdelay $0x1  }
.Ltmp40:
0x29e: {  	_ = 	snop;
	(pc) =	sbr.rel .LBB2_52-.Ltmp40, $3  }
0x29f: {  	_ =	sdelay $0x1  }
0x2a0: {  	v0 =	vmax.f32 v0, v63  }
0x2a1: {  	[tilespmem:s4+$0xA168] =	vst v0  }
.LBB2_53:
0x2a2: {  	p1 =	slt.s32 s0, $0x1  }
.Ltmp41:
0x2a3: {  	_ = 	snop;
	(pc) =	sbr.rel @p1 .LBB2_57-.Ltmp41, $3  }
0x2a4: {  	_ =	sdelay $0x1  }
0x2a5: {  	s2 =	simm.s32 $0x8  }
0x2a6: {  	[sflag:s2] =	ssyncpa.u1 $0x1;
	s2 =	simm.s32 $0x0  }
0x2a7: {  	s3 =	simm.s32 $0xA118  }
0x2a8: {  	v0 =	vld.msk [tilespmem:s3+$0x0], $0x1;
	_ =	sdelay $0x4  }
0x2a9: {  	(v2sf) =	vpush v0, $0x0;
	_ =	sdelay $0xe  }
0x2aa: {  	s0 =	sadd.s32 $0xFFFFFFFF, s0;
	s4 =	spop (v2sf)  }
0x2ab: {  	p2 =	sne.s32 s0, $0x0;
	p1 =	sgt.u32 s4, $0x270F8  }
.Ltmp42:
0x2ac: {  	s5 =	sand.u32 @!p1 $0x3FFF8, s4;
	(pc) =	sbr.rel @!p2 .LBB2_56-.Ltmp42, $4  }
0x2ad: {  	s3 =	simm.s32 $0xA138;
	s4 =	sand.u32 @!p1 $0x7, s4;
	s5 =	sadd.s32 @!p1 s1, s5  }
0x2ae: {  	[hbm4b:s5+s4] =	stream.linear.scatter @!p1 [tilespmem:s3], [sflag:$0x7], $0x40, $0x38;
	[tilespmem:$0x1EF88] =	vst v63  }
0x2af: {  	s5 =	simm.s32 $0x0  }
0x2b0: {  	s4 =	simm.s32 $0xA119;
	s5 =	simm.s32 @!p1 $0x100  }
.LBB2_55:
0x2b1: {  	v0 =	vld.msk [tilespmem:s4+$0x0], $0x1;
	s0 =	sadd.s32 $0xFFFFFFFF, s0;
	s2 =	sadd.s32 s2, s5  }
0x2b2: {  	p1 =	sne.s32 s0, $0x0;
	_ =	sdelay $0x3  }
0x2b3: {  	(v2sf) =	vpush v0, $0x0;
	_ =	sdelay $0xe  }
.Ltmp43:
0x2b4: {  	s6 =	spop (v2sf);
	(pc) =	sbr.rel @p1 .LBB2_55-.Ltmp43, $4  }
0x2b5: {  	s5 =	simm.s32 $0x0;
	p2 =	sgt.u32 s6, $0x270F8  }
0x2b6: {  	s3 =	sadd.s32 $0x40, s3;
	s5 =	simm.s32 @!p2 $0x100;
	s7 =	sand.u32 @!p2 $0x3FFF8, s6  }
0x2b7: {  	s4 =	sadd.s32 $0x1, s4;
	s6 =	sand.u32 @!p2 $0x7, s6;
	s7 =	sadd.s32 @!p2 s1, s7  }
0x2b8: {  	[hbm4b:s7+s6] =	stream.linear.scatter @!p2 [tilespmem:s3], [sflag:$0x7], $0x40, $0x38;
	[tilespmem:$0x1EF88] =	vst v63  }
.LBB2_56:
0x2b9: {  	s0 =	sadd.s32 s2, s5  }
0x2ba: {  	s2 =	sshrl.u32 s0, $0x2  }
.LBB2_57:
0x2bb: {  	s0 =	simm.s32 $0x7  }
0x2bc: {  	_ =	swait.ge [sflag:s0], s2  }
0x2bd: {  	s1 =	ssub.s32 $0x0, s2;
	[sflag:s0] =	ssyncset.done $0x0  }
0x2be: {  	[sflag:s0] =	ssyncadd.s32 s1  }
0x2bf: {  	[sflag:s0] =	ssyncpa.u1 $0x1  }
.LBB2_58:
0x2c0: {  	_ =	sfence;
	s0 =	simm.s32 $0x1  }
0x2c1: {  	[sflag:s0] =	ssyncpa.u1 $0x1  }
0x2c2: {  	_ =	strace $0x9000004A  }
0x2c3: {  	[bflag:$0x2] =	sbarrier.arrive $0xFFFF  }
0x2c4: {  	s0 =	rddreg [dreg:$0x3]  }
0x2c5: {  	s0 =	sadd.s32 @!p0 $0x100000, s0  }
0x2c6: {  	[sflag:s0] =	ssyncadd.tile.s32 @!p0 $0x1;
	_ =	shalt  }
.Lfunc_end2:
_tile_overlayer_lowered:
.L_overlay_start_2:
0x2c7: {  	(tag) =	ssettag $0x2  }
0x2c8: {  	s0 =	rddreg [dreg:$0x0];
	s2 =	stileid.u32  }
0x2c9: {  	s1 =	rddreg [dreg:$0x1];
	p0 =	sne.s32 s2, $0x0  }
0x2ca: {  	s3 =	rddreg [dreg:$0x2];
	[bflag:$0x3] =	sbarrier.arrive $0xFFFF;
	s2 =	simm.s32 @!p0 $0x1C01  }
0x2cb: {  	[timem:s3], [sflag:s2] =	dma.local @!p0 [hbm:s0], s1  }
0x2cc: {  	s0 =	simm.s32 @!p0 $0x1  }
0x2cd: {  	_ =	swait.ge @!p0 [sflag:s0], s1  }
0x2ce: {  	s1 =	ssub.s32 @!p0 $0x0, s1;
	[sflag:s0] =	ssyncset.done @!p0 $0x0  }
0x2cf: {  	[sflag:s0] =	ssyncadd.s32 @!p0 s1  }
0x2d0: {  	[bflag:$0x3] =	sbarrier.arrive $0xFFFF  }
0x2d1: {  	_ =	shalt  }

</sc_bundles>
